<compile_context>
chip_gen: v7x
topology: tpu7x:2x2x1
jax: 0.10.2.dev20260603
libtpu: 0.0.44.dev20260713+nightly
codegen_flags: <defaults>
</compile_context>

<pallas_src>
import functools

import jax
import jax.numpy as jnp
from jax import lax
from jax.experimental import pallas as pl
from jax.experimental.pallas import tpu as pltpu
from jax.experimental.pallas import tpu_sc as plsc

_DN = (((1,), (1,)), ((), ()))


_NBUF = 5


def _sc_gather(table, idx, CH):
    N, H = table.shape
    E = idx.shape[0]
    NC, NS = 2, 16
    NW = NC * NS
    epw = E // NW
    nch = epw // CH
    assert nch % _NBUF == 0
    mesh = plsc.VectorSubcoreMesh(core_axis_name="c", subcore_axis_name="s")

    @functools.partial(
        pl.kernel,
        out_type=jax.ShapeDtypeStruct((E, H), jnp.float32),
        mesh=mesh,
        compiler_params=pltpu.CompilerParams(use_tc_tiling_on_sc=True),
        scratch_types=[
            pltpu.VMEM((epw,), jnp.int32),
            [pltpu.VMEM((CH, H), jnp.float32) for _ in range(_NBUF)],
            [pltpu.SemaphoreType.DMA for _ in range(_NBUF)],
        ],
    )
    def k(table_hbm, idx_hbm, out_hbm, idx_v, rows_bufs, sems):
        wid = lax.axis_index("s") * NC + lax.axis_index("c")
        base = wid * epw
        pltpu.sync_copy(idx_hbm.at[pl.ds(base, epw)], idx_v)
        for b in range(_NBUF):
            pltpu.async_copy(table_hbm.at[idx_v.at[pl.ds(b * CH, CH)]],
                             rows_bufs[b], sems[b])

        @pl.loop(0, nch, step=_NBUF)
        def _(c0):
            for b in range(_NBUF):
                c = c0 + b
                pltpu.make_async_copy(
                    table_hbm.at[idx_v.at[pl.ds(c * CH, CH)]],
                    rows_bufs[b], sems[b]).wait()
                pltpu.sync_copy(rows_bufs[b],
                                out_hbm.at[pl.ds(base + c * CH, CH)])
                cn = c + _NBUF

                @pl.when(cn < nch)
                def _():
                    pltpu.async_copy(
                        table_hbm.at[idx_v.at[pl.ds(cn * CH, CH)]],
                        rows_bufs[b], sems[b])

    return k(table, idx)


def _edge_mlp(xg, ea_t, W1x, W1e, b1, W2, b2, W3, b3, ea_row_off=0):
    E, D = xg.shape
    DE = ea_t.shape[0]
    H = W2.shape[0]
    BE = 3200
    eb = ea_row_off // BE

    def body(xg_ref, ea_ref, w1x_ref, w1e_ref, b1_ref, w2_ref, b2_ref,
             w3_ref, b3_ref, oa_ref, ob_ref):
        h1 = lax.dot_general(
            xg_ref[...], w1x_ref[...], _DN,
            preferred_element_type=jnp.float32) + lax.dot_general(
            ea_ref[...], w1e_ref[...], (((0,), (1,)), ((), ())),
            preferred_element_type=jnp.float32) + b1_ref[...]
        h1 = jnp.maximum(h1, 0.0)
        h2 = jnp.maximum(
            lax.dot_general(h1, w2_ref[...], _DN,
                            preferred_element_type=jnp.float32) + b2_ref[...],
            0.0)
        m = lax.dot_general(
            h2, w3_ref[...], _DN,
            preferred_element_type=jnp.float32) + b3_ref[...]
        oa_ref[...] = m[:, :D]
        ob_ref[:, pl.ds(0, H - D)] = m[:, D:]

    full = lambda shape: pl.BlockSpec(shape, lambda i: (0,) * len(shape))
    return pl.pallas_call(
        body,
        grid=(E // BE,),
        in_specs=[pl.BlockSpec((BE, D), lambda i: (i, 0)),
                  pl.BlockSpec((DE, BE), lambda i: (0, i + eb)),
                  full((H, D)), full((H, DE)), full((1, H)),
                  full((H, H)), full((1, H)),
                  full((H, H)), full((1, H))],
        out_specs=[pl.BlockSpec((BE, D), lambda i: (i, 0)),
                   pl.BlockSpec((BE, D), lambda i: (i, 0))],
        out_shape=[jax.ShapeDtypeStruct((E, D), jnp.float32),
                   jax.ShapeDtypeStruct((E, D), jnp.float32)],
    )(xg, ea_t, W1x, W1e, b1, W2, b2, W3, b3)


def _sc_scatter_add(ma, mb, dst, zeros, CH):
    E, D = ma.shape
    HB = 16
    N = zeros.shape[0]
    NC, NS = 2, 16
    NW = NC * NS
    epw = E // NW
    nch = epw // CH
    rpw = N // NS
    mesh = plsc.VectorSubcoreMesh(core_axis_name="c", subcore_axis_name="s")

    assert nch % _NBUF == 0

    @functools.partial(
        pl.kernel,
        out_type=(jax.ShapeDtypeStruct((NC, N, D), jnp.float32),
                  jax.ShapeDtypeStruct((NC, N, D), jnp.float32)),
        mesh=mesh,
        compiler_params=pltpu.CompilerParams(use_tc_tiling_on_sc=False),
        scratch_types=[
            [pltpu.VMEM((CH,), jnp.int32) for _ in range(_NBUF)],
            [pltpu.VMEM((CH, D), jnp.float32) for _ in range(_NBUF)],
            [pltpu.VMEM((CH, HB), jnp.float32) for _ in range(_NBUF)],
            pltpu.VMEM_SHARED((N, D), jnp.float32),
            pltpu.VMEM_SHARED((N, HB), jnp.float32),
            [pltpu.SemaphoreType.DMA for _ in range(_NBUF)],
            [pltpu.SemaphoreType.DMA for _ in range(_NBUF)],
            [pltpu.SemaphoreType.DMA for _ in range(_NBUF)],
        ],
    )
    def k(ma_hbm, mb_hbm, dst_hbm, zeros_hbm, za_hbm, zb_hbm,
          idx_bufs, ra_bufs, rb_bufs, acca_sh, accb_sh, isems, asems, bsems):
        c = lax.axis_index("c")
        s = lax.axis_index("s")
        wid = s * NC + c
        r0 = s * rpw
        pltpu.sync_copy(zeros_hbm.at[pl.ds(r0, rpw)],
                        acca_sh.at[pl.ds(r0, rpw)])
        pltpu.sync_copy(zeros_hbm.at[pl.ds(r0, rpw), pl.ds(0, HB)],
                        accb_sh.at[pl.ds(r0, rpw)])
        plsc.subcore_barrier()

        base = wid * epw

        def load_chunk(off, b):
            pltpu.async_copy(dst_hbm.at[pl.ds(off, CH)], idx_bufs[b],
                             isems[b])
            pltpu.async_copy(ma_hbm.at[pl.ds(off, CH)], ra_bufs[b], asems[b])
            pltpu.async_copy(mb_hbm.at[pl.ds(off, CH), pl.ds(0, HB)],
                             rb_bufs[b], bsems[b])

        def wait_chunk(off, b):
            pltpu.make_async_copy(dst_hbm.at[pl.ds(off, CH)],
                                  idx_bufs[b], isems[b]).wait()
            pltpu.make_async_copy(ma_hbm.at[pl.ds(off, CH)],
                                  ra_bufs[b], asems[b]).wait()
            pltpu.make_async_copy(mb_hbm.at[pl.ds(off, CH), pl.ds(0, HB)],
                                  rb_bufs[b], bsems[b]).wait()

        for b in range(_NBUF):
            load_chunk(base + b * CH, b)

        @pl.loop(0, nch, step=_NBUF)
        def _(c0):
            for b in range(_NBUF):
                ci = c0 + b
                wait_chunk(base + ci * CH, b)
                pltpu.sync_copy(ra_bufs[b],
                                acca_sh.at[idx_bufs[b]], add=True)
                pltpu.sync_copy(rb_bufs[b],
                                accb_sh.at[idx_bufs[b]], add=True)
                cn = ci + _NBUF

                @pl.when(cn < nch)
                def _():
                    load_chunk(base + cn * CH, b)

        plsc.subcore_barrier()
        pltpu.sync_copy(acca_sh.at[pl.ds(r0, rpw)],
                        za_hbm.at[c, pl.ds(r0, rpw)])
        pltpu.sync_copy(accb_sh.at[pl.ds(r0, rpw)],
                        zb_hbm.at[c, pl.ds(r0, rpw), pl.ds(0, HB)])

    return k(ma, mb, dst, zeros)


def _node_mlp(x, zas, zbs, U1x, U1za, U1zb, c1, U2, c2, U3, c3):
    N, D = x.shape
    H = U2.shape[0]
    HB = U1zb.shape[1]
    OUT = U3.shape[0]
    BN = 2000
    S = len(zas)

    def body(*refs):
        x_ref = refs[0]
        za_refs = refs[1:1 + S]
        zb_refs = refs[1 + S:1 + 2 * S]
        (u1x_ref, u1za_ref, u1zb_ref, c1_ref, u2_ref, c2_ref, u3_ref,
         c3_ref, o_ref) = refs[1 + 2 * S:]
        za = sum(r[0] + r[1] for r in za_refs)
        zb = sum(r[0] + r[1] for r in zb_refs)[:, :HB]
        t1 = jnp.maximum(
            lax.dot_general(x_ref[...], u1x_ref[...], _DN,
                            preferred_element_type=jnp.float32)
            + lax.dot_general(za, u1za_ref[...], _DN,
                              preferred_element_type=jnp.float32)
            + lax.dot_general(zb, u1zb_ref[...], _DN,
                              preferred_element_type=jnp.float32)
            + c1_ref[...], 0.0)
        t2 = jnp.maximum(
            lax.dot_general(t1, u2_ref[...], _DN,
                            preferred_element_type=jnp.float32) + c2_ref[...],
            0.0)
        o_ref[...] = lax.dot_general(
            t2, u3_ref[...], _DN,
            preferred_element_type=jnp.float32) + c3_ref[...]

    full = lambda shape: pl.BlockSpec(shape, lambda i: (0,) * len(shape))
    zspec = pl.BlockSpec((2, BN, D), lambda i: (0, i, 0))
    return pl.pallas_call(
        body,
        grid=(N // BN,),
        in_specs=([pl.BlockSpec((BN, D), lambda i: (i, 0))]
                  + [zspec] * (2 * S)
                  + [full((H, D)), full((H, D)), full((H, HB)),
                     full((1, H)), full((H, H)), full((1, H)),
                     full((OUT, H)), full((1, OUT))]),
        out_specs=pl.BlockSpec((BN, OUT), lambda i: (i, 0)),
        out_shape=jax.ShapeDtypeStruct((N, OUT), jnp.float32),
    )(x, *zas, *zbs, U1x, U1za, U1zb, c1, U2, c2, U3, c3)


def kernel(x, edge_index, edge_attr, W1, b1, W2, b2, W3, b3,
           U1, c1, U2, c2, U3, c3):
    N, D = x.shape
    E = edge_index.shape[1]
    src = edge_index[0]
    dst = edge_index[1]
    W1x, W1e = W1[:, :D], W1[:, D:]
    U1x, U1za, U1zb = U1[:, :D], U1[:, D:2 * D], U1[:, 2 * D:]
    b1r, b2r, b3r = b1.reshape(1, -1), b2.reshape(1, -1), b3.reshape(1, -1)
    zeros = jnp.zeros((N, D), jnp.float32)
    ea_t = edge_attr.T

    S = 2
    E2 = E // S
    zas, zbs = [], []
    for s in range(S):
        sl = slice(s * E2, (s + 1) * E2)
        xg = _sc_gather(x, src[sl], CH=40)
        ma, mb = _edge_mlp(xg, ea_t, W1x, W1e, b1r, W2, b2r,
                           W3, b3r, ea_row_off=s * E2)
        za, zb = _sc_scatter_add(ma, mb, dst[sl], zeros, CH=40)
        zas.append(za)
        zbs.append(zb)
    h = _node_mlp(x, zas, zbs, U1x, U1za, U1zb, c1.reshape(1, -1), U2,
                  c2.reshape(1, -1), U3, c3.reshape(1, -1))
    return h

# --- scband reference (transcript-rebuilt; emitter-appended) ---
"""Pipeline reference for scband-mp-41016937677229 (READ-ONLY COPY).

The authoritative reference and input builder live on the scoring server;
editing this copy changes nothing except your own understanding.
"""

import jax, jax.numpy as jnp
import numpy as np

N = 10000
E = 320000
D = 128   # node_dim
DE = 16   # edge_dim
H = D + DE  # 144, hidden dim of pre/update MLPs
OUT = 128  # out_dim


def _xavier(k, out_f, in_f):
    limit = float(np.sqrt(6.0 / (in_f + out_f)))
    return jax.random.uniform(k, (out_f, in_f), jnp.float32, -limit, limit)


def setup_inputs(seed: int = 0) -> dict:
    key = jax.random.key(seed)
    ks = jax.random.split(key, 12)
    x = jax.random.normal(ks[0], (N, D), dtype=jnp.float32)
    edge_index = jax.random.randint(ks[1], (2, E), 0, N, dtype=jnp.int32)
    edge_attr = jax.random.normal(ks[2], (E, DE), dtype=jnp.float32)
    # pre_layers: Linear(H,H) -> ReLU -> Linear(H,H) -> ReLU -> Linear(H,H)
    W1 = _xavier(ks[3], H, H); b1 = jnp.zeros((H,), jnp.float32)
    W2 = _xavier(ks[4], H, H); b2 = jnp.zeros((H,), jnp.float32)
    W3 = _xavier(ks[5], H, H); b3 = jnp.zeros((H,), jnp.float32)
    # update_layers: Linear(2D+DE,H) -> ReLU -> Linear(H,H) -> ReLU -> Linear(H,OUT)
    U1 = _xavier(ks[6], H, 2 * D + DE); c1 = jnp.zeros((H,), jnp.float32)
    U2 = _xavier(ks[7], H, H); c2 = jnp.zeros((H,), jnp.float32)
    U3 = _xavier(ks[8], OUT, H); c3 = jnp.zeros((OUT,), jnp.float32)
    return {
        "x": x, "edge_index": edge_index, "edge_attr": edge_attr,
        "W1": W1, "b1": b1, "W2": W2, "b2": b2, "W3": W3, "b3": b3,
        "U1": U1, "c1": c1, "U2": U2, "c2": c2, "U3": U3, "c3": c3,
    }


def reference(x, edge_index, edge_attr, W1, b1, W2, b2, W3, b3, U1, c1, U2, c2, U3, c3):
    src = edge_index[0]
    dst = edge_index[1]
    # msg_func: pre_layers(cat(src_x, edge_x))
    m = jnp.concatenate([jnp.take(x, src, axis=0), edge_attr], axis=1)
    m = jnp.maximum(m @ W1.T + b1, 0.0)
    m = jnp.maximum(m @ W2.T + b2, 0.0)
    m = m @ W3.T + b3
    # reduce_func: sum of mailbox messages per destination node
    z = jax.ops.segment_sum(m, dst, num_segments=N)
    # node_update: update_layers(cat(x, z))
    h = jnp.concatenate([x, z], axis=1)
    h = jnp.maximum(h @ U1.T + c1, 0.0)
    h = jnp.maximum(h @ U2.T + c2, 0.0)
    h = h @ U3.T + c3
    return h

if __name__ == "__main__":
    import jax
    _d = setup_inputs()
    print(jax.jit(kernel)(*tuple(_d.values())))

</pallas_src>

<mosaic_0001>
#map = affine_map<(d0, d1) -> (0, 0)>
#map1 = affine_map<(d0, d1) -> (0)>
module attributes {stable_mosaic.version = 14 : i64} {
  func.func @k(%arg0: i32, %arg1: i32, %arg2: memref<10000x128xf32, #tpu.memory_space<hbm>>, %arg3: memref<160000xi32, #tpu.memory_space<hbm>>, %arg4: memref<160000x128xf32, #tpu.memory_space<hbm>>, %arg5: memref<5000xi32, #tpu.memory_space<vmem>>, %arg6: memref<40x128xf32, #tpu.memory_space<vmem>>, %arg7: memref<40x128xf32, #tpu.memory_space<vmem>>, %arg8: memref<40x128xf32, #tpu.memory_space<vmem>>, %arg9: memref<40x128xf32, #tpu.memory_space<vmem>>, %arg10: memref<40x128xf32, #tpu.memory_space<vmem>>, %arg11: memref<!tpu.dma_semaphore, #tpu.memory_space<semaphore_mem>>, %arg12: memref<!tpu.dma_semaphore, #tpu.memory_space<semaphore_mem>>, %arg13: memref<!tpu.dma_semaphore, #tpu.memory_space<semaphore_mem>>, %arg14: memref<!tpu.dma_semaphore, #tpu.memory_space<semaphore_mem>>, %arg15: memref<!tpu.dma_semaphore, #tpu.memory_space<semaphore_mem>>) attributes {dimension_semantics = [#tpu.dimension_semantics<core_parallel>, #tpu.dimension_semantics<subcore_parallel>], iteration_bounds = array<i64: 2, 16>, scalar_prefetch = 0 : i64, scratch_operands = 11 : i64, tpu.core_type = #tpu.core_type<sc_vector_subcore>, window_params = [{transform_indices = #map}, {transform_indices = #map1}, {transform_indices = #map}]} {
    %mul3A = arith.constant 2 : i32
    %mul3A_0 = arith.muli %arg1, %mul3A : i32
    %add3A = arith.addi %mul3A_0, %arg0 : i32
    %mul3A_1 = arith.constant 5000 : i32
    %mul3A_2 = arith.muli %add3A, %mul3A_1 : i32
    "tpu.region"() ({
      %run_scoped3A = tpu.sem_alloc : memref<!tpu.dma_semaphore, #tpu.memory_space<semaphore_mem>>
      %dma_start3A_31 = tpu.memref_slice %arg3[%mul3A_2] : memref<160000xi32, #tpu.memory_space<hbm>> -> memref<5000xi32, #tpu.memory_space<hbm>>
      %dma_start3A_32 = tpu.memref_slice %arg3[%mul3A_2] : memref<160000xi32, #tpu.memory_space<hbm>> -> memref<5000xi32, #tpu.memory_space<hbm>>
      tpu.enqueue_dma source(%dma_start3A_32 : memref<5000xi32, #tpu.memory_space<hbm>>) target(%arg5 : memref<5000xi32, #tpu.memory_space<vmem>>) target_semaphore(%run_scoped3A : memref<!tpu.dma_semaphore, #tpu.memory_space<semaphore_mem>>)
      %dma_wait3A = tpu.memref_slice %arg3[%mul3A_2] : memref<160000xi32, #tpu.memory_space<hbm>> -> memref<5000xi32, #tpu.memory_space<hbm>>
      %dma_wait3A_33 = tpu.memref_slice %arg3[%mul3A_2] : memref<160000xi32, #tpu.memory_space<hbm>> -> memref<5000xi32, #tpu.memory_space<hbm>>
      tpu.wait_dma2 semaphore(%run_scoped3A : memref<!tpu.dma_semaphore, #tpu.memory_space<semaphore_mem>>) src(%dma_wait3A_33 : memref<5000xi32, #tpu.memory_space<hbm>>) dst(%arg5 : memref<5000xi32, #tpu.memory_space<vmem>>)
      tpu.yield
    }) : () -> ()
    %dma_start3A = arith.constant 0 : i32
    %dma_start3A_3 = tpu.memref_slice %arg5[%dma_start3A] : memref<5000xi32, #tpu.memory_space<vmem>> -> memref<40xi32, #tpu.memory_space<vmem>>
    %dma_start3A_4 = arith.constant 0 : i32
    %dma_start3A_5 = arith.constant 0 : i32
    %dma_start3A_6 = tpu.memref_slice %arg2[%dma_start3A_4, %dma_start3A_5] : memref<10000x128xf32, #tpu.memory_space<hbm>> -> memref<10000x128xf32, #tpu.memory_space<hbm>>
    tpu.enqueue_indirect_dma source(%dma_start3A_6 : memref<10000x128xf32, #tpu.memory_space<hbm>>) target(%arg6 : memref<40x128xf32, #tpu.memory_space<vmem>>) offsets(%dma_start3A_3 : memref<40xi32, #tpu.memory_space<vmem>>) semaphore(%arg11 : memref<!tpu.dma_semaphore, #tpu.memory_space<semaphore_mem>>)
    %dma_start3A_7 = arith.constant 40 : i32
    %dma_start3A_8 = tpu.memref_slice %arg5[%dma_start3A_7] : memref<5000xi32, #tpu.memory_space<vmem>> -> memref<40xi32, #tpu.memory_space<vmem>>
    %dma_start3A_9 = arith.constant 0 : i32
    %dma_start3A_10 = arith.constant 0 : i32
    %dma_start3A_11 = tpu.memref_slice %arg2[%dma_start3A_9, %dma_start3A_10] : memref<10000x128xf32, #tpu.memory_space<hbm>> -> memref<10000x128xf32, #tpu.memory_space<hbm>>
    tpu.enqueue_indirect_dma source(%dma_start3A_11 : memref<10000x128xf32, #tpu.memory_space<hbm>>) target(%arg7 : memref<40x128xf32, #tpu.memory_space<vmem>>) offsets(%dma_start3A_8 : memref<40xi32, #tpu.memory_space<vmem>>) semaphore(%arg12 : memref<!tpu.dma_semaphore, #tpu.memory_space<semaphore_mem>>)
    %dma_start3A_12 = arith.constant 80 : i32
    %dma_start3A_13 = tpu.memref_slice %arg5[%dma_start3A_12] : memref<5000xi32, #tpu.memory_space<vmem>> -> memref<40xi32, #tpu.memory_space<vmem>>
    %dma_start3A_14 = arith.constant 0 : i32
    %dma_start3A_15 = arith.constant 0 : i32
    %dma_start3A_16 = tpu.memref_slice %arg2[%dma_start3A_14, %dma_start3A_15] : memref<10000x128xf32, #tpu.memory_space<hbm>> -> memref<10000x128xf32, #tpu.memory_space<hbm>>
    tpu.enqueue_indirect_dma source(%dma_start3A_16 : memref<10000x128xf32, #tpu.memory_space<hbm>>) target(%arg8 : memref<40x128xf32, #tpu.memory_space<vmem>>) offsets(%dma_start3A_13 : memref<40xi32, #tpu.memory_space<vmem>>) semaphore(%arg13 : memref<!tpu.dma_semaphore, #tpu.memory_space<semaphore_mem>>)
    %dma_start3A_17 = arith.constant 120 : i32
    %dma_start3A_18 = tpu.memref_slice %arg5[%dma_start3A_17] : memref<5000xi32, #tpu.memory_space<vmem>> -> memref<40xi32, #tpu.memory_space<vmem>>
    %dma_start3A_19 = arith.constant 0 : i32
    %dma_start3A_20 = arith.constant 0 : i32
    %dma_start3A_21 = tpu.memref_slice %arg2[%dma_start3A_19, %dma_start3A_20] : memref<10000x128xf32, #tpu.memory_space<hbm>> -> memref<10000x128xf32, #tpu.memory_space<hbm>>
    tpu.enqueue_indirect_dma source(%dma_start3A_21 : memref<10000x128xf32, #tpu.memory_space<hbm>>) target(%arg9 : memref<40x128xf32, #tpu.memory_space<vmem>>) offsets(%dma_start3A_18 : memref<40xi32, #tpu.memory_space<vmem>>) semaphore(%arg14 : memref<!tpu.dma_semaphore, #tpu.memory_space<semaphore_mem>>)
    %dma_start3A_22 = arith.constant 160 : i32
    %dma_start3A_23 = tpu.memref_slice %arg5[%dma_start3A_22] : memref<5000xi32, #tpu.memory_space<vmem>> -> memref<40xi32, #tpu.memory_space<vmem>>
    %dma_start3A_24 = arith.constant 0 : i32
    %dma_start3A_25 = arith.constant 0 : i32
    %dma_start3A_26 = tpu.memref_slice %arg2[%dma_start3A_24, %dma_start3A_25] : memref<10000x128xf32, #tpu.memory_space<hbm>> -> memref<10000x128xf32, #tpu.memory_space<hbm>>
    tpu.enqueue_indirect_dma source(%dma_start3A_26 : memref<10000x128xf32, #tpu.memory_space<hbm>>) target(%arg10 : memref<40x128xf32, #tpu.memory_space<vmem>>) offsets(%dma_start3A_23 : memref<40xi32, #tpu.memory_space<vmem>>) semaphore(%arg15 : memref<!tpu.dma_semaphore, #tpu.memory_space<semaphore_mem>>)
    %scan3A = arith.constant 0 : i32
    %scan3A_27 = arith.constant 25 : i32
    %scan3A_28 = arith.addi %scan3A, %scan3A_27 : i32
    %scan3A_29 = arith.constant 1 : i32
    scf.for %scan3A_31 = %scan3A to %scan3A_28 step %scan3A_29  : i32 {
      %mul3A_32 = arith.constant 5 : i32
      %mul3A_33 = arith.muli %scan3A_31, %mul3A_32 : i32
      %add3A_34 = arith.constant 0 : i32
      %add3A_35 = arith.addi %add3A_34, %mul3A_33 : i32
      %add3A_36 = arith.constant 0 : i32
      %add3A_37 = arith.addi %add3A_35, %add3A_36 : i32
      %mul3A_38 = arith.constant 40 : i32
      %mul3A_39 = arith.muli %add3A_37, %mul3A_38 : i32
      %dma_wait3A = tpu.memref_slice %arg5[%mul3A_39] : memref<5000xi32, #tpu.memory_space<vmem>> -> memref<40xi32, #tpu.memory_space<vmem>>
      %dma_wait3A_40 = arith.constant 0 : i32
      %dma_wait3A_41 = arith.constant 0 : i32
      %dma_wait3A_42 = tpu.memref_slice %arg2[%dma_wait3A_40, %dma_wait3A_41] : memref<10000x128xf32, #tpu.memory_space<hbm>> -> memref<10000x128xf32, #tpu.memory_space<hbm>>
      tpu.wait_indirect_dma semaphore(%arg11 : memref<!tpu.dma_semaphore, #tpu.memory_space<semaphore_mem>>) src(%dma_wait3A_42 : memref<10000x128xf32, #tpu.memory_space<hbm>>) dst(%arg6 : memref<40x128xf32, #tpu.memory_space<vmem>>)
      %mul3A_43 = arith.constant 40 : i32
      %mul3A_44 = arith.muli %add3A_37, %mul3A_43 : i32
      %add3A_45 = arith.addi %mul3A_2, %mul3A_44 : i32
      "tpu.region"() ({
        %run_scoped3A = tpu.sem_alloc : memref<!tpu.dma_semaphore, #tpu.memory_space<semaphore_mem>>
        %dma_start3A_122 = arith.constant 0 : i32
        %dma_start3A_123 = tpu.memref_slice %arg4[%add3A_45, %dma_start3A_122] : memref<160000x128xf32, #tpu.memory_space<hbm>> -> memref<40x128xf32, #tpu.memory_space<hbm>>
        %dma_start3A_124 = arith.constant 0 : i32
        %dma_start3A_125 = tpu.memref_slice %arg4[%add3A_45, %dma_start3A_124] : memref<160000x128xf32, #tpu.memory_space<hbm>> -> memref<40x128xf32, #tpu.memory_space<hbm>>
        tpu.enqueue_dma source(%arg6 : memref<40x128xf32, #tpu.memory_space<vmem>>) target(%dma_start3A_125 : memref<40x128xf32, #tpu.memory_space<hbm>>) target_semaphore(%run_scoped3A : memref<!tpu.dma_semaphore, #tpu.memory_space<semaphore_mem>>)
        %dma_wait3A_126 = arith.constant 0 : i32
        %dma_wait3A_127 = tpu.memref_slice %arg4[%add3A_45, %dma_wait3A_126] : memref<160000x128xf32, #tpu.memory_space<hbm>> -> memref<40x128xf32, #tpu.memory_space<hbm>>
        %dma_wait3A_128 = arith.constant 0 : i32
        %dma_wait3A_129 = tpu.memref_slice %arg4[%add3A_45, %dma_wait3A_128] : memref<160000x128xf32, #tpu.memory_space<hbm>> -> memref<40x128xf32, #tpu.memory_space<hbm>>
        tpu.wait_dma2 semaphore(%run_scoped3A : memref<!tpu.dma_semaphore, #tpu.memory_space<semaphore_mem>>) src(%arg6 : memref<40x128xf32, #tpu.memory_space<vmem>>) dst(%dma_wait3A_129 : memref<40x128xf32, #tpu.memory_space<hbm>>)
        tpu.yield
      }) : () -> ()
      %add3A_46 = arith.constant 5 : i32
      %add3A_47 = arith.addi %add3A_37, %add3A_46 : i32
      %lt3A = arith.constant 125 : i32
      %lt3A_48 = arith.cmpi slt, %add3A_47, %lt3A : i32
      %convert_element_type3A = arith.extui %lt3A_48 : i1 to i32
      %cond3A = arith.constant 0 : i32
      %cond3A_49 = arith.cmpi ne, %convert_element_type3A, %cond3A : i32
      scf.if %cond3A_49 {
        %mul3A_122 = arith.constant 40 : i32
        %mul3A_123 = arith.muli %add3A_47, %mul3A_122 : i32
        %dma_start3A_124 = tpu.memref_slice %arg5[%mul3A_123] : memref<5000xi32, #tpu.memory_space<vmem>> -> memref<40xi32, #tpu.memory_space<vmem>>
        %dma_start3A_125 = arith.constant 0 : i32
        %dma_start3A_126 = arith.constant 0 : i32
        %dma_start3A_127 = tpu.memref_slice %arg2[%dma_start3A_125, %dma_start3A_126] : memref<10000x128xf32, #tpu.memory_space<hbm>> -> memref<10000x128xf32, #tpu.memory_space<hbm>>
        tpu.enqueue_indirect_dma source(%dma_start3A_127 : memref<10000x128xf32, #tpu.memory_space<hbm>>) target(%arg6 : memref<40x128xf32, #tpu.memory_space<vmem>>) offsets(%dma_start3A_124 : memref<40xi32, #tpu.memory_space<vmem>>) semaphore(%arg11 : memref<!tpu.dma_semaphore, #tpu.memory_space<semaphore_mem>>)
      } else {
      }
      %add3A_50 = arith.constant 1 : i32
      %add3A_51 = arith.addi %add3A_35, %add3A_50 : i32
      %mul3A_52 = arith.constant 40 : i32
      %mul3A_53 = arith.muli %add3A_51, %mul3A_52 : i32
      %dma_wait3A_54 = tpu.memref_slice %arg5[%mul3A_53] : memref<5000xi32, #tpu.memory_space<vmem>> -> memref<40xi32, #tpu.memory_space<vmem>>
      %dma_wait3A_55 = arith.constant 0 : i32
      %dma_wait3A_56 = arith.constant 0 : i32
      %dma_wait3A_57 = tpu.memref_slice %arg2[%dma_wait3A_55, %dma_wait3A_56] : memref<10000x128xf32, #tpu.memory_space<hbm>> -> memref<10000x128xf32, #tpu.memory_space<hbm>>
      tpu.wait_indirect_dma semaphore(%arg12 : memref<!tpu.dma_semaphore, #tpu.memory_space<semaphore_mem>>) src(%dma_wait3A_57 : memref<10000x128xf32, #tpu.memory_space<hbm>>) dst(%arg7 : memref<40x128xf32, #tpu.memory_space<vmem>>)
      %mul3A_58 = arith.constant 40 : i32
      %mul3A_59 = arith.muli %add3A_51, %mul3A_58 : i32
      %add3A_60 = arith.addi %mul3A_2, %mul3A_59 : i32
      "tpu.region"() ({
        %run_scoped3A = tpu.sem_alloc : memref<!tpu.dma_semaphore, #tpu.memory_space<semaphore_mem>>
        %dma_start3A_122 = arith.constant 0 : i32
        %dma_start3A_123 = tpu.memref_slice %arg4[%add3A_60, %dma_start3A_122] : memref<160000x128xf32, #tpu.memory_space<hbm>> -> memref<40x128xf32, #tpu.memory_space<hbm>>
        %dma_start3A_124 = arith.constant 0 : i32
        %dma_start3A_125 = tpu.memref_slice %arg4[%add3A_60, %dma_start3A_124] : memref<160000x128xf32, #tpu.memory_space<hbm>> -> memref<40x128xf32, #tpu.memory_space<hbm>>
        tpu.enqueue_dma source(%arg7 : memref<40x128xf32, #tpu.memory_space<vmem>>) target(%dma_start3A_125 : memref<40x128xf32, #tpu.memory_space<hbm>>) target_semaphore(%run_scoped3A : memref<!tpu.dma_semaphore, #tpu.memory_space<semaphore_mem>>)
        %dma_wait3A_126 = arith.constant 0 : i32
        %dma_wait3A_127 = tpu.memref_slice %arg4[%add3A_60, %dma_wait3A_126] : memref<160000x128xf32, #tpu.memory_space<hbm>> -> memref<40x128xf32, #tpu.memory_space<hbm>>
        %dma_wait3A_128 = arith.constant 0 : i32
        %dma_wait3A_129 = tpu.memref_slice %arg4[%add3A_60, %dma_wait3A_128] : memref<160000x128xf32, #tpu.memory_space<hbm>> -> memref<40x128xf32, #tpu.memory_space<hbm>>
        tpu.wait_dma2 semaphore(%run_scoped3A : memref<!tpu.dma_semaphore, #tpu.memory_space<semaphore_mem>>) src(%arg7 : memref<40x128xf32, #tpu.memory_space<vmem>>) dst(%dma_wait3A_129 : memref<40x128xf32, #tpu.memory_space<hbm>>)
        tpu.yield
      }) : () -> ()
      %add3A_61 = arith.constant 5 : i32
      %add3A_62 = arith.addi %add3A_51, %add3A_61 : i32
      %lt3A_63 = arith.constant 125 : i32
      %lt3A_64 = arith.cmpi slt, %add3A_62, %lt3A_63 : i32
      %convert_element_type3A_65 = arith.extui %lt3A_64 : i1 to i32
      %cond3A_66 = arith.constant 0 : i32
      %cond3A_67 = arith.cmpi ne, %convert_element_type3A_65, %cond3A_66 : i32
      scf.if %cond3A_67 {
        %mul3A_122 = arith.constant 40 : i32
        %mul3A_123 = arith.muli %add3A_62, %mul3A_122 : i32
        %dma_start3A_124 = tpu.memref_slice %arg5[%mul3A_123] : memref<5000xi32, #tpu.memory_space<vmem>> -> memref<40xi32, #tpu.memory_space<vmem>>
        %dma_start3A_125 = arith.constant 0 : i32
        %dma_start3A_126 = arith.constant 0 : i32
        %dma_start3A_127 = tpu.memref_slice %arg2[%dma_start3A_125, %dma_start3A_126] : memref<10000x128xf32, #tpu.memory_space<hbm>> -> memref<10000x128xf32, #tpu.memory_space<hbm>>
        tpu.enqueue_indirect_dma source(%dma_start3A_127 : memref<10000x128xf32, #tpu.memory_space<hbm>>) target(%arg7 : memref<40x128xf32, #tpu.memory_space<vmem>>) offsets(%dma_start3A_124 : memref<40xi32, #tpu.memory_space<vmem>>) semaphore(%arg12 : memref<!tpu.dma_semaphore, #tpu.memory_space<semaphore_mem>>)
      } else {
      }
      %add3A_68 = arith.constant 2 : i32
      %add3A_69 = arith.addi %add3A_35, %add3A_68 : i32
      %mul3A_70 = arith.constant 40 : i32
      %mul3A_71 = arith.muli %add3A_69, %mul3A_70 : i32
      %dma_wait3A_72 = tpu.memref_slice %arg5[%mul3A_71] : memref<5000xi32, #tpu.memory_space<vmem>> -> memref<40xi32, #tpu.memory_space<vmem>>
      %dma_wait3A_73 = arith.constant 0 : i32
      %dma_wait3A_74 = arith.constant 0 : i32
      %dma_wait3A_75 = tpu.memref_slice %arg2[%dma_wait3A_73, %dma_wait3A_74] : memref<10000x128xf32, #tpu.memory_space<hbm>> -> memref<10000x128xf32, #tpu.memory_space<hbm>>
      tpu.wait_indirect_dma semaphore(%arg13 : memref<!tpu.dma_semaphore, #tpu.memory_space<semaphore_mem>>) src(%dma_wait3A_75 : memref<10000x128xf32, #tpu.memory_space<hbm>>) dst(%arg8 : memref<40x128xf32, #tpu.memory_space<vmem>>)
      %mul3A_76 = arith.constant 40 : i32
      %mul3A_77 = arith.muli %add3A_69, %mul3A_76 : i32
      %add3A_78 = arith.addi %mul3A_2, %mul3A_77 : i32
      "tpu.region"() ({
        %run_scoped3A = tpu.sem_alloc : memref<!tpu.dma_semaphore, #tpu.memory_space<semaphore_mem>>
        %dma_start3A_122 = arith.constant 0 : i32
        %dma_start3A_123 = tpu.memref_slice %arg4[%add3A_78, %dma_start3A_122] : memref<160000x128xf32, #tpu.memory_space<hbm>> -> memref<40x128xf32, #tpu.memory_space<hbm>>
        %dma_start3A_124 = arith.constant 0 : i32
        %dma_start3A_125 = tpu.memref_slice %arg4[%add3A_78, %dma_start3A_124] : memref<160000x128xf32, #tpu.memory_space<hbm>> -> memref<40x128xf32, #tpu.memory_space<hbm>>
        tpu.enqueue_dma source(%arg8 : memref<40x128xf32, #tpu.memory_space<vmem>>) target(%dma_start3A_125 : memref<40x128xf32, #tpu.memory_space<hbm>>) target_semaphore(%run_scoped3A : memref<!tpu.dma_semaphore, #tpu.memory_space<semaphore_mem>>)
        %dma_wait3A_126 = arith.constant 0 : i32
        %dma_wait3A_127 = tpu.memref_slice %arg4[%add3A_78, %dma_wait3A_126] : memref<160000x128xf32, #tpu.memory_space<hbm>> -> memref<40x128xf32, #tpu.memory_space<hbm>>
        %dma_wait3A_128 = arith.constant 0 : i32
        %dma_wait3A_129 = tpu.memref_slice %arg4[%add3A_78, %dma_wait3A_128] : memref<160000x128xf32, #tpu.memory_space<hbm>> -> memref<40x128xf32, #tpu.memory_space<hbm>>
        tpu.wait_dma2 semaphore(%run_scoped3A : memref<!tpu.dma_semaphore, #tpu.memory_space<semaphore_mem>>) src(%arg8 : memref<40x128xf32, #tpu.memory_space<vmem>>) dst(%dma_wait3A_129 : memref<40x128xf32, #tpu.memory_space<hbm>>)
        tpu.yield
      }) : () -> ()
      %add3A_79 = arith.constant 5 : i32
      %add3A_80 = arith.addi %add3A_69, %add3A_79 : i32
      %lt3A_81 = arith.constant 125 : i32
      %lt3A_82 = arith.cmpi slt, %add3A_80, %lt3A_81 : i32
      %convert_element_type3A_83 = arith.extui %lt3A_82 : i1 to i32
      %cond3A_84 = arith.constant 0 : i32
      %cond3A_85 = arith.cmpi ne, %convert_element_type3A_83, %cond3A_84 : i32
      scf.if %cond3A_85 {
        %mul3A_122 = arith.constant 40 : i32
        %mul3A_123 = arith.muli %add3A_80, %mul3A_122 : i32
        %dma_start3A_124 = tpu.memref_slice %arg5[%mul3A_123] : memref<5000xi32, #tpu.memory_space<vmem>> -> memref<40xi32, #tpu.memory_space<vmem>>
        %dma_start3A_125 = arith.constant 0 : i32
        %dma_start3A_126 = arith.constant 0 : i32
        %dma_start3A_127 = tpu.memref_slice %arg2[%dma_start3A_125, %dma_start3A_126] : memref<10000x128xf32, #tpu.memory_space<hbm>> -> memref<10000x128xf32, #tpu.memory_space<hbm>>
        tpu.enqueue_indirect_dma source(%dma_start3A_127 : memref<10000x128xf32, #tpu.memory_space<hbm>>) target(%arg8 : memref<40x128xf32, #tpu.memory_space<vmem>>) offsets(%dma_start3A_124 : memref<40xi32, #tpu.memory_space<vmem>>) semaphore(%arg13 : memref<!tpu.dma_semaphore, #tpu.memory_space<semaphore_mem>>)
      } else {
      }
      %add3A_86 = arith.constant 3 : i32
      %add3A_87 = arith.addi %add3A_35, %add3A_86 : i32
      %mul3A_88 = arith.constant 40 : i32
      %mul3A_89 = arith.muli %add3A_87, %mul3A_88 : i32
      %dma_wait3A_90 = tpu.memref_slice %arg5[%mul3A_89] : memref<5000xi32, #tpu.memory_space<vmem>> -> memref<40xi32, #tpu.memory_space<vmem>>
      %dma_wait3A_91 = arith.constant 0 : i32
      %dma_wait3A_92 = arith.constant 0 : i32
      %dma_wait3A_93 = tpu.memref_slice %arg2[%dma_wait3A_91, %dma_wait3A_92] : memref<10000x128xf32, #tpu.memory_space<hbm>> -> memref<10000x128xf32, #tpu.memory_space<hbm>>
      tpu.wait_indirect_dma semaphore(%arg14 : memref<!tpu.dma_semaphore, #tpu.memory_space<semaphore_mem>>) src(%dma_wait3A_93 : memref<10000x128xf32, #tpu.memory_space<hbm>>) dst(%arg9 : memref<40x128xf32, #tpu.memory_space<vmem>>)
      %mul3A_94 = arith.constant 40 : i32
      %mul3A_95 = arith.muli %add3A_87, %mul3A_94 : i32
      %add3A_96 = arith.addi %mul3A_2, %mul3A_95 : i32
      "tpu.region"() ({
        %run_scoped3A = tpu.sem_alloc : memref<!tpu.dma_semaphore, #tpu.memory_space<semaphore_mem>>
        %dma_start3A_122 = arith.constant 0 : i32
        %dma_start3A_123 = tpu.memref_slice %arg4[%add3A_96, %dma_start3A_122] : memref<160000x128xf32, #tpu.memory_space<hbm>> -> memref<40x128xf32, #tpu.memory_space<hbm>>
        %dma_start3A_124 = arith.constant 0 : i32
        %dma_start3A_125 = tpu.memref_slice %arg4[%add3A_96, %dma_start3A_124] : memref<160000x128xf32, #tpu.memory_space<hbm>> -> memref<40x128xf32, #tpu.memory_space<hbm>>
        tpu.enqueue_dma source(%arg9 : memref<40x128xf32, #tpu.memory_space<vmem>>) target(%dma_start3A_125 : memref<40x128xf32, #tpu.memory_space<hbm>>) target_semaphore(%run_scoped3A : memref<!tpu.dma_semaphore, #tpu.memory_space<semaphore_mem>>)
        %dma_wait3A_126 = arith.constant 0 : i32
        %dma_wait3A_127 = tpu.memref_slice %arg4[%add3A_96, %dma_wait3A_126] : memref<160000x128xf32, #tpu.memory_space<hbm>> -> memref<40x128xf32, #tpu.memory_space<hbm>>
        %dma_wait3A_128 = arith.constant 0 : i32
        %dma_wait3A_129 = tpu.memref_slice %arg4[%add3A_96, %dma_wait3A_128] : memref<160000x128xf32, #tpu.memory_space<hbm>> -> memref<40x128xf32, #tpu.memory_space<hbm>>
        tpu.wait_dma2 semaphore(%run_scoped3A : memref<!tpu.dma_semaphore, #tpu.memory_space<semaphore_mem>>) src(%arg9 : memref<40x128xf32, #tpu.memory_space<vmem>>) dst(%dma_wait3A_129 : memref<40x128xf32, #tpu.memory_space<hbm>>)
        tpu.yield
      }) : () -> ()
      %add3A_97 = arith.constant 5 : i32
      %add3A_98 = arith.addi %add3A_87, %add3A_97 : i32
      %lt3A_99 = arith.constant 125 : i32
      %lt3A_100 = arith.cmpi slt, %add3A_98, %lt3A_99 : i32
      %convert_element_type3A_101 = arith.extui %lt3A_100 : i1 to i32
      %cond3A_102 = arith.constant 0 : i32
      %cond3A_103 = arith.cmpi ne, %convert_element_type3A_101, %cond3A_102 : i32
      scf.if %cond3A_103 {
        %mul3A_122 = arith.constant 40 : i32
        %mul3A_123 = arith.muli %add3A_98, %mul3A_122 : i32
        %dma_start3A_124 = tpu.memref_slice %arg5[%mul3A_123] : memref<5000xi32, #tpu.memory_space<vmem>> -> memref<40xi32, #tpu.memory_space<vmem>>
        %dma_start3A_125 = arith.constant 0 : i32
        %dma_start3A_126 = arith.constant 0 : i32
        %dma_start3A_127 = tpu.memref_slice %arg2[%dma_start3A_125, %dma_start3A_126] : memref<10000x128xf32, #tpu.memory_space<hbm>> -> memref<10000x128xf32, #tpu.memory_space<hbm>>
        tpu.enqueue_indirect_dma source(%dma_start3A_127 : memref<10000x128xf32, #tpu.memory_space<hbm>>) target(%arg9 : memref<40x128xf32, #tpu.memory_space<vmem>>) offsets(%dma_start3A_124 : memref<40xi32, #tpu.memory_space<vmem>>) semaphore(%arg14 : memref<!tpu.dma_semaphore, #tpu.memory_space<semaphore_mem>>)
      } else {
      }
      %add3A_104 = arith.constant 4 : i32
      %add3A_105 = arith.addi %add3A_35, %add3A_104 : i32
      %mul3A_106 = arith.constant 40 : i32
      %mul3A_107 = arith.muli %add3A_105, %mul3A_106 : i32
      %dma_wait3A_108 = tpu.memref_slice %arg5[%mul3A_107] : memref<5000xi32, #tpu.memory_space<vmem>> -> memref<40xi32, #tpu.memory_space<vmem>>
      %dma_wait3A_109 = arith.constant 0 : i32
      %dma_wait3A_110 = arith.constant 0 : i32
      %dma_wait3A_111 = tpu.memref_slice %arg2[%dma_wait3A_109, %dma_wait3A_110] : memref<10000x128xf32, #tpu.memory_space<hbm>> -> memref<10000x128xf32, #tpu.memory_space<hbm>>
      tpu.wait_indirect_dma semaphore(%arg15 : memref<!tpu.dma_semaphore, #tpu.memory_space<semaphore_mem>>) src(%dma_wait3A_111 : memref<10000x128xf32, #tpu.memory_space<hbm>>) dst(%arg10 : memref<40x128xf32, #tpu.memory_space<vmem>>)
      %mul3A_112 = arith.constant 40 : i32
      %mul3A_113 = arith.muli %add3A_105, %mul3A_112 : i32
      %add3A_114 = arith.addi %mul3A_2, %mul3A_113 : i32
      "tpu.region"() ({
        %run_scoped3A = tpu.sem_alloc : memref<!tpu.dma_semaphore, #tpu.memory_space<semaphore_mem>>
        %dma_start3A_122 = arith.constant 0 : i32
        %dma_start3A_123 = tpu.memref_slice %arg4[%add3A_114, %dma_start3A_122] : memref<160000x128xf32, #tpu.memory_space<hbm>> -> memref<40x128xf32, #tpu.memory_space<hbm>>
        %dma_start3A_124 = arith.constant 0 : i32
        %dma_start3A_125 = tpu.memref_slice %arg4[%add3A_114, %dma_start3A_124] : memref<160000x128xf32, #tpu.memory_space<hbm>> -> memref<40x128xf32, #tpu.memory_space<hbm>>
        tpu.enqueue_dma source(%arg10 : memref<40x128xf32, #tpu.memory_space<vmem>>) target(%dma_start3A_125 : memref<40x128xf32, #tpu.memory_space<hbm>>) target_semaphore(%run_scoped3A : memref<!tpu.dma_semaphore, #tpu.memory_space<semaphore_mem>>)
        %dma_wait3A_126 = arith.constant 0 : i32
        %dma_wait3A_127 = tpu.memref_slice %arg4[%add3A_114, %dma_wait3A_126] : memref<160000x128xf32, #tpu.memory_space<hbm>> -> memref<40x128xf32, #tpu.memory_space<hbm>>
        %dma_wait3A_128 = arith.constant 0 : i32
        %dma_wait3A_129 = tpu.memref_slice %arg4[%add3A_114, %dma_wait3A_128] : memref<160000x128xf32, #tpu.memory_space<hbm>> -> memref<40x128xf32, #tpu.memory_space<hbm>>
        tpu.wait_dma2 semaphore(%run_scoped3A : memref<!tpu.dma_semaphore, #tpu.memory_space<semaphore_mem>>) src(%arg10 : memref<40x128xf32, #tpu.memory_space<vmem>>) dst(%dma_wait3A_129 : memref<40x128xf32, #tpu.memory_space<hbm>>)
        tpu.yield
      }) : () -> ()
      %add3A_115 = arith.constant 5 : i32
      %add3A_116 = arith.addi %add3A_105, %add3A_115 : i32
      %lt3A_117 = arith.constant 125 : i32
      %lt3A_118 = arith.cmpi slt, %add3A_116, %lt3A_117 : i32
      %convert_element_type3A_119 = arith.extui %lt3A_118 : i1 to i32
      %cond3A_120 = arith.constant 0 : i32
      %cond3A_121 = arith.cmpi ne, %convert_element_type3A_119, %cond3A_120 : i32
      scf.if %cond3A_121 {
        %mul3A_122 = arith.constant 40 : i32
        %mul3A_123 = arith.muli %add3A_116, %mul3A_122 : i32
        %dma_start3A_124 = tpu.memref_slice %arg5[%mul3A_123] : memref<5000xi32, #tpu.memory_space<vmem>> -> memref<40xi32, #tpu.memory_space<vmem>>
        %dma_start3A_125 = arith.constant 0 : i32
        %dma_start3A_126 = arith.constant 0 : i32
        %dma_start3A_127 = tpu.memref_slice %arg2[%dma_start3A_125, %dma_start3A_126] : memref<10000x128xf32, #tpu.memory_space<hbm>> -> memref<10000x128xf32, #tpu.memory_space<hbm>>
        tpu.enqueue_indirect_dma source(%dma_start3A_127 : memref<10000x128xf32, #tpu.memory_space<hbm>>) target(%arg10 : memref<40x128xf32, #tpu.memory_space<vmem>>) offsets(%dma_start3A_124 : memref<40xi32, #tpu.memory_space<vmem>>) semaphore(%arg15 : memref<!tpu.dma_semaphore, #tpu.memory_space<semaphore_mem>>)
      } else {
      }
    }
    %scan3A_30 = arith.constant 25 : i32
    return
  }
}

#map = affine_map<(d0, d1) -> (0, 0)>
#map1 = affine_map<(d0, d1) -> (0)>
#map2 = affine_map<(d0, d1) -> (0, 0, 0)>
module attributes {stable_mosaic.version = 14 : i64} {
  func.func @k(%arg0: i32, %arg1: i32, %arg2: memref<160000x128xf32, #tpu.memory_space<hbm>>, %arg3: memref<160000x128xf32, #tpu.memory_space<hbm>>, %arg4: memref<160000xi32, #tpu.memory_space<hbm>>, %arg5: memref<10000x128xf32, #tpu.memory_space<hbm>>, %arg6: memref<2x10000x128xf32, #tpu.memory_space<hbm>>, %arg7: memref<2x10000x128xf32, #tpu.memory_space<hbm>>, %arg8: memref<40xi32, #tpu.memory_space<vmem>>, %arg9: memref<40xi32, #tpu.memory_space<vmem>>, %arg10: memref<40xi32, #tpu.memory_space<vmem>>, %arg11: memref<40xi32, #tpu.memory_space<vmem>>, %arg12: memref<40xi32, #tpu.memory_space<vmem>>, %arg13: memref<40x128xf32, #tpu.memory_space<vmem>>, %arg14: memref<40x128xf32, #tpu.memory_space<vmem>>, %arg15: memref<40x128xf32, #tpu.memory_space<vmem>>, %arg16: memref<40x128xf32, #tpu.memory_space<vmem>>, %arg17: memref<40x128xf32, #tpu.memory_space<vmem>>, %arg18: memref<40x16xf32, #tpu.memory_space<vmem>>, %arg19: memref<40x16xf32, #tpu.memory_space<vmem>>, %arg20: memref<40x16xf32, #tpu.memory_space<vmem>>, %arg21: memref<40x16xf32, #tpu.memory_space<vmem>>, %arg22: memref<40x16xf32, #tpu.memory_space<vmem>>, %arg23: memref<10000x128xf32, #tpu.memory_space<vmem_shared>>, %arg24: memref<10000x16xf32, #tpu.memory_space<vmem_shared>>, %arg25: memref<!tpu.dma_semaphore, #tpu.memory_space<semaphore_mem>>, %arg26: memref<!tpu.dma_semaphore, #tpu.memory_space<semaphore_mem>>, %arg27: memref<!tpu.dma_semaphore, #tpu.memory_space<semaphore_mem>>, %arg28: memref<!tpu.dma_semaphore, #tpu.memory_space<semaphore_mem>>, %arg29: memref<!tpu.dma_semaphore, #tpu.memory_space<semaphore_mem>>, %arg30: memref<!tpu.dma_semaphore, #tpu.memory_space<semaphore_mem>>, %arg31: memref<!tpu.dma_semaphore, #tpu.memory_space<semaphore_mem>>, %arg32: memref<!tpu.dma_semaphore, #tpu.memory_space<semaphore_mem>>, %arg33: memref<!tpu.dma_semaphore, #tpu.memory_space<semaphore_mem>>, %arg34: memref<!tpu.dma_semaphore, #tpu.memory_space<semaphore_mem>>, %arg35: memref<!tpu.dma_semaphore, #tpu.memory_space<semaphore_mem>>, %arg36: memref<!tpu.dma_semaphore, #tpu.memory_space<semaphore_mem>>, %arg37: memref<!tpu.dma_semaphore, #tpu.memory_space<semaphore_mem>>, %arg38: memref<!tpu.dma_semaphore, #tpu.memory_space<semaphore_mem>>, %arg39: memref<!tpu.dma_semaphore, #tpu.memory_space<semaphore_mem>>) attributes {dimension_semantics = [#tpu.dimension_semantics<core_parallel>, #tpu.dimension_semantics<subcore_parallel>], iteration_bounds = array<i64: 2, 16>, scalar_prefetch = 0 : i64, scratch_operands = 32 : i64, tpu.core_type = #tpu.core_type<sc_vector_subcore>, window_params = [{transform_indices = #map}, {transform_indices = #map}, {transform_indices = #map1}, {transform_indices = #map}, {transform_indices = #map2}, {transform_indices = #map2}]} {
    %mul3A = arith.constant 2 : i32
    %mul3A_0 = arith.muli %arg1, %mul3A : i32
    %add3A = arith.addi %mul3A_0, %arg0 : i32
    %mul3A_1 = arith.constant 625 : i32
    %mul3A_2 = arith.muli %arg1, %mul3A_1 : i32
    "tpu.region"() ({
      %run_scoped3A = tpu.sem_alloc : memref<!tpu.dma_semaphore, #tpu.memory_space<semaphore_mem>>
      %dma_start3A_69 = arith.constant 0 : i32
      %dma_start3A_70 = tpu.memref_slice %arg23[%mul3A_2, %dma_start3A_69] : memref<10000x128xf32, #tpu.memory_space<vmem_shared>> -> memref<625x128xf32, #tpu.memory_space<vmem_shared>>
      %dma_start3A_71 = arith.constant 0 : i32
      %dma_start3A_72 = tpu.memref_slice %arg5[%mul3A_2, %dma_start3A_71] : memref<10000x128xf32, #tpu.memory_space<hbm>> -> memref<625x128xf32, #tpu.memory_space<hbm>>
      tpu.enqueue_dma source(%dma_start3A_72 : memref<625x128xf32, #tpu.memory_space<hbm>>) target(%dma_start3A_70 : memref<625x128xf32, #tpu.memory_space<vmem_shared>>) target_semaphore(%run_scoped3A : memref<!tpu.dma_semaphore, #tpu.memory_space<semaphore_mem>>)
      %dma_wait3A = arith.constant 0 : i32
      %dma_wait3A_73 = tpu.memref_slice %arg23[%mul3A_2, %dma_wait3A] : memref<10000x128xf32, #tpu.memory_space<vmem_shared>> -> memref<625x128xf32, #tpu.memory_space<vmem_shared>>
      %dma_wait3A_74 = arith.constant 0 : i32
      %dma_wait3A_75 = tpu.memref_slice %arg5[%mul3A_2, %dma_wait3A_74] : memref<10000x128xf32, #tpu.memory_space<hbm>> -> memref<625x128xf32, #tpu.memory_space<hbm>>
      tpu.wait_dma2 semaphore(%run_scoped3A : memref<!tpu.dma_semaphore, #tpu.memory_space<semaphore_mem>>) src(%dma_wait3A_75 : memref<625x128xf32, #tpu.memory_space<hbm>>) dst(%dma_wait3A_73 : memref<625x128xf32, #tpu.memory_space<vmem_shared>>)
      tpu.yield
    }) : () -> ()
    "tpu.region"() ({
      %run_scoped3A = tpu.sem_alloc : memref<!tpu.dma_semaphore, #tpu.memory_space<semaphore_mem>>
      %dma_start3A_69 = arith.constant 0 : i32
      %dma_start3A_70 = tpu.memref_slice %arg24[%mul3A_2, %dma_start3A_69] : memref<10000x16xf32, #tpu.memory_space<vmem_shared>> -> memref<625x16xf32, #tpu.memory_space<vmem_shared>>
      %dma_start3A_71 = arith.constant 0 : i32
      %dma_start3A_72 = tpu.memref_slice %arg5[%mul3A_2, %dma_start3A_71] : memref<10000x128xf32, #tpu.memory_space<hbm>> -> memref<625x16xf32, #tpu.memory_space<hbm>>
      tpu.enqueue_dma source(%dma_start3A_72 : memref<625x16xf32, #tpu.memory_space<hbm>>) target(%dma_start3A_70 : memref<625x16xf32, #tpu.memory_space<vmem_shared>>) target_semaphore(%run_scoped3A : memref<!tpu.dma_semaphore, #tpu.memory_space<semaphore_mem>>)
      %dma_wait3A = arith.constant 0 : i32
      %dma_wait3A_73 = tpu.memref_slice %arg24[%mul3A_2, %dma_wait3A] : memref<10000x16xf32, #tpu.memory_space<vmem_shared>> -> memref<625x16xf32, #tpu.memory_space<vmem_shared>>
      %dma_wait3A_74 = arith.constant 0 : i32
      %dma_wait3A_75 = tpu.memref_slice %arg5[%mul3A_2, %dma_wait3A_74] : memref<10000x128xf32, #tpu.memory_space<hbm>> -> memref<625x16xf32, #tpu.memory_space<hbm>>
      tpu.wait_dma2 semaphore(%run_scoped3A : memref<!tpu.dma_semaphore, #tpu.memory_space<semaphore_mem>>) src(%dma_wait3A_75 : memref<625x16xf32, #tpu.memory_space<hbm>>) dst(%dma_wait3A_73 : memref<625x16xf32, #tpu.memory_space<vmem_shared>>)
      tpu.yield
    }) : () -> ()
    %barrier3A = arith.constant 0 : index
    tpu.barrier barrier_id(%barrier3A)
    %mul3A_3 = arith.constant 5000 : i32
    %mul3A_4 = arith.muli %add3A, %mul3A_3 : i32
    %add3A_5 = arith.constant 0 : i32
    %add3A_6 = arith.addi %mul3A_4, %add3A_5 : i32
    %dma_start3A = tpu.memref_slice %arg4[%add3A_6] : memref<160000xi32, #tpu.memory_space<hbm>> -> memref<40xi32, #tpu.memory_space<hbm>>
    %dma_start3A_7 = tpu.memref_slice %arg4[%add3A_6] : memref<160000xi32, #tpu.memory_space<hbm>> -> memref<40xi32, #tpu.memory_space<hbm>>
    tpu.enqueue_dma source(%dma_start3A_7 : memref<40xi32, #tpu.memory_space<hbm>>) target(%arg8 : memref<40xi32, #tpu.memory_space<vmem>>) target_semaphore(%arg25 : memref<!tpu.dma_semaphore, #tpu.memory_space<semaphore_mem>>)
    %dma_start3A_8 = arith.constant 0 : i32
    %dma_start3A_9 = tpu.memref_slice %arg2[%add3A_6, %dma_start3A_8] : memref<160000x128xf32, #tpu.memory_space<hbm>> -> memref<40x128xf32, #tpu.memory_space<hbm>>
    %dma_start3A_10 = arith.constant 0 : i32
    %dma_start3A_11 = tpu.memref_slice %arg2[%add3A_6, %dma_start3A_10] : memref<160000x128xf32, #tpu.memory_space<hbm>> -> memref<40x128xf32, #tpu.memory_space<hbm>>
    tpu.enqueue_dma source(%dma_start3A_11 : memref<40x128xf32, #tpu.memory_space<hbm>>) target(%arg13 : memref<40x128xf32, #tpu.memory_space<vmem>>) target_semaphore(%arg30 : memref<!tpu.dma_semaphore, #tpu.memory_space<semaphore_mem>>)
    %dma_start3A_12 = arith.constant 0 : i32
    %dma_start3A_13 = tpu.memref_slice %arg3[%add3A_6, %dma_start3A_12] : memref<160000x128xf32, #tpu.memory_space<hbm>> -> memref<40x16xf32, #tpu.memory_space<hbm>>
    %dma_start3A_14 = arith.constant 0 : i32
    %dma_start3A_15 = tpu.memref_slice %arg3[%add3A_6, %dma_start3A_14] : memref<160000x128xf32, #tpu.memory_space<hbm>> -> memref<40x16xf32, #tpu.memory_space<hbm>>
    tpu.enqueue_dma source(%dma_start3A_15 : memref<40x16xf32, #tpu.memory_space<hbm>>) target(%arg18 : memref<40x16xf32, #tpu.memory_space<vmem>>) target_semaphore(%arg35 : memref<!tpu.dma_semaphore, #tpu.memory_space<semaphore_mem>>)
    %add3A_16 = arith.constant 40 : i32
    %add3A_17 = arith.addi %mul3A_4, %add3A_16 : i32
    %dma_start3A_18 = tpu.memref_slice %arg4[%add3A_17] : memref<160000xi32, #tpu.memory_space<hbm>> -> memref<40xi32, #tpu.memory_space<hbm>>
    %dma_start3A_19 = tpu.memref_slice %arg4[%add3A_17] : memref<160000xi32, #tpu.memory_space<hbm>> -> memref<40xi32, #tpu.memory_space<hbm>>
    tpu.enqueue_dma source(%dma_start3A_19 : memref<40xi32, #tpu.memory_space<hbm>>) target(%arg9 : memref<40xi32, #tpu.memory_space<vmem>>) target_semaphore(%arg26 : memref<!tpu.dma_semaphore, #tpu.memory_space<semaphore_mem>>)
    %dma_start3A_20 = arith.constant 0 : i32
    %dma_start3A_21 = tpu.memref_slice %arg2[%add3A_17, %dma_start3A_20] : memref<160000x128xf32, #tpu.memory_space<hbm>> -> memref<40x128xf32, #tpu.memory_space<hbm>>
    %dma_start3A_22 = arith.constant 0 : i32
    %dma_start3A_23 = tpu.memref_slice %arg2[%add3A_17, %dma_start3A_22] : memref<160000x128xf32, #tpu.memory_space<hbm>> -> memref<40x128xf32, #tpu.memory_space<hbm>>
    tpu.enqueue_dma source(%dma_start3A_23 : memref<40x128xf32, #tpu.memory_space<hbm>>) target(%arg14 : memref<40x128xf32, #tpu.memory_space<vmem>>) target_semaphore(%arg31 : memref<!tpu.dma_semaphore, #tpu.memory_space<semaphore_mem>>)
    %dma_start3A_24 = arith.constant 0 : i32
    %dma_start3A_25 = tpu.memref_slice %arg3[%add3A_17, %dma_start3A_24] : memref<160000x128xf32, #tpu.memory_space<hbm>> -> memref<40x16xf32, #tpu.memory_space<hbm>>
    %dma_start3A_26 = arith.constant 0 : i32
    %dma_start3A_27 = tpu.memref_slice %arg3[%add3A_17, %dma_start3A_26] : memref<160000x128xf32, #tpu.memory_space<hbm>> -> memref<40x16xf32, #tpu.memory_space<hbm>>
    tpu.enqueue_dma source(%dma_start3A_27 : memref<40x16xf32, #tpu.memory_space<hbm>>) target(%arg19 : memref<40x16xf32, #tpu.memory_space<vmem>>) target_semaphore(%arg36 : memref<!tpu.dma_semaphore, #tpu.memory_space<semaphore_mem>>)
    %add3A_28 = arith.constant 80 : i32
    %add3A_29 = arith.addi %mul3A_4, %add3A_28 : i32
    %dma_start3A_30 = tpu.memref_slice %arg4[%add3A_29] : memref<160000xi32, #tpu.memory_space<hbm>> -> memref<40xi32, #tpu.memory_space<hbm>>
    %dma_start3A_31 = tpu.memref_slice %arg4[%add3A_29] : memref<160000xi32, #tpu.memory_space<hbm>> -> memref<40xi32, #tpu.memory_space<hbm>>
    tpu.enqueue_dma source(%dma_start3A_31 : memref<40xi32, #tpu.memory_space<hbm>>) target(%arg10 : memref<40xi32, #tpu.memory_space<vmem>>) target_semaphore(%arg27 : memref<!tpu.dma_semaphore, #tpu.memory_space<semaphore_mem>>)
    %dma_start3A_32 = arith.constant 0 : i32
    %dma_start3A_33 = tpu.memref_slice %arg2[%add3A_29, %dma_start3A_32] : memref<160000x128xf32, #tpu.memory_space<hbm>> -> memref<40x128xf32, #tpu.memory_space<hbm>>
    %dma_start3A_34 = arith.constant 0 : i32
    %dma_start3A_35 = tpu.memref_slice %arg2[%add3A_29, %dma_start3A_34] : memref<160000x128xf32, #tpu.memory_space<hbm>> -> memref<40x128xf32, #tpu.memory_space<hbm>>
    tpu.enqueue_dma source(%dma_start3A_35 : memref<40x128xf32, #tpu.memory_space<hbm>>) target(%arg15 : memref<40x128xf32, #tpu.memory_space<vmem>>) target_semaphore(%arg32 : memref<!tpu.dma_semaphore, #tpu.memory_space<semaphore_mem>>)
    %dma_start3A_36 = arith.constant 0 : i32
    %dma_start3A_37 = tpu.memref_slice %arg3[%add3A_29, %dma_start3A_36] : memref<160000x128xf32, #tpu.memory_space<hbm>> -> memref<40x16xf32, #tpu.memory_space<hbm>>
    %dma_start3A_38 = arith.constant 0 : i32
    %dma_start3A_39 = tpu.memref_slice %arg3[%add3A_29, %dma_start3A_38] : memref<160000x128xf32, #tpu.memory_space<hbm>> -> memref<40x16xf32, #tpu.memory_space<hbm>>
    tpu.enqueue_dma source(%dma_start3A_39 : memref<40x16xf32, #tpu.memory_space<hbm>>) target(%arg20 : memref<40x16xf32, #tpu.memory_space<vmem>>) target_semaphore(%arg37 : memref<!tpu.dma_semaphore, #tpu.memory_space<semaphore_mem>>)
    %add3A_40 = arith.constant 120 : i32
    %add3A_41 = arith.addi %mul3A_4, %add3A_40 : i32
    %dma_start3A_42 = tpu.memref_slice %arg4[%add3A_41] : memref<160000xi32, #tpu.memory_space<hbm>> -> memref<40xi32, #tpu.memory_space<hbm>>
    %dma_start3A_43 = tpu.memref_slice %arg4[%add3A_41] : memref<160000xi32, #tpu.memory_space<hbm>> -> memref<40xi32, #tpu.memory_space<hbm>>
    tpu.enqueue_dma source(%dma_start3A_43 : memref<40xi32, #tpu.memory_space<hbm>>) target(%arg11 : memref<40xi32, #tpu.memory_space<vmem>>) target_semaphore(%arg28 : memref<!tpu.dma_semaphore, #tpu.memory_space<semaphore_mem>>)
    %dma_start3A_44 = arith.constant 0 : i32
    %dma_start3A_45 = tpu.memref_slice %arg2[%add3A_41, %dma_start3A_44] : memref<160000x128xf32, #tpu.memory_space<hbm>> -> memref<40x128xf32, #tpu.memory_space<hbm>>
    %dma_start3A_46 = arith.constant 0 : i32
    %dma_start3A_47 = tpu.memref_slice %arg2[%add3A_41, %dma_start3A_46] : memref<160000x128xf32, #tpu.memory_space<hbm>> -> memref<40x128xf32, #tpu.memory_space<hbm>>
    tpu.enqueue_dma source(%dma_start3A_47 : memref<40x128xf32, #tpu.memory_space<hbm>>) target(%arg16 : memref<40x128xf32, #tpu.memory_space<vmem>>) target_semaphore(%arg33 : memref<!tpu.dma_semaphore, #tpu.memory_space<semaphore_mem>>)
    %dma_start3A_48 = arith.constant 0 : i32
    %dma_start3A_49 = tpu.memref_slice %arg3[%add3A_41, %dma_start3A_48] : memref<160000x128xf32, #tpu.memory_space<hbm>> -> memref<40x16xf32, #tpu.memory_space<hbm>>
    %dma_start3A_50 = arith.constant 0 : i32
    %dma_start3A_51 = tpu.memref_slice %arg3[%add3A_41, %dma_start3A_50] : memref<160000x128xf32, #tpu.memory_space<hbm>> -> memref<40x16xf32, #tpu.memory_space<hbm>>
    tpu.enqueue_dma source(%dma_start3A_51 : memref<40x16xf32, #tpu.memory_space<hbm>>) target(%arg21 : memref<40x16xf32, #tpu.memory_space<vmem>>) target_semaphore(%arg38 : memref<!tpu.dma_semaphore, #tpu.memory_space<semaphore_mem>>)
    %add3A_52 = arith.constant 160 : i32
    %add3A_53 = arith.addi %mul3A_4, %add3A_52 : i32
    %dma_start3A_54 = tpu.memref_slice %arg4[%add3A_53] : memref<160000xi32, #tpu.memory_space<hbm>> -> memref<40xi32, #tpu.memory_space<hbm>>
    %dma_start3A_55 = tpu.memref_slice %arg4[%add3A_53] : memref<160000xi32, #tpu.memory_space<hbm>> -> memref<40xi32, #tpu.memory_space<hbm>>
    tpu.enqueue_dma source(%dma_start3A_55 : memref<40xi32, #tpu.memory_space<hbm>>) target(%arg12 : memref<40xi32, #tpu.memory_space<vmem>>) target_semaphore(%arg29 : memref<!tpu.dma_semaphore, #tpu.memory_space<semaphore_mem>>)
    %dma_start3A_56 = arith.constant 0 : i32
    %dma_start3A_57 = tpu.memref_slice %arg2[%add3A_53, %dma_start3A_56] : memref<160000x128xf32, #tpu.memory_space<hbm>> -> memref<40x128xf32, #tpu.memory_space<hbm>>
    %dma_start3A_58 = arith.constant 0 : i32
    %dma_start3A_59 = tpu.memref_slice %arg2[%add3A_53, %dma_start3A_58] : memref<160000x128xf32, #tpu.memory_space<hbm>> -> memref<40x128xf32, #tpu.memory_space<hbm>>
    tpu.enqueue_dma source(%dma_start3A_59 : memref<40x128xf32, #tpu.memory_space<hbm>>) target(%arg17 : memref<40x128xf32, #tpu.memory_space<vmem>>) target_semaphore(%arg34 : memref<!tpu.dma_semaphore, #tpu.memory_space<semaphore_mem>>)
    %dma_start3A_60 = arith.constant 0 : i32
    %dma_start3A_61 = tpu.memref_slice %arg3[%add3A_53, %dma_start3A_60] : memref<160000x128xf32, #tpu.memory_space<hbm>> -> memref<40x16xf32, #tpu.memory_space<hbm>>
    %dma_start3A_62 = arith.constant 0 : i32
    %dma_start3A_63 = tpu.memref_slice %arg3[%add3A_53, %dma_start3A_62] : memref<160000x128xf32, #tpu.memory_space<hbm>> -> memref<40x16xf32, #tpu.memory_space<hbm>>
    tpu.enqueue_dma source(%dma_start3A_63 : memref<40x16xf32, #tpu.memory_space<hbm>>) target(%arg22 : memref<40x16xf32, #tpu.memory_space<vmem>>) target_semaphore(%arg39 : memref<!tpu.dma_semaphore, #tpu.memory_space<semaphore_mem>>)
    %scan3A = arith.constant 0 : i32
    %scan3A_64 = arith.constant 25 : i32
    %scan3A_65 = arith.addi %scan3A, %scan3A_64 : i32
    %scan3A_66 = arith.constant 1 : i32
    scf.for %scan3A_69 = %scan3A to %scan3A_65 step %scan3A_66  : i32 {
      %mul3A_70 = arith.constant 5 : i32
      %mul3A_71 = arith.muli %scan3A_69, %mul3A_70 : i32
      %add3A_72 = arith.constant 0 : i32
      %add3A_73 = arith.addi %add3A_72, %mul3A_71 : i32
      %add3A_74 = arith.constant 0 : i32
      %add3A_75 = arith.addi %add3A_73, %add3A_74 : i32
      %mul3A_76 = arith.constant 40 : i32
      %mul3A_77 = arith.muli %add3A_75, %mul3A_76 : i32
      %add3A_78 = arith.addi %mul3A_4, %mul3A_77 : i32
      %dma_wait3A = tpu.memref_slice %arg4[%add3A_78] : memref<160000xi32, #tpu.memory_space<hbm>> -> memref<40xi32, #tpu.memory_space<hbm>>
      %dma_wait3A_79 = tpu.memref_slice %arg4[%add3A_78] : memref<160000xi32, #tpu.memory_space<hbm>> -> memref<40xi32, #tpu.memory_space<hbm>>
      tpu.wait_dma2 semaphore(%arg25 : memref<!tpu.dma_semaphore, #tpu.memory_space<semaphore_mem>>) src(%dma_wait3A_79 : memref<40xi32, #tpu.memory_space<hbm>>) dst(%arg8 : memref<40xi32, #tpu.memory_space<vmem>>)
      %dma_wait3A_80 = arith.constant 0 : i32
      %dma_wait3A_81 = tpu.memref_slice %arg2[%add3A_78, %dma_wait3A_80] : memref<160000x128xf32, #tpu.memory_space<hbm>> -> memref<40x128xf32, #tpu.memory_space<hbm>>
      %dma_wait3A_82 = arith.constant 0 : i32
      %dma_wait3A_83 = tpu.memref_slice %arg2[%add3A_78, %dma_wait3A_82] : memref<160000x128xf32, #tpu.memory_space<hbm>> -> memref<40x128xf32, #tpu.memory_space<hbm>>
      tpu.wait_dma2 semaphore(%arg30 : memref<!tpu.dma_semaphore, #tpu.memory_space<semaphore_mem>>) src(%dma_wait3A_83 : memref<40x128xf32, #tpu.memory_space<hbm>>) dst(%arg13 : memref<40x128xf32, #tpu.memory_space<vmem>>)
      %dma_wait3A_84 = arith.constant 0 : i32
      %dma_wait3A_85 = tpu.memref_slice %arg3[%add3A_78, %dma_wait3A_84] : memref<160000x128xf32, #tpu.memory_space<hbm>> -> memref<40x16xf32, #tpu.memory_space<hbm>>
      %dma_wait3A_86 = arith.constant 0 : i32
      %dma_wait3A_87 = tpu.memref_slice %arg3[%add3A_78, %dma_wait3A_86] : memref<160000x128xf32, #tpu.memory_space<hbm>> -> memref<40x16xf32, #tpu.memory_space<hbm>>
      tpu.wait_dma2 semaphore(%arg35 : memref<!tpu.dma_semaphore, #tpu.memory_space<semaphore_mem>>) src(%dma_wait3A_87 : memref<40x16xf32, #tpu.memory_space<hbm>>) dst(%arg18 : memref<40x16xf32, #tpu.memory_space<vmem>>)
      "tpu.region"() ({
        %run_scoped3A = tpu.sem_alloc : memref<!tpu.dma_semaphore, #tpu.memory_space<semaphore_mem>>
        %dma_start3A_180 = arith.constant 0 : i32
        %dma_start3A_181 = arith.constant 0 : i32
        %dma_start3A_182 = tpu.memref_slice %arg23[%dma_start3A_180, %dma_start3A_181] : memref<10000x128xf32, #tpu.memory_space<vmem_shared>> -> memref<10000x128xf32, #tpu.memory_space<vmem_shared>>
        tpu.enqueue_indirect_dma source(%arg13 : memref<40x128xf32, #tpu.memory_space<vmem>>) target(%dma_start3A_182 : memref<10000x128xf32, #tpu.memory_space<vmem_shared>>) offsets(%arg8 : memref<40xi32, #tpu.memory_space<vmem>>) semaphore(%run_scoped3A : memref<!tpu.dma_semaphore, #tpu.memory_space<semaphore_mem>>) {add = true}
        %dma_wait3A_183 = arith.constant 0 : i32
        %dma_wait3A_184 = arith.constant 0 : i32
        %dma_wait3A_185 = tpu.memref_slice %arg23[%dma_wait3A_183, %dma_wait3A_184] : memref<10000x128xf32, #tpu.memory_space<vmem_shared>> -> memref<10000x128xf32, #tpu.memory_space<vmem_shared>>
        tpu.wait_indirect_dma semaphore(%run_scoped3A : memref<!tpu.dma_semaphore, #tpu.memory_space<semaphore_mem>>) src(%arg13 : memref<40x128xf32, #tpu.memory_space<vmem>>) dst(%dma_wait3A_185 : memref<10000x128xf32, #tpu.memory_space<vmem_shared>>)
        tpu.yield
      }) : () -> ()
      "tpu.region"() ({
        %run_scoped3A = tpu.sem_alloc : memref<!tpu.dma_semaphore, #tpu.memory_space<semaphore_mem>>
        %dma_start3A_180 = arith.constant 0 : i32
        %dma_start3A_181 = arith.constant 0 : i32
        %dma_start3A_182 = tpu.memref_slice %arg24[%dma_start3A_180, %dma_start3A_181] : memref<10000x16xf32, #tpu.memory_space<vmem_shared>> -> memref<10000x16xf32, #tpu.memory_space<vmem_shared>>
        tpu.enqueue_indirect_dma source(%arg18 : memref<40x16xf32, #tpu.memory_space<vmem>>) target(%dma_start3A_182 : memref<10000x16xf32, #tpu.memory_space<vmem_shared>>) offsets(%arg8 : memref<40xi32, #tpu.memory_space<vmem>>) semaphore(%run_scoped3A : memref<!tpu.dma_semaphore, #tpu.memory_space<semaphore_mem>>) {add = true}
        %dma_wait3A_183 = arith.constant 0 : i32
        %dma_wait3A_184 = arith.constant 0 : i32
        %dma_wait3A_185 = tpu.memref_slice %arg24[%dma_wait3A_183, %dma_wait3A_184] : memref<10000x16xf32, #tpu.memory_space<vmem_shared>> -> memref<10000x16xf32, #tpu.memory_space<vmem_shared>>
        tpu.wait_indirect_dma semaphore(%run_scoped3A : memref<!tpu.dma_semaphore, #tpu.memory_space<semaphore_mem>>) src(%arg18 : memref<40x16xf32, #tpu.memory_space<vmem>>) dst(%dma_wait3A_185 : memref<10000x16xf32, #tpu.memory_space<vmem_shared>>)
        tpu.yield
      }) : () -> ()
      %add3A_88 = arith.constant 5 : i32
      %add3A_89 = arith.addi %add3A_75, %add3A_88 : i32
      %lt3A = arith.constant 125 : i32
      %lt3A_90 = arith.cmpi slt, %add3A_89, %lt3A : i32
      %convert_element_type3A = arith.extui %lt3A_90 : i1 to i32
      %cond3A = arith.constant 0 : i32
      %cond3A_91 = arith.cmpi ne, %convert_element_type3A, %cond3A : i32
      scf.if %cond3A_91 {
        %mul3A_180 = arith.constant 40 : i32
        %mul3A_181 = arith.muli %add3A_89, %mul3A_180 : i32
        %add3A_182 = arith.addi %mul3A_4, %mul3A_181 : i32
        %dma_start3A_183 = tpu.memref_slice %arg4[%add3A_182] : memref<160000xi32, #tpu.memory_space<hbm>> -> memref<40xi32, #tpu.memory_space<hbm>>
        %dma_start3A_184 = tpu.memref_slice %arg4[%add3A_182] : memref<160000xi32, #tpu.memory_space<hbm>> -> memref<40xi32, #tpu.memory_space<hbm>>
        tpu.enqueue_dma source(%dma_start3A_184 : memref<40xi32, #tpu.memory_space<hbm>>) target(%arg8 : memref<40xi32, #tpu.memory_space<vmem>>) target_semaphore(%arg25 : memref<!tpu.dma_semaphore, #tpu.memory_space<semaphore_mem>>)
        %dma_start3A_185 = arith.constant 0 : i32
        %dma_start3A_186 = tpu.memref_slice %arg2[%add3A_182, %dma_start3A_185] : memref<160000x128xf32, #tpu.memory_space<hbm>> -> memref<40x128xf32, #tpu.memory_space<hbm>>
        %dma_start3A_187 = arith.constant 0 : i32
        %dma_start3A_188 = tpu.memref_slice %arg2[%add3A_182, %dma_start3A_187] : memref<160000x128xf32, #tpu.memory_space<hbm>> -> memref<40x128xf32, #tpu.memory_space<hbm>>
        tpu.enqueue_dma source(%dma_start3A_188 : memref<40x128xf32, #tpu.memory_space<hbm>>) target(%arg13 : memref<40x128xf32, #tpu.memory_space<vmem>>) target_semaphore(%arg30 : memref<!tpu.dma_semaphore, #tpu.memory_space<semaphore_mem>>)
        %dma_start3A_189 = arith.constant 0 : i32
        %dma_start3A_190 = tpu.memref_slice %arg3[%add3A_182, %dma_start3A_189] : memref<160000x128xf32, #tpu.memory_space<hbm>> -> memref<40x16xf32, #tpu.memory_space<hbm>>
        %dma_start3A_191 = arith.constant 0 : i32
        %dma_start3A_192 = tpu.memref_slice %arg3[%add3A_182, %dma_start3A_191] : memref<160000x128xf32, #tpu.memory_space<hbm>> -> memref<40x16xf32, #tpu.memory_space<hbm>>
        tpu.enqueue_dma source(%dma_start3A_192 : memref<40x16xf32, #tpu.memory_space<hbm>>) target(%arg18 : memref<40x16xf32, #tpu.memory_space<vmem>>) target_semaphore(%arg35 : memref<!tpu.dma_semaphore, #tpu.memory_space<semaphore_mem>>)
      } else {
      }
      %add3A_92 = arith.constant 1 : i32
      %add3A_93 = arith.addi %add3A_73, %add3A_92 : i32
      %mul3A_94 = arith.constant 40 : i32
      %mul3A_95 = arith.muli %add3A_93, %mul3A_94 : i32
      %add3A_96 = arith.addi %mul3A_4, %mul3A_95 : i32
      %dma_wait3A_97 = tpu.memref_slice %arg4[%add3A_96] : memref<160000xi32, #tpu.memory_space<hbm>> -> memref<40xi32, #tpu.memory_space<hbm>>
      %dma_wait3A_98 = tpu.memref_slice %arg4[%add3A_96] : memref<160000xi32, #tpu.memory_space<hbm>> -> memref<40xi32, #tpu.memory_space<hbm>>
      tpu.wait_dma2 semaphore(%arg26 : memref<!tpu.dma_semaphore, #tpu.memory_space<semaphore_mem>>) src(%dma_wait3A_98 : memref<40xi32, #tpu.memory_space<hbm>>) dst(%arg9 : memref<40xi32, #tpu.memory_space<vmem>>)
      %dma_wait3A_99 = arith.constant 0 : i32
      %dma_wait3A_100 = tpu.memref_slice %arg2[%add3A_96, %dma_wait3A_99] : memref<160000x128xf32, #tpu.memory_space<hbm>> -> memref<40x128xf32, #tpu.memory_space<hbm>>
      %dma_wait3A_101 = arith.constant 0 : i32
      %dma_wait3A_102 = tpu.memref_slice %arg2[%add3A_96, %dma_wait3A_101] : memref<160000x128xf32, #tpu.memory_space<hbm>> -> memref<40x128xf32, #tpu.memory_space<hbm>>
      tpu.wait_dma2 semaphore(%arg31 : memref<!tpu.dma_semaphore, #tpu.memory_space<semaphore_mem>>) src(%dma_wait3A_102 : memref<40x128xf32, #tpu.memory_space<hbm>>) dst(%arg14 : memref<40x128xf32, #tpu.memory_space<vmem>>)
      %dma_wait3A_103 = arith.constant 0 : i32
      %dma_wait3A_104 = tpu.memref_slice %arg3[%add3A_96, %dma_wait3A_103] : memref<160000x128xf32, #tpu.memory_space<hbm>> -> memref<40x16xf32, #tpu.memory_space<hbm>>
      %dma_wait3A_105 = arith.constant 0 : i32
      %dma_wait3A_106 = tpu.memref_slice %arg3[%add3A_96, %dma_wait3A_105] : memref<160000x128xf32, #tpu.memory_space<hbm>> -> memref<40x16xf32, #tpu.memory_space<hbm>>
      tpu.wait_dma2 semaphore(%arg36 : memref<!tpu.dma_semaphore, #tpu.memory_space<semaphore_mem>>) src(%dma_wait3A_106 : memref<40x16xf32, #tpu.memory_space<hbm>>) dst(%arg19 : memref<40x16xf32, #tpu.memory_space<vmem>>)
      "tpu.region"() ({
        %run_scoped3A = tpu.sem_alloc : memref<!tpu.dma_semaphore, #tpu.memory_space<semaphore_mem>>
        %dma_start3A_180 = arith.constant 0 : i32
        %dma_start3A_181 = arith.constant 0 : i32
        %dma_start3A_182 = tpu.memref_slice %arg23[%dma_start3A_180, %dma_start3A_181] : memref<10000x128xf32, #tpu.memory_space<vmem_shared>> -> memref<10000x128xf32, #tpu.memory_space<vmem_shared>>
        tpu.enqueue_indirect_dma source(%arg14 : memref<40x128xf32, #tpu.memory_space<vmem>>) target(%dma_start3A_182 : memref<10000x128xf32, #tpu.memory_space<vmem_shared>>) offsets(%arg9 : memref<40xi32, #tpu.memory_space<vmem>>) semaphore(%run_scoped3A : memref<!tpu.dma_semaphore, #tpu.memory_space<semaphore_mem>>) {add = true}
        %dma_wait3A_183 = arith.constant 0 : i32
        %dma_wait3A_184 = arith.constant 0 : i32
        %dma_wait3A_185 = tpu.memref_slice %arg23[%dma_wait3A_183, %dma_wait3A_184] : memref<10000x128xf32, #tpu.memory_space<vmem_shared>> -> memref<10000x128xf32, #tpu.memory_space<vmem_shared>>
        tpu.wait_indirect_dma semaphore(%run_scoped3A : memref<!tpu.dma_semaphore, #tpu.memory_space<semaphore_mem>>) src(%arg14 : memref<40x128xf32, #tpu.memory_space<vmem>>) dst(%dma_wait3A_185 : memref<10000x128xf32, #tpu.memory_space<vmem_shared>>)
        tpu.yield
      }) : () -> ()
      "tpu.region"() ({
        %run_scoped3A = tpu.sem_alloc : memref<!tpu.dma_semaphore, #tpu.memory_space<semaphore_mem>>
        %dma_start3A_180 = arith.constant 0 : i32
        %dma_start3A_181 = arith.constant 0 : i32
        %dma_start3A_182 = tpu.memref_slice %arg24[%dma_start3A_180, %dma_start3A_181] : memref<10000x16xf32, #tpu.memory_space<vmem_shared>> -> memref<10000x16xf32, #tpu.memory_space<vmem_shared>>
        tpu.enqueue_indirect_dma source(%arg19 : memref<40x16xf32, #tpu.memory_space<vmem>>) target(%dma_start3A_182 : memref<10000x16xf32, #tpu.memory_space<vmem_shared>>) offsets(%arg9 : memref<40xi32, #tpu.memory_space<vmem>>) semaphore(%run_scoped3A : memref<!tpu.dma_semaphore, #tpu.memory_space<semaphore_mem>>) {add = true}
        %dma_wait3A_183 = arith.constant 0 : i32
        %dma_wait3A_184 = arith.constant 0 : i32
        %dma_wait3A_185 = tpu.memref_slice %arg24[%dma_wait3A_183, %dma_wait3A_184] : memref<10000x16xf32, #tpu.memory_space<vmem_shared>> -> memref<10000x16xf32, #tpu.memory_space<vmem_shared>>
        tpu.wait_indirect_dma semaphore(%run_scoped3A : memref<!tpu.dma_semaphore, #tpu.memory_space<semaphore_mem>>) src(%arg19 : memref<40x16xf32, #tpu.memory_space<vmem>>) dst(%dma_wait3A_185 : memref<10000x16xf32, #tpu.memory_space<vmem_shared>>)
        tpu.yield
      }) : () -> ()
      %add3A_107 = arith.constant 5 : i32
      %add3A_108 = arith.addi %add3A_93, %add3A_107 : i32
      %lt3A_109 = arith.constant 125 : i32
      %lt3A_110 = arith.cmpi slt, %add3A_108, %lt3A_109 : i32
      %convert_element_type3A_111 = arith.extui %lt3A_110 : i1 to i32
      %cond3A_112 = arith.constant 0 : i32
      %cond3A_113 = arith.cmpi ne, %convert_element_type3A_111, %cond3A_112 : i32
      scf.if %cond3A_113 {
        %mul3A_180 = arith.constant 40 : i32
        %mul3A_181 = arith.muli %add3A_108, %mul3A_180 : i32
        %add3A_182 = arith.addi %mul3A_4, %mul3A_181 : i32
        %dma_start3A_183 = tpu.memref_slice %arg4[%add3A_182] : memref<160000xi32, #tpu.memory_space<hbm>> -> memref<40xi32, #tpu.memory_space<hbm>>
        %dma_start3A_184 = tpu.memref_slice %arg4[%add3A_182] : memref<160000xi32, #tpu.memory_space<hbm>> -> memref<40xi32, #tpu.memory_space<hbm>>
        tpu.enqueue_dma source(%dma_start3A_184 : memref<40xi32, #tpu.memory_space<hbm>>) target(%arg9 : memref<40xi32, #tpu.memory_space<vmem>>) target_semaphore(%arg26 : memref<!tpu.dma_semaphore, #tpu.memory_space<semaphore_mem>>)
        %dma_start3A_185 = arith.constant 0 : i32
        %dma_start3A_186 = tpu.memref_slice %arg2[%add3A_182, %dma_start3A_185] : memref<160000x128xf32, #tpu.memory_space<hbm>> -> memref<40x128xf32, #tpu.memory_space<hbm>>
        %dma_start3A_187 = arith.constant 0 : i32
        %dma_start3A_188 = tpu.memref_slice %arg2[%add3A_182, %dma_start3A_187] : memref<160000x128xf32, #tpu.memory_space<hbm>> -> memref<40x128xf32, #tpu.memory_space<hbm>>
        tpu.enqueue_dma source(%dma_start3A_188 : memref<40x128xf32, #tpu.memory_space<hbm>>) target(%arg14 : memref<40x128xf32, #tpu.memory_space<vmem>>) target_semaphore(%arg31 : memref<!tpu.dma_semaphore, #tpu.memory_space<semaphore_mem>>)
        %dma_start3A_189 = arith.constant 0 : i32
        %dma_start3A_190 = tpu.memref_slice %arg3[%add3A_182, %dma_start3A_189] : memref<160000x128xf32, #tpu.memory_space<hbm>> -> memref<40x16xf32, #tpu.memory_space<hbm>>
        %dma_start3A_191 = arith.constant 0 : i32
        %dma_start3A_192 = tpu.memref_slice %arg3[%add3A_182, %dma_start3A_191] : memref<160000x128xf32, #tpu.memory_space<hbm>> -> memref<40x16xf32, #tpu.memory_space<hbm>>
        tpu.enqueue_dma source(%dma_start3A_192 : memref<40x16xf32, #tpu.memory_space<hbm>>) target(%arg19 : memref<40x16xf32, #tpu.memory_space<vmem>>) target_semaphore(%arg36 : memref<!tpu.dma_semaphore, #tpu.memory_space<semaphore_mem>>)
      } else {
      }
      %add3A_114 = arith.constant 2 : i32
      %add3A_115 = arith.addi %add3A_73, %add3A_114 : i32
      %mul3A_116 = arith.constant 40 : i32
      %mul3A_117 = arith.muli %add3A_115, %mul3A_116 : i32
      %add3A_118 = arith.addi %mul3A_4, %mul3A_117 : i32
      %dma_wait3A_119 = tpu.memref_slice %arg4[%add3A_118] : memref<160000xi32, #tpu.memory_space<hbm>> -> memref<40xi32, #tpu.memory_space<hbm>>
      %dma_wait3A_120 = tpu.memref_slice %arg4[%add3A_118] : memref<160000xi32, #tpu.memory_space<hbm>> -> memref<40xi32, #tpu.memory_space<hbm>>
      tpu.wait_dma2 semaphore(%arg27 : memref<!tpu.dma_semaphore, #tpu.memory_space<semaphore_mem>>) src(%dma_wait3A_120 : memref<40xi32, #tpu.memory_space<hbm>>) dst(%arg10 : memref<40xi32, #tpu.memory_space<vmem>>)
      %dma_wait3A_121 = arith.constant 0 : i32
      %dma_wait3A_122 = tpu.memref_slice %arg2[%add3A_118, %dma_wait3A_121] : memref<160000x128xf32, #tpu.memory_space<hbm>> -> memref<40x128xf32, #tpu.memory_space<hbm>>
      %dma_wait3A_123 = arith.constant 0 : i32
      %dma_wait3A_124 = tpu.memref_slice %arg2[%add3A_118, %dma_wait3A_123] : memref<160000x128xf32, #tpu.memory_space<hbm>> -> memref<40x128xf32, #tpu.memory_space<hbm>>
      tpu.wait_dma2 semaphore(%arg32 : memref<!tpu.dma_semaphore, #tpu.memory_space<semaphore_mem>>) src(%dma_wait3A_124 : memref<40x128xf32, #tpu.memory_space<hbm>>) dst(%arg15 : memref<40x128xf32, #tpu.memory_space<vmem>>)
      %dma_wait3A_125 = arith.constant 0 : i32
      %dma_wait3A_126 = tpu.memref_slice %arg3[%add3A_118, %dma_wait3A_125] : memref<160000x128xf32, #tpu.memory_space<hbm>> -> memref<40x16xf32, #tpu.memory_space<hbm>>
      %dma_wait3A_127 = arith.constant 0 : i32
      %dma_wait3A_128 = tpu.memref_slice %arg3[%add3A_118, %dma_wait3A_127] : memref<160000x128xf32, #tpu.memory_space<hbm>> -> memref<40x16xf32, #tpu.memory_space<hbm>>
      tpu.wait_dma2 semaphore(%arg37 : memref<!tpu.dma_semaphore, #tpu.memory_space<semaphore_mem>>) src(%dma_wait3A_128 : memref<40x16xf32, #tpu.memory_space<hbm>>) dst(%arg20 : memref<40x16xf32, #tpu.memory_space<vmem>>)
      "tpu.region"() ({
        %run_scoped3A = tpu.sem_alloc : memref<!tpu.dma_semaphore, #tpu.memory_space<semaphore_mem>>
        %dma_start3A_180 = arith.constant 0 : i32
        %dma_start3A_181 = arith.constant 0 : i32
        %dma_start3A_182 = tpu.memref_slice %arg23[%dma_start3A_180, %dma_start3A_181] : memref<10000x128xf32, #tpu.memory_space<vmem_shared>> -> memref<10000x128xf32, #tpu.memory_space<vmem_shared>>
        tpu.enqueue_indirect_dma source(%arg15 : memref<40x128xf32, #tpu.memory_space<vmem>>) target(%dma_start3A_182 : memref<10000x128xf32, #tpu.memory_space<vmem_shared>>) offsets(%arg10 : memref<40xi32, #tpu.memory_space<vmem>>) semaphore(%run_scoped3A : memref<!tpu.dma_semaphore, #tpu.memory_space<semaphore_mem>>) {add = true}
        %dma_wait3A_183 = arith.constant 0 : i32
        %dma_wait3A_184 = arith.constant 0 : i32
        %dma_wait3A_185 = tpu.memref_slice %arg23[%dma_wait3A_183, %dma_wait3A_184] : memref<10000x128xf32, #tpu.memory_space<vmem_shared>> -> memref<10000x128xf32, #tpu.memory_space<vmem_shared>>
        tpu.wait_indirect_dma semaphore(%run_scoped3A : memref<!tpu.dma_semaphore, #tpu.memory_space<semaphore_mem>>) src(%arg15 : memref<40x128xf32, #tpu.memory_space<vmem>>) dst(%dma_wait3A_185 : memref<10000x128xf32, #tpu.memory_space<vmem_shared>>)
        tpu.yield
      }) : () -> ()
      "tpu.region"() ({
        %run_scoped3A = tpu.sem_alloc : memref<!tpu.dma_semaphore, #tpu.memory_space<semaphore_mem>>
        %dma_start3A_180 = arith.constant 0 : i32
        %dma_start3A_181 = arith.constant 0 : i32
        %dma_start3A_182 = tpu.memref_slice %arg24[%dma_start3A_180, %dma_start3A_181] : memref<10000x16xf32, #tpu.memory_space<vmem_shared>> -> memref<10000x16xf32, #tpu.memory_space<vmem_shared>>
        tpu.enqueue_indirect_dma source(%arg20 : memref<40x16xf32, #tpu.memory_space<vmem>>) target(%dma_start3A_182 : memref<10000x16xf32, #tpu.memory_space<vmem_shared>>) offsets(%arg10 : memref<40xi32, #tpu.memory_space<vmem>>) semaphore(%run_scoped3A : memref<!tpu.dma_semaphore, #tpu.memory_space<semaphore_mem>>) {add = true}
        %dma_wait3A_183 = arith.constant 0 : i32
        %dma_wait3A_184 = arith.constant 0 : i32
        %dma_wait3A_185 = tpu.memref_slice %arg24[%dma_wait3A_183, %dma_wait3A_184] : memref<10000x16xf32, #tpu.memory_space<vmem_shared>> -> memref<10000x16xf32, #tpu.memory_space<vmem_shared>>
        tpu.wait_indirect_dma semaphore(%run_scoped3A : memref<!tpu.dma_semaphore, #tpu.memory_space<semaphore_mem>>) src(%arg20 : memref<40x16xf32, #tpu.memory_space<vmem>>) dst(%dma_wait3A_185 : memref<10000x16xf32, #tpu.memory_space<vmem_shared>>)
        tpu.yield
      }) : () -> ()
      %add3A_129 = arith.constant 5 : i32
      %add3A_130 = arith.addi %add3A_115, %add3A_129 : i32
      %lt3A_131 = arith.constant 125 : i32
      %lt3A_132 = arith.cmpi slt, %add3A_130, %lt3A_131 : i32
      %convert_element_type3A_133 = arith.extui %lt3A_132 : i1 to i32
      %cond3A_134 = arith.constant 0 : i32
      %cond3A_135 = arith.cmpi ne, %convert_element_type3A_133, %cond3A_134 : i32
      scf.if %cond3A_135 {
        %mul3A_180 = arith.constant 40 : i32
        %mul3A_181 = arith.muli %add3A_130, %mul3A_180 : i32
        %add3A_182 = arith.addi %mul3A_4, %mul3A_181 : i32
        %dma_start3A_183 = tpu.memref_slice %arg4[%add3A_182] : memref<160000xi32, #tpu.memory_space<hbm>> -> memref<40xi32, #tpu.memory_space<hbm>>
        %dma_start3A_184 = tpu.memref_slice %arg4[%add3A_182] : memref<160000xi32, #tpu.memory_space<hbm>> -> memref<40xi32, #tpu.memory_space<hbm>>
        tpu.enqueue_dma source(%dma_start3A_184 : memref<40xi32, #tpu.memory_space<hbm>>) target(%arg10 : memref<40xi32, #tpu.memory_space<vmem>>) target_semaphore(%arg27 : memref<!tpu.dma_semaphore, #tpu.memory_space<semaphore_mem>>)
        %dma_start3A_185 = arith.constant 0 : i32
        %dma_start3A_186 = tpu.memref_slice %arg2[%add3A_182, %dma_start3A_185] : memref<160000x128xf32, #tpu.memory_space<hbm>> -> memref<40x128xf32, #tpu.memory_space<hbm>>
        %dma_start3A_187 = arith.constant 0 : i32
        %dma_start3A_188 = tpu.memref_slice %arg2[%add3A_182, %dma_start3A_187] : memref<160000x128xf32, #tpu.memory_space<hbm>> -> memref<40x128xf32, #tpu.memory_space<hbm>>
        tpu.enqueue_dma source(%dma_start3A_188 : memref<40x128xf32, #tpu.memory_space<hbm>>) target(%arg15 : memref<40x128xf32, #tpu.memory_space<vmem>>) target_semaphore(%arg32 : memref<!tpu.dma_semaphore, #tpu.memory_space<semaphore_mem>>)
        %dma_start3A_189 = arith.constant 0 : i32
        %dma_start3A_190 = tpu.memref_slice %arg3[%add3A_182, %dma_start3A_189] : memref<160000x128xf32, #tpu.memory_space<hbm>> -> memref<40x16xf32, #tpu.memory_space<hbm>>
        %dma_start3A_191 = arith.constant 0 : i32
        %dma_start3A_192 = tpu.memref_slice %arg3[%add3A_182, %dma_start3A_191] : memref<160000x128xf32, #tpu.memory_space<hbm>> -> memref<40x16xf32, #tpu.memory_space<hbm>>
        tpu.enqueue_dma source(%dma_start3A_192 : memref<40x16xf32, #tpu.memory_space<hbm>>) target(%arg20 : memref<40x16xf32, #tpu.memory_space<vmem>>) target_semaphore(%arg37 : memref<!tpu.dma_semaphore, #tpu.memory_space<semaphore_mem>>)
      } else {
      }
      %add3A_136 = arith.constant 3 : i32
      %add3A_137 = arith.addi %add3A_73, %add3A_136 : i32
      %mul3A_138 = arith.constant 40 : i32
      %mul3A_139 = arith.muli %add3A_137, %mul3A_138 : i32
      %add3A_140 = arith.addi %mul3A_4, %mul3A_139 : i32
      %dma_wait3A_141 = tpu.memref_slice %arg4[%add3A_140] : memref<160000xi32, #tpu.memory_space<hbm>> -> memref<40xi32, #tpu.memory_space<hbm>>
      %dma_wait3A_142 = tpu.memref_slice %arg4[%add3A_140] : memref<160000xi32, #tpu.memory_space<hbm>> -> memref<40xi32, #tpu.memory_space<hbm>>
      tpu.wait_dma2 semaphore(%arg28 : memref<!tpu.dma_semaphore, #tpu.memory_space<semaphore_mem>>) src(%dma_wait3A_142 : memref<40xi32, #tpu.memory_space<hbm>>) dst(%arg11 : memref<40xi32, #tpu.memory_space<vmem>>)
      %dma_wait3A_143 = arith.constant 0 : i32
      %dma_wait3A_144 = tpu.memref_slice %arg2[%add3A_140, %dma_wait3A_143] : memref<160000x128xf32, #tpu.memory_space<hbm>> -> memref<40x128xf32, #tpu.memory_space<hbm>>
      %dma_wait3A_145 = arith.constant 0 : i32
      %dma_wait3A_146 = tpu.memref_slice %arg2[%add3A_140, %dma_wait3A_145] : memref<160000x128xf32, #tpu.memory_space<hbm>> -> memref<40x128xf32, #tpu.memory_space<hbm>>
      tpu.wait_dma2 semaphore(%arg33 : memref<!tpu.dma_semaphore, #tpu.memory_space<semaphore_mem>>) src(%dma_wait3A_146 : memref<40x128xf32, #tpu.memory_space<hbm>>) dst(%arg16 : memref<40x128xf32, #tpu.memory_space<vmem>>)
      %dma_wait3A_147 = arith.constant 0 : i32
      %dma_wait3A_148 = tpu.memref_slice %arg3[%add3A_140, %dma_wait3A_147] : memref<160000x128xf32, #tpu.memory_space<hbm>> -> memref<40x16xf32, #tpu.memory_space<hbm>>
      %dma_wait3A_149 = arith.constant 0 : i32
      %dma_wait3A_150 = tpu.memref_slice %arg3[%add3A_140, %dma_wait3A_149] : memref<160000x128xf32, #tpu.memory_space<hbm>> -> memref<40x16xf32, #tpu.memory_space<hbm>>
      tpu.wait_dma2 semaphore(%arg38 : memref<!tpu.dma_semaphore, #tpu.memory_space<semaphore_mem>>) src(%dma_wait3A_150 : memref<40x16xf32, #tpu.memory_space<hbm>>) dst(%arg21 : memref<40x16xf32, #tpu.memory_space<vmem>>)
      "tpu.region"() ({
        %run_scoped3A = tpu.sem_alloc : memref<!tpu.dma_semaphore, #tpu.memory_space<semaphore_mem>>
        %dma_start3A_180 = arith.constant 0 : i32
        %dma_start3A_181 = arith.constant 0 : i32
        %dma_start3A_182 = tpu.memref_slice %arg23[%dma_start3A_180, %dma_start3A_181] : memref<10000x128xf32, #tpu.memory_space<vmem_shared>> -> memref<10000x128xf32, #tpu.memory_space<vmem_shared>>
        tpu.enqueue_indirect_dma source(%arg16 : memref<40x128xf32, #tpu.memory_space<vmem>>) target(%dma_start3A_182 : memref<10000x128xf32, #tpu.memory_space<vmem_shared>>) offsets(%arg11 : memref<40xi32, #tpu.memory_space<vmem>>) semaphore(%run_scoped3A : memref<!tpu.dma_semaphore, #tpu.memory_space<semaphore_mem>>) {add = true}
        %dma_wait3A_183 = arith.constant 0 : i32
        %dma_wait3A_184 = arith.constant 0 : i32
        %dma_wait3A_185 = tpu.memref_slice %arg23[%dma_wait3A_183, %dma_wait3A_184] : memref<10000x128xf32, #tpu.memory_space<vmem_shared>> -> memref<10000x128xf32, #tpu.memory_space<vmem_shared>>
        tpu.wait_indirect_dma semaphore(%run_scoped3A : memref<!tpu.dma_semaphore, #tpu.memory_space<semaphore_mem>>) src(%arg16 : memref<40x128xf32, #tpu.memory_space<vmem>>) dst(%dma_wait3A_185 : memref<10000x128xf32, #tpu.memory_space<vmem_shared>>)
        tpu.yield
      }) : () -> ()
      "tpu.region"() ({
        %run_scoped3A = tpu.sem_alloc : memref<!tpu.dma_semaphore, #tpu.memory_space<semaphore_mem>>
        %dma_start3A_180 = arith.constant 0 : i32
        %dma_start3A_181 = arith.constant 0 : i32
        %dma_start3A_182 = tpu.memref_slice %arg24[%dma_start3A_180, %dma_start3A_181] : memref<10000x16xf32, #tpu.memory_space<vmem_shared>> -> memref<10000x16xf32, #tpu.memory_space<vmem_shared>>
        tpu.enqueue_indirect_dma source(%arg21 : memref<40x16xf32, #tpu.memory_space<vmem>>) target(%dma_start3A_182 : memref<10000x16xf32, #tpu.memory_space<vmem_shared>>) offsets(%arg11 : memref<40xi32, #tpu.memory_space<vmem>>) semaphore(%run_scoped3A : memref<!tpu.dma_semaphore, #tpu.memory_space<semaphore_mem>>) {add = true}
        %dma_wait3A_183 = arith.constant 0 : i32
        %dma_wait3A_184 = arith.constant 0 : i32
        %dma_wait3A_185 = tpu.memref_slice %arg24[%dma_wait3A_183, %dma_wait3A_184] : memref<10000x16xf32, #tpu.memory_space<vmem_shared>> -> memref<10000x16xf32, #tpu.memory_space<vmem_shared>>
        tpu.wait_indirect_dma semaphore(%run_scoped3A : memref<!tpu.dma_semaphore, #tpu.memory_space<semaphore_mem>>) src(%arg21 : memref<40x16xf32, #tpu.memory_space<vmem>>) dst(%dma_wait3A_185 : memref<10000x16xf32, #tpu.memory_space<vmem_shared>>)
        tpu.yield
      }) : () -> ()
      %add3A_151 = arith.constant 5 : i32
      %add3A_152 = arith.addi %add3A_137, %add3A_151 : i32
      %lt3A_153 = arith.constant 125 : i32
      %lt3A_154 = arith.cmpi slt, %add3A_152, %lt3A_153 : i32
      %convert_element_type3A_155 = arith.extui %lt3A_154 : i1 to i32
      %cond3A_156 = arith.constant 0 : i32
      %cond3A_157 = arith.cmpi ne, %convert_element_type3A_155, %cond3A_156 : i32
      scf.if %cond3A_157 {
        %mul3A_180 = arith.constant 40 : i32
        %mul3A_181 = arith.muli %add3A_152, %mul3A_180 : i32
        %add3A_182 = arith.addi %mul3A_4, %mul3A_181 : i32
        %dma_start3A_183 = tpu.memref_slice %arg4[%add3A_182] : memref<160000xi32, #tpu.memory_space<hbm>> -> memref<40xi32, #tpu.memory_space<hbm>>
        %dma_start3A_184 = tpu.memref_slice %arg4[%add3A_182] : memref<160000xi32, #tpu.memory_space<hbm>> -> memref<40xi32, #tpu.memory_space<hbm>>
        tpu.enqueue_dma source(%dma_start3A_184 : memref<40xi32, #tpu.memory_space<hbm>>) target(%arg11 : memref<40xi32, #tpu.memory_space<vmem>>) target_semaphore(%arg28 : memref<!tpu.dma_semaphore, #tpu.memory_space<semaphore_mem>>)
        %dma_start3A_185 = arith.constant 0 : i32
        %dma_start3A_186 = tpu.memref_slice %arg2[%add3A_182, %dma_start3A_185] : memref<160000x128xf32, #tpu.memory_space<hbm>> -> memref<40x128xf32, #tpu.memory_space<hbm>>
        %dma_start3A_187 = arith.constant 0 : i32
        %dma_start3A_188 = tpu.memref_slice %arg2[%add3A_182, %dma_start3A_187] : memref<160000x128xf32, #tpu.memory_space<hbm>> -> memref<40x128xf32, #tpu.memory_space<hbm>>
        tpu.enqueue_dma source(%dma_start3A_188 : memref<40x128xf32, #tpu.memory_space<hbm>>) target(%arg16 : memref<40x128xf32, #tpu.memory_space<vmem>>) target_semaphore(%arg33 : memref<!tpu.dma_semaphore, #tpu.memory_space<semaphore_mem>>)
        %dma_start3A_189 = arith.constant 0 : i32
        %dma_start3A_190 = tpu.memref_slice %arg3[%add3A_182, %dma_start3A_189] : memref<160000x128xf32, #tpu.memory_space<hbm>> -> memref<40x16xf32, #tpu.memory_space<hbm>>
        %dma_start3A_191 = arith.constant 0 : i32
        %dma_start3A_192 = tpu.memref_slice %arg3[%add3A_182, %dma_start3A_191] : memref<160000x128xf32, #tpu.memory_space<hbm>> -> memref<40x16xf32, #tpu.memory_space<hbm>>
        tpu.enqueue_dma source(%dma_start3A_192 : memref<40x16xf32, #tpu.memory_space<hbm>>) target(%arg21 : memref<40x16xf32, #tpu.memory_space<vmem>>) target_semaphore(%arg38 : memref<!tpu.dma_semaphore, #tpu.memory_space<semaphore_mem>>)
      } else {
      }
      %add3A_158 = arith.constant 4 : i32
      %add3A_159 = arith.addi %add3A_73, %add3A_158 : i32
      %mul3A_160 = arith.constant 40 : i32
      %mul3A_161 = arith.muli %add3A_159, %mul3A_160 : i32
      %add3A_162 = arith.addi %mul3A_4, %mul3A_161 : i32
      %dma_wait3A_163 = tpu.memref_slice %arg4[%add3A_162] : memref<160000xi32, #tpu.memory_space<hbm>> -> memref<40xi32, #tpu.memory_space<hbm>>
      %dma_wait3A_164 = tpu.memref_slice %arg4[%add3A_162] : memref<160000xi32, #tpu.memory_space<hbm>> -> memref<40xi32, #tpu.memory_space<hbm>>
      tpu.wait_dma2 semaphore(%arg29 : memref<!tpu.dma_semaphore, #tpu.memory_space<semaphore_mem>>) src(%dma_wait3A_164 : memref<40xi32, #tpu.memory_space<hbm>>) dst(%arg12 : memref<40xi32, #tpu.memory_space<vmem>>)
      %dma_wait3A_165 = arith.constant 0 : i32
      %dma_wait3A_166 = tpu.memref_slice %arg2[%add3A_162, %dma_wait3A_165] : memref<160000x128xf32, #tpu.memory_space<hbm>> -> memref<40x128xf32, #tpu.memory_space<hbm>>
      %dma_wait3A_167 = arith.constant 0 : i32
      %dma_wait3A_168 = tpu.memref_slice %arg2[%add3A_162, %dma_wait3A_167] : memref<160000x128xf32, #tpu.memory_space<hbm>> -> memref<40x128xf32, #tpu.memory_space<hbm>>
      tpu.wait_dma2 semaphore(%arg34 : memref<!tpu.dma_semaphore, #tpu.memory_space<semaphore_mem>>) src(%dma_wait3A_168 : memref<40x128xf32, #tpu.memory_space<hbm>>) dst(%arg17 : memref<40x128xf32, #tpu.memory_space<vmem>>)
      %dma_wait3A_169 = arith.constant 0 : i32
      %dma_wait3A_170 = tpu.memref_slice %arg3[%add3A_162, %dma_wait3A_169] : memref<160000x128xf32, #tpu.memory_space<hbm>> -> memref<40x16xf32, #tpu.memory_space<hbm>>
      %dma_wait3A_171 = arith.constant 0 : i32
      %dma_wait3A_172 = tpu.memref_slice %arg3[%add3A_162, %dma_wait3A_171] : memref<160000x128xf32, #tpu.memory_space<hbm>> -> memref<40x16xf32, #tpu.memory_space<hbm>>
      tpu.wait_dma2 semaphore(%arg39 : memref<!tpu.dma_semaphore, #tpu.memory_space<semaphore_mem>>) src(%dma_wait3A_172 : memref<40x16xf32, #tpu.memory_space<hbm>>) dst(%arg22 : memref<40x16xf32, #tpu.memory_space<vmem>>)
      "tpu.region"() ({
        %run_scoped3A = tpu.sem_alloc : memref<!tpu.dma_semaphore, #tpu.memory_space<semaphore_mem>>
        %dma_start3A_180 = arith.constant 0 : i32
        %dma_start3A_181 = arith.constant 0 : i32
        %dma_start3A_182 = tpu.memref_slice %arg23[%dma_start3A_180, %dma_start3A_181] : memref<10000x128xf32, #tpu.memory_space<vmem_shared>> -> memref<10000x128xf32, #tpu.memory_space<vmem_shared>>
        tpu.enqueue_indirect_dma source(%arg17 : memref<40x128xf32, #tpu.memory_space<vmem>>) target(%dma_start3A_182 : memref<10000x128xf32, #tpu.memory_space<vmem_shared>>) offsets(%arg12 : memref<40xi32, #tpu.memory_space<vmem>>) semaphore(%run_scoped3A : memref<!tpu.dma_semaphore, #tpu.memory_space<semaphore_mem>>) {add = true}
        %dma_wait3A_183 = arith.constant 0 : i32
        %dma_wait3A_184 = arith.constant 0 : i32
        %dma_wait3A_185 = tpu.memref_slice %arg23[%dma_wait3A_183, %dma_wait3A_184] : memref<10000x128xf32, #tpu.memory_space<vmem_shared>> -> memref<10000x128xf32, #tpu.memory_space<vmem_shared>>
        tpu.wait_indirect_dma semaphore(%run_scoped3A : memref<!tpu.dma_semaphore, #tpu.memory_space<semaphore_mem>>) src(%arg17 : memref<40x128xf32, #tpu.memory_space<vmem>>) dst(%dma_wait3A_185 : memref<10000x128xf32, #tpu.memory_space<vmem_shared>>)
        tpu.yield
      }) : () -> ()
      "tpu.region"() ({
        %run_scoped3A = tpu.sem_alloc : memref<!tpu.dma_semaphore, #tpu.memory_space<semaphore_mem>>
        %dma_start3A_180 = arith.constant 0 : i32
        %dma_start3A_181 = arith.constant 0 : i32
        %dma_start3A_182 = tpu.memref_slice %arg24[%dma_start3A_180, %dma_start3A_181] : memref<10000x16xf32, #tpu.memory_space<vmem_shared>> -> memref<10000x16xf32, #tpu.memory_space<vmem_shared>>
        tpu.enqueue_indirect_dma source(%arg22 : memref<40x16xf32, #tpu.memory_space<vmem>>) target(%dma_start3A_182 : memref<10000x16xf32, #tpu.memory_space<vmem_shared>>) offsets(%arg12 : memref<40xi32, #tpu.memory_space<vmem>>) semaphore(%run_scoped3A : memref<!tpu.dma_semaphore, #tpu.memory_space<semaphore_mem>>) {add = true}
        %dma_wait3A_183 = arith.constant 0 : i32
        %dma_wait3A_184 = arith.constant 0 : i32
        %dma_wait3A_185 = tpu.memref_slice %arg24[%dma_wait3A_183, %dma_wait3A_184] : memref<10000x16xf32, #tpu.memory_space<vmem_shared>> -> memref<10000x16xf32, #tpu.memory_space<vmem_shared>>
        tpu.wait_indirect_dma semaphore(%run_scoped3A : memref<!tpu.dma_semaphore, #tpu.memory_space<semaphore_mem>>) src(%arg22 : memref<40x16xf32, #tpu.memory_space<vmem>>) dst(%dma_wait3A_185 : memref<10000x16xf32, #tpu.memory_space<vmem_shared>>)
        tpu.yield
      }) : () -> ()
      %add3A_173 = arith.constant 5 : i32
      %add3A_174 = arith.addi %add3A_159, %add3A_173 : i32
      %lt3A_175 = arith.constant 125 : i32
      %lt3A_176 = arith.cmpi slt, %add3A_174, %lt3A_175 : i32
      %convert_element_type3A_177 = arith.extui %lt3A_176 : i1 to i32
      %cond3A_178 = arith.constant 0 : i32
      %cond3A_179 = arith.cmpi ne, %convert_element_type3A_177, %cond3A_178 : i32
      scf.if %cond3A_179 {
        %mul3A_180 = arith.constant 40 : i32
        %mul3A_181 = arith.muli %add3A_174, %mul3A_180 : i32
        %add3A_182 = arith.addi %mul3A_4, %mul3A_181 : i32
        %dma_start3A_183 = tpu.memref_slice %arg4[%add3A_182] : memref<160000xi32, #tpu.memory_space<hbm>> -> memref<40xi32, #tpu.memory_space<hbm>>
        %dma_start3A_184 = tpu.memref_slice %arg4[%add3A_182] : memref<160000xi32, #tpu.memory_space<hbm>> -> memref<40xi32, #tpu.memory_space<hbm>>
        tpu.enqueue_dma source(%dma_start3A_184 : memref<40xi32, #tpu.memory_space<hbm>>) target(%arg12 : memref<40xi32, #tpu.memory_space<vmem>>) target_semaphore(%arg29 : memref<!tpu.dma_semaphore, #tpu.memory_space<semaphore_mem>>)
        %dma_start3A_185 = arith.constant 0 : i32
        %dma_start3A_186 = tpu.memref_slice %arg2[%add3A_182, %dma_start3A_185] : memref<160000x128xf32, #tpu.memory_space<hbm>> -> memref<40x128xf32, #tpu.memory_space<hbm>>
        %dma_start3A_187 = arith.constant 0 : i32
        %dma_start3A_188 = tpu.memref_slice %arg2[%add3A_182, %dma_start3A_187] : memref<160000x128xf32, #tpu.memory_space<hbm>> -> memref<40x128xf32, #tpu.memory_space<hbm>>
        tpu.enqueue_dma source(%dma_start3A_188 : memref<40x128xf32, #tpu.memory_space<hbm>>) target(%arg17 : memref<40x128xf32, #tpu.memory_space<vmem>>) target_semaphore(%arg34 : memref<!tpu.dma_semaphore, #tpu.memory_space<semaphore_mem>>)
        %dma_start3A_189 = arith.constant 0 : i32
        %dma_start3A_190 = tpu.memref_slice %arg3[%add3A_182, %dma_start3A_189] : memref<160000x128xf32, #tpu.memory_space<hbm>> -> memref<40x16xf32, #tpu.memory_space<hbm>>
        %dma_start3A_191 = arith.constant 0 : i32
        %dma_start3A_192 = tpu.memref_slice %arg3[%add3A_182, %dma_start3A_191] : memref<160000x128xf32, #tpu.memory_space<hbm>> -> memref<40x16xf32, #tpu.memory_space<hbm>>
        tpu.enqueue_dma source(%dma_start3A_192 : memref<40x16xf32, #tpu.memory_space<hbm>>) target(%arg22 : memref<40x16xf32, #tpu.memory_space<vmem>>) target_semaphore(%arg39 : memref<!tpu.dma_semaphore, #tpu.memory_space<semaphore_mem>>)
      } else {
      }
    }
    %scan3A_67 = arith.constant 25 : i32
    %barrier3A_68 = arith.constant 0 : index
    tpu.barrier barrier_id(%barrier3A_68)
    "tpu.region"() ({
      %run_scoped3A = tpu.sem_alloc : memref<!tpu.dma_semaphore, #tpu.memory_space<semaphore_mem>>
      %dma_start3A_69 = arith.constant 0 : i32
      %dma_start3A_70 = tpu.memref_slice %arg6[%arg0, %mul3A_2, %dma_start3A_69] : memref<2x10000x128xf32, #tpu.memory_space<hbm>> -> memref<1x625x128xf32, #tpu.memory_space<hbm>>
      %dma_start3A_71 = tpu.memref_squeeze %dma_start3A_70 : memref<1x625x128xf32, #tpu.memory_space<hbm>> -> memref<625x128xf32, #tpu.memory_space<hbm>>
      %dma_start3A_72 = arith.constant 0 : i32
      %dma_start3A_73 = tpu.memref_slice %arg23[%mul3A_2, %dma_start3A_72] : memref<10000x128xf32, #tpu.memory_space<vmem_shared>> -> memref<625x128xf32, #tpu.memory_space<vmem_shared>>
      tpu.enqueue_dma source(%dma_start3A_73 : memref<625x128xf32, #tpu.memory_space<vmem_shared>>) target(%dma_start3A_71 : memref<625x128xf32, #tpu.memory_space<hbm>>) target_semaphore(%run_scoped3A : memref<!tpu.dma_semaphore, #tpu.memory_space<semaphore_mem>>)
      %dma_wait3A = arith.constant 0 : i32
      %dma_wait3A_74 = tpu.memref_slice %arg6[%arg0, %mul3A_2, %dma_wait3A] : memref<2x10000x128xf32, #tpu.memory_space<hbm>> -> memref<1x625x128xf32, #tpu.memory_space<hbm>>
      %dma_wait3A_75 = tpu.memref_squeeze %dma_wait3A_74 : memref<1x625x128xf32, #tpu.memory_space<hbm>> -> memref<625x128xf32, #tpu.memory_space<hbm>>
      %dma_wait3A_76 = arith.constant 0 : i32
      %dma_wait3A_77 = tpu.memref_slice %arg23[%mul3A_2, %dma_wait3A_76] : memref<10000x128xf32, #tpu.memory_space<vmem_shared>> -> memref<625x128xf32, #tpu.memory_space<vmem_shared>>
      tpu.wait_dma2 semaphore(%run_scoped3A : memref<!tpu.dma_semaphore, #tpu.memory_space<semaphore_mem>>) src(%dma_wait3A_77 : memref<625x128xf32, #tpu.memory_space<vmem_shared>>) dst(%dma_wait3A_75 : memref<625x128xf32, #tpu.memory_space<hbm>>)
      tpu.yield
    }) : () -> ()
    "tpu.region"() ({
      %run_scoped3A = tpu.sem_alloc : memref<!tpu.dma_semaphore, #tpu.memory_space<semaphore_mem>>
      %dma_start3A_69 = arith.constant 0 : i32
      %dma_start3A_70 = tpu.memref_slice %arg7[%arg0, %mul3A_2, %dma_start3A_69] : memref<2x10000x128xf32, #tpu.memory_space<hbm>> -> memref<1x625x16xf32, #tpu.memory_space<hbm>>
      %dma_start3A_71 = tpu.memref_squeeze %dma_start3A_70 : memref<1x625x16xf32, #tpu.memory_space<hbm>> -> memref<625x16xf32, #tpu.memory_space<hbm>>
      %dma_start3A_72 = arith.constant 0 : i32
      %dma_start3A_73 = tpu.memref_slice %arg24[%mul3A_2, %dma_start3A_72] : memref<10000x16xf32, #tpu.memory_space<vmem_shared>> -> memref<625x16xf32, #tpu.memory_space<vmem_shared>>
      tpu.enqueue_dma source(%dma_start3A_73 : memref<625x16xf32, #tpu.memory_space<vmem_shared>>) target(%dma_start3A_71 : memref<625x16xf32, #tpu.memory_space<hbm>>) target_semaphore(%run_scoped3A : memref<!tpu.dma_semaphore, #tpu.memory_space<semaphore_mem>>)
      %dma_wait3A = arith.constant 0 : i32
      %dma_wait3A_74 = tpu.memref_slice %arg7[%arg0, %mul3A_2, %dma_wait3A] : memref<2x10000x128xf32, #tpu.memory_space<hbm>> -> memref<1x625x16xf32, #tpu.memory_space<hbm>>
      %dma_wait3A_75 = tpu.memref_squeeze %dma_wait3A_74 : memref<1x625x16xf32, #tpu.memory_space<hbm>> -> memref<625x16xf32, #tpu.memory_space<hbm>>
      %dma_wait3A_76 = arith.constant 0 : i32
      %dma_wait3A_77 = tpu.memref_slice %arg24[%mul3A_2, %dma_wait3A_76] : memref<10000x16xf32, #tpu.memory_space<vmem_shared>> -> memref<625x16xf32, #tpu.memory_space<vmem_shared>>
      tpu.wait_dma2 semaphore(%run_scoped3A : memref<!tpu.dma_semaphore, #tpu.memory_space<semaphore_mem>>) src(%dma_wait3A_77 : memref<625x16xf32, #tpu.memory_space<vmem_shared>>) dst(%dma_wait3A_75 : memref<625x16xf32, #tpu.memory_space<hbm>>)
      tpu.yield
    }) : () -> ()
    return
  }
}

#map = affine_map<(d0, d1) -> (0, 0)>
#map1 = affine_map<(d0, d1) -> (0)>
module attributes {stable_mosaic.version = 14 : i64} {
  func.func @k(%arg0: i32, %arg1: i32, %arg2: memref<10000x128xf32, #tpu.memory_space<hbm>>, %arg3: memref<160000xi32, #tpu.memory_space<hbm>>, %arg4: memref<160000x128xf32, #tpu.memory_space<hbm>>, %arg5: memref<5000xi32, #tpu.memory_space<vmem>>, %arg6: memref<40x128xf32, #tpu.memory_space<vmem>>, %arg7: memref<40x128xf32, #tpu.memory_space<vmem>>, %arg8: memref<40x128xf32, #tpu.memory_space<vmem>>, %arg9: memref<40x128xf32, #tpu.memory_space<vmem>>, %arg10: memref<40x128xf32, #tpu.memory_space<vmem>>, %arg11: memref<!tpu.dma_semaphore, #tpu.memory_space<semaphore_mem>>, %arg12: memref<!tpu.dma_semaphore, #tpu.memory_space<semaphore_mem>>, %arg13: memref<!tpu.dma_semaphore, #tpu.memory_space<semaphore_mem>>, %arg14: memref<!tpu.dma_semaphore, #tpu.memory_space<semaphore_mem>>, %arg15: memref<!tpu.dma_semaphore, #tpu.memory_space<semaphore_mem>>) attributes {dimension_semantics = [#tpu.dimension_semantics<core_parallel>, #tpu.dimension_semantics<subcore_parallel>], iteration_bounds = array<i64: 2, 16>, scalar_prefetch = 0 : i64, scratch_operands = 11 : i64, tpu.core_type = #tpu.core_type<sc_vector_subcore>, window_params = [{transform_indices = #map}, {transform_indices = #map1}, {transform_indices = #map}]} {
    %mul3A = arith.constant 2 : i32
    %mul3A_0 = arith.muli %arg1, %mul3A : i32
    %add3A = arith.addi %mul3A_0, %arg0 : i32
    %mul3A_1 = arith.constant 5000 : i32
    %mul3A_2 = arith.muli %add3A, %mul3A_1 : i32
    "tpu.region"() ({
      %run_scoped3A = tpu.sem_alloc : memref<!tpu.dma_semaphore, #tpu.memory_space<semaphore_mem>>
      %dma_start3A_31 = tpu.memref_slice %arg3[%mul3A_2] : memref<160000xi32, #tpu.memory_space<hbm>> -> memref<5000xi32, #tpu.memory_space<hbm>>
      %dma_start3A_32 = tpu.memref_slice %arg3[%mul3A_2] : memref<160000xi32, #tpu.memory_space<hbm>> -> memref<5000xi32, #tpu.memory_space<hbm>>
      tpu.enqueue_dma source(%dma_start3A_32 : memref<5000xi32, #tpu.memory_space<hbm>>) target(%arg5 : memref<5000xi32, #tpu.memory_space<vmem>>) target_semaphore(%run_scoped3A : memref<!tpu.dma_semaphore, #tpu.memory_space<semaphore_mem>>)
      %dma_wait3A = tpu.memref_slice %arg3[%mul3A_2] : memref<160000xi32, #tpu.memory_space<hbm>> -> memref<5000xi32, #tpu.memory_space<hbm>>
      %dma_wait3A_33 = tpu.memref_slice %arg3[%mul3A_2] : memref<160000xi32, #tpu.memory_space<hbm>> -> memref<5000xi32, #tpu.memory_space<hbm>>
      tpu.wait_dma2 semaphore(%run_scoped3A : memref<!tpu.dma_semaphore, #tpu.memory_space<semaphore_mem>>) src(%dma_wait3A_33 : memref<5000xi32, #tpu.memory_space<hbm>>) dst(%arg5 : memref<5000xi32, #tpu.memory_space<vmem>>)
      tpu.yield
    }) : () -> ()
    %dma_start3A = arith.constant 0 : i32
    %dma_start3A_3 = tpu.memref_slice %arg5[%dma_start3A] : memref<5000xi32, #tpu.memory_space<vmem>> -> memref<40xi32, #tpu.memory_space<vmem>>
    %dma_start3A_4 = arith.constant 0 : i32
    %dma_start3A_5 = arith.constant 0 : i32
    %dma_start3A_6 = tpu.memref_slice %arg2[%dma_start3A_4, %dma_start3A_5] : memref<10000x128xf32, #tpu.memory_space<hbm>> -> memref<10000x128xf32, #tpu.memory_space<hbm>>
    tpu.enqueue_indirect_dma source(%dma_start3A_6 : memref<10000x128xf32, #tpu.memory_space<hbm>>) target(%arg6 : memref<40x128xf32, #tpu.memory_space<vmem>>) offsets(%dma_start3A_3 : memref<40xi32, #tpu.memory_space<vmem>>) semaphore(%arg11 : memref<!tpu.dma_semaphore, #tpu.memory_space<semaphore_mem>>)
    %dma_start3A_7 = arith.constant 40 : i32
    %dma_start3A_8 = tpu.memref_slice %arg5[%dma_start3A_7] : memref<5000xi32, #tpu.memory_space<vmem>> -> memref<40xi32, #tpu.memory_space<vmem>>
    %dma_start3A_9 = arith.constant 0 : i32
    %dma_start3A_10 = arith.constant 0 : i32
    %dma_start3A_11 = tpu.memref_slice %arg2[%dma_start3A_9, %dma_start3A_10] : memref<10000x128xf32, #tpu.memory_space<hbm>> -> memref<10000x128xf32, #tpu.memory_space<hbm>>
    tpu.enqueue_indirect_dma source(%dma_start3A_11 : memref<10000x128xf32, #tpu.memory_space<hbm>>) target(%arg7 : memref<40x128xf32, #tpu.memory_space<vmem>>) offsets(%dma_start3A_8 : memref<40xi32, #tpu.memory_space<vmem>>) semaphore(%arg12 : memref<!tpu.dma_semaphore, #tpu.memory_space<semaphore_mem>>)
    %dma_start3A_12 = arith.constant 80 : i32
    %dma_start3A_13 = tpu.memref_slice %arg5[%dma_start3A_12] : memref<5000xi32, #tpu.memory_space<vmem>> -> memref<40xi32, #tpu.memory_space<vmem>>
    %dma_start3A_14 = arith.constant 0 : i32
    %dma_start3A_15 = arith.constant 0 : i32
    %dma_start3A_16 = tpu.memref_slice %arg2[%dma_start3A_14, %dma_start3A_15] : memref<10000x128xf32, #tpu.memory_space<hbm>> -> memref<10000x128xf32, #tpu.memory_space<hbm>>
    tpu.enqueue_indirect_dma source(%dma_start3A_16 : memref<10000x128xf32, #tpu.memory_space<hbm>>) target(%arg8 : memref<40x128xf32, #tpu.memory_space<vmem>>) offsets(%dma_start3A_13 : memref<40xi32, #tpu.memory_space<vmem>>) semaphore(%arg13 : memref<!tpu.dma_semaphore, #tpu.memory_space<semaphore_mem>>)
    %dma_start3A_17 = arith.constant 120 : i32
    %dma_start3A_18 = tpu.memref_slice %arg5[%dma_start3A_17] : memref<5000xi32, #tpu.memory_space<vmem>> -> memref<40xi32, #tpu.memory_space<vmem>>
    %dma_start3A_19 = arith.constant 0 : i32
    %dma_start3A_20 = arith.constant 0 : i32
    %dma_start3A_21 = tpu.memref_slice %arg2[%dma_start3A_19, %dma_start3A_20] : memref<10000x128xf32, #tpu.memory_space<hbm>> -> memref<10000x128xf32, #tpu.memory_space<hbm>>
    tpu.enqueue_indirect_dma source(%dma_start3A_21 : memref<10000x128xf32, #tpu.memory_space<hbm>>) target(%arg9 : memref<40x128xf32, #tpu.memory_space<vmem>>) offsets(%dma_start3A_18 : memref<40xi32, #tpu.memory_space<vmem>>) semaphore(%arg14 : memref<!tpu.dma_semaphore, #tpu.memory_space<semaphore_mem>>)
    %dma_start3A_22 = arith.constant 160 : i32
    %dma_start3A_23 = tpu.memref_slice %arg5[%dma_start3A_22] : memref<5000xi32, #tpu.memory_space<vmem>> -> memref<40xi32, #tpu.memory_space<vmem>>
    %dma_start3A_24 = arith.constant 0 : i32
    %dma_start3A_25 = arith.constant 0 : i32
    %dma_start3A_26 = tpu.memref_slice %arg2[%dma_start3A_24, %dma_start3A_25] : memref<10000x128xf32, #tpu.memory_space<hbm>> -> memref<10000x128xf32, #tpu.memory_space<hbm>>
    tpu.enqueue_indirect_dma source(%dma_start3A_26 : memref<10000x128xf32, #tpu.memory_space<hbm>>) target(%arg10 : memref<40x128xf32, #tpu.memory_space<vmem>>) offsets(%dma_start3A_23 : memref<40xi32, #tpu.memory_space<vmem>>) semaphore(%arg15 : memref<!tpu.dma_semaphore, #tpu.memory_space<semaphore_mem>>)
    %scan3A = arith.constant 0 : i32
    %scan3A_27 = arith.constant 25 : i32
    %scan3A_28 = arith.addi %scan3A, %scan3A_27 : i32
    %scan3A_29 = arith.constant 1 : i32
    scf.for %scan3A_31 = %scan3A to %scan3A_28 step %scan3A_29  : i32 {
      %mul3A_32 = arith.constant 5 : i32
      %mul3A_33 = arith.muli %scan3A_31, %mul3A_32 : i32
      %add3A_34 = arith.constant 0 : i32
      %add3A_35 = arith.addi %add3A_34, %mul3A_33 : i32
      %add3A_36 = arith.constant 0 : i32
      %add3A_37 = arith.addi %add3A_35, %add3A_36 : i32
      %mul3A_38 = arith.constant 40 : i32
      %mul3A_39 = arith.muli %add3A_37, %mul3A_38 : i32
      %dma_wait3A = tpu.memref_slice %arg5[%mul3A_39] : memref<5000xi32, #tpu.memory_space<vmem>> -> memref<40xi32, #tpu.memory_space<vmem>>
      %dma_wait3A_40 = arith.constant 0 : i32
      %dma_wait3A_41 = arith.constant 0 : i32
      %dma_wait3A_42 = tpu.memref_slice %arg2[%dma_wait3A_40, %dma_wait3A_41] : memref<10000x128xf32, #tpu.memory_space<hbm>> -> memref<10000x128xf32, #tpu.memory_space<hbm>>
      tpu.wait_indirect_dma semaphore(%arg11 : memref<!tpu.dma_semaphore, #tpu.memory_space<semaphore_mem>>) src(%dma_wait3A_42 : memref<10000x128xf32, #tpu.memory_space<hbm>>) dst(%arg6 : memref<40x128xf32, #tpu.memory_space<vmem>>)
      %mul3A_43 = arith.constant 40 : i32
      %mul3A_44 = arith.muli %add3A_37, %mul3A_43 : i32
      %add3A_45 = arith.addi %mul3A_2, %mul3A_44 : i32
      "tpu.region"() ({
        %run_scoped3A = tpu.sem_alloc : memref<!tpu.dma_semaphore, #tpu.memory_space<semaphore_mem>>
        %dma_start3A_122 = arith.constant 0 : i32
        %dma_start3A_123 = tpu.memref_slice %arg4[%add3A_45, %dma_start3A_122] : memref<160000x128xf32, #tpu.memory_space<hbm>> -> memref<40x128xf32, #tpu.memory_space<hbm>>
        %dma_start3A_124 = arith.constant 0 : i32
        %dma_start3A_125 = tpu.memref_slice %arg4[%add3A_45, %dma_start3A_124] : memref<160000x128xf32, #tpu.memory_space<hbm>> -> memref<40x128xf32, #tpu.memory_space<hbm>>
        tpu.enqueue_dma source(%arg6 : memref<40x128xf32, #tpu.memory_space<vmem>>) target(%dma_start3A_125 : memref<40x128xf32, #tpu.memory_space<hbm>>) target_semaphore(%run_scoped3A : memref<!tpu.dma_semaphore, #tpu.memory_space<semaphore_mem>>)
        %dma_wait3A_126 = arith.constant 0 : i32
        %dma_wait3A_127 = tpu.memref_slice %arg4[%add3A_45, %dma_wait3A_126] : memref<160000x128xf32, #tpu.memory_space<hbm>> -> memref<40x128xf32, #tpu.memory_space<hbm>>
        %dma_wait3A_128 = arith.constant 0 : i32
        %dma_wait3A_129 = tpu.memref_slice %arg4[%add3A_45, %dma_wait3A_128] : memref<160000x128xf32, #tpu.memory_space<hbm>> -> memref<40x128xf32, #tpu.memory_space<hbm>>
        tpu.wait_dma2 semaphore(%run_scoped3A : memref<!tpu.dma_semaphore, #tpu.memory_space<semaphore_mem>>) src(%arg6 : memref<40x128xf32, #tpu.memory_space<vmem>>) dst(%dma_wait3A_129 : memref<40x128xf32, #tpu.memory_space<hbm>>)
        tpu.yield
      }) : () -> ()
      %add3A_46 = arith.constant 5 : i32
      %add3A_47 = arith.addi %add3A_37, %add3A_46 : i32
      %lt3A = arith.constant 125 : i32
      %lt3A_48 = arith.cmpi slt, %add3A_47, %lt3A : i32
      %convert_element_type3A = arith.extui %lt3A_48 : i1 to i32
      %cond3A = arith.constant 0 : i32
      %cond3A_49 = arith.cmpi ne, %convert_element_type3A, %cond3A : i32
      scf.if %cond3A_49 {
        %mul3A_122 = arith.constant 40 : i32
        %mul3A_123 = arith.muli %add3A_47, %mul3A_122 : i32
        %dma_start3A_124 = tpu.memref_slice %arg5[%mul3A_123] : memref<5000xi32, #tpu.memory_space<vmem>> -> memref<40xi32, #tpu.memory_space<vmem>>
        %dma_start3A_125 = arith.constant 0 : i32
        %dma_start3A_126 = arith.constant 0 : i32
        %dma_start3A_127 = tpu.memref_slice %arg2[%dma_start3A_125, %dma_start3A_126] : memref<10000x128xf32, #tpu.memory_space<hbm>> -> memref<10000x128xf32, #tpu.memory_space<hbm>>
        tpu.enqueue_indirect_dma source(%dma_start3A_127 : memref<10000x128xf32, #tpu.memory_space<hbm>>) target(%arg6 : memref<40x128xf32, #tpu.memory_space<vmem>>) offsets(%dma_start3A_124 : memref<40xi32, #tpu.memory_space<vmem>>) semaphore(%arg11 : memref<!tpu.dma_semaphore, #tpu.memory_space<semaphore_mem>>)
      } else {
      }
      %add3A_50 = arith.constant 1 : i32
      %add3A_51 = arith.addi %add3A_35, %add3A_50 : i32
      %mul3A_52 = arith.constant 40 : i32
      %mul3A_53 = arith.muli %add3A_51, %mul3A_52 : i32
      %dma_wait3A_54 = tpu.memref_slice %arg5[%mul3A_53] : memref<5000xi32, #tpu.memory_space<vmem>> -> memref<40xi32, #tpu.memory_space<vmem>>
      %dma_wait3A_55 = arith.constant 0 : i32
      %dma_wait3A_56 = arith.constant 0 : i32
      %dma_wait3A_57 = tpu.memref_slice %arg2[%dma_wait3A_55, %dma_wait3A_56] : memref<10000x128xf32, #tpu.memory_space<hbm>> -> memref<10000x128xf32, #tpu.memory_space<hbm>>
      tpu.wait_indirect_dma semaphore(%arg12 : memref<!tpu.dma_semaphore, #tpu.memory_space<semaphore_mem>>) src(%dma_wait3A_57 : memref<10000x128xf32, #tpu.memory_space<hbm>>) dst(%arg7 : memref<40x128xf32, #tpu.memory_space<vmem>>)
      %mul3A_58 = arith.constant 40 : i32
      %mul3A_59 = arith.muli %add3A_51, %mul3A_58 : i32
      %add3A_60 = arith.addi %mul3A_2, %mul3A_59 : i32
      "tpu.region"() ({
        %run_scoped3A = tpu.sem_alloc : memref<!tpu.dma_semaphore, #tpu.memory_space<semaphore_mem>>
        %dma_start3A_122 = arith.constant 0 : i32
        %dma_start3A_123 = tpu.memref_slice %arg4[%add3A_60, %dma_start3A_122] : memref<160000x128xf32, #tpu.memory_space<hbm>> -> memref<40x128xf32, #tpu.memory_space<hbm>>
        %dma_start3A_124 = arith.constant 0 : i32
        %dma_start3A_125 = tpu.memref_slice %arg4[%add3A_60, %dma_start3A_124] : memref<160000x128xf32, #tpu.memory_space<hbm>> -> memref<40x128xf32, #tpu.memory_space<hbm>>
        tpu.enqueue_dma source(%arg7 : memref<40x128xf32, #tpu.memory_space<vmem>>) target(%dma_start3A_125 : memref<40x128xf32, #tpu.memory_space<hbm>>) target_semaphore(%run_scoped3A : memref<!tpu.dma_semaphore, #tpu.memory_space<semaphore_mem>>)
        %dma_wait3A_126 = arith.constant 0 : i32
        %dma_wait3A_127 = tpu.memref_slice %arg4[%add3A_60, %dma_wait3A_126] : memref<160000x128xf32, #tpu.memory_space<hbm>> -> memref<40x128xf32, #tpu.memory_space<hbm>>
        %dma_wait3A_128 = arith.constant 0 : i32
        %dma_wait3A_129 = tpu.memref_slice %arg4[%add3A_60, %dma_wait3A_128] : memref<160000x128xf32, #tpu.memory_space<hbm>> -> memref<40x128xf32, #tpu.memory_space<hbm>>
        tpu.wait_dma2 semaphore(%run_scoped3A : memref<!tpu.dma_semaphore, #tpu.memory_space<semaphore_mem>>) src(%arg7 : memref<40x128xf32, #tpu.memory_space<vmem>>) dst(%dma_wait3A_129 : memref<40x128xf32, #tpu.memory_space<hbm>>)
        tpu.yield
      }) : () -> ()
      %add3A_61 = arith.constant 5 : i32
      %add3A_62 = arith.addi %add3A_51, %add3A_61 : i32
      %lt3A_63 = arith.constant 125 : i32
      %lt3A_64 = arith.cmpi slt, %add3A_62, %lt3A_63 : i32
      %convert_element_type3A_65 = arith.extui %lt3A_64 : i1 to i32
      %cond3A_66 = arith.constant 0 : i32
      %cond3A_67 = arith.cmpi ne, %convert_element_type3A_65, %cond3A_66 : i32
      scf.if %cond3A_67 {
        %mul3A_122 = arith.constant 40 : i32
        %mul3A_123 = arith.muli %add3A_62, %mul3A_122 : i32
        %dma_start3A_124 = tpu.memref_slice %arg5[%mul3A_123] : memref<5000xi32, #tpu.memory_space<vmem>> -> memref<40xi32, #tpu.memory_space<vmem>>
        %dma_start3A_125 = arith.constant 0 : i32
        %dma_start3A_126 = arith.constant 0 : i32
        %dma_start3A_127 = tpu.memref_slice %arg2[%dma_start3A_125, %dma_start3A_126] : memref<10000x128xf32, #tpu.memory_space<hbm>> -> memref<10000x128xf32, #tpu.memory_space<hbm>>
        tpu.enqueue_indirect_dma source(%dma_start3A_127 : memref<10000x128xf32, #tpu.memory_space<hbm>>) target(%arg7 : memref<40x128xf32, #tpu.memory_space<vmem>>) offsets(%dma_start3A_124 : memref<40xi32, #tpu.memory_space<vmem>>) semaphore(%arg12 : memref<!tpu.dma_semaphore, #tpu.memory_space<semaphore_mem>>)
      } else {
      }
      %add3A_68 = arith.constant 2 : i32
      %add3A_69 = arith.addi %add3A_35, %add3A_68 : i32
      %mul3A_70 = arith.constant 40 : i32
      %mul3A_71 = arith.muli %add3A_69, %mul3A_70 : i32
      %dma_wait3A_72 = tpu.memref_slice %arg5[%mul3A_71] : memref<5000xi32, #tpu.memory_space<vmem>> -> memref<40xi32, #tpu.memory_space<vmem>>
      %dma_wait3A_73 = arith.constant 0 : i32
      %dma_wait3A_74 = arith.constant 0 : i32
      %dma_wait3A_75 = tpu.memref_slice %arg2[%dma_wait3A_73, %dma_wait3A_74] : memref<10000x128xf32, #tpu.memory_space<hbm>> -> memref<10000x128xf32, #tpu.memory_space<hbm>>
      tpu.wait_indirect_dma semaphore(%arg13 : memref<!tpu.dma_semaphore, #tpu.memory_space<semaphore_mem>>) src(%dma_wait3A_75 : memref<10000x128xf32, #tpu.memory_space<hbm>>) dst(%arg8 : memref<40x128xf32, #tpu.memory_space<vmem>>)
      %mul3A_76 = arith.constant 40 : i32
      %mul3A_77 = arith.muli %add3A_69, %mul3A_76 : i32
      %add3A_78 = arith.addi %mul3A_2, %mul3A_77 : i32
      "tpu.region"() ({
        %run_scoped3A = tpu.sem_alloc : memref<!tpu.dma_semaphore, #tpu.memory_space<semaphore_mem>>
        %dma_start3A_122 = arith.constant 0 : i32
        %dma_start3A_123 = tpu.memref_slice %arg4[%add3A_78, %dma_start3A_122] : memref<160000x128xf32, #tpu.memory_space<hbm>> -> memref<40x128xf32, #tpu.memory_space<hbm>>
        %dma_start3A_124 = arith.constant 0 : i32
        %dma_start3A_125 = tpu.memref_slice %arg4[%add3A_78, %dma_start3A_124] : memref<160000x128xf32, #tpu.memory_space<hbm>> -> memref<40x128xf32, #tpu.memory_space<hbm>>
        tpu.enqueue_dma source(%arg8 : memref<40x128xf32, #tpu.memory_space<vmem>>) target(%dma_start3A_125 : memref<40x128xf32, #tpu.memory_space<hbm>>) target_semaphore(%run_scoped3A : memref<!tpu.dma_semaphore, #tpu.memory_space<semaphore_mem>>)
        %dma_wait3A_126 = arith.constant 0 : i32
        %dma_wait3A_127 = tpu.memref_slice %arg4[%add3A_78, %dma_wait3A_126] : memref<160000x128xf32, #tpu.memory_space<hbm>> -> memref<40x128xf32, #tpu.memory_space<hbm>>
        %dma_wait3A_128 = arith.constant 0 : i32
        %dma_wait3A_129 = tpu.memref_slice %arg4[%add3A_78, %dma_wait3A_128] : memref<160000x128xf32, #tpu.memory_space<hbm>> -> memref<40x128xf32, #tpu.memory_space<hbm>>
        tpu.wait_dma2 semaphore(%run_scoped3A : memref<!tpu.dma_semaphore, #tpu.memory_space<semaphore_mem>>) src(%arg8 : memref<40x128xf32, #tpu.memory_space<vmem>>) dst(%dma_wait3A_129 : memref<40x128xf32, #tpu.memory_space<hbm>>)
        tpu.yield
      }) : () -> ()
      %add3A_79 = arith.constant 5 : i32
      %add3A_80 = arith.addi %add3A_69, %add3A_79 : i32
      %lt3A_81 = arith.constant 125 : i32
      %lt3A_82 = arith.cmpi slt, %add3A_80, %lt3A_81 : i32
      %convert_element_type3A_83 = arith.extui %lt3A_82 : i1 to i32
      %cond3A_84 = arith.constant 0 : i32
      %cond3A_85 = arith.cmpi ne, %convert_element_type3A_83, %cond3A_84 : i32
      scf.if %cond3A_85 {
        %mul3A_122 = arith.constant 40 : i32
        %mul3A_123 = arith.muli %add3A_80, %mul3A_122 : i32
        %dma_start3A_124 = tpu.memref_slice %arg5[%mul3A_123] : memref<5000xi32, #tpu.memory_space<vmem>> -> memref<40xi32, #tpu.memory_space<vmem>>
        %dma_start3A_125 = arith.constant 0 : i32
        %dma_start3A_126 = arith.constant 0 : i32
        %dma_start3A_127 = tpu.memref_slice %arg2[%dma_start3A_125, %dma_start3A_126] : memref<10000x128xf32, #tpu.memory_space<hbm>> -> memref<10000x128xf32, #tpu.memory_space<hbm>>
        tpu.enqueue_indirect_dma source(%dma_start3A_127 : memref<10000x128xf32, #tpu.memory_space<hbm>>) target(%arg8 : memref<40x128xf32, #tpu.memory_space<vmem>>) offsets(%dma_start3A_124 : memref<40xi32, #tpu.memory_space<vmem>>) semaphore(%arg13 : memref<!tpu.dma_semaphore, #tpu.memory_space<semaphore_mem>>)
      } else {
      }
      %add3A_86 = arith.constant 3 : i32
      %add3A_87 = arith.addi %add3A_35, %add3A_86 : i32
      %mul3A_88 = arith.constant 40 : i32
      %mul3A_89 = arith.muli %add3A_87, %mul3A_88 : i32
      %dma_wait3A_90 = tpu.memref_slice %arg5[%mul3A_89] : memref<5000xi32, #tpu.memory_space<vmem>> -> memref<40xi32, #tpu.memory_space<vmem>>
      %dma_wait3A_91 = arith.constant 0 : i32
      %dma_wait3A_92 = arith.constant 0 : i32
      %dma_wait3A_93 = tpu.memref_slice %arg2[%dma_wait3A_91, %dma_wait3A_92] : memref<10000x128xf32, #tpu.memory_space<hbm>> -> memref<10000x128xf32, #tpu.memory_space<hbm>>
      tpu.wait_indirect_dma semaphore(%arg14 : memref<!tpu.dma_semaphore, #tpu.memory_space<semaphore_mem>>) src(%dma_wait3A_93 : memref<10000x128xf32, #tpu.memory_space<hbm>>) dst(%arg9 : memref<40x128xf32, #tpu.memory_space<vmem>>)
      %mul3A_94 = arith.constant 40 : i32
      %mul3A_95 = arith.muli %add3A_87, %mul3A_94 : i32
      %add3A_96 = arith.addi %mul3A_2, %mul3A_95 : i32
      "tpu.region"() ({
        %run_scoped3A = tpu.sem_alloc : memref<!tpu.dma_semaphore, #tpu.memory_space<semaphore_mem>>
        %dma_start3A_122 = arith.constant 0 : i32
        %dma_start3A_123 = tpu.memref_slice %arg4[%add3A_96, %dma_start3A_122] : memref<160000x128xf32, #tpu.memory_space<hbm>> -> memref<40x128xf32, #tpu.memory_space<hbm>>
        %dma_start3A_124 = arith.constant 0 : i32
        %dma_start3A_125 = tpu.memref_slice %arg4[%add3A_96, %dma_start3A_124] : memref<160000x128xf32, #tpu.memory_space<hbm>> -> memref<40x128xf32, #tpu.memory_space<hbm>>
        tpu.enqueue_dma source(%arg9 : memref<40x128xf32, #tpu.memory_space<vmem>>) target(%dma_start3A_125 : memref<40x128xf32, #tpu.memory_space<hbm>>) target_semaphore(%run_scoped3A : memref<!tpu.dma_semaphore, #tpu.memory_space<semaphore_mem>>)
        %dma_wait3A_126 = arith.constant 0 : i32
        %dma_wait3A_127 = tpu.memref_slice %arg4[%add3A_96, %dma_wait3A_126] : memref<160000x128xf32, #tpu.memory_space<hbm>> -> memref<40x128xf32, #tpu.memory_space<hbm>>
        %dma_wait3A_128 = arith.constant 0 : i32
        %dma_wait3A_129 = tpu.memref_slice %arg4[%add3A_96, %dma_wait3A_128] : memref<160000x128xf32, #tpu.memory_space<hbm>> -> memref<40x128xf32, #tpu.memory_space<hbm>>
        tpu.wait_dma2 semaphore(%run_scoped3A : memref<!tpu.dma_semaphore, #tpu.memory_space<semaphore_mem>>) src(%arg9 : memref<40x128xf32, #tpu.memory_space<vmem>>) dst(%dma_wait3A_129 : memref<40x128xf32, #tpu.memory_space<hbm>>)
        tpu.yield
      }) : () -> ()
      %add3A_97 = arith.constant 5 : i32
      %add3A_98 = arith.addi %add3A_87, %add3A_97 : i32
      %lt3A_99 = arith.constant 125 : i32
      %lt3A_100 = arith.cmpi slt, %add3A_98, %lt3A_99 : i32
      %convert_element_type3A_101 = arith.extui %lt3A_100 : i1 to i32
      %cond3A_102 = arith.constant 0 : i32
      %cond3A_103 = arith.cmpi ne, %convert_element_type3A_101, %cond3A_102 : i32
      scf.if %cond3A_103 {
        %mul3A_122 = arith.constant 40 : i32
        %mul3A_123 = arith.muli %add3A_98, %mul3A_122 : i32
        %dma_start3A_124 = tpu.memref_slice %arg5[%mul3A_123] : memref<5000xi32, #tpu.memory_space<vmem>> -> memref<40xi32, #tpu.memory_space<vmem>>
        %dma_start3A_125 = arith.constant 0 : i32
        %dma_start3A_126 = arith.constant 0 : i32
        %dma_start3A_127 = tpu.memref_slice %arg2[%dma_start3A_125, %dma_start3A_126] : memref<10000x128xf32, #tpu.memory_space<hbm>> -> memref<10000x128xf32, #tpu.memory_space<hbm>>
        tpu.enqueue_indirect_dma source(%dma_start3A_127 : memref<10000x128xf32, #tpu.memory_space<hbm>>) target(%arg9 : memref<40x128xf32, #tpu.memory_space<vmem>>) offsets(%dma_start3A_124 : memref<40xi32, #tpu.memory_space<vmem>>) semaphore(%arg14 : memref<!tpu.dma_semaphore, #tpu.memory_space<semaphore_mem>>)
      } else {
      }
      %add3A_104 = arith.constant 4 : i32
      %add3A_105 = arith.addi %add3A_35, %add3A_104 : i32
      %mul3A_106 = arith.constant 40 : i32
      %mul3A_107 = arith.muli %add3A_105, %mul3A_106 : i32
      %dma_wait3A_108 = tpu.memref_slice %arg5[%mul3A_107] : memref<5000xi32, #tpu.memory_space<vmem>> -> memref<40xi32, #tpu.memory_space<vmem>>
      %dma_wait3A_109 = arith.constant 0 : i32
      %dma_wait3A_110 = arith.constant 0 : i32
      %dma_wait3A_111 = tpu.memref_slice %arg2[%dma_wait3A_109, %dma_wait3A_110] : memref<10000x128xf32, #tpu.memory_space<hbm>> -> memref<10000x128xf32, #tpu.memory_space<hbm>>
      tpu.wait_indirect_dma semaphore(%arg15 : memref<!tpu.dma_semaphore, #tpu.memory_space<semaphore_mem>>) src(%dma_wait3A_111 : memref<10000x128xf32, #tpu.memory_space<hbm>>) dst(%arg10 : memref<40x128xf32, #tpu.memory_space<vmem>>)
      %mul3A_112 = arith.constant 40 : i32
      %mul3A_113 = arith.muli %add3A_105, %mul3A_112 : i32
      %add3A_114 = arith.addi %mul3A_2, %mul3A_113 : i32
      "tpu.region"() ({
        %run_scoped3A = tpu.sem_alloc : memref<!tpu.dma_semaphore, #tpu.memory_space<semaphore_mem>>
        %dma_start3A_122 = arith.constant 0 : i32
        %dma_start3A_123 = tpu.memref_slice %arg4[%add3A_114, %dma_start3A_122] : memref<160000x128xf32, #tpu.memory_space<hbm>> -> memref<40x128xf32, #tpu.memory_space<hbm>>
        %dma_start3A_124 = arith.constant 0 : i32
        %dma_start3A_125 = tpu.memref_slice %arg4[%add3A_114, %dma_start3A_124] : memref<160000x128xf32, #tpu.memory_space<hbm>> -> memref<40x128xf32, #tpu.memory_space<hbm>>
        tpu.enqueue_dma source(%arg10 : memref<40x128xf32, #tpu.memory_space<vmem>>) target(%dma_start3A_125 : memref<40x128xf32, #tpu.memory_space<hbm>>) target_semaphore(%run_scoped3A : memref<!tpu.dma_semaphore, #tpu.memory_space<semaphore_mem>>)
        %dma_wait3A_126 = arith.constant 0 : i32
        %dma_wait3A_127 = tpu.memref_slice %arg4[%add3A_114, %dma_wait3A_126] : memref<160000x128xf32, #tpu.memory_space<hbm>> -> memref<40x128xf32, #tpu.memory_space<hbm>>
        %dma_wait3A_128 = arith.constant 0 : i32
        %dma_wait3A_129 = tpu.memref_slice %arg4[%add3A_114, %dma_wait3A_128] : memref<160000x128xf32, #tpu.memory_space<hbm>> -> memref<40x128xf32, #tpu.memory_space<hbm>>
        tpu.wait_dma2 semaphore(%run_scoped3A : memref<!tpu.dma_semaphore, #tpu.memory_space<semaphore_mem>>) src(%arg10 : memref<40x128xf32, #tpu.memory_space<vmem>>) dst(%dma_wait3A_129 : memref<40x128xf32, #tpu.memory_space<hbm>>)
        tpu.yield
      }) : () -> ()
      %add3A_115 = arith.constant 5 : i32
      %add3A_116 = arith.addi %add3A_105, %add3A_115 : i32
      %lt3A_117 = arith.constant 125 : i32
      %lt3A_118 = arith.cmpi slt, %add3A_116, %lt3A_117 : i32
      %convert_element_type3A_119 = arith.extui %lt3A_118 : i1 to i32
      %cond3A_120 = arith.constant 0 : i32
      %cond3A_121 = arith.cmpi ne, %convert_element_type3A_119, %cond3A_120 : i32
      scf.if %cond3A_121 {
        %mul3A_122 = arith.constant 40 : i32
        %mul3A_123 = arith.muli %add3A_116, %mul3A_122 : i32
        %dma_start3A_124 = tpu.memref_slice %arg5[%mul3A_123] : memref<5000xi32, #tpu.memory_space<vmem>> -> memref<40xi32, #tpu.memory_space<vmem>>
        %dma_start3A_125 = arith.constant 0 : i32
        %dma_start3A_126 = arith.constant 0 : i32
        %dma_start3A_127 = tpu.memref_slice %arg2[%dma_start3A_125, %dma_start3A_126] : memref<10000x128xf32, #tpu.memory_space<hbm>> -> memref<10000x128xf32, #tpu.memory_space<hbm>>
        tpu.enqueue_indirect_dma source(%dma_start3A_127 : memref<10000x128xf32, #tpu.memory_space<hbm>>) target(%arg10 : memref<40x128xf32, #tpu.memory_space<vmem>>) offsets(%dma_start3A_124 : memref<40xi32, #tpu.memory_space<vmem>>) semaphore(%arg15 : memref<!tpu.dma_semaphore, #tpu.memory_space<semaphore_mem>>)
      } else {
      }
    }
    %scan3A_30 = arith.constant 25 : i32
    return
  }
}

#map = affine_map<(d0, d1) -> (0, 0)>
#map1 = affine_map<(d0, d1) -> (0)>
#map2 = affine_map<(d0, d1) -> (0, 0, 0)>
module attributes {stable_mosaic.version = 14 : i64} {
  func.func @k(%arg0: i32, %arg1: i32, %arg2: memref<160000x128xf32, #tpu.memory_space<hbm>>, %arg3: memref<160000x128xf32, #tpu.memory_space<hbm>>, %arg4: memref<160000xi32, #tpu.memory_space<hbm>>, %arg5: memref<10000x128xf32, #tpu.memory_space<hbm>>, %arg6: memref<2x10000x128xf32, #tpu.memory_space<hbm>>, %arg7: memref<2x10000x128xf32, #tpu.memory_space<hbm>>, %arg8: memref<40xi32, #tpu.memory_space<vmem>>, %arg9: memref<40xi32, #tpu.memory_space<vmem>>, %arg10: memref<40xi32, #tpu.memory_space<vmem>>, %arg11: memref<40xi32, #tpu.memory_space<vmem>>, %arg12: memref<40xi32, #tpu.memory_space<vmem>>, %arg13: memref<40x128xf32, #tpu.memory_space<vmem>>, %arg14: memref<40x128xf32, #tpu.memory_space<vmem>>, %arg15: memref<40x128xf32, #tpu.memory_space<vmem>>, %arg16: memref<40x128xf32, #tpu.memory_space<vmem>>, %arg17: memref<40x128xf32, #tpu.memory_space<vmem>>, %arg18: memref<40x16xf32, #tpu.memory_space<vmem>>, %arg19: memref<40x16xf32, #tpu.memory_space<vmem>>, %arg20: memref<40x16xf32, #tpu.memory_space<vmem>>, %arg21: memref<40x16xf32, #tpu.memory_space<vmem>>, %arg22: memref<40x16xf32, #tpu.memory_space<vmem>>, %arg23: memref<10000x128xf32, #tpu.memory_space<vmem_shared>>, %arg24: memref<10000x16xf32, #tpu.memory_space<vmem_shared>>, %arg25: memref<!tpu.dma_semaphore, #tpu.memory_space<semaphore_mem>>, %arg26: memref<!tpu.dma_semaphore, #tpu.memory_space<semaphore_mem>>, %arg27: memref<!tpu.dma_semaphore, #tpu.memory_space<semaphore_mem>>, %arg28: memref<!tpu.dma_semaphore, #tpu.memory_space<semaphore_mem>>, %arg29: memref<!tpu.dma_semaphore, #tpu.memory_space<semaphore_mem>>, %arg30: memref<!tpu.dma_semaphore, #tpu.memory_space<semaphore_mem>>, %arg31: memref<!tpu.dma_semaphore, #tpu.memory_space<semaphore_mem>>, %arg32: memref<!tpu.dma_semaphore, #tpu.memory_space<semaphore_mem>>, %arg33: memref<!tpu.dma_semaphore, #tpu.memory_space<semaphore_mem>>, %arg34: memref<!tpu.dma_semaphore, #tpu.memory_space<semaphore_mem>>, %arg35: memref<!tpu.dma_semaphore, #tpu.memory_space<semaphore_mem>>, %arg36: memref<!tpu.dma_semaphore, #tpu.memory_space<semaphore_mem>>, %arg37: memref<!tpu.dma_semaphore, #tpu.memory_space<semaphore_mem>>, %arg38: memref<!tpu.dma_semaphore, #tpu.memory_space<semaphore_mem>>, %arg39: memref<!tpu.dma_semaphore, #tpu.memory_space<semaphore_mem>>) attributes {dimension_semantics = [#tpu.dimension_semantics<core_parallel>, #tpu.dimension_semantics<subcore_parallel>], iteration_bounds = array<i64: 2, 16>, scalar_prefetch = 0 : i64, scratch_operands = 32 : i64, tpu.core_type = #tpu.core_type<sc_vector_subcore>, window_params = [{transform_indices = #map}, {transform_indices = #map}, {transform_indices = #map1}, {transform_indices = #map}, {transform_indices = #map2}, {transform_indices = #map2}]} {
    %mul3A = arith.constant 2 : i32
    %mul3A_0 = arith.muli %arg1, %mul3A : i32
    %add3A = arith.addi %mul3A_0, %arg0 : i32
    %mul3A_1 = arith.constant 625 : i32
    %mul3A_2 = arith.muli %arg1, %mul3A_1 : i32
    "tpu.region"() ({
      %run_scoped3A = tpu.sem_alloc : memref<!tpu.dma_semaphore, #tpu.memory_space<semaphore_mem>>
      %dma_start3A_69 = arith.constant 0 : i32
      %dma_start3A_70 = tpu.memref_slice %arg23[%mul3A_2, %dma_start3A_69] : memref<10000x128xf32, #tpu.memory_space<vmem_shared>> -> memref<625x128xf32, #tpu.memory_space<vmem_shared>>
      %dma_start3A_71 = arith.constant 0 : i32
      %dma_start3A_72 = tpu.memref_slice %arg5[%mul3A_2, %dma_start3A_71] : memref<10000x128xf32, #tpu.memory_space<hbm>> -> memref<625x128xf32, #tpu.memory_space<hbm>>
      tpu.enqueue_dma source(%dma_start3A_72 : memref<625x128xf32, #tpu.memory_space<hbm>>) target(%dma_start3A_70 : memref<625x128xf32, #tpu.memory_space<vmem_shared>>) target_semaphore(%run_scoped3A : memref<!tpu.dma_semaphore, #tpu.memory_space<semaphore_mem>>)
      %dma_wait3A = arith.constant 0 : i32
      %dma_wait3A_73 = tpu.memref_slice %arg23[%mul3A_2, %dma_wait3A] : memref<10000x128xf32, #tpu.memory_space<vmem_shared>> -> memref<625x128xf32, #tpu.memory_space<vmem_shared>>
      %dma_wait3A_74 = arith.constant 0 : i32
      %dma_wait3A_75 = tpu.memref_slice %arg5[%mul3A_2, %dma_wait3A_74] : memref<10000x128xf32, #tpu.memory_space<hbm>> -> memref<625x128xf32, #tpu.memory_space<hbm>>
      tpu.wait_dma2 semaphore(%run_scoped3A : memref<!tpu.dma_semaphore, #tpu.memory_space<semaphore_mem>>) src(%dma_wait3A_75 : memref<625x128xf32, #tpu.memory_space<hbm>>) dst(%dma_wait3A_73 : memref<625x128xf32, #tpu.memory_space<vmem_shared>>)
      tpu.yield
    }) : () -> ()
    "tpu.region"() ({
      %run_scoped3A = tpu.sem_alloc : memref<!tpu.dma_semaphore, #tpu.memory_space<semaphore_mem>>
      %dma_start3A_69 = arith.constant 0 : i32
      %dma_start3A_70 = tpu.memref_slice %arg24[%mul3A_2, %dma_start3A_69] : memref<10000x16xf32, #tpu.memory_space<vmem_shared>> -> memref<625x16xf32, #tpu.memory_space<vmem_shared>>
      %dma_start3A_71 = arith.constant 0 : i32
      %dma_start3A_72 = tpu.memref_slice %arg5[%mul3A_2, %dma_start3A_71] : memref<10000x128xf32, #tpu.memory_space<hbm>> -> memref<625x16xf32, #tpu.memory_space<hbm>>
      tpu.enqueue_dma source(%dma_start3A_72 : memref<625x16xf32, #tpu.memory_space<hbm>>) target(%dma_start3A_70 : memref<625x16xf32, #tpu.memory_space<vmem_shared>>) target_semaphore(%run_scoped3A : memref<!tpu.dma_semaphore, #tpu.memory_space<semaphore_mem>>)
      %dma_wait3A = arith.constant 0 : i32
      %dma_wait3A_73 = tpu.memref_slice %arg24[%mul3A_2, %dma_wait3A] : memref<10000x16xf32, #tpu.memory_space<vmem_shared>> -> memref<625x16xf32, #tpu.memory_space<vmem_shared>>
      %dma_wait3A_74 = arith.constant 0 : i32
      %dma_wait3A_75 = tpu.memref_slice %arg5[%mul3A_2, %dma_wait3A_74] : memref<10000x128xf32, #tpu.memory_space<hbm>> -> memref<625x16xf32, #tpu.memory_space<hbm>>
      tpu.wait_dma2 semaphore(%run_scoped3A : memref<!tpu.dma_semaphore, #tpu.memory_space<semaphore_mem>>) src(%dma_wait3A_75 : memref<625x16xf32, #tpu.memory_space<hbm>>) dst(%dma_wait3A_73 : memref<625x16xf32, #tpu.memory_space<vmem_shared>>)
      tpu.yield
    }) : () -> ()
    %barrier3A = arith.constant 0 : index
    tpu.barrier barrier_id(%barrier3A)
    %mul3A_3 = arith.constant 5000 : i32
    %mul3A_4 = arith.muli %add3A, %mul3A_3 : i32
    %add3A_5 = arith.constant 0 : i32
    %add3A_6 = arith.addi %mul3A_4, %add3A_5 : i32
    %dma_start3A = tpu.memref_slice %arg4[%add3A_6] : memref<160000xi32, #tpu.memory_space<hbm>> -> memref<40xi32, #tpu.memory_space<hbm>>
    %dma_start3A_7 = tpu.memref_slice %arg4[%add3A_6] : memref<160000xi32, #tpu.memory_space<hbm>> -> memref<40xi32, #tpu.memory_space<hbm>>
    tpu.enqueue_dma source(%dma_start3A_7 : memref<40xi32, #tpu.memory_space<hbm>>) target(%arg8 : memref<40xi32, #tpu.memory_space<vmem>>) target_semaphore(%arg25 : memref<!tpu.dma_semaphore, #tpu.memory_space<semaphore_mem>>)
    %dma_start3A_8 = arith.constant 0 : i32
    %dma_start3A_9 = tpu.memref_slice %arg2[%add3A_6, %dma_start3A_8] : memref<160000x128xf32, #tpu.memory_space<hbm>> -> memref<40x128xf32, #tpu.memory_space<hbm>>
    %dma_start3A_10 = arith.constant 0 : i32
    %dma_start3A_11 = tpu.memref_slice %arg2[%add3A_6, %dma_start3A_10] : memref<160000x128xf32, #tpu.memory_space<hbm>> -> memref<40x128xf32, #tpu.memory_space<hbm>>
    tpu.enqueue_dma source(%dma_start3A_11 : memref<40x128xf32, #tpu.memory_space<hbm>>) target(%arg13 : memref<40x128xf32, #tpu.memory_space<vmem>>) target_semaphore(%arg30 : memref<!tpu.dma_semaphore, #tpu.memory_space<semaphore_mem>>)
    %dma_start3A_12 = arith.constant 0 : i32
    %dma_start3A_13 = tpu.memref_slice %arg3[%add3A_6, %dma_start3A_12] : memref<160000x128xf32, #tpu.memory_space<hbm>> -> memref<40x16xf32, #tpu.memory_space<hbm>>
    %dma_start3A_14 = arith.constant 0 : i32
    %dma_start3A_15 = tpu.memref_slice %arg3[%add3A_6, %dma_start3A_14] : memref<160000x128xf32, #tpu.memory_space<hbm>> -> memref<40x16xf32, #tpu.memory_space<hbm>>
    tpu.enqueue_dma source(%dma_start3A_15 : memref<40x16xf32, #tpu.memory_space<hbm>>) target(%arg18 : memref<40x16xf32, #tpu.memory_space<vmem>>) target_semaphore(%arg35 : memref<!tpu.dma_semaphore, #tpu.memory_space<semaphore_mem>>)
    %add3A_16 = arith.constant 40 : i32
    %add3A_17 = arith.addi %mul3A_4, %add3A_16 : i32
    %dma_start3A_18 = tpu.memref_slice %arg4[%add3A_17] : memref<160000xi32, #tpu.memory_space<hbm>> -> memref<40xi32, #tpu.memory_space<hbm>>
    %dma_start3A_19 = tpu.memref_slice %arg4[%add3A_17] : memref<160000xi32, #tpu.memory_space<hbm>> -> memref<40xi32, #tpu.memory_space<hbm>>
    tpu.enqueue_dma source(%dma_start3A_19 : memref<40xi32, #tpu.memory_space<hbm>>) target(%arg9 : memref<40xi32, #tpu.memory_space<vmem>>) target_semaphore(%arg26 : memref<!tpu.dma_semaphore, #tpu.memory_space<semaphore_mem>>)
    %dma_start3A_20 = arith.constant 0 : i32
    %dma_start3A_21 = tpu.memref_slice %arg2[%add3A_17, %dma_start3A_20] : memref<160000x128xf32, #tpu.memory_space<hbm>> -> memref<40x128xf32, #tpu.memory_space<hbm>>
    %dma_start3A_22 = arith.constant 0 : i32
    %dma_start3A_23 = tpu.memref_slice %arg2[%add3A_17, %dma_start3A_22] : memref<160000x128xf32, #tpu.memory_space<hbm>> -> memref<40x128xf32, #tpu.memory_space<hbm>>
    tpu.enqueue_dma source(%dma_start3A_23 : memref<40x128xf32, #tpu.memory_space<hbm>>) target(%arg14 : memref<40x128xf32, #tpu.memory_space<vmem>>) target_semaphore(%arg31 : memref<!tpu.dma_semaphore, #tpu.memory_space<semaphore_mem>>)
    %dma_start3A_24 = arith.constant 0 : i32
    %dma_start3A_25 = tpu.memref_slice %arg3[%add3A_17, %dma_start3A_24] : memref<160000x128xf32, #tpu.memory_space<hbm>> -> memref<40x16xf32, #tpu.memory_space<hbm>>
    %dma_start3A_26 = arith.constant 0 : i32
    %dma_start3A_27 = tpu.memref_slice %arg3[%add3A_17, %dma_start3A_26] : memref<160000x128xf32, #tpu.memory_space<hbm>> -> memref<40x16xf32, #tpu.memory_space<hbm>>
    tpu.enqueue_dma source(%dma_start3A_27 : memref<40x16xf32, #tpu.memory_space<hbm>>) target(%arg19 : memref<40x16xf32, #tpu.memory_space<vmem>>) target_semaphore(%arg36 : memref<!tpu.dma_semaphore, #tpu.memory_space<semaphore_mem>>)
    %add3A_28 = arith.constant 80 : i32
    %add3A_29 = arith.addi %mul3A_4, %add3A_28 : i32
    %dma_start3A_30 = tpu.memref_slice %arg4[%add3A_29] : memref<160000xi32, #tpu.memory_space<hbm>> -> memref<40xi32, #tpu.memory_space<hbm>>
    %dma_start3A_31 = tpu.memref_slice %arg4[%add3A_29] : memref<160000xi32, #tpu.memory_space<hbm>> -> memref<40xi32, #tpu.memory_space<hbm>>
    tpu.enqueue_dma source(%dma_start3A_31 : memref<40xi32, #tpu.memory_space<hbm>>) target(%arg10 : memref<40xi32, #tpu.memory_space<vmem>>) target_semaphore(%arg27 : memref<!tpu.dma_semaphore, #tpu.memory_space<semaphore_mem>>)
    %dma_start3A_32 = arith.constant 0 : i32
    %dma_start3A_33 = tpu.memref_slice %arg2[%add3A_29, %dma_start3A_32] : memref<160000x128xf32, #tpu.memory_space<hbm>> -> memref<40x128xf32, #tpu.memory_space<hbm>>
    %dma_start3A_34 = arith.constant 0 : i32
    %dma_start3A_35 = tpu.memref_slice %arg2[%add3A_29, %dma_start3A_34] : memref<160000x128xf32, #tpu.memory_space<hbm>> -> memref<40x128xf32, #tpu.memory_space<hbm>>
    tpu.enqueue_dma source(%dma_start3A_35 : memref<40x128xf32, #tpu.memory_space<hbm>>) target(%arg15 : memref<40x128xf32, #tpu.memory_space<vmem>>) target_semaphore(%arg32 : memref<!tpu.dma_semaphore, #tpu.memory_space<semaphore_mem>>)
    %dma_start3A_36 = arith.constant 0 : i32
    %dma_start3A_37 = tpu.memref_slice %arg3[%add3A_29, %dma_start3A_36] : memref<160000x128xf32, #tpu.memory_space<hbm>> -> memref<40x16xf32, #tpu.memory_space<hbm>>
    %dma_start3A_38 = arith.constant 0 : i32
    %dma_start3A_39 = tpu.memref_slice %arg3[%add3A_29, %dma_start3A_38] : memref<160000x128xf32, #tpu.memory_space<hbm>> -> memref<40x16xf32, #tpu.memory_space<hbm>>
    tpu.enqueue_dma source(%dma_start3A_39 : memref<40x16xf32, #tpu.memory_space<hbm>>) target(%arg20 : memref<40x16xf32, #tpu.memory_space<vmem>>) target_semaphore(%arg37 : memref<!tpu.dma_semaphore, #tpu.memory_space<semaphore_mem>>)
    %add3A_40 = arith.constant 120 : i32
    %add3A_41 = arith.addi %mul3A_4, %add3A_40 : i32
    %dma_start3A_42 = tpu.memref_slice %arg4[%add3A_41] : memref<160000xi32, #tpu.memory_space<hbm>> -> memref<40xi32, #tpu.memory_space<hbm>>
    %dma_start3A_43 = tpu.memref_slice %arg4[%add3A_41] : memref<160000xi32, #tpu.memory_space<hbm>> -> memref<40xi32, #tpu.memory_space<hbm>>
    tpu.enqueue_dma source(%dma_start3A_43 : memref<40xi32, #tpu.memory_space<hbm>>) target(%arg11 : memref<40xi32, #tpu.memory_space<vmem>>) target_semaphore(%arg28 : memref<!tpu.dma_semaphore, #tpu.memory_space<semaphore_mem>>)
    %dma_start3A_44 = arith.constant 0 : i32
    %dma_start3A_45 = tpu.memref_slice %arg2[%add3A_41, %dma_start3A_44] : memref<160000x128xf32, #tpu.memory_space<hbm>> -> memref<40x128xf32, #tpu.memory_space<hbm>>
    %dma_start3A_46 = arith.constant 0 : i32
    %dma_start3A_47 = tpu.memref_slice %arg2[%add3A_41, %dma_start3A_46] : memref<160000x128xf32, #tpu.memory_space<hbm>> -> memref<40x128xf32, #tpu.memory_space<hbm>>
    tpu.enqueue_dma source(%dma_start3A_47 : memref<40x128xf32, #tpu.memory_space<hbm>>) target(%arg16 : memref<40x128xf32, #tpu.memory_space<vmem>>) target_semaphore(%arg33 : memref<!tpu.dma_semaphore, #tpu.memory_space<semaphore_mem>>)
    %dma_start3A_48 = arith.constant 0 : i32
    %dma_start3A_49 = tpu.memref_slice %arg3[%add3A_41, %dma_start3A_48] : memref<160000x128xf32, #tpu.memory_space<hbm>> -> memref<40x16xf32, #tpu.memory_space<hbm>>
    %dma_start3A_50 = arith.constant 0 : i32
    %dma_start3A_51 = tpu.memref_slice %arg3[%add3A_41, %dma_start3A_50] : memref<160000x128xf32, #tpu.memory_space<hbm>> -> memref<40x16xf32, #tpu.memory_space<hbm>>
    tpu.enqueue_dma source(%dma_start3A_51 : memref<40x16xf32, #tpu.memory_space<hbm>>) target(%arg21 : memref<40x16xf32, #tpu.memory_space<vmem>>) target_semaphore(%arg38 : memref<!tpu.dma_semaphore, #tpu.memory_space<semaphore_mem>>)
    %add3A_52 = arith.constant 160 : i32
    %add3A_53 = arith.addi %mul3A_4, %add3A_52 : i32
    %dma_start3A_54 = tpu.memref_slice %arg4[%add3A_53] : memref<160000xi32, #tpu.memory_space<hbm>> -> memref<40xi32, #tpu.memory_space<hbm>>
    %dma_start3A_55 = tpu.memref_slice %arg4[%add3A_53] : memref<160000xi32, #tpu.memory_space<hbm>> -> memref<40xi32, #tpu.memory_space<hbm>>
    tpu.enqueue_dma source(%dma_start3A_55 : memref<40xi32, #tpu.memory_space<hbm>>) target(%arg12 : memref<40xi32, #tpu.memory_space<vmem>>) target_semaphore(%arg29 : memref<!tpu.dma_semaphore, #tpu.memory_space<semaphore_mem>>)
    %dma_start3A_56 = arith.constant 0 : i32
    %dma_start3A_57 = tpu.memref_slice %arg2[%add3A_53, %dma_start3A_56] : memref<160000x128xf32, #tpu.memory_space<hbm>> -> memref<40x128xf32, #tpu.memory_space<hbm>>
    %dma_start3A_58 = arith.constant 0 : i32
    %dma_start3A_59 = tpu.memref_slice %arg2[%add3A_53, %dma_start3A_58] : memref<160000x128xf32, #tpu.memory_space<hbm>> -> memref<40x128xf32, #tpu.memory_space<hbm>>
    tpu.enqueue_dma source(%dma_start3A_59 : memref<40x128xf32, #tpu.memory_space<hbm>>) target(%arg17 : memref<40x128xf32, #tpu.memory_space<vmem>>) target_semaphore(%arg34 : memref<!tpu.dma_semaphore, #tpu.memory_space<semaphore_mem>>)
    %dma_start3A_60 = arith.constant 0 : i32
    %dma_start3A_61 = tpu.memref_slice %arg3[%add3A_53, %dma_start3A_60] : memref<160000x128xf32, #tpu.memory_space<hbm>> -> memref<40x16xf32, #tpu.memory_space<hbm>>
    %dma_start3A_62 = arith.constant 0 : i32
    %dma_start3A_63 = tpu.memref_slice %arg3[%add3A_53, %dma_start3A_62] : memref<160000x128xf32, #tpu.memory_space<hbm>> -> memref<40x16xf32, #tpu.memory_space<hbm>>
    tpu.enqueue_dma source(%dma_start3A_63 : memref<40x16xf32, #tpu.memory_space<hbm>>) target(%arg22 : memref<40x16xf32, #tpu.memory_space<vmem>>) target_semaphore(%arg39 : memref<!tpu.dma_semaphore, #tpu.memory_space<semaphore_mem>>)
    %scan3A = arith.constant 0 : i32
    %scan3A_64 = arith.constant 25 : i32
    %scan3A_65 = arith.addi %scan3A, %scan3A_64 : i32
    %scan3A_66 = arith.constant 1 : i32
    scf.for %scan3A_69 = %scan3A to %scan3A_65 step %scan3A_66  : i32 {
      %mul3A_70 = arith.constant 5 : i32
      %mul3A_71 = arith.muli %scan3A_69, %mul3A_70 : i32
      %add3A_72 = arith.constant 0 : i32
      %add3A_73 = arith.addi %add3A_72, %mul3A_71 : i32
      %add3A_74 = arith.constant 0 : i32
      %add3A_75 = arith.addi %add3A_73, %add3A_74 : i32
      %mul3A_76 = arith.constant 40 : i32
      %mul3A_77 = arith.muli %add3A_75, %mul3A_76 : i32
      %add3A_78 = arith.addi %mul3A_4, %mul3A_77 : i32
      %dma_wait3A = tpu.memref_slice %arg4[%add3A_78] : memref<160000xi32, #tpu.memory_space<hbm>> -> memref<40xi32, #tpu.memory_space<hbm>>
      %dma_wait3A_79 = tpu.memref_slice %arg4[%add3A_78] : memref<160000xi32, #tpu.memory_space<hbm>> -> memref<40xi32, #tpu.memory_space<hbm>>
      tpu.wait_dma2 semaphore(%arg25 : memref<!tpu.dma_semaphore, #tpu.memory_space<semaphore_mem>>) src(%dma_wait3A_79 : memref<40xi32, #tpu.memory_space<hbm>>) dst(%arg8 : memref<40xi32, #tpu.memory_space<vmem>>)
      %dma_wait3A_80 = arith.constant 0 : i32
      %dma_wait3A_81 = tpu.memref_slice %arg2[%add3A_78, %dma_wait3A_80] : memref<160000x128xf32, #tpu.memory_space<hbm>> -> memref<40x128xf32, #tpu.memory_space<hbm>>
      %dma_wait3A_82 = arith.constant 0 : i32
      %dma_wait3A_83 = tpu.memref_slice %arg2[%add3A_78, %dma_wait3A_82] : memref<160000x128xf32, #tpu.memory_space<hbm>> -> memref<40x128xf32, #tpu.memory_space<hbm>>
      tpu.wait_dma2 semaphore(%arg30 : memref<!tpu.dma_semaphore, #tpu.memory_space<semaphore_mem>>) src(%dma_wait3A_83 : memref<40x128xf32, #tpu.memory_space<hbm>>) dst(%arg13 : memref<40x128xf32, #tpu.memory_space<vmem>>)
      %dma_wait3A_84 = arith.constant 0 : i32
      %dma_wait3A_85 = tpu.memref_slice %arg3[%add3A_78, %dma_wait3A_84] : memref<160000x128xf32, #tpu.memory_space<hbm>> -> memref<40x16xf32, #tpu.memory_space<hbm>>
      %dma_wait3A_86 = arith.constant 0 : i32
      %dma_wait3A_87 = tpu.memref_slice %arg3[%add3A_78, %dma_wait3A_86] : memref<160000x128xf32, #tpu.memory_space<hbm>> -> memref<40x16xf32, #tpu.memory_space<hbm>>
      tpu.wait_dma2 semaphore(%arg35 : memref<!tpu.dma_semaphore, #tpu.memory_space<semaphore_mem>>) src(%dma_wait3A_87 : memref<40x16xf32, #tpu.memory_space<hbm>>) dst(%arg18 : memref<40x16xf32, #tpu.memory_space<vmem>>)
      "tpu.region"() ({
        %run_scoped3A = tpu.sem_alloc : memref<!tpu.dma_semaphore, #tpu.memory_space<semaphore_mem>>
        %dma_start3A_180 = arith.constant 0 : i32
        %dma_start3A_181 = arith.constant 0 : i32
        %dma_start3A_182 = tpu.memref_slice %arg23[%dma_start3A_180, %dma_start3A_181] : memref<10000x128xf32, #tpu.memory_space<vmem_shared>> -> memref<10000x128xf32, #tpu.memory_space<vmem_shared>>
        tpu.enqueue_indirect_dma source(%arg13 : memref<40x128xf32, #tpu.memory_space<vmem>>) target(%dma_start3A_182 : memref<10000x128xf32, #tpu.memory_space<vmem_shared>>) offsets(%arg8 : memref<40xi32, #tpu.memory_space<vmem>>) semaphore(%run_scoped3A : memref<!tpu.dma_semaphore, #tpu.memory_space<semaphore_mem>>) {add = true}
        %dma_wait3A_183 = arith.constant 0 : i32
        %dma_wait3A_184 = arith.constant 0 : i32
        %dma_wait3A_185 = tpu.memref_slice %arg23[%dma_wait3A_183, %dma_wait3A_184] : memref<10000x128xf32, #tpu.memory_space<vmem_shared>> -> memref<10000x128xf32, #tpu.memory_space<vmem_shared>>
        tpu.wait_indirect_dma semaphore(%run_scoped3A : memref<!tpu.dma_semaphore, #tpu.memory_space<semaphore_mem>>) src(%arg13 : memref<40x128xf32, #tpu.memory_space<vmem>>) dst(%dma_wait3A_185 : memref<10000x128xf32, #tpu.memory_space<vmem_shared>>)
        tpu.yield
      }) : () -> ()
      "tpu.region"() ({
        %run_scoped3A = tpu.sem_alloc : memref<!tpu.dma_semaphore, #tpu.memory_space<semaphore_mem>>
        %dma_start3A_180 = arith.constant 0 : i32
        %dma_start3A_181 = arith.constant 0 : i32
        %dma_start3A_182 = tpu.memref_slice %arg24[%dma_start3A_180, %dma_start3A_181] : memref<10000x16xf32, #tpu.memory_space<vmem_shared>> -> memref<10000x16xf32, #tpu.memory_space<vmem_shared>>
        tpu.enqueue_indirect_dma source(%arg18 : memref<40x16xf32, #tpu.memory_space<vmem>>) target(%dma_start3A_182 : memref<10000x16xf32, #tpu.memory_space<vmem_shared>>) offsets(%arg8 : memref<40xi32, #tpu.memory_space<vmem>>) semaphore(%run_scoped3A : memref<!tpu.dma_semaphore, #tpu.memory_space<semaphore_mem>>) {add = true}
        %dma_wait3A_183 = arith.constant 0 : i32
        %dma_wait3A_184 = arith.constant 0 : i32
        %dma_wait3A_185 = tpu.memref_slice %arg24[%dma_wait3A_183, %dma_wait3A_184] : memref<10000x16xf32, #tpu.memory_space<vmem_shared>> -> memref<10000x16xf32, #tpu.memory_space<vmem_shared>>
        tpu.wait_indirect_dma semaphore(%run_scoped3A : memref<!tpu.dma_semaphore, #tpu.memory_space<semaphore_mem>>) src(%arg18 : memref<40x16xf32, #tpu.memory_space<vmem>>) dst(%dma_wait3A_185 : memref<10000x16xf32, #tpu.memory_space<vmem_shared>>)
        tpu.yield
      }) : () -> ()
      %add3A_88 = arith.constant 5 : i32
      %add3A_89 = arith.addi %add3A_75, %add3A_88 : i32
      %lt3A = arith.constant 125 : i32
      %lt3A_90 = arith.cmpi slt, %add3A_89, %lt3A : i32
      %convert_element_type3A = arith.extui %lt3A_90 : i1 to i32
      %cond3A = arith.constant 0 : i32
      %cond3A_91 = arith.cmpi ne, %convert_element_type3A, %cond3A : i32
      scf.if %cond3A_91 {
        %mul3A_180 = arith.constant 40 : i32
        %mul3A_181 = arith.muli %add3A_89, %mul3A_180 : i32
        %add3A_182 = arith.addi %mul3A_4, %mul3A_181 : i32
        %dma_start3A_183 = tpu.memref_slice %arg4[%add3A_182] : memref<160000xi32, #tpu.memory_space<hbm>> -> memref<40xi32, #tpu.memory_space<hbm>>
        %dma_start3A_184 = tpu.memref_slice %arg4[%add3A_182] : memref<160000xi32, #tpu.memory_space<hbm>> -> memref<40xi32, #tpu.memory_space<hbm>>
        tpu.enqueue_dma source(%dma_start3A_184 : memref<40xi32, #tpu.memory_space<hbm>>) target(%arg8 : memref<40xi32, #tpu.memory_space<vmem>>) target_semaphore(%arg25 : memref<!tpu.dma_semaphore, #tpu.memory_space<semaphore_mem>>)
        %dma_start3A_185 = arith.constant 0 : i32
        %dma_start3A_186 = tpu.memref_slice %arg2[%add3A_182, %dma_start3A_185] : memref<160000x128xf32, #tpu.memory_space<hbm>> -> memref<40x128xf32, #tpu.memory_space<hbm>>
        %dma_start3A_187 = arith.constant 0 : i32
        %dma_start3A_188 = tpu.memref_slice %arg2[%add3A_182, %dma_start3A_187] : memref<160000x128xf32, #tpu.memory_space<hbm>> -> memref<40x128xf32, #tpu.memory_space<hbm>>
        tpu.enqueue_dma source(%dma_start3A_188 : memref<40x128xf32, #tpu.memory_space<hbm>>) target(%arg13 : memref<40x128xf32, #tpu.memory_space<vmem>>) target_semaphore(%arg30 : memref<!tpu.dma_semaphore, #tpu.memory_space<semaphore_mem>>)
        %dma_start3A_189 = arith.constant 0 : i32
        %dma_start3A_190 = tpu.memref_slice %arg3[%add3A_182, %dma_start3A_189] : memref<160000x128xf32, #tpu.memory_space<hbm>> -> memref<40x16xf32, #tpu.memory_space<hbm>>
        %dma_start3A_191 = arith.constant 0 : i32
        %dma_start3A_192 = tpu.memref_slice %arg3[%add3A_182, %dma_start3A_191] : memref<160000x128xf32, #tpu.memory_space<hbm>> -> memref<40x16xf32, #tpu.memory_space<hbm>>
        tpu.enqueue_dma source(%dma_start3A_192 : memref<40x16xf32, #tpu.memory_space<hbm>>) target(%arg18 : memref<40x16xf32, #tpu.memory_space<vmem>>) target_semaphore(%arg35 : memref<!tpu.dma_semaphore, #tpu.memory_space<semaphore_mem>>)
      } else {
      }
      %add3A_92 = arith.constant 1 : i32
      %add3A_93 = arith.addi %add3A_73, %add3A_92 : i32
      %mul3A_94 = arith.constant 40 : i32
      %mul3A_95 = arith.muli %add3A_93, %mul3A_94 : i32
      %add3A_96 = arith.addi %mul3A_4, %mul3A_95 : i32
      %dma_wait3A_97 = tpu.memref_slice %arg4[%add3A_96] : memref<160000xi32, #tpu.memory_space<hbm>> -> memref<40xi32, #tpu.memory_space<hbm>>
      %dma_wait3A_98 = tpu.memref_slice %arg4[%add3A_96] : memref<160000xi32, #tpu.memory_space<hbm>> -> memref<40xi32, #tpu.memory_space<hbm>>
      tpu.wait_dma2 semaphore(%arg26 : memref<!tpu.dma_semaphore, #tpu.memory_space<semaphore_mem>>) src(%dma_wait3A_98 : memref<40xi32, #tpu.memory_space<hbm>>) dst(%arg9 : memref<40xi32, #tpu.memory_space<vmem>>)
      %dma_wait3A_99 = arith.constant 0 : i32
      %dma_wait3A_100 = tpu.memref_slice %arg2[%add3A_96, %dma_wait3A_99] : memref<160000x128xf32, #tpu.memory_space<hbm>> -> memref<40x128xf32, #tpu.memory_space<hbm>>
      %dma_wait3A_101 = arith.constant 0 : i32
      %dma_wait3A_102 = tpu.memref_slice %arg2[%add3A_96, %dma_wait3A_101] : memref<160000x128xf32, #tpu.memory_space<hbm>> -> memref<40x128xf32, #tpu.memory_space<hbm>>
      tpu.wait_dma2 semaphore(%arg31 : memref<!tpu.dma_semaphore, #tpu.memory_space<semaphore_mem>>) src(%dma_wait3A_102 : memref<40x128xf32, #tpu.memory_space<hbm>>) dst(%arg14 : memref<40x128xf32, #tpu.memory_space<vmem>>)
      %dma_wait3A_103 = arith.constant 0 : i32
      %dma_wait3A_104 = tpu.memref_slice %arg3[%add3A_96, %dma_wait3A_103] : memref<160000x128xf32, #tpu.memory_space<hbm>> -> memref<40x16xf32, #tpu.memory_space<hbm>>
      %dma_wait3A_105 = arith.constant 0 : i32
      %dma_wait3A_106 = tpu.memref_slice %arg3[%add3A_96, %dma_wait3A_105] : memref<160000x128xf32, #tpu.memory_space<hbm>> -> memref<40x16xf32, #tpu.memory_space<hbm>>
      tpu.wait_dma2 semaphore(%arg36 : memref<!tpu.dma_semaphore, #tpu.memory_space<semaphore_mem>>) src(%dma_wait3A_106 : memref<40x16xf32, #tpu.memory_space<hbm>>) dst(%arg19 : memref<40x16xf32, #tpu.memory_space<vmem>>)
      "tpu.region"() ({
        %run_scoped3A = tpu.sem_alloc : memref<!tpu.dma_semaphore, #tpu.memory_space<semaphore_mem>>
        %dma_start3A_180 = arith.constant 0 : i32
        %dma_start3A_181 = arith.constant 0 : i32
        %dma_start3A_182 = tpu.memref_slice %arg23[%dma_start3A_180, %dma_start3A_181] : memref<10000x128xf32, #tpu.memory_space<vmem_shared>> -> memref<10000x128xf32, #tpu.memory_space<vmem_shared>>
        tpu.enqueue_indirect_dma source(%arg14 : memref<40x128xf32, #tpu.memory_space<vmem>>) target(%dma_start3A_182 : memref<10000x128xf32, #tpu.memory_space<vmem_shared>>) offsets(%arg9 : memref<40xi32, #tpu.memory_space<vmem>>) semaphore(%run_scoped3A : memref<!tpu.dma_semaphore, #tpu.memory_space<semaphore_mem>>) {add = true}
        %dma_wait3A_183 = arith.constant 0 : i32
        %dma_wait3A_184 = arith.constant 0 : i32
        %dma_wait3A_185 = tpu.memref_slice %arg23[%dma_wait3A_183, %dma_wait3A_184] : memref<10000x128xf32, #tpu.memory_space<vmem_shared>> -> memref<10000x128xf32, #tpu.memory_space<vmem_shared>>
        tpu.wait_indirect_dma semaphore(%run_scoped3A : memref<!tpu.dma_semaphore, #tpu.memory_space<semaphore_mem>>) src(%arg14 : memref<40x128xf32, #tpu.memory_space<vmem>>) dst(%dma_wait3A_185 : memref<10000x128xf32, #tpu.memory_space<vmem_shared>>)
        tpu.yield
      }) : () -> ()
      "tpu.region"() ({
        %run_scoped3A = tpu.sem_alloc : memref<!tpu.dma_semaphore, #tpu.memory_space<semaphore_mem>>
        %dma_start3A_180 = arith.constant 0 : i32
        %dma_start3A_181 = arith.constant 0 : i32
        %dma_start3A_182 = tpu.memref_slice %arg24[%dma_start3A_180, %dma_start3A_181] : memref<10000x16xf32, #tpu.memory_space<vmem_shared>> -> memref<10000x16xf32, #tpu.memory_space<vmem_shared>>
        tpu.enqueue_indirect_dma source(%arg19 : memref<40x16xf32, #tpu.memory_space<vmem>>) target(%dma_start3A_182 : memref<10000x16xf32, #tpu.memory_space<vmem_shared>>) offsets(%arg9 : memref<40xi32, #tpu.memory_space<vmem>>) semaphore(%run_scoped3A : memref<!tpu.dma_semaphore, #tpu.memory_space<semaphore_mem>>) {add = true}
        %dma_wait3A_183 = arith.constant 0 : i32
        %dma_wait3A_184 = arith.constant 0 : i32
        %dma_wait3A_185 = tpu.memref_slice %arg24[%dma_wait3A_183, %dma_wait3A_184] : memref<10000x16xf32, #tpu.memory_space<vmem_shared>> -> memref<10000x16xf32, #tpu.memory_space<vmem_shared>>
        tpu.wait_indirect_dma semaphore(%run_scoped3A : memref<!tpu.dma_semaphore, #tpu.memory_space<semaphore_mem>>) src(%arg19 : memref<40x16xf32, #tpu.memory_space<vmem>>) dst(%dma_wait3A_185 : memref<10000x16xf32, #tpu.memory_space<vmem_shared>>)
        tpu.yield
      }) : () -> ()
      %add3A_107 = arith.constant 5 : i32
      %add3A_108 = arith.addi %add3A_93, %add3A_107 : i32
      %lt3A_109 = arith.constant 125 : i32
      %lt3A_110 = arith.cmpi slt, %add3A_108, %lt3A_109 : i32
      %convert_element_type3A_111 = arith.extui %lt3A_110 : i1 to i32
      %cond3A_112 = arith.constant 0 : i32
      %cond3A_113 = arith.cmpi ne, %convert_element_type3A_111, %cond3A_112 : i32
      scf.if %cond3A_113 {
        %mul3A_180 = arith.constant 40 : i32
        %mul3A_181 = arith.muli %add3A_108, %mul3A_180 : i32
        %add3A_182 = arith.addi %mul3A_4, %mul3A_181 : i32
        %dma_start3A_183 = tpu.memref_slice %arg4[%add3A_182] : memref<160000xi32, #tpu.memory_space<hbm>> -> memref<40xi32, #tpu.memory_space<hbm>>
        %dma_start3A_184 = tpu.memref_slice %arg4[%add3A_182] : memref<160000xi32, #tpu.memory_space<hbm>> -> memref<40xi32, #tpu.memory_space<hbm>>
        tpu.enqueue_dma source(%dma_start3A_184 : memref<40xi32, #tpu.memory_space<hbm>>) target(%arg9 : memref<40xi32, #tpu.memory_space<vmem>>) target_semaphore(%arg26 : memref<!tpu.dma_semaphore, #tpu.memory_space<semaphore_mem>>)
        %dma_start3A_185 = arith.constant 0 : i32
        %dma_start3A_186 = tpu.memref_slice %arg2[%add3A_182, %dma_start3A_185] : memref<160000x128xf32, #tpu.memory_space<hbm>> -> memref<40x128xf32, #tpu.memory_space<hbm>>
        %dma_start3A_187 = arith.constant 0 : i32
        %dma_start3A_188 = tpu.memref_slice %arg2[%add3A_182, %dma_start3A_187] : memref<160000x128xf32, #tpu.memory_space<hbm>> -> memref<40x128xf32, #tpu.memory_space<hbm>>
        tpu.enqueue_dma source(%dma_start3A_188 : memref<40x128xf32, #tpu.memory_space<hbm>>) target(%arg14 : memref<40x128xf32, #tpu.memory_space<vmem>>) target_semaphore(%arg31 : memref<!tpu.dma_semaphore, #tpu.memory_space<semaphore_mem>>)
        %dma_start3A_189 = arith.constant 0 : i32
        %dma_start3A_190 = tpu.memref_slice %arg3[%add3A_182, %dma_start3A_189] : memref<160000x128xf32, #tpu.memory_space<hbm>> -> memref<40x16xf32, #tpu.memory_space<hbm>>
        %dma_start3A_191 = arith.constant 0 : i32
        %dma_start3A_192 = tpu.memref_slice %arg3[%add3A_182, %dma_start3A_191] : memref<160000x128xf32, #tpu.memory_space<hbm>> -> memref<40x16xf32, #tpu.memory_space<hbm>>
        tpu.enqueue_dma source(%dma_start3A_192 : memref<40x16xf32, #tpu.memory_space<hbm>>) target(%arg19 : memref<40x16xf32, #tpu.memory_space<vmem>>) target_semaphore(%arg36 : memref<!tpu.dma_semaphore, #tpu.memory_space<semaphore_mem>>)
      } else {
      }
      %add3A_114 = arith.constant 2 : i32
      %add3A_115 = arith.addi %add3A_73, %add3A_114 : i32
      %mul3A_116 = arith.constant 40 : i32
      %mul3A_117 = arith.muli %add3A_115, %mul3A_116 : i32
      %add3A_118 = arith.addi %mul3A_4, %mul3A_117 : i32
      %dma_wait3A_119 = tpu.memref_slice %arg4[%add3A_118] : memref<160000xi32, #tpu.memory_space<hbm>> -> memref<40xi32, #tpu.memory_space<hbm>>
      %dma_wait3A_120 = tpu.memref_slice %arg4[%add3A_118] : memref<160000xi32, #tpu.memory_space<hbm>> -> memref<40xi32, #tpu.memory_space<hbm>>
      tpu.wait_dma2 semaphore(%arg27 : memref<!tpu.dma_semaphore, #tpu.memory_space<semaphore_mem>>) src(%dma_wait3A_120 : memref<40xi32, #tpu.memory_space<hbm>>) dst(%arg10 : memref<40xi32, #tpu.memory_space<vmem>>)
      %dma_wait3A_121 = arith.constant 0 : i32
      %dma_wait3A_122 = tpu.memref_slice %arg2[%add3A_118, %dma_wait3A_121] : memref<160000x128xf32, #tpu.memory_space<hbm>> -> memref<40x128xf32, #tpu.memory_space<hbm>>
      %dma_wait3A_123 = arith.constant 0 : i32
      %dma_wait3A_124 = tpu.memref_slice %arg2[%add3A_118, %dma_wait3A_123] : memref<160000x128xf32, #tpu.memory_space<hbm>> -> memref<40x128xf32, #tpu.memory_space<hbm>>
      tpu.wait_dma2 semaphore(%arg32 : memref<!tpu.dma_semaphore, #tpu.memory_space<semaphore_mem>>) src(%dma_wait3A_124 : memref<40x128xf32, #tpu.memory_space<hbm>>) dst(%arg15 : memref<40x128xf32, #tpu.memory_space<vmem>>)
      %dma_wait3A_125 = arith.constant 0 : i32
      %dma_wait3A_126 = tpu.memref_slice %arg3[%add3A_118, %dma_wait3A_125] : memref<160000x128xf32, #tpu.memory_space<hbm>> -> memref<40x16xf32, #tpu.memory_space<hbm>>
      %dma_wait3A_127 = arith.constant 0 : i32
      %dma_wait3A_128 = tpu.memref_slice %arg3[%add3A_118, %dma_wait3A_127] : memref<160000x128xf32, #tpu.memory_space<hbm>> -> memref<40x16xf32, #tpu.memory_space<hbm>>
      tpu.wait_dma2 semaphore(%arg37 : memref<!tpu.dma_semaphore, #tpu.memory_space<semaphore_mem>>) src(%dma_wait3A_128 : memref<40x16xf32, #tpu.memory_space<hbm>>) dst(%arg20 : memref<40x16xf32, #tpu.memory_space<vmem>>)
      "tpu.region"() ({
        %run_scoped3A = tpu.sem_alloc : memref<!tpu.dma_semaphore, #tpu.memory_space<semaphore_mem>>
        %dma_start3A_180 = arith.constant 0 : i32
        %dma_start3A_181 = arith.constant 0 : i32
        %dma_start3A_182 = tpu.memref_slice %arg23[%dma_start3A_180, %dma_start3A_181] : memref<10000x128xf32, #tpu.memory_space<vmem_shared>> -> memref<10000x128xf32, #tpu.memory_space<vmem_shared>>
        tpu.enqueue_indirect_dma source(%arg15 : memref<40x128xf32, #tpu.memory_space<vmem>>) target(%dma_start3A_182 : memref<10000x128xf32, #tpu.memory_space<vmem_shared>>) offsets(%arg10 : memref<40xi32, #tpu.memory_space<vmem>>) semaphore(%run_scoped3A : memref<!tpu.dma_semaphore, #tpu.memory_space<semaphore_mem>>) {add = true}
        %dma_wait3A_183 = arith.constant 0 : i32
        %dma_wait3A_184 = arith.constant 0 : i32
        %dma_wait3A_185 = tpu.memref_slice %arg23[%dma_wait3A_183, %dma_wait3A_184] : memref<10000x128xf32, #tpu.memory_space<vmem_shared>> -> memref<10000x128xf32, #tpu.memory_space<vmem_shared>>
        tpu.wait_indirect_dma semaphore(%run_scoped3A : memref<!tpu.dma_semaphore, #tpu.memory_space<semaphore_mem>>) src(%arg15 : memref<40x128xf32, #tpu.memory_space<vmem>>) dst(%dma_wait3A_185 : memref<10000x128xf32, #tpu.memory_space<vmem_shared>>)
        tpu.yield
      }) : () -> ()
      "tpu.region"() ({
        %run_scoped3A = tpu.sem_alloc : memref<!tpu.dma_semaphore, #tpu.memory_space<semaphore_mem>>
        %dma_start3A_180 = arith.constant 0 : i32
        %dma_start3A_181 = arith.constant 0 : i32
        %dma_start3A_182 = tpu.memref_slice %arg24[%dma_start3A_180, %dma_start3A_181] : memref<10000x16xf32, #tpu.memory_space<vmem_shared>> -> memref<10000x16xf32, #tpu.memory_space<vmem_shared>>
        tpu.enqueue_indirect_dma source(%arg20 : memref<40x16xf32, #tpu.memory_space<vmem>>) target(%dma_start3A_182 : memref<10000x16xf32, #tpu.memory_space<vmem_shared>>) offsets(%arg10 : memref<40xi32, #tpu.memory_space<vmem>>) semaphore(%run_scoped3A : memref<!tpu.dma_semaphore, #tpu.memory_space<semaphore_mem>>) {add = true}
        %dma_wait3A_183 = arith.constant 0 : i32
        %dma_wait3A_184 = arith.constant 0 : i32
        %dma_wait3A_185 = tpu.memref_slice %arg24[%dma_wait3A_183, %dma_wait3A_184] : memref<10000x16xf32, #tpu.memory_space<vmem_shared>> -> memref<10000x16xf32, #tpu.memory_space<vmem_shared>>
        tpu.wait_indirect_dma semaphore(%run_scoped3A : memref<!tpu.dma_semaphore, #tpu.memory_space<semaphore_mem>>) src(%arg20 : memref<40x16xf32, #tpu.memory_space<vmem>>) dst(%dma_wait3A_185 : memref<10000x16xf32, #tpu.memory_space<vmem_shared>>)
        tpu.yield
      }) : () -> ()
      %add3A_129 = arith.constant 5 : i32
      %add3A_130 = arith.addi %add3A_115, %add3A_129 : i32
      %lt3A_131 = arith.constant 125 : i32
      %lt3A_132 = arith.cmpi slt, %add3A_130, %lt3A_131 : i32
      %convert_element_type3A_133 = arith.extui %lt3A_132 : i1 to i32
      %cond3A_134 = arith.constant 0 : i32
      %cond3A_135 = arith.cmpi ne, %convert_element_type3A_133, %cond3A_134 : i32
      scf.if %cond3A_135 {
        %mul3A_180 = arith.constant 40 : i32
        %mul3A_181 = arith.muli %add3A_130, %mul3A_180 : i32
        %add3A_182 = arith.addi %mul3A_4, %mul3A_181 : i32
        %dma_start3A_183 = tpu.memref_slice %arg4[%add3A_182] : memref<160000xi32, #tpu.memory_space<hbm>> -> memref<40xi32, #tpu.memory_space<hbm>>
        %dma_start3A_184 = tpu.memref_slice %arg4[%add3A_182] : memref<160000xi32, #tpu.memory_space<hbm>> -> memref<40xi32, #tpu.memory_space<hbm>>
        tpu.enqueue_dma source(%dma_start3A_184 : memref<40xi32, #tpu.memory_space<hbm>>) target(%arg10 : memref<40xi32, #tpu.memory_space<vmem>>) target_semaphore(%arg27 : memref<!tpu.dma_semaphore, #tpu.memory_space<semaphore_mem>>)
        %dma_start3A_185 = arith.constant 0 : i32
        %dma_start3A_186 = tpu.memref_slice %arg2[%add3A_182, %dma_start3A_185] : memref<160000x128xf32, #tpu.memory_space<hbm>> -> memref<40x128xf32, #tpu.memory_space<hbm>>
        %dma_start3A_187 = arith.constant 0 : i32
        %dma_start3A_188 = tpu.memref_slice %arg2[%add3A_182, %dma_start3A_187] : memref<160000x128xf32, #tpu.memory_space<hbm>> -> memref<40x128xf32, #tpu.memory_space<hbm>>
        tpu.enqueue_dma source(%dma_start3A_188 : memref<40x128xf32, #tpu.memory_space<hbm>>) target(%arg15 : memref<40x128xf32, #tpu.memory_space<vmem>>) target_semaphore(%arg32 : memref<!tpu.dma_semaphore, #tpu.memory_space<semaphore_mem>>)
        %dma_start3A_189 = arith.constant 0 : i32
        %dma_start3A_190 = tpu.memref_slice %arg3[%add3A_182, %dma_start3A_189] : memref<160000x128xf32, #tpu.memory_space<hbm>> -> memref<40x16xf32, #tpu.memory_space<hbm>>
        %dma_start3A_191 = arith.constant 0 : i32
        %dma_start3A_192 = tpu.memref_slice %arg3[%add3A_182, %dma_start3A_191] : memref<160000x128xf32, #tpu.memory_space<hbm>> -> memref<40x16xf32, #tpu.memory_space<hbm>>
        tpu.enqueue_dma source(%dma_start3A_192 : memref<40x16xf32, #tpu.memory_space<hbm>>) target(%arg20 : memref<40x16xf32, #tpu.memory_space<vmem>>) target_semaphore(%arg37 : memref<!tpu.dma_semaphore, #tpu.memory_space<semaphore_mem>>)
      } else {
      }
      %add3A_136 = arith.constant 3 : i32
      %add3A_137 = arith.addi %add3A_73, %add3A_136 : i32
      %mul3A_138 = arith.constant 40 : i32
      %mul3A_139 = arith.muli %add3A_137, %mul3A_138 : i32
      %add3A_140 = arith.addi %mul3A_4, %mul3A_139 : i32
      %dma_wait3A_141 = tpu.memref_slice %arg4[%add3A_140] : memref<160000xi32, #tpu.memory_space<hbm>> -> memref<40xi32, #tpu.memory_space<hbm>>
      %dma_wait3A_142 = tpu.memref_slice %arg4[%add3A_140] : memref<160000xi32, #tpu.memory_space<hbm>> -> memref<40xi32, #tpu.memory_space<hbm>>
      tpu.wait_dma2 semaphore(%arg28 : memref<!tpu.dma_semaphore, #tpu.memory_space<semaphore_mem>>) src(%dma_wait3A_142 : memref<40xi32, #tpu.memory_space<hbm>>) dst(%arg11 : memref<40xi32, #tpu.memory_space<vmem>>)
      %dma_wait3A_143 = arith.constant 0 : i32
      %dma_wait3A_144 = tpu.memref_slice %arg2[%add3A_140, %dma_wait3A_143] : memref<160000x128xf32, #tpu.memory_space<hbm>> -> memref<40x128xf32, #tpu.memory_space<hbm>>
      %dma_wait3A_145 = arith.constant 0 : i32
      %dma_wait3A_146 = tpu.memref_slice %arg2[%add3A_140, %dma_wait3A_145] : memref<160000x128xf32, #tpu.memory_space<hbm>> -> memref<40x128xf32, #tpu.memory_space<hbm>>
      tpu.wait_dma2 semaphore(%arg33 : memref<!tpu.dma_semaphore, #tpu.memory_space<semaphore_mem>>) src(%dma_wait3A_146 : memref<40x128xf32, #tpu.memory_space<hbm>>) dst(%arg16 : memref<40x128xf32, #tpu.memory_space<vmem>>)
      %dma_wait3A_147 = arith.constant 0 : i32
      %dma_wait3A_148 = tpu.memref_slice %arg3[%add3A_140, %dma_wait3A_147] : memref<160000x128xf32, #tpu.memory_space<hbm>> -> memref<40x16xf32, #tpu.memory_space<hbm>>
      %dma_wait3A_149 = arith.constant 0 : i32
      %dma_wait3A_150 = tpu.memref_slice %arg3[%add3A_140, %dma_wait3A_149] : memref<160000x128xf32, #tpu.memory_space<hbm>> -> memref<40x16xf32, #tpu.memory_space<hbm>>
      tpu.wait_dma2 semaphore(%arg38 : memref<!tpu.dma_semaphore, #tpu.memory_space<semaphore_mem>>) src(%dma_wait3A_150 : memref<40x16xf32, #tpu.memory_space<hbm>>) dst(%arg21 : memref<40x16xf32, #tpu.memory_space<vmem>>)
      "tpu.region"() ({
        %run_scoped3A = tpu.sem_alloc : memref<!tpu.dma_semaphore, #tpu.memory_space<semaphore_mem>>
        %dma_start3A_180 = arith.constant 0 : i32
        %dma_start3A_181 = arith.constant 0 : i32
        %dma_start3A_182 = tpu.memref_slice %arg23[%dma_start3A_180, %dma_start3A_181] : memref<10000x128xf32, #tpu.memory_space<vmem_shared>> -> memref<10000x128xf32, #tpu.memory_space<vmem_shared>>
        tpu.enqueue_indirect_dma source(%arg16 : memref<40x128xf32, #tpu.memory_space<vmem>>) target(%dma_start3A_182 : memref<10000x128xf32, #tpu.memory_space<vmem_shared>>) offsets(%arg11 : memref<40xi32, #tpu.memory_space<vmem>>) semaphore(%run_scoped3A : memref<!tpu.dma_semaphore, #tpu.memory_space<semaphore_mem>>) {add = true}
        %dma_wait3A_183 = arith.constant 0 : i32
        %dma_wait3A_184 = arith.constant 0 : i32
        %dma_wait3A_185 = tpu.memref_slice %arg23[%dma_wait3A_183, %dma_wait3A_184] : memref<10000x128xf32, #tpu.memory_space<vmem_shared>> -> memref<10000x128xf32, #tpu.memory_space<vmem_shared>>
        tpu.wait_indirect_dma semaphore(%run_scoped3A : memref<!tpu.dma_semaphore, #tpu.memory_space<semaphore_mem>>) src(%arg16 : memref<40x128xf32, #tpu.memory_space<vmem>>) dst(%dma_wait3A_185 : memref<10000x128xf32, #tpu.memory_space<vmem_shared>>)
        tpu.yield
      }) : () -> ()
      "tpu.region"() ({
        %run_scoped3A = tpu.sem_alloc : memref<!tpu.dma_semaphore, #tpu.memory_space<semaphore_mem>>
        %dma_start3A_180 = arith.constant 0 : i32
        %dma_start3A_181 = arith.constant 0 : i32
        %dma_start3A_182 = tpu.memref_slice %arg24[%dma_start3A_180, %dma_start3A_181] : memref<10000x16xf32, #tpu.memory_space<vmem_shared>> -> memref<10000x16xf32, #tpu.memory_space<vmem_shared>>
        tpu.enqueue_indirect_dma source(%arg21 : memref<40x16xf32, #tpu.memory_space<vmem>>) target(%dma_start3A_182 : memref<10000x16xf32, #tpu.memory_space<vmem_shared>>) offsets(%arg11 : memref<40xi32, #tpu.memory_space<vmem>>) semaphore(%run_scoped3A : memref<!tpu.dma_semaphore, #tpu.memory_space<semaphore_mem>>) {add = true}
        %dma_wait3A_183 = arith.constant 0 : i32
        %dma_wait3A_184 = arith.constant 0 : i32
        %dma_wait3A_185 = tpu.memref_slice %arg24[%dma_wait3A_183, %dma_wait3A_184] : memref<10000x16xf32, #tpu.memory_space<vmem_shared>> -> memref<10000x16xf32, #tpu.memory_space<vmem_shared>>
        tpu.wait_indirect_dma semaphore(%run_scoped3A : memref<!tpu.dma_semaphore, #tpu.memory_space<semaphore_mem>>) src(%arg21 : memref<40x16xf32, #tpu.memory_space<vmem>>) dst(%dma_wait3A_185 : memref<10000x16xf32, #tpu.memory_space<vmem_shared>>)
        tpu.yield
      }) : () -> ()
      %add3A_151 = arith.constant 5 : i32
      %add3A_152 = arith.addi %add3A_137, %add3A_151 : i32
      %lt3A_153 = arith.constant 125 : i32
      %lt3A_154 = arith.cmpi slt, %add3A_152, %lt3A_153 : i32
      %convert_element_type3A_155 = arith.extui %lt3A_154 : i1 to i32
      %cond3A_156 = arith.constant 0 : i32
      %cond3A_157 = arith.cmpi ne, %convert_element_type3A_155, %cond3A_156 : i32
      scf.if %cond3A_157 {
        %mul3A_180 = arith.constant 40 : i32
        %mul3A_181 = arith.muli %add3A_152, %mul3A_180 : i32
        %add3A_182 = arith.addi %mul3A_4, %mul3A_181 : i32
        %dma_start3A_183 = tpu.memref_slice %arg4[%add3A_182] : memref<160000xi32, #tpu.memory_space<hbm>> -> memref<40xi32, #tpu.memory_space<hbm>>
        %dma_start3A_184 = tpu.memref_slice %arg4[%add3A_182] : memref<160000xi32, #tpu.memory_space<hbm>> -> memref<40xi32, #tpu.memory_space<hbm>>
        tpu.enqueue_dma source(%dma_start3A_184 : memref<40xi32, #tpu.memory_space<hbm>>) target(%arg11 : memref<40xi32, #tpu.memory_space<vmem>>) target_semaphore(%arg28 : memref<!tpu.dma_semaphore, #tpu.memory_space<semaphore_mem>>)
        %dma_start3A_185 = arith.constant 0 : i32
        %dma_start3A_186 = tpu.memref_slice %arg2[%add3A_182, %dma_start3A_185] : memref<160000x128xf32, #tpu.memory_space<hbm>> -> memref<40x128xf32, #tpu.memory_space<hbm>>
        %dma_start3A_187 = arith.constant 0 : i32
        %dma_start3A_188 = tpu.memref_slice %arg2[%add3A_182, %dma_start3A_187] : memref<160000x128xf32, #tpu.memory_space<hbm>> -> memref<40x128xf32, #tpu.memory_space<hbm>>
        tpu.enqueue_dma source(%dma_start3A_188 : memref<40x128xf32, #tpu.memory_space<hbm>>) target(%arg16 : memref<40x128xf32, #tpu.memory_space<vmem>>) target_semaphore(%arg33 : memref<!tpu.dma_semaphore, #tpu.memory_space<semaphore_mem>>)
        %dma_start3A_189 = arith.constant 0 : i32
        %dma_start3A_190 = tpu.memref_slice %arg3[%add3A_182, %dma_start3A_189] : memref<160000x128xf32, #tpu.memory_space<hbm>> -> memref<40x16xf32, #tpu.memory_space<hbm>>
        %dma_start3A_191 = arith.constant 0 : i32
        %dma_start3A_192 = tpu.memref_slice %arg3[%add3A_182, %dma_start3A_191] : memref<160000x128xf32, #tpu.memory_space<hbm>> -> memref<40x16xf32, #tpu.memory_space<hbm>>
        tpu.enqueue_dma source(%dma_start3A_192 : memref<40x16xf32, #tpu.memory_space<hbm>>) target(%arg21 : memref<40x16xf32, #tpu.memory_space<vmem>>) target_semaphore(%arg38 : memref<!tpu.dma_semaphore, #tpu.memory_space<semaphore_mem>>)
      } else {
      }
      %add3A_158 = arith.constant 4 : i32
      %add3A_159 = arith.addi %add3A_73, %add3A_158 : i32
      %mul3A_160 = arith.constant 40 : i32
      %mul3A_161 = arith.muli %add3A_159, %mul3A_160 : i32
      %add3A_162 = arith.addi %mul3A_4, %mul3A_161 : i32
      %dma_wait3A_163 = tpu.memref_slice %arg4[%add3A_162] : memref<160000xi32, #tpu.memory_space<hbm>> -> memref<40xi32, #tpu.memory_space<hbm>>
      %dma_wait3A_164 = tpu.memref_slice %arg4[%add3A_162] : memref<160000xi32, #tpu.memory_space<hbm>> -> memref<40xi32, #tpu.memory_space<hbm>>
      tpu.wait_dma2 semaphore(%arg29 : memref<!tpu.dma_semaphore, #tpu.memory_space<semaphore_mem>>) src(%dma_wait3A_164 : memref<40xi32, #tpu.memory_space<hbm>>) dst(%arg12 : memref<40xi32, #tpu.memory_space<vmem>>)
      %dma_wait3A_165 = arith.constant 0 : i32
      %dma_wait3A_166 = tpu.memref_slice %arg2[%add3A_162, %dma_wait3A_165] : memref<160000x128xf32, #tpu.memory_space<hbm>> -> memref<40x128xf32, #tpu.memory_space<hbm>>
      %dma_wait3A_167 = arith.constant 0 : i32
      %dma_wait3A_168 = tpu.memref_slice %arg2[%add3A_162, %dma_wait3A_167] : memref<160000x128xf32, #tpu.memory_space<hbm>> -> memref<40x128xf32, #tpu.memory_space<hbm>>
      tpu.wait_dma2 semaphore(%arg34 : memref<!tpu.dma_semaphore, #tpu.memory_space<semaphore_mem>>) src(%dma_wait3A_168 : memref<40x128xf32, #tpu.memory_space<hbm>>) dst(%arg17 : memref<40x128xf32, #tpu.memory_space<vmem>>)
      %dma_wait3A_169 = arith.constant 0 : i32
      %dma_wait3A_170 = tpu.memref_slice %arg3[%add3A_162, %dma_wait3A_169] : memref<160000x128xf32, #tpu.memory_space<hbm>> -> memref<40x16xf32, #tpu.memory_space<hbm>>
      %dma_wait3A_171 = arith.constant 0 : i32
      %dma_wait3A_172 = tpu.memref_slice %arg3[%add3A_162, %dma_wait3A_171] : memref<160000x128xf32, #tpu.memory_space<hbm>> -> memref<40x16xf32, #tpu.memory_space<hbm>>
      tpu.wait_dma2 semaphore(%arg39 : memref<!tpu.dma_semaphore, #tpu.memory_space<semaphore_mem>>) src(%dma_wait3A_172 : memref<40x16xf32, #tpu.memory_space<hbm>>) dst(%arg22 : memref<40x16xf32, #tpu.memory_space<vmem>>)
      "tpu.region"() ({
        %run_scoped3A = tpu.sem_alloc : memref<!tpu.dma_semaphore, #tpu.memory_space<semaphore_mem>>
        %dma_start3A_180 = arith.constant 0 : i32
        %dma_start3A_181 = arith.constant 0 : i32
        %dma_start3A_182 = tpu.memref_slice %arg23[%dma_start3A_180, %dma_start3A_181] : memref<10000x128xf32, #tpu.memory_space<vmem_shared>> -> memref<10000x128xf32, #tpu.memory_space<vmem_shared>>
        tpu.enqueue_indirect_dma source(%arg17 : memref<40x128xf32, #tpu.memory_space<vmem>>) target(%dma_start3A_182 : memref<10000x128xf32, #tpu.memory_space<vmem_shared>>) offsets(%arg12 : memref<40xi32, #tpu.memory_space<vmem>>) semaphore(%run_scoped3A : memref<!tpu.dma_semaphore, #tpu.memory_space<semaphore_mem>>) {add = true}
        %dma_wait3A_183 = arith.constant 0 : i32
        %dma_wait3A_184 = arith.constant 0 : i32
        %dma_wait3A_185 = tpu.memref_slice %arg23[%dma_wait3A_183, %dma_wait3A_184] : memref<10000x128xf32, #tpu.memory_space<vmem_shared>> -> memref<10000x128xf32, #tpu.memory_space<vmem_shared>>
        tpu.wait_indirect_dma semaphore(%run_scoped3A : memref<!tpu.dma_semaphore, #tpu.memory_space<semaphore_mem>>) src(%arg17 : memref<40x128xf32, #tpu.memory_space<vmem>>) dst(%dma_wait3A_185 : memref<10000x128xf32, #tpu.memory_space<vmem_shared>>)
        tpu.yield
      }) : () -> ()
      "tpu.region"() ({
        %run_scoped3A = tpu.sem_alloc : memref<!tpu.dma_semaphore, #tpu.memory_space<semaphore_mem>>
        %dma_start3A_180 = arith.constant 0 : i32
        %dma_start3A_181 = arith.constant 0 : i32
        %dma_start3A_182 = tpu.memref_slice %arg24[%dma_start3A_180, %dma_start3A_181] : memref<10000x16xf32, #tpu.memory_space<vmem_shared>> -> memref<10000x16xf32, #tpu.memory_space<vmem_shared>>
        tpu.enqueue_indirect_dma source(%arg22 : memref<40x16xf32, #tpu.memory_space<vmem>>) target(%dma_start3A_182 : memref<10000x16xf32, #tpu.memory_space<vmem_shared>>) offsets(%arg12 : memref<40xi32, #tpu.memory_space<vmem>>) semaphore(%run_scoped3A : memref<!tpu.dma_semaphore, #tpu.memory_space<semaphore_mem>>) {add = true}
        %dma_wait3A_183 = arith.constant 0 : i32
        %dma_wait3A_184 = arith.constant 0 : i32
        %dma_wait3A_185 = tpu.memref_slice %arg24[%dma_wait3A_183, %dma_wait3A_184] : memref<10000x16xf32, #tpu.memory_space<vmem_shared>> -> memref<10000x16xf32, #tpu.memory_space<vmem_shared>>
        tpu.wait_indirect_dma semaphore(%run_scoped3A : memref<!tpu.dma_semaphore, #tpu.memory_space<semaphore_mem>>) src(%arg22 : memref<40x16xf32, #tpu.memory_space<vmem>>) dst(%dma_wait3A_185 : memref<10000x16xf32, #tpu.memory_space<vmem_shared>>)
        tpu.yield
      }) : () -> ()
      %add3A_173 = arith.constant 5 : i32
      %add3A_174 = arith.addi %add3A_159, %add3A_173 : i32
      %lt3A_175 = arith.constant 125 : i32
      %lt3A_176 = arith.cmpi slt, %add3A_174, %lt3A_175 : i32
      %convert_element_type3A_177 = arith.extui %lt3A_176 : i1 to i32
      %cond3A_178 = arith.constant 0 : i32
      %cond3A_179 = arith.cmpi ne, %convert_element_type3A_177, %cond3A_178 : i32
      scf.if %cond3A_179 {
        %mul3A_180 = arith.constant 40 : i32
        %mul3A_181 = arith.muli %add3A_174, %mul3A_180 : i32
        %add3A_182 = arith.addi %mul3A_4, %mul3A_181 : i32
        %dma_start3A_183 = tpu.memref_slice %arg4[%add3A_182] : memref<160000xi32, #tpu.memory_space<hbm>> -> memref<40xi32, #tpu.memory_space<hbm>>
        %dma_start3A_184 = tpu.memref_slice %arg4[%add3A_182] : memref<160000xi32, #tpu.memory_space<hbm>> -> memref<40xi32, #tpu.memory_space<hbm>>
        tpu.enqueue_dma source(%dma_start3A_184 : memref<40xi32, #tpu.memory_space<hbm>>) target(%arg12 : memref<40xi32, #tpu.memory_space<vmem>>) target_semaphore(%arg29 : memref<!tpu.dma_semaphore, #tpu.memory_space<semaphore_mem>>)
        %dma_start3A_185 = arith.constant 0 : i32
        %dma_start3A_186 = tpu.memref_slice %arg2[%add3A_182, %dma_start3A_185] : memref<160000x128xf32, #tpu.memory_space<hbm>> -> memref<40x128xf32, #tpu.memory_space<hbm>>
        %dma_start3A_187 = arith.constant 0 : i32
        %dma_start3A_188 = tpu.memref_slice %arg2[%add3A_182, %dma_start3A_187] : memref<160000x128xf32, #tpu.memory_space<hbm>> -> memref<40x128xf32, #tpu.memory_space<hbm>>
        tpu.enqueue_dma source(%dma_start3A_188 : memref<40x128xf32, #tpu.memory_space<hbm>>) target(%arg17 : memref<40x128xf32, #tpu.memory_space<vmem>>) target_semaphore(%arg34 : memref<!tpu.dma_semaphore, #tpu.memory_space<semaphore_mem>>)
        %dma_start3A_189 = arith.constant 0 : i32
        %dma_start3A_190 = tpu.memref_slice %arg3[%add3A_182, %dma_start3A_189] : memref<160000x128xf32, #tpu.memory_space<hbm>> -> memref<40x16xf32, #tpu.memory_space<hbm>>
        %dma_start3A_191 = arith.constant 0 : i32
        %dma_start3A_192 = tpu.memref_slice %arg3[%add3A_182, %dma_start3A_191] : memref<160000x128xf32, #tpu.memory_space<hbm>> -> memref<40x16xf32, #tpu.memory_space<hbm>>
        tpu.enqueue_dma source(%dma_start3A_192 : memref<40x16xf32, #tpu.memory_space<hbm>>) target(%arg22 : memref<40x16xf32, #tpu.memory_space<vmem>>) target_semaphore(%arg39 : memref<!tpu.dma_semaphore, #tpu.memory_space<semaphore_mem>>)
      } else {
      }
    }
    %scan3A_67 = arith.constant 25 : i32
    %barrier3A_68 = arith.constant 0 : index
    tpu.barrier barrier_id(%barrier3A_68)
    "tpu.region"() ({
      %run_scoped3A = tpu.sem_alloc : memref<!tpu.dma_semaphore, #tpu.memory_space<semaphore_mem>>
      %dma_start3A_69 = arith.constant 0 : i32
      %dma_start3A_70 = tpu.memref_slice %arg6[%arg0, %mul3A_2, %dma_start3A_69] : memref<2x10000x128xf32, #tpu.memory_space<hbm>> -> memref<1x625x128xf32, #tpu.memory_space<hbm>>
      %dma_start3A_71 = tpu.memref_squeeze %dma_start3A_70 : memref<1x625x128xf32, #tpu.memory_space<hbm>> -> memref<625x128xf32, #tpu.memory_space<hbm>>
      %dma_start3A_72 = arith.constant 0 : i32
      %dma_start3A_73 = tpu.memref_slice %arg23[%mul3A_2, %dma_start3A_72] : memref<10000x128xf32, #tpu.memory_space<vmem_shared>> -> memref<625x128xf32, #tpu.memory_space<vmem_shared>>
      tpu.enqueue_dma source(%dma_start3A_73 : memref<625x128xf32, #tpu.memory_space<vmem_shared>>) target(%dma_start3A_71 : memref<625x128xf32, #tpu.memory_space<hbm>>) target_semaphore(%run_scoped3A : memref<!tpu.dma_semaphore, #tpu.memory_space<semaphore_mem>>)
      %dma_wait3A = arith.constant 0 : i32
      %dma_wait3A_74 = tpu.memref_slice %arg6[%arg0, %mul3A_2, %dma_wait3A] : memref<2x10000x128xf32, #tpu.memory_space<hbm>> -> memref<1x625x128xf32, #tpu.memory_space<hbm>>
      %dma_wait3A_75 = tpu.memref_squeeze %dma_wait3A_74 : memref<1x625x128xf32, #tpu.memory_space<hbm>> -> memref<625x128xf32, #tpu.memory_space<hbm>>
      %dma_wait3A_76 = arith.constant 0 : i32
      %dma_wait3A_77 = tpu.memref_slice %arg23[%mul3A_2, %dma_wait3A_76] : memref<10000x128xf32, #tpu.memory_space<vmem_shared>> -> memref<625x128xf32, #tpu.memory_space<vmem_shared>>
      tpu.wait_dma2 semaphore(%run_scoped3A : memref<!tpu.dma_semaphore, #tpu.memory_space<semaphore_mem>>) src(%dma_wait3A_77 : memref<625x128xf32, #tpu.memory_space<vmem_shared>>) dst(%dma_wait3A_75 : memref<625x128xf32, #tpu.memory_space<hbm>>)
      tpu.yield
    }) : () -> ()
    "tpu.region"() ({
      %run_scoped3A = tpu.sem_alloc : memref<!tpu.dma_semaphore, #tpu.memory_space<semaphore_mem>>
      %dma_start3A_69 = arith.constant 0 : i32
      %dma_start3A_70 = tpu.memref_slice %arg7[%arg0, %mul3A_2, %dma_start3A_69] : memref<2x10000x128xf32, #tpu.memory_space<hbm>> -> memref<1x625x16xf32, #tpu.memory_space<hbm>>
      %dma_start3A_71 = tpu.memref_squeeze %dma_start3A_70 : memref<1x625x16xf32, #tpu.memory_space<hbm>> -> memref<625x16xf32, #tpu.memory_space<hbm>>
      %dma_start3A_72 = arith.constant 0 : i32
      %dma_start3A_73 = tpu.memref_slice %arg24[%mul3A_2, %dma_start3A_72] : memref<10000x16xf32, #tpu.memory_space<vmem_shared>> -> memref<625x16xf32, #tpu.memory_space<vmem_shared>>
      tpu.enqueue_dma source(%dma_start3A_73 : memref<625x16xf32, #tpu.memory_space<vmem_shared>>) target(%dma_start3A_71 : memref<625x16xf32, #tpu.memory_space<hbm>>) target_semaphore(%run_scoped3A : memref<!tpu.dma_semaphore, #tpu.memory_space<semaphore_mem>>)
      %dma_wait3A = arith.constant 0 : i32
      %dma_wait3A_74 = tpu.memref_slice %arg7[%arg0, %mul3A_2, %dma_wait3A] : memref<2x10000x128xf32, #tpu.memory_space<hbm>> -> memref<1x625x16xf32, #tpu.memory_space<hbm>>
      %dma_wait3A_75 = tpu.memref_squeeze %dma_wait3A_74 : memref<1x625x16xf32, #tpu.memory_space<hbm>> -> memref<625x16xf32, #tpu.memory_space<hbm>>
      %dma_wait3A_76 = arith.constant 0 : i32
      %dma_wait3A_77 = tpu.memref_slice %arg24[%mul3A_2, %dma_wait3A_76] : memref<10000x16xf32, #tpu.memory_space<vmem_shared>> -> memref<625x16xf32, #tpu.memory_space<vmem_shared>>
      tpu.wait_dma2 semaphore(%run_scoped3A : memref<!tpu.dma_semaphore, #tpu.memory_space<semaphore_mem>>) src(%dma_wait3A_77 : memref<625x16xf32, #tpu.memory_space<vmem_shared>>) dst(%dma_wait3A_75 : memref<625x16xf32, #tpu.memory_space<hbm>>)
      tpu.yield
    }) : () -> ()
    return
  }
}

module attributes {stable_mosaic.version = 14 : i64} {
  func.func @body(%arg0: i32, %arg1: memref<3200x128xf32, #tpu.memory_space<vmem>>, %arg2: memref<16x3200xf32, #tpu.memory_space<vmem>>, %arg3: memref<144x128xf32, #tpu.memory_space<vmem>>, %arg4: memref<144x16xf32, #tpu.memory_space<vmem>>, %arg5: memref<1x144xf32, #tpu.memory_space<vmem>>, %arg6: memref<144x144xf32, #tpu.memory_space<vmem>>, %arg7: memref<1x144xf32, #tpu.memory_space<vmem>>, %arg8: memref<144x144xf32, #tpu.memory_space<vmem>>, %arg9: memref<1x144xf32, #tpu.memory_space<vmem>>, %arg10: memref<3200x128xf32, #tpu.memory_space<vmem>>, %arg11: memref<3200x128xf32, #tpu.memory_space<vmem>>) attributes {dimension_semantics = [#tpu.dimension_semantics<arbitrary>], iteration_bounds = array<i64: 50>, scalar_prefetch = 0 : i64, scratch_operands = 0 : i64, tpu.core_type = #tpu.core_type<tc>, window_params = [{transform_indices = @transform_0, window_bounds = array<i64: 3200, 128>}, {transform_indices = @transform_1, window_bounds = array<i64: 16, 3200>}, {pipeline_mode = #tpu.pipeline_mode<synchronous>, transform_indices = @transform_2, window_bounds = array<i64: 144, 128>}, {pipeline_mode = #tpu.pipeline_mode<synchronous>, transform_indices = @transform_3, window_bounds = array<i64: 144, 16>}, {pipeline_mode = #tpu.pipeline_mode<synchronous>, transform_indices = @transform_4, window_bounds = array<i64: 1, 144>}, {pipeline_mode = #tpu.pipeline_mode<synchronous>, transform_indices = @transform_5, window_bounds = array<i64: 144, 144>}, {pipeline_mode = #tpu.pipeline_mode<synchronous>, transform_indices = @transform_6, window_bounds = array<i64: 1, 144>}, {pipeline_mode = #tpu.pipeline_mode<synchronous>, transform_indices = @transform_7, window_bounds = array<i64: 144, 144>}, {pipeline_mode = #tpu.pipeline_mode<synchronous>, transform_indices = @transform_8, window_bounds = array<i64: 1, 144>}, {transform_indices = @transform_9, window_bounds = array<i64: 3200, 128>}, {transform_indices = @transform_10, window_bounds = array<i64: 3200, 128>}]} {
    %get3A = arith.constant 0 : index
    %get3A_0 = arith.constant 0 : index
    %get3A_1 = vector.load %arg1[%get3A, %get3A_0] : memref<3200x128xf32, #tpu.memory_space<vmem>>, vector<3200x128xf32>
    %get3A_2 = arith.constant 0 : index
    %get3A_3 = arith.constant 0 : index
    %get3A_4 = vector.load %arg3[%get3A_2, %get3A_3] : memref<144x128xf32, #tpu.memory_space<vmem>>, vector<144x128xf32>
    %dot_general3A = arith.constant dense<0.000000e+00> : vector<3200x144xf32>
    %dot_general3A_5 = tpu.matmul %get3A_1, %get3A_4, %dot_general3A {dimension_numbers = #tpu.dot_dimension_numbers<[1], [1], [0], [0], [0, 0, 1, 0], [], []>, transpose_lhs_hint = false} : vector<3200x128xf32>, vector<144x128xf32>, vector<3200x144xf32> -> vector<3200x144xf32>
    %get3A_6 = arith.constant 0 : index
    %get3A_7 = arith.constant 0 : index
    %get3A_8 = vector.load %arg2[%get3A_6, %get3A_7] : memref<16x3200xf32, #tpu.memory_space<vmem>>, vector<16x3200xf32>
    %get3A_9 = arith.constant 0 : index
    %get3A_10 = arith.constant 0 : index
    %get3A_11 = vector.load %arg4[%get3A_9, %get3A_10] : memref<144x16xf32, #tpu.memory_space<vmem>>, vector<144x16xf32>
    %dot_general3A_12 = arith.constant dense<0.000000e+00> : vector<3200x144xf32>
    %dot_general3A_13 = tpu.matmul %get3A_8, %get3A_11, %dot_general3A_12 {dimension_numbers = #tpu.dot_dimension_numbers<[0], [1], [1], [0], [0, 1, 1, 0], [], []>, transpose_lhs_hint = false} : vector<16x3200xf32>, vector<144x16xf32>, vector<3200x144xf32> -> vector<3200x144xf32>
    %add3A = arith.addf %dot_general3A_5, %dot_general3A_13 : vector<3200x144xf32>
    %get3A_14 = arith.constant 0 : index
    %get3A_15 = arith.constant 0 : index
    %get3A_16 = vector.load %arg5[%get3A_14, %get3A_15] : memref<1x144xf32, #tpu.memory_space<vmem>>, vector<1x144xf32>
    %add3A_17 = vector.broadcast %get3A_16 : vector<1x144xf32> to vector<3200x144xf32>
    %add3A_18 = arith.addf %add3A, %add3A_17 : vector<3200x144xf32>
    %max3A = arith.constant 0.000000e+00 : f32
    %max3A_19 = vector.broadcast %max3A : f32 to vector<3200x144xf32>
    %max3A_20 = arith.maximumf %add3A_18, %max3A_19 : vector<3200x144xf32>
    %get3A_21 = arith.constant 0 : index
    %get3A_22 = arith.constant 0 : index
    %get3A_23 = vector.load %arg6[%get3A_21, %get3A_22] : memref<144x144xf32, #tpu.memory_space<vmem>>, vector<144x144xf32>
    %dot_general3A_24 = arith.constant dense<0.000000e+00> : vector<3200x144xf32>
    %dot_general3A_25 = tpu.matmul %max3A_20, %get3A_23, %dot_general3A_24 {dimension_numbers = #tpu.dot_dimension_numbers<[1], [1], [0], [0], [0, 0, 1, 0], [], []>, transpose_lhs_hint = false} : vector<3200x144xf32>, vector<144x144xf32>, vector<3200x144xf32> -> vector<3200x144xf32>
    %get3A_26 = arith.constant 0 : index
    %get3A_27 = arith.constant 0 : index
    %get3A_28 = vector.load %arg7[%get3A_26, %get3A_27] : memref<1x144xf32, #tpu.memory_space<vmem>>, vector<1x144xf32>
    %add3A_29 = vector.broadcast %get3A_28 : vector<1x144xf32> to vector<3200x144xf32>
    %add3A_30 = arith.addf %dot_general3A_25, %add3A_29 : vector<3200x144xf32>
    %max3A_31 = arith.constant 0.000000e+00 : f32
    %max3A_32 = vector.broadcast %max3A_31 : f32 to vector<3200x144xf32>
    %max3A_33 = arith.maximumf %add3A_30, %max3A_32 : vector<3200x144xf32>
    %get3A_34 = arith.constant 0 : index
    %get3A_35 = arith.constant 0 : index
    %get3A_36 = vector.load %arg8[%get3A_34, %get3A_35] : memref<144x144xf32, #tpu.memory_space<vmem>>, vector<144x144xf32>
    %dot_general3A_37 = arith.constant dense<0.000000e+00> : vector<3200x144xf32>
    %dot_general3A_38 = tpu.matmul %max3A_33, %get3A_36, %dot_general3A_37 {dimension_numbers = #tpu.dot_dimension_numbers<[1], [1], [0], [0], [0, 0, 1, 0], [], []>, transpose_lhs_hint = false} : vector<3200x144xf32>, vector<144x144xf32>, vector<3200x144xf32> -> vector<3200x144xf32>
    %get3A_39 = arith.constant 0 : index
    %get3A_40 = arith.constant 0 : index
    %get3A_41 = vector.load %arg9[%get3A_39, %get3A_40] : memref<1x144xf32, #tpu.memory_space<vmem>>, vector<1x144xf32>
    %add3A_42 = vector.broadcast %get3A_41 : vector<1x144xf32> to vector<3200x144xf32>
    %add3A_43 = arith.addf %dot_general3A_38, %add3A_42 : vector<3200x144xf32>
    %slice3A = vector.extract_strided_slice %add3A_43 {offsets = [0, 0], sizes = [3200, 128], strides = [1, 1]} : vector<3200x144xf32> to vector<3200x128xf32>
    %swap3A = arith.constant 0 : index
    %swap3A_44 = arith.constant 0 : index
    %swap3A_45 = vector.load %arg10[%swap3A, %swap3A_44] : memref<3200x128xf32, #tpu.memory_space<vmem>>, vector<3200x128xf32>
    tpu.vector_store %arg10[%swap3A, %swap3A_44], %slice3A {strides = array<i32>} : memref<3200x128xf32, #tpu.memory_space<vmem>>, vector<3200x128xf32>,
    %slice3A_46 = vector.extract_strided_slice %add3A_43 {offsets = [0, 128], sizes = [3200, 16], strides = [1, 1]} : vector<3200x144xf32> to vector<3200x16xf32>
    %swap3A_47 = arith.constant 0 : index
    %swap3A_48 = arith.constant 0 : index
    %swap3A_49 = vector.load %arg11[%swap3A_47, %swap3A_48] : memref<3200x128xf32, #tpu.memory_space<vmem>>, vector<3200x16xf32>
    tpu.vector_store %arg11[%swap3A_47, %swap3A_48], %slice3A_46 {strides = array<i32>} : memref<3200x128xf32, #tpu.memory_space<vmem>>, vector<3200x16xf32>,
    return
  }
  func.func @transform_0(%arg0: i32) -> (i32, i32) {
    %c0_i32 = arith.constant 0 : i32
    %c0_i32_0 = arith.constant 0 : i32
    return %arg0, %c0_i32 : i32, i32
  }
  func.func @transform_1(%arg0: i32) -> (i32, i32) {
    %add3A = arith.constant 50 : i32
    %add3A_0 = arith.addi %arg0, %add3A : i32
    %c0_i32 = arith.constant 0 : i32
    %c0_i32_1 = arith.constant 0 : i32
    return %c0_i32, %add3A_0 : i32, i32
  }
  func.func @transform_2(%arg0: i32) -> (i32, i32) {
    %c0_i32 = arith.constant 0 : i32
    %c0_i32_0 = arith.constant 0 : i32
    %c0_i32_1 = arith.constant 0 : i32
    return %c0_i32, %c0_i32_0 : i32, i32
  }
  func.func @transform_3(%arg0: i32) -> (i32, i32) {
    %c0_i32 = arith.constant 0 : i32
    %c0_i32_0 = arith.constant 0 : i32
    %c0_i32_1 = arith.constant 0 : i32
    return %c0_i32, %c0_i32_0 : i32, i32
  }
  func.func @transform_4(%arg0: i32) -> (i32, i32) {
    %c0_i32 = arith.constant 0 : i32
    %c0_i32_0 = arith.constant 0 : i32
    %c0_i32_1 = arith.constant 0 : i32
    return %c0_i32, %c0_i32_0 : i32, i32
  }
  func.func @transform_5(%arg0: i32) -> (i32, i32) {
    %c0_i32 = arith.constant 0 : i32
    %c0_i32_0 = arith.constant 0 : i32
    %c0_i32_1 = arith.constant 0 : i32
    return %c0_i32, %c0_i32_0 : i32, i32
  }
  func.func @transform_6(%arg0: i32) -> (i32, i32) {
    %c0_i32 = arith.constant 0 : i32
    %c0_i32_0 = arith.constant 0 : i32
    %c0_i32_1 = arith.constant 0 : i32
    return %c0_i32, %c0_i32_0 : i32, i32
  }
  func.func @transform_7(%arg0: i32) -> (i32, i32) {
    %c0_i32 = arith.constant 0 : i32
    %c0_i32_0 = arith.constant 0 : i32
    %c0_i32_1 = arith.constant 0 : i32
    return %c0_i32, %c0_i32_0 : i32, i32
  }
  func.func @transform_8(%arg0: i32) -> (i32, i32) {
    %c0_i32 = arith.constant 0 : i32
    %c0_i32_0 = arith.constant 0 : i32
    %c0_i32_1 = arith.constant 0 : i32
    return %c0_i32, %c0_i32_0 : i32, i32
  }
  func.func @transform_9(%arg0: i32) -> (i32, i32) {
    %c0_i32 = arith.constant 0 : i32
    %c0_i32_0 = arith.constant 0 : i32
    return %arg0, %c0_i32 : i32, i32
  }
  func.func @transform_10(%arg0: i32) -> (i32, i32) {
    %c0_i32 = arith.constant 0 : i32
    %c0_i32_0 = arith.constant 0 : i32
    return %arg0, %c0_i32 : i32, i32
  }
}

module attributes {stable_mosaic.version = 14 : i64} {
  func.func @body(%arg0: i32, %arg1: memref<3200x128xf32, #tpu.memory_space<vmem>>, %arg2: memref<16x3200xf32, #tpu.memory_space<vmem>>, %arg3: memref<144x128xf32, #tpu.memory_space<vmem>>, %arg4: memref<144x16xf32, #tpu.memory_space<vmem>>, %arg5: memref<1x144xf32, #tpu.memory_space<vmem>>, %arg6: memref<144x144xf32, #tpu.memory_space<vmem>>, %arg7: memref<1x144xf32, #tpu.memory_space<vmem>>, %arg8: memref<144x144xf32, #tpu.memory_space<vmem>>, %arg9: memref<1x144xf32, #tpu.memory_space<vmem>>, %arg10: memref<3200x128xf32, #tpu.memory_space<vmem>>, %arg11: memref<3200x128xf32, #tpu.memory_space<vmem>>) attributes {dimension_semantics = [#tpu.dimension_semantics<arbitrary>], iteration_bounds = array<i64: 50>, scalar_prefetch = 0 : i64, scratch_operands = 0 : i64, tpu.core_type = #tpu.core_type<tc>, window_params = [{transform_indices = @transform_0, window_bounds = array<i64: 3200, 128>}, {transform_indices = @transform_1, window_bounds = array<i64: 16, 3200>}, {pipeline_mode = #tpu.pipeline_mode<synchronous>, transform_indices = @transform_2, window_bounds = array<i64: 144, 128>}, {pipeline_mode = #tpu.pipeline_mode<synchronous>, transform_indices = @transform_3, window_bounds = array<i64: 144, 16>}, {pipeline_mode = #tpu.pipeline_mode<synchronous>, transform_indices = @transform_4, window_bounds = array<i64: 1, 144>}, {pipeline_mode = #tpu.pipeline_mode<synchronous>, transform_indices = @transform_5, window_bounds = array<i64: 144, 144>}, {pipeline_mode = #tpu.pipeline_mode<synchronous>, transform_indices = @transform_6, window_bounds = array<i64: 1, 144>}, {pipeline_mode = #tpu.pipeline_mode<synchronous>, transform_indices = @transform_7, window_bounds = array<i64: 144, 144>}, {pipeline_mode = #tpu.pipeline_mode<synchronous>, transform_indices = @transform_8, window_bounds = array<i64: 1, 144>}, {transform_indices = @transform_9, window_bounds = array<i64: 3200, 128>}, {transform_indices = @transform_10, window_bounds = array<i64: 3200, 128>}]} {
    %get3A = arith.constant 0 : index
    %get3A_0 = arith.constant 0 : index
    %get3A_1 = vector.load %arg1[%get3A, %get3A_0] : memref<3200x128xf32, #tpu.memory_space<vmem>>, vector<3200x128xf32>
    %get3A_2 = arith.constant 0 : index
    %get3A_3 = arith.constant 0 : index
    %get3A_4 = vector.load %arg3[%get3A_2, %get3A_3] : memref<144x128xf32, #tpu.memory_space<vmem>>, vector<144x128xf32>
    %dot_general3A = arith.constant dense<0.000000e+00> : vector<3200x144xf32>
    %dot_general3A_5 = tpu.matmul %get3A_1, %get3A_4, %dot_general3A {dimension_numbers = #tpu.dot_dimension_numbers<[1], [1], [0], [0], [0, 0, 1, 0], [], []>, transpose_lhs_hint = false} : vector<3200x128xf32>, vector<144x128xf32>, vector<3200x144xf32> -> vector<3200x144xf32>
    %get3A_6 = arith.constant 0 : index
    %get3A_7 = arith.constant 0 : index
    %get3A_8 = vector.load %arg2[%get3A_6, %get3A_7] : memref<16x3200xf32, #tpu.memory_space<vmem>>, vector<16x3200xf32>
    %get3A_9 = arith.constant 0 : index
    %get3A_10 = arith.constant 0 : index
    %get3A_11 = vector.load %arg4[%get3A_9, %get3A_10] : memref<144x16xf32, #tpu.memory_space<vmem>>, vector<144x16xf32>
    %dot_general3A_12 = arith.constant dense<0.000000e+00> : vector<3200x144xf32>
    %dot_general3A_13 = tpu.matmul %get3A_8, %get3A_11, %dot_general3A_12 {dimension_numbers = #tpu.dot_dimension_numbers<[0], [1], [1], [0], [0, 1, 1, 0], [], []>, transpose_lhs_hint = false} : vector<16x3200xf32>, vector<144x16xf32>, vector<3200x144xf32> -> vector<3200x144xf32>
    %add3A = arith.addf %dot_general3A_5, %dot_general3A_13 : vector<3200x144xf32>
    %get3A_14 = arith.constant 0 : index
    %get3A_15 = arith.constant 0 : index
    %get3A_16 = vector.load %arg5[%get3A_14, %get3A_15] : memref<1x144xf32, #tpu.memory_space<vmem>>, vector<1x144xf32>
    %add3A_17 = vector.broadcast %get3A_16 : vector<1x144xf32> to vector<3200x144xf32>
    %add3A_18 = arith.addf %add3A, %add3A_17 : vector<3200x144xf32>
    %max3A = arith.constant 0.000000e+00 : f32
    %max3A_19 = vector.broadcast %max3A : f32 to vector<3200x144xf32>
    %max3A_20 = arith.maximumf %add3A_18, %max3A_19 : vector<3200x144xf32>
    %get3A_21 = arith.constant 0 : index
    %get3A_22 = arith.constant 0 : index
    %get3A_23 = vector.load %arg6[%get3A_21, %get3A_22] : memref<144x144xf32, #tpu.memory_space<vmem>>, vector<144x144xf32>
    %dot_general3A_24 = arith.constant dense<0.000000e+00> : vector<3200x144xf32>
    %dot_general3A_25 = tpu.matmul %max3A_20, %get3A_23, %dot_general3A_24 {dimension_numbers = #tpu.dot_dimension_numbers<[1], [1], [0], [0], [0, 0, 1, 0], [], []>, transpose_lhs_hint = false} : vector<3200x144xf32>, vector<144x144xf32>, vector<3200x144xf32> -> vector<3200x144xf32>
    %get3A_26 = arith.constant 0 : index
    %get3A_27 = arith.constant 0 : index
    %get3A_28 = vector.load %arg7[%get3A_26, %get3A_27] : memref<1x144xf32, #tpu.memory_space<vmem>>, vector<1x144xf32>
    %add3A_29 = vector.broadcast %get3A_28 : vector<1x144xf32> to vector<3200x144xf32>
    %add3A_30 = arith.addf %dot_general3A_25, %add3A_29 : vector<3200x144xf32>
    %max3A_31 = arith.constant 0.000000e+00 : f32
    %max3A_32 = vector.broadcast %max3A_31 : f32 to vector<3200x144xf32>
    %max3A_33 = arith.maximumf %add3A_30, %max3A_32 : vector<3200x144xf32>
    %get3A_34 = arith.constant 0 : index
    %get3A_35 = arith.constant 0 : index
    %get3A_36 = vector.load %arg8[%get3A_34, %get3A_35] : memref<144x144xf32, #tpu.memory_space<vmem>>, vector<144x144xf32>
    %dot_general3A_37 = arith.constant dense<0.000000e+00> : vector<3200x144xf32>
    %dot_general3A_38 = tpu.matmul %max3A_33, %get3A_36, %dot_general3A_37 {dimension_numbers = #tpu.dot_dimension_numbers<[1], [1], [0], [0], [0, 0, 1, 0], [], []>, transpose_lhs_hint = false} : vector<3200x144xf32>, vector<144x144xf32>, vector<3200x144xf32> -> vector<3200x144xf32>
    %get3A_39 = arith.constant 0 : index
    %get3A_40 = arith.constant 0 : index
    %get3A_41 = vector.load %arg9[%get3A_39, %get3A_40] : memref<1x144xf32, #tpu.memory_space<vmem>>, vector<1x144xf32>
    %add3A_42 = vector.broadcast %get3A_41 : vector<1x144xf32> to vector<3200x144xf32>
    %add3A_43 = arith.addf %dot_general3A_38, %add3A_42 : vector<3200x144xf32>
    %slice3A = vector.extract_strided_slice %add3A_43 {offsets = [0, 0], sizes = [3200, 128], strides = [1, 1]} : vector<3200x144xf32> to vector<3200x128xf32>
    %swap3A = arith.constant 0 : index
    %swap3A_44 = arith.constant 0 : index
    %swap3A_45 = vector.load %arg10[%swap3A, %swap3A_44] : memref<3200x128xf32, #tpu.memory_space<vmem>>, vector<3200x128xf32>
    tpu.vector_store %arg10[%swap3A, %swap3A_44], %slice3A {strides = array<i32>} : memref<3200x128xf32, #tpu.memory_space<vmem>>, vector<3200x128xf32>,
    %slice3A_46 = vector.extract_strided_slice %add3A_43 {offsets = [0, 128], sizes = [3200, 16], strides = [1, 1]} : vector<3200x144xf32> to vector<3200x16xf32>
    %swap3A_47 = arith.constant 0 : index
    %swap3A_48 = arith.constant 0 : index
    %swap3A_49 = vector.load %arg11[%swap3A_47, %swap3A_48] : memref<3200x128xf32, #tpu.memory_space<vmem>>, vector<3200x16xf32>
    tpu.vector_store %arg11[%swap3A_47, %swap3A_48], %slice3A_46 {strides = array<i32>} : memref<3200x128xf32, #tpu.memory_space<vmem>>, vector<3200x16xf32>,
    return
  }
  func.func @transform_0(%arg0: i32) -> (i32, i32) {
    %c0_i32 = arith.constant 0 : i32
    %c0_i32_0 = arith.constant 0 : i32
    return %arg0, %c0_i32 : i32, i32
  }
  func.func @transform_1(%arg0: i32) -> (i32, i32) {
    %add3A = arith.constant 0 : i32
    %add3A_0 = arith.addi %arg0, %add3A : i32
    %c0_i32 = arith.constant 0 : i32
    %c0_i32_1 = arith.constant 0 : i32
    return %c0_i32, %add3A_0 : i32, i32
  }
  func.func @transform_2(%arg0: i32) -> (i32, i32) {
    %c0_i32 = arith.constant 0 : i32
    %c0_i32_0 = arith.constant 0 : i32
    %c0_i32_1 = arith.constant 0 : i32
    return %c0_i32, %c0_i32_0 : i32, i32
  }
  func.func @transform_3(%arg0: i32) -> (i32, i32) {
    %c0_i32 = arith.constant 0 : i32
    %c0_i32_0 = arith.constant 0 : i32
    %c0_i32_1 = arith.constant 0 : i32
    return %c0_i32, %c0_i32_0 : i32, i32
  }
  func.func @transform_4(%arg0: i32) -> (i32, i32) {
    %c0_i32 = arith.constant 0 : i32
    %c0_i32_0 = arith.constant 0 : i32
    %c0_i32_1 = arith.constant 0 : i32
    return %c0_i32, %c0_i32_0 : i32, i32
  }
  func.func @transform_5(%arg0: i32) -> (i32, i32) {
    %c0_i32 = arith.constant 0 : i32
    %c0_i32_0 = arith.constant 0 : i32
    %c0_i32_1 = arith.constant 0 : i32
    return %c0_i32, %c0_i32_0 : i32, i32
  }
  func.func @transform_6(%arg0: i32) -> (i32, i32) {
    %c0_i32 = arith.constant 0 : i32
    %c0_i32_0 = arith.constant 0 : i32
    %c0_i32_1 = arith.constant 0 : i32
    return %c0_i32, %c0_i32_0 : i32, i32
  }
  func.func @transform_7(%arg0: i32) -> (i32, i32) {
    %c0_i32 = arith.constant 0 : i32
    %c0_i32_0 = arith.constant 0 : i32
    %c0_i32_1 = arith.constant 0 : i32
    return %c0_i32, %c0_i32_0 : i32, i32
  }
  func.func @transform_8(%arg0: i32) -> (i32, i32) {
    %c0_i32 = arith.constant 0 : i32
    %c0_i32_0 = arith.constant 0 : i32
    %c0_i32_1 = arith.constant 0 : i32
    return %c0_i32, %c0_i32_0 : i32, i32
  }
  func.func @transform_9(%arg0: i32) -> (i32, i32) {
    %c0_i32 = arith.constant 0 : i32
    %c0_i32_0 = arith.constant 0 : i32
    return %arg0, %c0_i32 : i32, i32
  }
  func.func @transform_10(%arg0: i32) -> (i32, i32) {
    %c0_i32 = arith.constant 0 : i32
    %c0_i32_0 = arith.constant 0 : i32
    return %arg0, %c0_i32 : i32, i32
  }
}

module attributes {stable_mosaic.version = 14 : i64} {
  func.func @body(%arg0: i32, %arg1: memref<2000x128xf32, #tpu.memory_space<vmem>>, %arg2: memref<2x2000x128xf32, #tpu.memory_space<vmem>>, %arg3: memref<2x2000x128xf32, #tpu.memory_space<vmem>>, %arg4: memref<2x2000x128xf32, #tpu.memory_space<vmem>>, %arg5: memref<2x2000x128xf32, #tpu.memory_space<vmem>>, %arg6: memref<144x128xf32, #tpu.memory_space<vmem>>, %arg7: memref<144x128xf32, #tpu.memory_space<vmem>>, %arg8: memref<144x16xf32, #tpu.memory_space<vmem>>, %arg9: memref<1x144xf32, #tpu.memory_space<vmem>>, %arg10: memref<144x144xf32, #tpu.memory_space<vmem>>, %arg11: memref<1x144xf32, #tpu.memory_space<vmem>>, %arg12: memref<128x144xf32, #tpu.memory_space<vmem>>, %arg13: memref<1x128xf32, #tpu.memory_space<vmem>>, %arg14: memref<2000x128xf32, #tpu.memory_space<vmem>>) attributes {dimension_semantics = [#tpu.dimension_semantics<arbitrary>], iteration_bounds = array<i64: 5>, scalar_prefetch = 0 : i64, scratch_operands = 0 : i64, tpu.core_type = #tpu.core_type<tc>, window_params = [{transform_indices = @transform_0, window_bounds = array<i64: 2000, 128>}, {transform_indices = @transform_1, window_bounds = array<i64: 2, 2000, 128>}, {transform_indices = @transform_2, window_bounds = array<i64: 2, 2000, 128>}, {transform_indices = @transform_3, window_bounds = array<i64: 2, 2000, 128>}, {transform_indices = @transform_4, window_bounds = array<i64: 2, 2000, 128>}, {pipeline_mode = #tpu.pipeline_mode<synchronous>, transform_indices = @transform_5, window_bounds = array<i64: 144, 128>}, {pipeline_mode = #tpu.pipeline_mode<synchronous>, transform_indices = @transform_6, window_bounds = array<i64: 144, 128>}, {pipeline_mode = #tpu.pipeline_mode<synchronous>, transform_indices = @transform_7, window_bounds = array<i64: 144, 16>}, {pipeline_mode = #tpu.pipeline_mode<synchronous>, transform_indices = @transform_8, window_bounds = array<i64: 1, 144>}, {pipeline_mode = #tpu.pipeline_mode<synchronous>, transform_indices = @transform_9, window_bounds = array<i64: 144, 144>}, {pipeline_mode = #tpu.pipeline_mode<synchronous>, transform_indices = @transform_10, window_bounds = array<i64: 1, 144>}, {pipeline_mode = #tpu.pipeline_mode<synchronous>, transform_indices = @transform_11, window_bounds = array<i64: 128, 144>}, {pipeline_mode = #tpu.pipeline_mode<synchronous>, transform_indices = @transform_12, window_bounds = array<i64: 1, 128>}, {transform_indices = @transform_13, window_bounds = array<i64: 2000, 128>}]} {
    %get3A = arith.constant 0 : index
    %get3A_0 = arith.constant 0 : index
    %get3A_1 = arith.constant 0 : index
    %get3A_2 = vector.load %arg2[%get3A, %get3A_0, %get3A_1] : memref<2x2000x128xf32, #tpu.memory_space<vmem>>, vector<1x2000x128xf32>
    %get3A_3 = vector.shape_cast %get3A_2 : vector<1x2000x128xf32> to vector<2000x128xf32>
    %get3A_4 = arith.constant 1 : index
    %get3A_5 = arith.constant 0 : index
    %get3A_6 = arith.constant 0 : index
    %get3A_7 = vector.load %arg2[%get3A_4, %get3A_5, %get3A_6] : memref<2x2000x128xf32, #tpu.memory_space<vmem>>, vector<1x2000x128xf32>
    %get3A_8 = vector.shape_cast %get3A_7 : vector<1x2000x128xf32> to vector<2000x128xf32>
    %add3A = arith.addf %get3A_3, %get3A_8 : vector<2000x128xf32>
    %add3A_9 = arith.constant 0.000000e+00 : f32
    %add3A_10 = vector.broadcast %add3A_9 : f32 to vector<2000x128xf32>
    %add3A_11 = arith.addf %add3A_10, %add3A : vector<2000x128xf32>
    %get3A_12 = arith.constant 0 : index
    %get3A_13 = arith.constant 0 : index
    %get3A_14 = arith.constant 0 : index
    %get3A_15 = vector.load %arg3[%get3A_12, %get3A_13, %get3A_14] : memref<2x2000x128xf32, #tpu.memory_space<vmem>>, vector<1x2000x128xf32>
    %get3A_16 = vector.shape_cast %get3A_15 : vector<1x2000x128xf32> to vector<2000x128xf32>
    %get3A_17 = arith.constant 1 : index
    %get3A_18 = arith.constant 0 : index
    %get3A_19 = arith.constant 0 : index
    %get3A_20 = vector.load %arg3[%get3A_17, %get3A_18, %get3A_19] : memref<2x2000x128xf32, #tpu.memory_space<vmem>>, vector<1x2000x128xf32>
    %get3A_21 = vector.shape_cast %get3A_20 : vector<1x2000x128xf32> to vector<2000x128xf32>
    %add3A_22 = arith.addf %get3A_16, %get3A_21 : vector<2000x128xf32>
    %add3A_23 = arith.addf %add3A_11, %add3A_22 : vector<2000x128xf32>
    %get3A_24 = arith.constant 0 : index
    %get3A_25 = arith.constant 0 : index
    %get3A_26 = arith.constant 0 : index
    %get3A_27 = vector.load %arg4[%get3A_24, %get3A_25, %get3A_26] : memref<2x2000x128xf32, #tpu.memory_space<vmem>>, vector<1x2000x128xf32>
    %get3A_28 = vector.shape_cast %get3A_27 : vector<1x2000x128xf32> to vector<2000x128xf32>
    %get3A_29 = arith.constant 1 : index
    %get3A_30 = arith.constant 0 : index
    %get3A_31 = arith.constant 0 : index
    %get3A_32 = vector.load %arg4[%get3A_29, %get3A_30, %get3A_31] : memref<2x2000x128xf32, #tpu.memory_space<vmem>>, vector<1x2000x128xf32>
    %get3A_33 = vector.shape_cast %get3A_32 : vector<1x2000x128xf32> to vector<2000x128xf32>
    %add3A_34 = arith.addf %get3A_28, %get3A_33 : vector<2000x128xf32>
    %add3A_35 = arith.constant 0.000000e+00 : f32
    %add3A_36 = vector.broadcast %add3A_35 : f32 to vector<2000x128xf32>
    %add3A_37 = arith.addf %add3A_36, %add3A_34 : vector<2000x128xf32>
    %get3A_38 = arith.constant 0 : index
    %get3A_39 = arith.constant 0 : index
    %get3A_40 = arith.constant 0 : index
    %get3A_41 = vector.load %arg5[%get3A_38, %get3A_39, %get3A_40] : memref<2x2000x128xf32, #tpu.memory_space<vmem>>, vector<1x2000x128xf32>
    %get3A_42 = vector.shape_cast %get3A_41 : vector<1x2000x128xf32> to vector<2000x128xf32>
    %get3A_43 = arith.constant 1 : index
    %get3A_44 = arith.constant 0 : index
    %get3A_45 = arith.constant 0 : index
    %get3A_46 = vector.load %arg5[%get3A_43, %get3A_44, %get3A_45] : memref<2x2000x128xf32, #tpu.memory_space<vmem>>, vector<1x2000x128xf32>
    %get3A_47 = vector.shape_cast %get3A_46 : vector<1x2000x128xf32> to vector<2000x128xf32>
    %add3A_48 = arith.addf %get3A_42, %get3A_47 : vector<2000x128xf32>
    %add3A_49 = arith.addf %add3A_37, %add3A_48 : vector<2000x128xf32>
    %slice3A = vector.extract_strided_slice %add3A_49 {offsets = [0, 0], sizes = [2000, 16], strides = [1, 1]} : vector<2000x128xf32> to vector<2000x16xf32>
    %get3A_50 = arith.constant 0 : index
    %get3A_51 = arith.constant 0 : index
    %get3A_52 = vector.load %arg1[%get3A_50, %get3A_51] : memref<2000x128xf32, #tpu.memory_space<vmem>>, vector<2000x128xf32>
    %get3A_53 = arith.constant 0 : index
    %get3A_54 = arith.constant 0 : index
    %get3A_55 = vector.load %arg6[%get3A_53, %get3A_54] : memref<144x128xf32, #tpu.memory_space<vmem>>, vector<144x128xf32>
    %dot_general3A = arith.constant dense<0.000000e+00> : vector<2000x144xf32>
    %dot_general3A_56 = tpu.matmul %get3A_52, %get3A_55, %dot_general3A {dimension_numbers = #tpu.dot_dimension_numbers<[1], [1], [0], [0], [0, 0, 1, 0], [], []>, transpose_lhs_hint = false} : vector<2000x128xf32>, vector<144x128xf32>, vector<2000x144xf32> -> vector<2000x144xf32>
    %get3A_57 = arith.constant 0 : index
    %get3A_58 = arith.constant 0 : index
    %get3A_59 = vector.load %arg7[%get3A_57, %get3A_58] : memref<144x128xf32, #tpu.memory_space<vmem>>, vector<144x128xf32>
    %dot_general3A_60 = arith.constant dense<0.000000e+00> : vector<2000x144xf32>
    %dot_general3A_61 = tpu.matmul %add3A_23, %get3A_59, %dot_general3A_60 {dimension_numbers = #tpu.dot_dimension_numbers<[1], [1], [0], [0], [0, 0, 1, 0], [], []>, transpose_lhs_hint = false} : vector<2000x128xf32>, vector<144x128xf32>, vector<2000x144xf32> -> vector<2000x144xf32>
    %add3A_62 = arith.addf %dot_general3A_56, %dot_general3A_61 : vector<2000x144xf32>
    %get3A_63 = arith.constant 0 : index
    %get3A_64 = arith.constant 0 : index
    %get3A_65 = vector.load %arg8[%get3A_63, %get3A_64] : memref<144x16xf32, #tpu.memory_space<vmem>>, vector<144x16xf32>
    %dot_general3A_66 = arith.constant dense<0.000000e+00> : vector<2000x144xf32>
    %dot_general3A_67 = tpu.matmul %slice3A, %get3A_65, %dot_general3A_66 {dimension_numbers = #tpu.dot_dimension_numbers<[1], [1], [0], [0], [0, 0, 1, 0], [], []>, transpose_lhs_hint = false} : vector<2000x16xf32>, vector<144x16xf32>, vector<2000x144xf32> -> vector<2000x144xf32>
    %add3A_68 = arith.addf %add3A_62, %dot_general3A_67 : vector<2000x144xf32>
    %get3A_69 = arith.constant 0 : index
    %get3A_70 = arith.constant 0 : index
    %get3A_71 = vector.load %arg9[%get3A_69, %get3A_70] : memref<1x144xf32, #tpu.memory_space<vmem>>, vector<1x144xf32>
    %add3A_72 = vector.broadcast %get3A_71 : vector<1x144xf32> to vector<2000x144xf32>
    %add3A_73 = arith.addf %add3A_68, %add3A_72 : vector<2000x144xf32>
    %max3A = arith.constant 0.000000e+00 : f32
    %max3A_74 = vector.broadcast %max3A : f32 to vector<2000x144xf32>
    %max3A_75 = arith.maximumf %add3A_73, %max3A_74 : vector<2000x144xf32>
    %get3A_76 = arith.constant 0 : index
    %get3A_77 = arith.constant 0 : index
    %get3A_78 = vector.load %arg10[%get3A_76, %get3A_77] : memref<144x144xf32, #tpu.memory_space<vmem>>, vector<144x144xf32>
    %dot_general3A_79 = arith.constant dense<0.000000e+00> : vector<2000x144xf32>
    %dot_general3A_80 = tpu.matmul %max3A_75, %get3A_78, %dot_general3A_79 {dimension_numbers = #tpu.dot_dimension_numbers<[1], [1], [0], [0], [0, 0, 1, 0], [], []>, transpose_lhs_hint = false} : vector<2000x144xf32>, vector<144x144xf32>, vector<2000x144xf32> -> vector<2000x144xf32>
    %get3A_81 = arith.constant 0 : index
    %get3A_82 = arith.constant 0 : index
    %get3A_83 = vector.load %arg11[%get3A_81, %get3A_82] : memref<1x144xf32, #tpu.memory_space<vmem>>, vector<1x144xf32>
    %add3A_84 = vector.broadcast %get3A_83 : vector<1x144xf32> to vector<2000x144xf32>
    %add3A_85 = arith.addf %dot_general3A_80, %add3A_84 : vector<2000x144xf32>
    %max3A_86 = arith.constant 0.000000e+00 : f32
    %max3A_87 = vector.broadcast %max3A_86 : f32 to vector<2000x144xf32>
    %max3A_88 = arith.maximumf %add3A_85, %max3A_87 : vector<2000x144xf32>
    %get3A_89 = arith.constant 0 : index
    %get3A_90 = arith.constant 0 : index
    %get3A_91 = vector.load %arg12[%get3A_89, %get3A_90] : memref<128x144xf32, #tpu.memory_space<vmem>>, vector<128x144xf32>
    %dot_general3A_92 = arith.constant dense<0.000000e+00> : vector<2000x128xf32>
    %dot_general3A_93 = tpu.matmul %max3A_88, %get3A_91, %dot_general3A_92 {dimension_numbers = #tpu.dot_dimension_numbers<[1], [1], [0], [0], [0, 0, 1, 0], [], []>, transpose_lhs_hint = false} : vector<2000x144xf32>, vector<128x144xf32>, vector<2000x128xf32> -> vector<2000x128xf32>
    %get3A_94 = arith.constant 0 : index
    %get3A_95 = arith.constant 0 : index
    %get3A_96 = vector.load %arg13[%get3A_94, %get3A_95] : memref<1x128xf32, #tpu.memory_space<vmem>>, vector<1x128xf32>
    %add3A_97 = vector.broadcast %get3A_96 : vector<1x128xf32> to vector<2000x128xf32>
    %add3A_98 = arith.addf %dot_general3A_93, %add3A_97 : vector<2000x128xf32>
    %swap3A = arith.constant 0 : index
    %swap3A_99 = arith.constant 0 : index
    %swap3A_100 = vector.load %arg14[%swap3A, %swap3A_99] : memref<2000x128xf32, #tpu.memory_space<vmem>>, vector<2000x128xf32>
    tpu.vector_store %arg14[%swap3A, %swap3A_99], %add3A_98 {strides = array<i32>} : memref<2000x128xf32, #tpu.memory_space<vmem>>, vector<2000x128xf32>,
    return
  }
  func.func @transform_0(%arg0: i32) -> (i32, i32) {
    %c0_i32 = arith.constant 0 : i32
    %c0_i32_0 = arith.constant 0 : i32
    return %arg0, %c0_i32 : i32, i32
  }
  func.func @transform_1(%arg0: i32) -> (i32, i32, i32) {
    %c0_i32 = arith.constant 0 : i32
    %c0_i32_0 = arith.constant 0 : i32
    %c0_i32_1 = arith.constant 0 : i32
    return %c0_i32, %arg0, %c0_i32_0 : i32, i32, i32
  }
  func.func @transform_2(%arg0: i32) -> (i32, i32, i32) {
    %c0_i32 = arith.constant 0 : i32
    %c0_i32_0 = arith.constant 0 : i32
    %c0_i32_1 = arith.constant 0 : i32
    return %c0_i32, %arg0, %c0_i32_0 : i32, i32, i32
  }
  func.func @transform_3(%arg0: i32) -> (i32, i32, i32) {
    %c0_i32 = arith.constant 0 : i32
    %c0_i32_0 = arith.constant 0 : i32
    %c0_i32_1 = arith.constant 0 : i32
    return %c0_i32, %arg0, %c0_i32_0 : i32, i32, i32
  }
  func.func @transform_4(%arg0: i32) -> (i32, i32, i32) {
    %c0_i32 = arith.constant 0 : i32
    %c0_i32_0 = arith.constant 0 : i32
    %c0_i32_1 = arith.constant 0 : i32
    return %c0_i32, %arg0, %c0_i32_0 : i32, i32, i32
  }
  func.func @transform_5(%arg0: i32) -> (i32, i32) {
    %c0_i32 = arith.constant 0 : i32
    %c0_i32_0 = arith.constant 0 : i32
    %c0_i32_1 = arith.constant 0 : i32
    return %c0_i32, %c0_i32_0 : i32, i32
  }
  func.func @transform_6(%arg0: i32) -> (i32, i32) {
    %c0_i32 = arith.constant 0 : i32
    %c0_i32_0 = arith.constant 0 : i32
    %c0_i32_1 = arith.constant 0 : i32
    return %c0_i32, %c0_i32_0 : i32, i32
  }
  func.func @transform_7(%arg0: i32) -> (i32, i32) {
    %c0_i32 = arith.constant 0 : i32
    %c0_i32_0 = arith.constant 0 : i32
    %c0_i32_1 = arith.constant 0 : i32
    return %c0_i32, %c0_i32_0 : i32, i32
  }
  func.func @transform_8(%arg0: i32) -> (i32, i32) {
    %c0_i32 = arith.constant 0 : i32
    %c0_i32_0 = arith.constant 0 : i32
    %c0_i32_1 = arith.constant 0 : i32
    return %c0_i32, %c0_i32_0 : i32, i32
  }
  func.func @transform_9(%arg0: i32) -> (i32, i32) {
    %c0_i32 = arith.constant 0 : i32
    %c0_i32_0 = arith.constant 0 : i32
    %c0_i32_1 = arith.constant 0 : i32
    return %c0_i32, %c0_i32_0 : i32, i32
  }
  func.func @transform_10(%arg0: i32) -> (i32, i32) {
    %c0_i32 = arith.constant 0 : i32
    %c0_i32_0 = arith.constant 0 : i32
    %c0_i32_1 = arith.constant 0 : i32
    return %c0_i32, %c0_i32_0 : i32, i32
  }
  func.func @transform_11(%arg0: i32) -> (i32, i32) {
    %c0_i32 = arith.constant 0 : i32
    %c0_i32_0 = arith.constant 0 : i32
    %c0_i32_1 = arith.constant 0 : i32
    return %c0_i32, %c0_i32_0 : i32, i32
  }
  func.func @transform_12(%arg0: i32) -> (i32, i32) {
    %c0_i32 = arith.constant 0 : i32
    %c0_i32_0 = arith.constant 0 : i32
    %c0_i32_1 = arith.constant 0 : i32
    return %c0_i32, %c0_i32_0 : i32, i32
  }
  func.func @transform_13(%arg0: i32) -> (i32, i32) {
    %c0_i32 = arith.constant 0 : i32
    %c0_i32_0 = arith.constant 0 : i32
    return %arg0, %c0_i32 : i32, i32
  }
}

</mosaic_0001>

<sc_bundles>
// kernel: kernel.12.cloned.1.call-start
scs
__scs_entry_jumppad:
0x0: {  	(pc) =	sbr.rel $0x88, $3  }
0x1: {  	(tag) =	ssettag $0x0;
	lr =	simm.s32 $0x1  }
0x2: {  	[smem:$0x3F92] =	sst lr;
	_ =	strace $0xD0000000  }
0x3: {  	_ = 	snop  }
0x4: {  	_ = 	snop  }
0x5: {  	_ = 	snop  }
0x6: {  	_ = 	snop  }
0x7: {  	_ = 	snop  }
__scs_overlays_trampoline_lowered:
0x8: {  	[smem:$0x3FA1] =	sst s0  }
0x9: {  	[smem:$0x3FA2] =	sst s1  }
0xa: {  	[smem:$0x3FA3] =	sst s2  }
0xb: {  	[smem:$0x3FA4] =	sst s3  }
0xc: {  	[smem:$0x3FA5] =	sst s4  }
0xd: {  	[smem:$0x3FA6] =	sst s5  }
0xe: {  	[smem:$0x3FA7] =	sst s6  }
0xf: {  	[smem:$0x3FA8] =	sst s7  }
0x10: {  	[smem:$0x3FA9] =	sst s8  }
0x11: {  	[smem:$0x3FAA] =	sst s9;
	s0 =	simm.s32 @!p0 $0x0  }
0x12: {  	s1 =	sld [smem:$0x3F90];
	s0 =	simm.s32 @p0 $0x1  }
0x13: {  	[smem:$0x3FAB] =	sst s0;
	s0 =	simm.s32 @!p1 $0x0  }
0x14: {  	s2 =	sld [smem:$0x3F8F];
	s0 =	simm.s32 @p1 $0x1  }
0x15: {  	[smem:$0x3FAC] =	sst s0;
	s0 =	simm.s32 @!p2 $0x0  }
0x16: {  	s3 =	sld [smem:$0x3FDB];
	s0 =	simm.s32 @p2 $0x1  }
0x17: {  	s4 =	simm.s32 $0x1BF5;
	[smem:$0x3FAE] =	sst s0  }
0x18: {  	s0 =	sld [smem:$0x3F91];
	_ =	swait.ge [sflag:s4], $0x0  }
0x19: {  	s7 =	sld [smem:$0x3F92]  }
0x1a: {  	s8 =	sadd.s32 $0xFFFFE003, lr  }
0x1b: {  	s9 =	sadd.s32 $0xFFFFFEF7, lr;
	s5 =	simm.s32 $0xFFFFFFFF;
	p2 =	slt.u32 s8, $0xFFFFF086  }
0x1c: {  	p1 =	slt.u32 s9, $0xF7A;
	s5 =	simm.s32 @!p2 $0x0  }
0x1d: {  	s5 =	simm.s32 @p1 $0x1;
	p0 =	seq.s32 s7, s2  }
0x1e: {  	s7 =	smul.u32 @!p0 $0xF7A, s2;
	p2 =	seq.s32 @!p0 s5, $0x0  }
0x1f: {  	s9 =	smul.u32 $0xF7A, s1;
	s8 =	simm.s32 @!p0 $0x1BF5;
	p2 =	por !p2, p0  }
0x20: {  	[sflag:s8] =	ssyncset.s32 @!p0 $0xFFFFF086;
	s6 =	sadd.s32 @!p0 s3, s7;
	s7 =	simm.s32 @!p0 $0x108  }
0x21: {  	s3 =	sadd.s32 s3, s9;
	s6 =	sadd.s32 @!p0 $0x88, s6;
	s7 =	simm.s32 @p2 $0x1082  }
0x22: {  	[simem:s7], [sflag:s8] =	dma.local @!p0 [hbm:s6], $0xF7A  }
0x23: {  	s9 =	sor.u32 $0xD0000000, s2;
	s6 =	simm.s32 $0x108;
	_ =	swait.ge @!p0 [sflag:s8], $0x0  }
0x24: {  	s3 =	sadd.s32 $0x88, s3;
	s6 =	simm.s32 @!p1 $0x1082;
	[sflag:s4] =	ssyncset.s32 $0xFFFFF086  }
0x25: {  	[simem:s6], [sflag:s4] =	dma.local [hbm:s3], $0xF7A  }
0x26: {  	[smem:$0x3F92] =	sst s1;
	(tag) =	ssettag s2;
	_ =	strace s9  }
0x27: {  	s1 =	sld [smem:$0x3FA2]  }
0x28: {  	s2 =	sld [smem:$0x3FA3]  }
0x29: {  	s4 =	sld [smem:$0x3FA5]  }
0x2a: {  	p0 =	seq.s32 s5, $0x0;
	s5 =	sld [smem:$0x3FA6]  }
0x2b: {  	s6 =	sld [smem:$0x3FA7]  }
0x2c: {  	s7 =	sld [smem:$0x3FA8]  }
0x2d: {  	s3 =	simm.s32 $0x108;
	s8 =	sld [smem:$0x3FA9]  }
0x2e: {  	s3 =	simm.s32 @!p0 $0x1082;
	s9 =	sld [smem:$0x3FAA]  }
0x2f: {  	lr =	sadd.s32 s0, s3;
	s0 =	sld [smem:$0x3FA1]  }
0x30: {  	s3 =	sld [smem:$0x3FA4]  }
0x31: {  	[smem:$0x3FAD] =	sst s10  }
0x32: {  	s10 =	sld [smem:$0x3FAB];
	_ =	sdelay $0x3  }
0x33: {  	p0 =	seq.s32 s10, $0x1;
	s10 =	sld [smem:$0x3FAD];
	_ =	sdelay $0x3  }
0x34: {  	[smem:$0x3FAD] =	sst s10  }
0x35: {  	s10 =	sld [smem:$0x3FAC];
	_ =	sdelay $0x3  }
0x36: {  	p1 =	seq.s32 s10, $0x1;
	s10 =	sld [smem:$0x3FAD];
	_ =	sdelay $0x3  }
0x37: {  	[smem:$0x3FAD] =	sst s10  }
0x38: {  	s10 =	sld [smem:$0x3FAE]  }
0x39: {  	_ = 	snop;
	(pc) =	sbr.ind lr, $3  }
0x3a: {  	_ = 	snop  }
0x3b: {  	_ = 	snop  }
0x3c: {  	p2 =	seq.s32 s10, $0x1;
	s10 =	sld [smem:$0x3FAD]  }
0x3d: {  	_ =	shalt  }
0x3e: {  	_ =	shalt  }
0x3f: {  	_ =	shalt  }
0x40: {  	_ =	shalt  }
0x41: {  	_ =	shalt  }
0x42: {  	_ =	shalt  }
0x43: {  	_ =	shalt  }
0x44: {  	_ =	shalt  }
0x45: {  	_ =	shalt  }
0x46: {  	_ =	shalt  }
0x47: {  	_ =	shalt  }
0x48: {  	_ =	shalt  }
0x49: {  	_ =	shalt  }
0x4a: {  	_ =	shalt  }
0x4b: {  	_ =	shalt  }
0x4c: {  	_ =	shalt  }
0x4d: {  	_ =	shalt  }
0x4e: {  	_ =	shalt  }
0x4f: {  	_ =	shalt  }
0x50: {  	_ =	shalt  }
0x51: {  	_ =	shalt  }
0x52: {  	_ =	shalt  }
0x53: {  	_ =	shalt  }
0x54: {  	_ =	shalt  }
0x55: {  	_ =	shalt  }
0x56: {  	_ =	shalt  }
0x57: {  	_ =	shalt  }
0x58: {  	_ =	shalt  }
0x59: {  	_ =	shalt  }
0x5a: {  	_ =	shalt  }
0x5b: {  	_ =	shalt  }
0x5c: {  	_ =	shalt  }
0x5d: {  	_ =	shalt  }
0x5e: {  	_ =	shalt  }
0x5f: {  	_ =	shalt  }
0x60: {  	_ =	shalt  }
0x61: {  	_ =	shalt  }
0x62: {  	_ =	shalt  }
0x63: {  	_ =	shalt  }
0x64: {  	_ =	shalt  }
0x65: {  	_ =	shalt  }
0x66: {  	_ =	shalt  }
0x67: {  	_ =	shalt  }
0x68: {  	_ =	shalt  }
0x69: {  	_ =	shalt  }
0x6a: {  	_ =	shalt  }
0x6b: {  	_ =	shalt  }
0x6c: {  	_ =	shalt  }
0x6d: {  	_ =	shalt  }
0x6e: {  	_ =	shalt  }
0x6f: {  	_ =	shalt  }
0x70: {  	_ =	shalt  }
0x71: {  	_ =	shalt  }
0x72: {  	_ =	shalt  }
0x73: {  	_ =	shalt  }
0x74: {  	_ =	shalt  }
0x75: {  	_ =	shalt  }
0x76: {  	_ =	shalt  }
0x77: {  	_ =	shalt  }
0x78: {  	_ =	shalt  }
0x79: {  	_ =	shalt  }
0x7a: {  	_ =	shalt  }
0x7b: {  	_ =	shalt  }
0x7c: {  	_ =	shalt  }
0x7d: {  	_ =	shalt  }
0x7e: {  	_ =	shalt  }
0x7f: {  	_ =	shalt  }
0x80: {  	_ =	shalt  }
0x81: {  	_ =	shalt  }
0x82: {  	_ =	shalt  }
0x83: {  	_ =	shalt  }
0x84: {  	_ =	shalt  }
0x85: {  	_ =	shalt  }
0x86: {  	_ =	shalt  }
0x87: {  	_ =	shalt  }
.Lfunc_end0:
.L_simem_size_0:
called_computation.1_lowered:
.L_overlay_start_0:
0x88: {  	s2 =	sld [smem:$0x3FD9]  }
0x89: {  	s3 =	sld [smem:$0x3FFE];
	_ =	sdelay $0x1  }
0x8a: {  	s1 =	srdreg.scid  }
0x8b: {  	s0 =	sand.u32 $0x1, s1  }
0x8c: {  	s17 =	sshll.u32 s0, $0xA;
	s2 =	sadd.s32 s3, s2  }
0x8d: {  	s2 =	sadd.s32 s2, s17  }
0x8e: {  	[smem:$0x3FB9] =	sst s2  }
0x8f: {  	_ = 	snop  }
0x90: {  	s18 =	sld [smem:$0x3FD0];
	(tm) =	ssettm $0x1  }
0x91: {  	s19 =	sld [smem:$0x3FFB];
	_ =	sdelay $0x3  }
0x92: {  	_ =	strace s19  }
0x93: {  	s2 =	sld [smem:$0x3FFC];
	_ =	sdelay $0x3  }
0x94: {  	_ =	strace s2  }
0x95: {  	s2 =	sld [smem:$0x3FFD];
	_ =	sdelay $0x3  }
0x96: {  	_ =	strace s2  }
0x97: {  	_ =	strace $0x8FFFFFFF  }
0x98: {  	s20 =	sld [smem:$0x3FDB];
	_ =	sdelay $0x1  }
0x99: {  	s4 =	simm.s32 $_scs_section_size  }
0x9a: {  	s5 =	simm.s32 $_size__tile_overlayer_lowered;
	s6 =	simm.s32 $_tile_overlayer_lowered  }
0x9b: {  	s7 =	simm.s32 $0x1BFF;
	s21 =	sshll.u32 s6, $0x1;
	s4 =	sadd.s32 s4, s20  }
0x9c: {  	s22 =	simm.s32 $0x0;
	s5 =	sshll.u32 s5, $0x1;
	s6 =	sadd.s32 s21, s4  }
0x9d: {  	[timem:s22], [sflag:s7] =	dma.local [hbm:s6], s5  }
0x9e: {  	_ =	swait.ge [sflag:s7], s5  }
0x9f: {  	s5 =	ssub.s32 $0x0, s5;
	[sflag:s7] =	ssyncset.done $0x0  }
0xa0: {  	[sflag:s7] =	ssyncadd.s32 s5;
	_ =	sdelay $0x1  }
0xa1: {  	s23 =	simm.s32 $0x1B8B  }
0xa2: {  	_ =	swait.ge [sflag:s23], $0x1  }
0xa3: {  	[sflag:s23] =	ssyncset.done $0x0  }
0xa4: {  	[sflag:s23] =	ssyncadd.s32 $0xFFFFFFFF  }
0xa5: {  	s5 =	sld [smem:$0x0]  }
0xa6: {  	s6 =	sand.u32 $0xFFFFFFFE, s1  }
0xa7: {  	p0 =	sne.s32 s1, s6  }
0xa8: {  	s6 =	sshll.u32 @p0 s6, $0xE  }
0xa9: {  	s6 =	sadd.s32 @p0 $0x11B8D, s6;
	s7 =	sshll.u32 @p0 s5, $0x11  }
0xaa: {  	s6 =	sor.u32 @p0 s7, s6  }
0xab: {  	[sflag:s6] =	ssyncadd.remote.s32 @p0 $0x1;
	_ =	sdelay $0x1  }
0xac: {  	s6 =	simm.s32 @p0 $0x1B8D  }
0xad: {  	_ =	swait.eq @p0 [sflag:s6], $0x1  }
0xae: {  	[sflag:s6] =	ssyncadd.s32 @p0 $0xFFFFFFFF  }
0xaf: {  	s7 =	sshll.u32 @!p0 s1, $0xE  }
0xb0: {  	s7 =	sor.u32 @!p0 $0x4000, s7;
	s6 =	simm.s32 @!p0 $0x1B8D  }
0xb1: {  	s5 =	sshll.u32 @!p0 s5, $0x11;
	s7 =	sadd.s32 @!p0 $0x11B8D, s7;
	_ =	swait.eq @!p0 [sflag:s6], $0x1  }
0xb2: {  	s5 =	sor.u32 @!p0 s5, s7;
	[sflag:s6] =	ssyncadd.s32 @!p0 $0xFFFFFFFF  }
0xb3: {  	s25 =	simm.s32 $0x1B8E;
	s24 =	sld [smem:$0x3FFE];
	[sflag:s5] =	ssyncadd.remote.s32 @!p0 $0x1  }
0xb4: {  	s26 =	simm.s32 $execute0_lowered;
	[smem:$0x3FD2] =	sst s25  }
0xb5: {  	s6 =	sshll.u32 s26, $0x1;
	_ =	strace $0x8000004F;
	[dreg:$0x1] =	wrdreg $0xFFFFFFFF  }
0xb6: {  	s28 =	simm.s32 $_size_execute0_lowered;
	s4 =	sadd.s32 s4, s6;
	[dreg:$0x0] =	wrdreg $0x0  }
0xb7: {  	s6 =	sshll.u32 s28, $0x1;
	[dreg:$0x2] =	wrdreg s4  }
0xb8: {  	[dreg:$0x3] =	wrdreg s6  }
0xb9: {  	[dreg:$0x4] =	wrdreg $0xC0  }
0xba: {  	_ =	task [dreg:s22], $0x5FFFF  }
0xbb: {  	[dreg:$0x1] =	wrdreg $0xFFFFFFFF  }
0xbc: {  	[dreg:$0x0] =	wrdreg $0x60  }
0xbd: {  	[dreg:$0x2] =	wrdreg s24  }
0xbe: {  	[dreg:$0x3] =	wrdreg s18  }
0xbf: {  	[dreg:$0x4] =	wrdreg $0x71480  }
0xc0: {  	[dreg:$0x5] =	wrdreg $0x1A9C80  }
0xc1: {  	[dreg:$0x6] =	wrdreg $0x9  }
0xc2: {  	_ =	task.clear_ibuf [dreg:s22], $0x7FFFF;
	_ =	strace $0x9000004F  }
0xc3: {  	s29 =	simm.s32 $0x9;
	_ =	strace $0x80000051  }
0xc4: {  	_ =	swait.ge [sflag:s29], $0x1  }
0xc5: {  	[sflag:s29] =	ssyncadd.s32 $0xFFFFFFFF  }
0xc6: {  	_ =	strace $0x90000051  }
0xc7: {  	_ =	sfence  }
0xc8: {  	s30 =	sld [smem:$0x0];
	_ =	sdelay $0x2  }
0xc9: {  	s31 =	sshll.u32 s1, $0xD;
	s1 =	sshrl.u32 s1, $0x2  }
0xca: {  	s4 =	sand.u32 $0x4000, s31;
	s1 =	sadd.s32 s1, s30  }
0xcb: {  	s0 =	sor.u32 s4, s0;
	s1 =	sshll.u32 s1, $0x11  }
0xcc: {  	s0 =	sor.u32 s1, s0  }
0xcd: {  	s0 =	sadd.s32 $0x8F2B, s0  }
0xce: {  	[sflag:s0] =	ssyncadd.remote.s32 $0x1  }
0xcf: {  	_ =	sfence.sel $0xFFFF  }
0xd0: {  	[dreg:$0x0] =	wrdreg $0xFFFFFFFF;
	(pc) =	sbr.abs _section_cstart, $3  }
0xd1: {  	[dreg:$0x1] =	wrdreg $0xFFFFFFFF  }
0xd2: {  	_ =	task.clear_ibuf [dreg:s22], $0x2FFFF;
	_ =	strace $0x9FFFFFFF  }
0xd3: {  	(tm) =	ssettm $0x7FFFFFFF  }
tec
execute0_lowered:
.L_overlay_start_1:
0x0: {  	(tag) =	ssettag $0x1  }
0x1: {  	s0 =	rddreg [dreg:$0x0]  }
0x2: {  	s5 =	rddreg [dreg:$0x1];
	s21 =	simm.s32 $0x0;
	s1 =	stileid.u32  }
0x3: {  	s2 =	srdreg.scid;
	s29 =	simm.s32 $0x1;
	s3 =	smul.u32 $0x13880, s1  }
0x4: {  	s31 =	simm.s32 $0x50;
	s6 =	sand.u32 $0x1, s2;
	s25 =	smul.u32 $0x2710, s1  }
0x5: {  	s19 =	sshll.u32 s1, $0x1;
	[smem:$0x7FF] =	sst s21;
	s7 =	smul.u32 $0x138800, s6  }
0x6: {  	s2 =	sor.u32 s6, s19;
	s9 =	ssub.s32 $0x2, s6;
	s6 =	smul.u32 $0x1388, s6  }
0x7: {  	s8 =	sadd.s32 $0x9DC000, s0;
	s10 =	sadd.s32 $0xC4D000, s0;
	s4 =	smul.u32 $0x1388, s2  }
0x8: {  	s11 =	sshrl.u32 s9, $0x1;
	s12 =	sshrl.u32 s3, $0x3;
	s13 =	smul.u32 $0x13880, s2  }
0x9: {  	s7 =	sadd.s32 s3, s7;
	s2 =	ssub.s32 s9, s11;
	s5 =	sadd.s32 s5, s12  }
0xa: {  	s6 =	sadd.s32 s6, s25;
	s14 =	sadd.s32 $0x28, s4;
	[dreg:$0x5] =	wrdreg s5  }
0xb: {  	s22 =	sadd.s32 s8, s13;
	s23 =	sadd.s32 s10, s13;
	s12 =	sadd.s32 $0x78, s4  }
0xc: {  	s13 =	sadd.s32 $0xA0, s4;
	s20 =	sshll.u32 s14, $0x4;
	[dreg:$0x6] =	wrdreg s22  }
0xd: {  	s18 =	sadd.s32 $0x168, s6;
	[dreg:$0x7] =	wrdreg s23;
	s24 =	sadd.s32 s8, s20  }
0xe: {  	s30 =	sshll.u32 s12, $0x4;
	s5 =	sadd.s32 s10, s20;
	[dreg:$0x8] =	wrdreg s24  }
0xf: {  	s19 =	sadd.s32 $0x140, s6;
	s15 =	sadd.s32 s8, s30;
	[dreg:$0x9] =	wrdreg s5  }
0x10: {  	s17 =	sshll.u32 s13, $0x4;
	s16 =	sadd.s32 s10, s30;
	[dreg:$0xc] =	wrdreg s15  }
0x11: {  	s9 =	sadd.s32 s10, s17;
	s5 =	sadd.s32 $0x50, s4;
	[dreg:$0xd] =	wrdreg s16  }
0x12: {  	s15 =	sadd.s32 s8, s17;
	[dreg:$0xf] =	wrdreg s9;
	s26 =	sshll.u32 s5, $0x4  }
0x13: {  	s9 =	sshrl.u32 s19, $0x3;
	[dreg:$0xe] =	wrdreg s15;
	s28 =	sadd.s32 s8, s26  }
0x14: {  	s22 =	sshll.u32 s9, $0x7;
	s11 =	sadd.s32 s10, s26;
	[dreg:$0xa] =	wrdreg s28  }
0x15: {  	s25 =	sadd.s32 $0xF0, s6;
	s23 =	sadd.s32 s22, s8;
	[dreg:$0xb] =	wrdreg s11  }
0x16: {  	s26 =	sadd.s32 $0xC8, s6;
	s11 =	sshrl.u32 s18, $0x3;
	[dreg:$0x12] =	wrdreg s23  }
0x17: {  	s12 =	sshrl.u32 s12, $0x3;
	[dreg:$0x16] =	wrdreg s26;
	s20 =	sshll.u32 s11, $0x7  }
0x18: {  	s16 =	sadd.s32 s20, s8;
	s15 =	sadd.s32 s20, s10;
	s20 =	rddreg [dreg:$0x2]  }
0x19: {  	s17 =	sadd.s32 $0x118, s6;
	s23 =	sshll.u32 s1, $0x6;
	[dreg:$0x10] =	wrdreg s16  }
0x1a: {  	s19 =	sshrl.u32 s7, $0x3;
	s7 =	sor.u32 $0x1C10, s23;
	[dreg:$0x11] =	wrdreg s15  }
0x1b: {  	s15 =	sshrl.u32 s17, $0x3;
	s16 =	sadd.s32 s22, s10;
	s22 =	rddreg [dreg:$0x3]  }
0x1c: {  	s17 =	sshll.u32 s26, $0x4;
	[dreg:$0x13] =	wrdreg s16;
	s24 =	sshll.u32 s15, $0x7  }
0x1d: {  	s18 =	sadd.s32 s24, s8;
	s16 =	sadd.s32 s24, s10;
	s24 =	smul.u32 $0x9C40, s1  }
0x1e: {  	s1 =	sadd.s32 $0x27F000, s0;
	[dreg:$0x15] =	wrdreg s16;
	s16 =	sshrl.u32 s25, $0x3  }
0x1f: {  	[dreg:$0x14] =	wrdreg s18;
	s18 =	sadd.s32 s17, s10;
	s28 =	sshll.u32 s16, $0x7  }
0x20: {  	s25 =	sadd.s32 s3, s20;
	[dreg:$0x1a] =	wrdreg s18;
	s30 =	sadd.s32 s28, s8  }
0x21: {  	s26 =	sshrl.u32 s24, $0x2;
	s6 =	sadd.s32 s28, s10;
	[dreg:$0x17] =	wrdreg s30  }
0x22: {  	s24 =	smax.u32 s2, $0x1;
	s8 =	sadd.s32 s17, s8;
	[dreg:$0x18] =	wrdreg s6  }
0x23: {  	s28 =	sshrl.u32 s4, $0x3;
	[dreg:$0x19] =	wrdreg s8;
	s6 =	sadd.s32 s19, s0  }
0x24: {  	s0 =	sadd.s32 s26, s22;
	_ =	strace $0x80000050;
	[dreg:$0x1c] =	wrdreg s25  }
0x25: {  	s2 =	simm.s32 $0x78;
	s3 =	sadd.s32 s1, s28;
	[dreg:$0x1e] =	wrdreg s0  }
0x26: {  	s10 =	sshrl.u32 s5, $0x3;
	s17 =	sadd.s32 s1, s12;
	[dreg:$0x1f] =	wrdreg s3  }
0x27: {  	s4 =	simm.s32 $0x28;
	s5 =	simm.s32 $0x50C8;
	[smem:$0x7F5] =	sst s17  }
0x28: {  	s12 =	simm.s32 $0xD;
	s26 =	sadd.s32 s9, s1;
	[smem:$0x7F9] =	sst s24  }
0x29: {  	s30 =	sshrl.u32 s14, $0x3;
	s28 =	sadd.s32 s15, s1;
	[smem:$0x7FB] =	sst s26  }
0x2a: {  	s14 =	sshrl.u32 s13, $0x3;
	s9 =	simm.s32 $0x3;
	[smem:$0x7FC] =	sst s28  }
0x2b: {  	s13 =	simm.s32 $0x9;
	s15 =	simm.s32 $0x5;
	[dreg:$0x1b] =	wrdreg s1  }
0x2c: {  	s8 =	sadd.s32 s1, s30;
	s0 =	sadd.s32 s1, s10;
	[dreg:$0x1d] =	wrdreg s7  }
0x2d: {  	s18 =	sadd.s32 s1, s14;
	s19 =	sadd.s32 $0xA0400, s6;
	[smem:$0x7F3] =	sst s8  }
0x2e: {  	s23 =	sadd.s32 $0xEE600, s6;
	s25 =	sadd.s32 s11, s1;
	[smem:$0x7F4] =	sst s0  }
0x2f: {  	s30 =	sadd.s32 s16, s1;
	s3 =	simm.s32 $0xA0;
	[smem:$0x7F6] =	sst s18  }
.Ltmp0:
0x30: {  	s6 =	simm.s32 $0x6EC8;
	[smem:$0x7F7] =	sst s19;
	(pc) =	sbr.rel .LBB2_1-.Ltmp0, $4  }
0x31: {  	s11 =	simm.s32 $0x8;
	s14 =	simm.s32 $0xE;
	[smem:$0x7F8] =	sst s23  }
0x32: {  	s16 =	simm.s32 $0xA;
	s17 =	simm.s32 $0xF;
	[smem:$0x7FA] =	sst s25  }
0x33: {  	s10 =	simm.s32 $0x0;
	[smem:$0x7FD] =	sst s30;
	s19 =	simm.s32 $0x10  }
0x34: {  	s18 =	simm.s32 $0x2;
	s8 =	simm.s32 $0xC;
	s0 =	simm.s32 $0x4  }
.LBB2_4:
0x35: {  	[bflag:$0x0] =	sbarrier.arrive $0xFFFF  }
0x36: {  	s1 =	sld [smem:$0x7F7]  }
0x37: {  	s10 =	sld [smem:$0x7F1];
	_ =	sdelay $0x1  }
0x38: {  	s7 =	rddreg [dreg:$0x1d]  }
0x39: {  	[hbm:s1], [sflag:s7] =	dma.local [spmem:s10], $0x2710  }
0x3a: {  	_ =	swait.ge [sflag:s19], $0x2710  }
0x3b: {  	s25 =	sld [smem:$0x7F8]  }
0x3c: {  	s26 =	sld [smem:$0x7F2]  }
0x3d: {  	[sflag:s19] =	ssyncset.done $0x0  }
0x3e: {  	s29 =	simm.s32 $0x1;
	s18 =	simm.s32 $0x2;
	[sflag:s19] =	ssyncadd.s32 $0xFFFFD8F0  }
0x3f: {  	[hbm:s25@s19], [sflag:s7] =	dma.strided [spmem:s26@s18], $0x4E2, s29, $0x2   }
0x40: {  	_ =	swait.ge [sflag:s19], $0x4E2  }
0x41: {  	s28 =	sld [smem:$0x7F0]  }
0x42: {  	s30 =	sld [smem:$0x7F9];
	_ =	sdelay $0x1  }
0x43: {  	s10 =	sadd.s32 $0x1, s28  }
0x44: {  	p0 =	sne.s32 s10, s30  }
.Ltmp1:
0x45: {  	_ = 	snop;
	(pc) =	sbr.rel @!p0 .LBB2_5-.Ltmp1, $3  }
0x46: {  	_ =	sdelay $0x1  }
0x47: {  	[sflag:s19] =	ssyncset.done $0x0  }
0x48: {  	s21 =	simm.s32 $0x0;
	[sflag:s19] =	ssyncadd.s32 $0xFFFFFB1E  }
.LBB2_1:
0x49: {  	[smem:$0x7F0] =	sst s10  }
0x4a: {  	s1 =	rddreg [dreg:$0x1c]  }
0x4b: {  	s26 =	rddreg [dreg:$0x5];
	s25 =	sshrl.u32 s1, $0x3  }
0x4c: {  	[smem:$0x7F1] =	sst s25  }
0x4d: {  	[spmem:s25], [sflag:s7] =	dma.local [hbm:s26], $0x2710  }
0x4e: {  	_ =	swait.ge [sflag:s19], $0x2710  }
0x4f: {  	s30 =	rddreg [dreg:$0x1e]  }
0x50: {  	[sflag:s19] =	ssyncset.done $0x0;
	s10 =	sshrl.u32 s30, $0x3  }
0x51: {  	[sflag:s19] =	ssyncadd.s32 $0xFFFFD8F0;
	[smem:$0x7F2] =	sst s10  }
0x52: {  	[spmem:s10@s18], [sflag:s7] =	dma.strided [hbm:s26@s19], $0x4E2, s29, $0x2   }
0x53: {  	_ =	swait.ge [sflag:s19], $0x4E2  }
0x54: {  	[sflag:s19] =	ssyncset.done $0x0  }
0x55: {  	[sflag:s19] =	ssyncadd.s32 $0xFFFFFB1E  }
0x56: {  	[bflag:$0x0] =	sbarrier.arrive $0xFFFF  }
0x57: {  	s7 =	rddreg [dreg:$0x1f]  }
0x58: {  	s10 =	rddreg [dreg:$0x6]  }
0x59: {  	s23 =	rddreg [dreg:$0x7]  }
0x5a: {  	s25 =	sld [smem:$0x7F3]  }
0x5b: {  	[tilespmem:s21], [sflag:$0x1] =	stream.linear.gather [hbm4b:s7+s21], $0x28, $0x38;
	[tilespmem:$0x1D0D8] =	vst v63  }
0x5c: {  	s18 =	simm.s32 $0xC8;
	s26 =	rddreg [dreg:$0x8]  }
0x5d: {  	[tilespmem:s18], [sflag:$0x6] =	stream.linear.gather [hbm4b:s10+s21], $0x1400, $0x38;
	[tilespmem:$0x1D0D8] =	vst v63  }
0x5e: {  	s18 =	rddreg [dreg:$0x9]  }
0x5f: {  	s24 =	simm.s32 $0x64C8;
	s7 =	simm.s32 $0x80;
	s10 =	sld [smem:$0x7F5]  }
0x60: {  	[tilespmem:s24], [sflag:$0xB] =	stream.strided.gather [hbm4b:s23+s19], $0x280, s7, s19, $0x38;
	[tilespmem:$0x1D0D8] =	vst v63  }
0x61: {  	s24 =	sld [smem:$0x7F4]  }
0x62: {  	[tilespmem:s4], [sflag:$0x2] =	stream.linear.gather [hbm4b:s25+s21], $0x28, $0x38;
	[tilespmem:$0x1D0D8] =	vst v63  }
0x63: {  	s30 =	simm.s32 $0x14C8;
	s25 =	rddreg [dreg:$0xa]  }
0x64: {  	[tilespmem:s30], [sflag:$0x7] =	stream.linear.gather [hbm4b:s26+s21], $0x1400, $0x38;
	[tilespmem:$0x1D0D8] =	vst v63  }
0x65: {  	s23 =	simm.s32 $0x6748;
	s30 =	rddreg [dreg:$0xb]  }
0x66: {  	[tilespmem:s23], [sflag:$0xC] =	stream.strided.gather [hbm4b:s18+s19], $0x280, s7, s19, $0x38;
	[tilespmem:$0x1D0D8] =	vst v63  }
0x67: {  	s18 =	rddreg [dreg:$0xc]  }
0x68: {  	[tilespmem:s31], [sflag:$0x3] =	stream.linear.gather [hbm4b:s24+s21], $0x28, $0x38;
	[tilespmem:$0x1D0D8] =	vst v63  }
0x69: {  	s26 =	simm.s32 $0x28C8;
	s24 =	rddreg [dreg:$0xd]  }
0x6a: {  	[tilespmem:s26], [sflag:$0x8] =	stream.linear.gather [hbm4b:s25+s21], $0x1400, $0x38;
	[tilespmem:$0x1D0D8] =	vst v63  }
0x6b: {  	s31 =	simm.s32 $0x69C8;
	s26 =	sld [smem:$0x7F6]  }
0x6c: {  	[tilespmem:s31], [sflag:$0xD] =	stream.strided.gather [hbm4b:s30+s19], $0x280, s7, s19, $0x38;
	[tilespmem:$0x1D0D8] =	vst v63  }
0x6d: {  	s30 =	rddreg [dreg:$0xe]  }
0x6e: {  	[tilespmem:s2], [sflag:$0x4] =	stream.linear.gather [hbm4b:s10+s21], $0x28, $0x38;
	[tilespmem:$0x1D0D8] =	vst v63  }
0x6f: {  	s23 =	simm.s32 $0x3CC8;
	s31 =	rddreg [dreg:$0xf]  }
0x70: {  	[tilespmem:s23], [sflag:$0x9] =	stream.linear.gather [hbm4b:s18+s21], $0x1400, $0x38;
	[tilespmem:$0x1D0D8] =	vst v63  }
0x71: {  	s18 =	rddreg [dreg:$0x16]  }
0x72: {  	s25 =	simm.s32 $0x6C48;
	s23 =	sld [smem:$0x7FD]  }
0x73: {  	[tilespmem:s25], [sflag:$0xE] =	stream.strided.gather [hbm4b:s24+s19], $0x280, s7, s19, $0x38;
	[tilespmem:$0x1D0D8] =	vst v63  }
0x74: {  	s24 =	sld [smem:$0x7FC]  }
0x75: {  	[tilespmem:s3], [sflag:$0x5] =	stream.linear.gather [hbm4b:s26+s21], $0x28, $0x38;
	[tilespmem:$0x1D0D8] =	vst v63  }
0x76: {  	s25 =	sld [smem:$0x7FB]  }
0x77: {  	[tilespmem:s5], [sflag:$0xA] =	stream.linear.gather [hbm4b:s30+s21], $0x1400, $0x38;
	[tilespmem:$0x1D0D8] =	vst v63  }
0x78: {  	s28 =	simm.s32 $0x0;
	s26 =	sld [smem:$0x7FA]  }
0x79: {  	[tilespmem:s6], [sflag:$0xF] =	stream.strided.gather [hbm4b:s31+s19], $0x280, s7, s19, $0x38;
	[tilespmem:$0x1D0D8] =	vst v63  }
0x7a: {  	s3 =	simm.s32 $0xA0;
	s5 =	simm.s32 $0x50C8;
	s6 =	simm.s32 $0x6EC8  }
.LBB2_2:
0x7b: {  	_ =	swait.ge [sflag:s29], $0x28  }
0x7c: {  	[sflag:s29] =	ssyncset.done $0x0  }
0x7d: {  	s1 =	simm.s32 $0x6;
	[sflag:s29] =	ssyncadd.s32 $0xFFFFFFD8  }
0x7e: {  	_ =	swait.ge [sflag:s1], $0x1400  }
0x7f: {  	[sflag:s1] =	ssyncset.done $0x0  }
0x80: {  	s7 =	simm.s32 $0xB;
	[sflag:s1] =	ssyncadd.s32 $0xFFFFEC00  }
0x81: {  	_ =	swait.ge [sflag:s7], $0x280  }
0x82: {  	[sflag:s7] =	ssyncset.done $0x0  }
0x83: {  	s10 =	simm.s32 $0xC8;
	[sflag:s7] =	ssyncadd.s32 $0xFFFFFD80  }
0x84: {  	[spmem:s20] =	stream.indirect.scatter.add.f32 [tilespmem:s10], [sflag:$0x10], $0x80, s21, s4, $0xb8;
	[tilespmem:$0x1D0D8] =	vst v63  }
0x85: {  	_ =	swait.ge [sflag:s19], $0x1400  }
0x86: {  	[sflag:s19] =	ssyncset.done $0x0  }
0x87: {  	s30 =	simm.s32 $0x64C8;
	[sflag:s19] =	ssyncadd.s32 $0xFFFFEC00  }
0x88: {  	[spmem:s22] =	stream.indirect.scatter.add.f32 [tilespmem:s30], [sflag:$0x10], $0x10, s21, s4, $0xb8;
	[tilespmem:$0x1D0D8] =	vst v63  }
0x89: {  	_ =	swait.ge [sflag:s19], $0x280  }
0x8a: {  	p0 =	seq.s32 s28, $0x12C00;
	[sflag:s19] =	ssyncset.done $0x0  }
0x8b: {  	s7 =	sshrl.u32 @!p0 s18, $0x3;
	s1 =	rddreg [dreg:$0x1b];
	[sflag:s19] =	ssyncadd.s32 $0xFFFFFD80  }
0x8c: {  	s10 =	sadd.s32 @!p0 s1, s7;
	s7 =	simm.s32 @!p0 $0x0;
	s1 =	rddreg [dreg:$0x19]  }
0x8d: {  	[tilespmem:s7], [sflag:$0x1] =	stream.linear.gather @!p0 [hbm4b:s10+s7], $0x28, $0x38;
	[tilespmem:$0x1D0D8] =	vst v63  }
0x8e: {  	s10 =	sadd.s32 @!p0 s28, s1;
	s1 =	rddreg [dreg:$0x1a]  }
0x8f: {  	s2 =	simm.s32 $0x2;
	s30 =	simm.s32 @!p0 $0xC8;
	s21 =	sadd.s32 @!p0 s28, s1  }
0x90: {  	[tilespmem:s30], [sflag:$0x6] =	stream.linear.gather @!p0 [hbm4b:s10+s7], $0x1400, $0x38;
	[tilespmem:$0x1D0D8] =	vst v63  }
0x91: {  	s1 =	simm.s32 @!p0 $0x64C8;
	s10 =	simm.s32 @!p0 $0x10;
	s30 =	simm.s32 @!p0 $0x80  }
0x92: {  	[tilespmem:s1], [sflag:$0xB] =	stream.strided.gather @!p0 [hbm4b:s21+s10], $0x280, s30, s10, $0x38;
	[tilespmem:$0x1D0D8] =	vst v63  }
0x93: {  	_ =	swait.ge [sflag:s2], $0x28  }
0x94: {  	[sflag:s2] =	ssyncset.done $0x0  }
0x95: {  	s21 =	simm.s32 $0x7;
	[sflag:s2] =	ssyncadd.s32 $0xFFFFFFD8  }
0x96: {  	_ =	swait.ge [sflag:s21], $0x1400  }
0x97: {  	[sflag:s21] =	ssyncset.done $0x0  }
0x98: {  	[sflag:s21] =	ssyncadd.s32 $0xFFFFEC00  }
0x99: {  	_ =	swait.ge [sflag:s8], $0x280  }
0x9a: {  	[sflag:s8] =	ssyncset.done $0x0  }
0x9b: {  	s2 =	simm.s32 $0x14C8;
	[sflag:s8] =	ssyncadd.s32 $0xFFFFFD80  }
0x9c: {  	[spmem:s20] =	stream.indirect.scatter.add.f32 [tilespmem:s2], [sflag:$0x10], $0x80, s4, s4, $0xb8;
	[tilespmem:$0x1D0D8] =	vst v63  }
0x9d: {  	_ =	swait.ge [sflag:s19], $0x1400  }
0x9e: {  	[sflag:s19] =	ssyncset.done $0x0  }
0x9f: {  	s21 =	simm.s32 $0x6748;
	[sflag:s19] =	ssyncadd.s32 $0xFFFFEC00  }
0xa0: {  	[spmem:s22] =	stream.indirect.scatter.add.f32 [tilespmem:s21], [sflag:$0x10], $0x10, s4, s4, $0xb8;
	[tilespmem:$0x1D0D8] =	vst v63  }
0xa1: {  	_ =	swait.ge [sflag:s19], $0x280  }
0xa2: {  	[sflag:s19] =	ssyncset.done $0x0  }
0xa3: {  	s1 =	simm.s32 @!p0 $0x28;
	[sflag:s19] =	ssyncadd.s32 $0xFFFFFD80  }
0xa4: {  	[tilespmem:s1], [sflag:$0x2] =	stream.linear.gather @!p0 [hbm4b:s23+s7], $0x28, $0x38;
	[tilespmem:$0x1D0D8] =	vst v63  }
0xa5: {  	s1 =	rddreg [dreg:$0x17]  }
0xa6: {  	s21 =	simm.s32 @!p0 $0x14C8;
	s1 =	sadd.s32 @!p0 s28, s1  }
0xa7: {  	[tilespmem:s21], [sflag:$0x7] =	stream.linear.gather @!p0 [hbm4b:s1+s7], $0x1400, $0x38;
	[tilespmem:$0x1D0D8] =	vst v63  }
0xa8: {  	s1 =	rddreg [dreg:$0x18]  }
0xa9: {  	s21 =	simm.s32 @!p0 $0x6748;
	s1 =	sadd.s32 @!p0 s28, s1  }
0xaa: {  	[tilespmem:s21], [sflag:$0xC] =	stream.strided.gather @!p0 [hbm4b:s1+s10], $0x280, s30, s10, $0x38;
	[tilespmem:$0x1D0D8] =	vst v63  }
0xab: {  	_ =	swait.ge [sflag:s9], $0x28  }
0xac: {  	[sflag:s9] =	ssyncset.done $0x0  }
0xad: {  	[sflag:s9] =	ssyncadd.s32 $0xFFFFFFD8  }
0xae: {  	_ =	swait.ge [sflag:s11], $0x1400  }
0xaf: {  	[sflag:s11] =	ssyncset.done $0x0  }
0xb0: {  	[sflag:s11] =	ssyncadd.s32 $0xFFFFEC00  }
0xb1: {  	_ =	swait.ge [sflag:s12], $0x280  }
0xb2: {  	[sflag:s12] =	ssyncset.done $0x0  }
0xb3: {  	s2 =	simm.s32 $0x28C8;
	s1 =	simm.s32 $0x50;
	[sflag:s12] =	ssyncadd.s32 $0xFFFFFD80  }
0xb4: {  	[spmem:s20] =	stream.indirect.scatter.add.f32 [tilespmem:s2], [sflag:$0x10], $0x80, s1, s4, $0xb8;
	[tilespmem:$0x1D0D8] =	vst v63  }
0xb5: {  	_ =	swait.ge [sflag:s19], $0x1400  }
0xb6: {  	[sflag:s19] =	ssyncset.done $0x0  }
0xb7: {  	s2 =	simm.s32 $0x69C8;
	[sflag:s19] =	ssyncadd.s32 $0xFFFFEC00  }
0xb8: {  	[spmem:s22] =	stream.indirect.scatter.add.f32 [tilespmem:s2], [sflag:$0x10], $0x10, s1, s4, $0xb8;
	[tilespmem:$0x1D0D8] =	vst v63  }
0xb9: {  	_ =	swait.ge [sflag:s19], $0x280  }
0xba: {  	[sflag:s19] =	ssyncset.done $0x0  }
0xbb: {  	s1 =	simm.s32 @!p0 $0x50;
	[sflag:s19] =	ssyncadd.s32 $0xFFFFFD80  }
0xbc: {  	[tilespmem:s1], [sflag:$0x3] =	stream.linear.gather @!p0 [hbm4b:s24+s7], $0x28, $0x38;
	[tilespmem:$0x1D0D8] =	vst v63  }
0xbd: {  	s1 =	rddreg [dreg:$0x14]  }
0xbe: {  	s21 =	simm.s32 @!p0 $0x28C8;
	s1 =	sadd.s32 @!p0 s28, s1  }
0xbf: {  	[tilespmem:s21], [sflag:$0x8] =	stream.linear.gather @!p0 [hbm4b:s1+s7], $0x1400, $0x38;
	[tilespmem:$0x1D0D8] =	vst v63  }
0xc0: {  	s1 =	rddreg [dreg:$0x15]  }
0xc1: {  	s21 =	simm.s32 @!p0 $0x69C8;
	s1 =	sadd.s32 @!p0 s28, s1  }
0xc2: {  	[tilespmem:s21], [sflag:$0xD] =	stream.strided.gather @!p0 [hbm4b:s1+s10], $0x280, s30, s10, $0x38;
	[tilespmem:$0x1D0D8] =	vst v63  }
0xc3: {  	_ =	swait.ge [sflag:s0], $0x28  }
0xc4: {  	[sflag:s0] =	ssyncset.done $0x0  }
0xc5: {  	[sflag:s0] =	ssyncadd.s32 $0xFFFFFFD8  }
0xc6: {  	_ =	swait.ge [sflag:s13], $0x1400  }
0xc7: {  	[sflag:s13] =	ssyncset.done $0x0  }
0xc8: {  	[sflag:s13] =	ssyncadd.s32 $0xFFFFEC00  }
0xc9: {  	_ =	swait.ge [sflag:s14], $0x280  }
0xca: {  	[sflag:s14] =	ssyncset.done $0x0  }
0xcb: {  	s2 =	simm.s32 $0x3CC8;
	s1 =	simm.s32 $0x78;
	[sflag:s14] =	ssyncadd.s32 $0xFFFFFD80  }
0xcc: {  	[spmem:s20] =	stream.indirect.scatter.add.f32 [tilespmem:s2], [sflag:$0x10], $0x80, s1, s4, $0xb8;
	[tilespmem:$0x1D0D8] =	vst v63  }
0xcd: {  	_ =	swait.ge [sflag:s19], $0x1400  }
0xce: {  	[sflag:s19] =	ssyncset.done $0x0  }
0xcf: {  	s21 =	simm.s32 $0x6C48;
	[sflag:s19] =	ssyncadd.s32 $0xFFFFEC00  }
0xd0: {  	[spmem:s22] =	stream.indirect.scatter.add.f32 [tilespmem:s21], [sflag:$0x10], $0x10, s1, s4, $0xb8;
	[tilespmem:$0x1D0D8] =	vst v63  }
0xd1: {  	_ =	swait.ge [sflag:s19], $0x280  }
0xd2: {  	[sflag:s19] =	ssyncset.done $0x0  }
0xd3: {  	s1 =	simm.s32 @!p0 $0x78;
	[sflag:s19] =	ssyncadd.s32 $0xFFFFFD80  }
0xd4: {  	[tilespmem:s1], [sflag:$0x4] =	stream.linear.gather @!p0 [hbm4b:s25+s7], $0x28, $0x38;
	[tilespmem:$0x1D0D8] =	vst v63  }
0xd5: {  	s1 =	rddreg [dreg:$0x12]  }
0xd6: {  	s21 =	simm.s32 @!p0 $0x3CC8;
	s1 =	sadd.s32 @!p0 s28, s1  }
0xd7: {  	[tilespmem:s21], [sflag:$0x9] =	stream.linear.gather @!p0 [hbm4b:s1+s7], $0x1400, $0x38;
	[tilespmem:$0x1D0D8] =	vst v63  }
0xd8: {  	s1 =	rddreg [dreg:$0x13]  }
0xd9: {  	s7 =	simm.s32 @!p0 $0x6C48;
	s1 =	sadd.s32 @!p0 s28, s1  }
0xda: {  	[tilespmem:s7], [sflag:$0xE] =	stream.strided.gather @!p0 [hbm4b:s1+s10], $0x280, s30, s10, $0x38;
	[tilespmem:$0x1D0D8] =	vst v63  }
0xdb: {  	_ =	swait.ge [sflag:s15], $0x28  }
0xdc: {  	[sflag:s15] =	ssyncset.done $0x0  }
0xdd: {  	[sflag:s15] =	ssyncadd.s32 $0xFFFFFFD8  }
0xde: {  	_ =	swait.ge [sflag:s16], $0x1400  }
0xdf: {  	[sflag:s16] =	ssyncset.done $0x0  }
0xe0: {  	[sflag:s16] =	ssyncadd.s32 $0xFFFFEC00  }
0xe1: {  	_ =	swait.ge [sflag:s17], $0x280  }
0xe2: {  	[sflag:s17] =	ssyncset.done $0x0  }
0xe3: {  	[sflag:s17] =	ssyncadd.s32 $0xFFFFFD80  }
0xe4: {  	[spmem:s20] =	stream.indirect.scatter.add.f32 [tilespmem:s5], [sflag:$0x10], $0x80, s3, s4, $0xb8;
	[tilespmem:$0x1D0D8] =	vst v63  }
0xe5: {  	_ =	swait.ge [sflag:s19], $0x1400  }
0xe6: {  	[sflag:s19] =	ssyncset.done $0x0  }
.Ltmp2:
0xe7: {  	[sflag:s19] =	ssyncadd.s32 $0xFFFFEC00;
	(pc) =	sbr.rel @p0 .LBB2_4-.Ltmp2, $4  }
0xe8: {  	[spmem:s22] =	stream.indirect.scatter.add.f32 [tilespmem:s6], [sflag:$0x10], $0x10, s3, s4, $0xb8;
	[tilespmem:$0x1D0D8] =	vst v63  }
0xe9: {  	s31 =	simm.s32 $0x50;
	s29 =	simm.s32 $0x0;
	_ =	swait.ge [sflag:s19], $0x280  }
0xea: {  	s2 =	simm.s32 $0x78;
	s5 =	simm.s32 $0x50C8;
	[sflag:s19] =	ssyncset.done $0x0  }
0xeb: {  	s3 =	simm.s32 $0xA0;
	s6 =	simm.s32 $0x6EC8;
	[sflag:s19] =	ssyncadd.s32 $0xFFFFFD80  }
0xec: {  	[tilespmem:s3], [sflag:$0x5] =	stream.linear.gather [hbm4b:s26+s29], $0x28, $0x38;
	[tilespmem:$0x1D0D8] =	vst v63  }
0xed: {  	s1 =	rddreg [dreg:$0x10]  }
0xee: {  	s31 =	rddreg [dreg:$0x11]  }
0xef: {  	s7 =	simm.s32 $0x80;
	s26 =	sadd.s32 $0x19, s26;
	s25 =	sadd.s32 $0x19, s25  }
0xf0: {  	s24 =	sadd.s32 $0x19, s24;
	s23 =	sadd.s32 $0x19, s23;
	s18 =	sadd.s32 $0xC8, s18  }
.Ltmp3:
0xf1: {  	s21 =	simm.s32 $0x0;
	s1 =	sadd.s32 s28, s1;
	(pc) =	sbr.rel .LBB2_2-.Ltmp3, $4  }
0xf2: {  	[tilespmem:s5], [sflag:$0xA] =	stream.linear.gather [hbm4b:s1+s29], $0x1400, $0x38;
	[tilespmem:$0x1D0D8] =	vst v63  }
0xf3: {  	s3 =	simm.s32 $0xA0;
	s1 =	sadd.s32 s28, s31;
	s28 =	sadd.s32 $0xC80, s28  }
0xf4: {  	[tilespmem:s6], [sflag:$0xF] =	stream.strided.gather [hbm4b:s1+s19], $0x280, s7, s19, $0x38;
	[tilespmem:$0x1D0D8] =	vst v63  }
0xf5: {  	s29 =	simm.s32 $0x1;
	s5 =	simm.s32 $0x50C8;
	s6 =	simm.s32 $0x6EC8  }
.LBB2_5:
0xf6: {  	_ =	sfence.sel $0x180000  }
0xf7: {  	[bflag:$0x0] =	sbarrier.arrive $0xFFFF  }
0xf8: {  	_ =	strace $0x90000050  }
0xf9: {  	s0 =	stileid.u32;
	[bflag:$0x2] =	sbarrier.arrive $0xFFFF  }
0xfa: {  	p0 =	sne.s32 s0, $0x0;
	s0 =	rddreg [dreg:$0x4]  }
0xfb: {  	s0 =	sadd.s32 @!p0 $0x100000, s0  }
0xfc: {  	[sflag:s0] =	ssyncadd.tile.s32 @!p0 $0x1;
	_ =	shalt  }
.Lfunc_end2:
_tile_overlayer_lowered:
.L_overlay_start_2:
0xfd: {  	(tag) =	ssettag $0x2  }
0xfe: {  	s0 =	rddreg [dreg:$0x0];
	s2 =	stileid.u32  }
0xff: {  	s1 =	rddreg [dreg:$0x1];
	p0 =	sne.s32 s2, $0x0  }
0x100: {  	s3 =	rddreg [dreg:$0x2];
	[bflag:$0x3] =	sbarrier.arrive $0xFFFF;
	s2 =	simm.s32 @!p0 $0x1C10  }
0x101: {  	[timem:s3], [sflag:s2] =	dma.local @!p0 [hbm:s0], s1  }
0x102: {  	s0 =	simm.s32 @!p0 $0x10  }
0x103: {  	_ =	swait.ge @!p0 [sflag:s0], s1  }
0x104: {  	s1 =	ssub.s32 @!p0 $0x0, s1;
	[sflag:s0] =	ssyncset.done @!p0 $0x0  }
0x105: {  	[sflag:s0] =	ssyncadd.s32 @!p0 s1  }
0x106: {  	[bflag:$0x3] =	sbarrier.arrive $0xFFFF  }
0x107: {  	_ =	shalt  }

// kernel: kernel.15.cloned.1.call-start
scs
__scs_entry_jumppad:
0x0: {  	(pc) =	sbr.rel $0x88, $3  }
0x1: {  	(tag) =	ssettag $0x0;
	lr =	simm.s32 $0x1  }
0x2: {  	[smem:$0x3F92] =	sst lr;
	_ =	strace $0xD0000000  }
0x3: {  	_ = 	snop  }
0x4: {  	_ = 	snop  }
0x5: {  	_ = 	snop  }
0x6: {  	_ = 	snop  }
0x7: {  	_ = 	snop  }
__scs_overlays_trampoline_lowered:
0x8: {  	[smem:$0x3FA1] =	sst s0  }
0x9: {  	[smem:$0x3FA2] =	sst s1  }
0xa: {  	[smem:$0x3FA3] =	sst s2  }
0xb: {  	[smem:$0x3FA4] =	sst s3  }
0xc: {  	[smem:$0x3FA5] =	sst s4  }
0xd: {  	[smem:$0x3FA6] =	sst s5  }
0xe: {  	[smem:$0x3FA7] =	sst s6  }
0xf: {  	[smem:$0x3FA8] =	sst s7  }
0x10: {  	[smem:$0x3FA9] =	sst s8  }
0x11: {  	[smem:$0x3FAA] =	sst s9;
	s0 =	simm.s32 @!p0 $0x0  }
0x12: {  	s1 =	sld [smem:$0x3F90];
	s0 =	simm.s32 @p0 $0x1  }
0x13: {  	[smem:$0x3FAB] =	sst s0;
	s0 =	simm.s32 @!p1 $0x0  }
0x14: {  	s2 =	sld [smem:$0x3F8F];
	s0 =	simm.s32 @p1 $0x1  }
0x15: {  	[smem:$0x3FAC] =	sst s0;
	s0 =	simm.s32 @!p2 $0x0  }
0x16: {  	s3 =	sld [smem:$0x3FDB];
	s0 =	simm.s32 @p2 $0x1  }
0x17: {  	s4 =	simm.s32 $0x1BF5;
	[smem:$0x3FAE] =	sst s0  }
0x18: {  	s0 =	sld [smem:$0x3F91];
	_ =	swait.ge [sflag:s4], $0x0  }
0x19: {  	s7 =	sld [smem:$0x3F92]  }
0x1a: {  	s8 =	sadd.s32 $0xFFFFE003, lr  }
0x1b: {  	s9 =	sadd.s32 $0xFFFFFEF7, lr;
	s5 =	simm.s32 $0xFFFFFFFF;
	p2 =	slt.u32 s8, $0xFFFFF086  }
0x1c: {  	p1 =	slt.u32 s9, $0xF7A;
	s5 =	simm.s32 @!p2 $0x0  }
0x1d: {  	s5 =	simm.s32 @p1 $0x1;
	p0 =	seq.s32 s7, s2  }
0x1e: {  	s7 =	smul.u32 @!p0 $0xF7A, s2;
	p2 =	seq.s32 @!p0 s5, $0x0  }
0x1f: {  	s9 =	smul.u32 $0xF7A, s1;
	s8 =	simm.s32 @!p0 $0x1BF5;
	p2 =	por !p2, p0  }
0x20: {  	[sflag:s8] =	ssyncset.s32 @!p0 $0xFFFFF086;
	s6 =	sadd.s32 @!p0 s3, s7;
	s7 =	simm.s32 @!p0 $0x108  }
0x21: {  	s3 =	sadd.s32 s3, s9;
	s6 =	sadd.s32 @!p0 $0x88, s6;
	s7 =	simm.s32 @p2 $0x1082  }
0x22: {  	[simem:s7], [sflag:s8] =	dma.local @!p0 [hbm:s6], $0xF7A  }
0x23: {  	s9 =	sor.u32 $0xD0000000, s2;
	s6 =	simm.s32 $0x108;
	_ =	swait.ge @!p0 [sflag:s8], $0x0  }
0x24: {  	s3 =	sadd.s32 $0x88, s3;
	s6 =	simm.s32 @!p1 $0x1082;
	[sflag:s4] =	ssyncset.s32 $0xFFFFF086  }
0x25: {  	[simem:s6], [sflag:s4] =	dma.local [hbm:s3], $0xF7A  }
0x26: {  	[smem:$0x3F92] =	sst s1;
	(tag) =	ssettag s2;
	_ =	strace s9  }
0x27: {  	s1 =	sld [smem:$0x3FA2]  }
0x28: {  	s2 =	sld [smem:$0x3FA3]  }
0x29: {  	s4 =	sld [smem:$0x3FA5]  }
0x2a: {  	p0 =	seq.s32 s5, $0x0;
	s5 =	sld [smem:$0x3FA6]  }
0x2b: {  	s6 =	sld [smem:$0x3FA7]  }
0x2c: {  	s7 =	sld [smem:$0x3FA8]  }
0x2d: {  	s3 =	simm.s32 $0x108;
	s8 =	sld [smem:$0x3FA9]  }
0x2e: {  	s3 =	simm.s32 @!p0 $0x1082;
	s9 =	sld [smem:$0x3FAA]  }
0x2f: {  	lr =	sadd.s32 s0, s3;
	s0 =	sld [smem:$0x3FA1]  }
0x30: {  	s3 =	sld [smem:$0x3FA4]  }
0x31: {  	[smem:$0x3FAD] =	sst s10  }
0x32: {  	s10 =	sld [smem:$0x3FAB];
	_ =	sdelay $0x3  }
0x33: {  	p0 =	seq.s32 s10, $0x1;
	s10 =	sld [smem:$0x3FAD];
	_ =	sdelay $0x3  }
0x34: {  	[smem:$0x3FAD] =	sst s10  }
0x35: {  	s10 =	sld [smem:$0x3FAC];
	_ =	sdelay $0x3  }
0x36: {  	p1 =	seq.s32 s10, $0x1;
	s10 =	sld [smem:$0x3FAD];
	_ =	sdelay $0x3  }
0x37: {  	[smem:$0x3FAD] =	sst s10  }
0x38: {  	s10 =	sld [smem:$0x3FAE]  }
0x39: {  	_ = 	snop;
	(pc) =	sbr.ind lr, $3  }
0x3a: {  	_ = 	snop  }
0x3b: {  	_ = 	snop  }
0x3c: {  	p2 =	seq.s32 s10, $0x1;
	s10 =	sld [smem:$0x3FAD]  }
0x3d: {  	_ =	shalt  }
0x3e: {  	_ =	shalt  }
0x3f: {  	_ =	shalt  }
0x40: {  	_ =	shalt  }
0x41: {  	_ =	shalt  }
0x42: {  	_ =	shalt  }
0x43: {  	_ =	shalt  }
0x44: {  	_ =	shalt  }
0x45: {  	_ =	shalt  }
0x46: {  	_ =	shalt  }
0x47: {  	_ =	shalt  }
0x48: {  	_ =	shalt  }
0x49: {  	_ =	shalt  }
0x4a: {  	_ =	shalt  }
0x4b: {  	_ =	shalt  }
0x4c: {  	_ =	shalt  }
0x4d: {  	_ =	shalt  }
0x4e: {  	_ =	shalt  }
0x4f: {  	_ =	shalt  }
0x50: {  	_ =	shalt  }
0x51: {  	_ =	shalt  }
0x52: {  	_ =	shalt  }
0x53: {  	_ =	shalt  }
0x54: {  	_ =	shalt  }
0x55: {  	_ =	shalt  }
0x56: {  	_ =	shalt  }
0x57: {  	_ =	shalt  }
0x58: {  	_ =	shalt  }
0x59: {  	_ =	shalt  }
0x5a: {  	_ =	shalt  }
0x5b: {  	_ =	shalt  }
0x5c: {  	_ =	shalt  }
0x5d: {  	_ =	shalt  }
0x5e: {  	_ =	shalt  }
0x5f: {  	_ =	shalt  }
0x60: {  	_ =	shalt  }
0x61: {  	_ =	shalt  }
0x62: {  	_ =	shalt  }
0x63: {  	_ =	shalt  }
0x64: {  	_ =	shalt  }
0x65: {  	_ =	shalt  }
0x66: {  	_ =	shalt  }
0x67: {  	_ =	shalt  }
0x68: {  	_ =	shalt  }
0x69: {  	_ =	shalt  }
0x6a: {  	_ =	shalt  }
0x6b: {  	_ =	shalt  }
0x6c: {  	_ =	shalt  }
0x6d: {  	_ =	shalt  }
0x6e: {  	_ =	shalt  }
0x6f: {  	_ =	shalt  }
0x70: {  	_ =	shalt  }
0x71: {  	_ =	shalt  }
0x72: {  	_ =	shalt  }
0x73: {  	_ =	shalt  }
0x74: {  	_ =	shalt  }
0x75: {  	_ =	shalt  }
0x76: {  	_ =	shalt  }
0x77: {  	_ =	shalt  }
0x78: {  	_ =	shalt  }
0x79: {  	_ =	shalt  }
0x7a: {  	_ =	shalt  }
0x7b: {  	_ =	shalt  }
0x7c: {  	_ =	shalt  }
0x7d: {  	_ =	shalt  }
0x7e: {  	_ =	shalt  }
0x7f: {  	_ =	shalt  }
0x80: {  	_ =	shalt  }
0x81: {  	_ =	shalt  }
0x82: {  	_ =	shalt  }
0x83: {  	_ =	shalt  }
0x84: {  	_ =	shalt  }
0x85: {  	_ =	shalt  }
0x86: {  	_ =	shalt  }
0x87: {  	_ =	shalt  }
.Lfunc_end0:
.L_simem_size_0:
called_computation.2_lowered:
.L_overlay_start_0:
0x88: {  	s2 =	sld [smem:$0x3FD9]  }
0x89: {  	s3 =	sld [smem:$0x3FFE];
	_ =	sdelay $0x1  }
0x8a: {  	s1 =	srdreg.scid  }
0x8b: {  	s0 =	sand.u32 $0x1, s1  }
0x8c: {  	s17 =	sshll.u32 s0, $0xA;
	s2 =	sadd.s32 s3, s2  }
0x8d: {  	s2 =	sadd.s32 s2, s17  }
0x8e: {  	[smem:$0x3FB9] =	sst s2  }
0x8f: {  	_ = 	snop  }
0x90: {  	s2 =	sld [smem:$0x3FC9];
	(tm) =	ssettm $0x1  }
0x91: {  	s18 =	sld [smem:$0x3FFB];
	_ =	sdelay $0x3  }
0x92: {  	_ =	strace s18  }
0x93: {  	s3 =	sld [smem:$0x3FFC];
	_ =	sdelay $0x3  }
0x94: {  	_ =	strace s3  }
0x95: {  	s3 =	sld [smem:$0x3FFD];
	_ =	sdelay $0x3  }
0x96: {  	_ =	strace s3  }
0x97: {  	_ =	strace $0x8FFFFFFF  }
0x98: {  	s19 =	sld [smem:$0x3FDB];
	_ =	sdelay $0x1  }
0x99: {  	s4 =	simm.s32 $_scs_section_size  }
0x9a: {  	s5 =	simm.s32 $_size__tile_overlayer_lowered;
	s6 =	simm.s32 $_tile_overlayer_lowered  }
0x9b: {  	s22 =	simm.s32 $0x1BFF;
	s21 =	sshll.u32 s6, $0x1;
	s3 =	sadd.s32 s4, s19  }
0x9c: {  	s7 =	simm.s32 $0x0;
	s20 =	sshll.u32 s5, $0x1;
	s5 =	sadd.s32 s21, s3  }
0x9d: {  	[timem:s7], [sflag:s22] =	dma.local [hbm:s5], s20  }
0x9e: {  	_ =	swait.ge [sflag:s22], s20  }
0x9f: {  	s4 =	ssub.s32 $0x0, s20;
	[sflag:s22] =	ssyncset.done $0x0  }
0xa0: {  	[sflag:s22] =	ssyncadd.s32 s4;
	_ =	sdelay $0x1  }
0xa1: {  	s23 =	simm.s32 $0x1B8B  }
0xa2: {  	_ =	swait.ge [sflag:s23], $0x1  }
0xa3: {  	[sflag:s23] =	ssyncset.done $0x0  }
0xa4: {  	s25 =	simm.s32 $0x1B8E;
	s24 =	sld [smem:$0x3FFE];
	[sflag:s23] =	ssyncadd.s32 $0xFFFFFFFF  }
0xa5: {  	s26 =	simm.s32 $execute0_lowered;
	[smem:$0x3FD2] =	sst s25  }
0xa6: {  	s5 =	sshll.u32 s26, $0x1;
	_ =	strace $0x80000046;
	[dreg:$0x1] =	wrdreg $0xFFFFFFFF  }
0xa7: {  	s28 =	simm.s32 $_size_execute0_lowered;
	s3 =	sadd.s32 s3, s5;
	[dreg:$0x0] =	wrdreg $0x0  }
0xa8: {  	s5 =	sshll.u32 s28, $0x1;
	[dreg:$0x2] =	wrdreg s3  }
0xa9: {  	[dreg:$0x3] =	wrdreg s5  }
0xaa: {  	[dreg:$0x4] =	wrdreg $0xC0  }
0xab: {  	_ =	task [dreg:s7], $0x5FFFF  }
0xac: {  	[dreg:$0x1] =	wrdreg $0xFFFFFFFF  }
0xad: {  	[dreg:$0x0] =	wrdreg $0x60  }
0xae: {  	[dreg:$0x2] =	wrdreg s2  }
0xaf: {  	[dreg:$0x3] =	wrdreg s24  }
0xb0: {  	[dreg:$0x4] =	wrdreg $0xA  }
0xb1: {  	_ =	task.clear_ibuf [dreg:s7], $0x5FFFF;
	_ =	strace $0x90000046  }
0xb2: {  	s29 =	simm.s32 $0xA;
	_ =	strace $0x80000048  }
0xb3: {  	_ =	swait.ge [sflag:s29], $0x1  }
0xb4: {  	[sflag:s29] =	ssyncadd.s32 $0xFFFFFFFF  }
0xb5: {  	_ =	strace $0x90000048  }
0xb6: {  	_ =	sfence  }
0xb7: {  	s30 =	sld [smem:$0x0];
	_ =	sdelay $0x2  }
0xb8: {  	s31 =	sshll.u32 s1, $0xD;
	s1 =	sshrl.u32 s1, $0x2  }
0xb9: {  	s3 =	sand.u32 $0x4000, s31;
	s1 =	sadd.s32 s1, s30  }
0xba: {  	s0 =	sor.u32 s3, s0;
	s1 =	sshll.u32 s1, $0x11  }
0xbb: {  	s0 =	sor.u32 s1, s0  }
0xbc: {  	s0 =	sadd.s32 $0x8F2B, s0  }
0xbd: {  	[sflag:s0] =	ssyncadd.remote.s32 $0x1  }
0xbe: {  	_ =	sfence.sel $0xFFFF  }
0xbf: {  	[dreg:$0x0] =	wrdreg $0xFFFFFFFF;
	(pc) =	sbr.abs _section_cstart, $3  }
0xc0: {  	[dreg:$0x1] =	wrdreg $0xFFFFFFFF  }
0xc1: {  	_ =	task.clear_ibuf [dreg:s7], $0x2FFFF;
	_ =	strace $0x9FFFFFFF  }
0xc2: {  	(tm) =	ssettm $0x7FFFFFFF  }
0xc3: {  	_ =	shalt  }
tec
execute0_lowered:
.L_overlay_start_1:
0x0: {  	(tag) =	ssettag $0x1  }
0x1: {  	s2 =	rddreg [dreg:$0x0];
	s1 =	srdreg.scid  }
0x2: {  	s0 =	stileid.u32;
	s4 =	rddreg [dreg:$0x1];
	s3 =	simm.s32 $0x0  }
0x3: {  	s9 =	simm.s32 $0x1400;
	s10 =	simm.s32 $0x2800;
	s11 =	simm.s32 $0x50  }
0x4: {  	s12 =	simm.s32 $0x3C00;
	s13 =	simm.s32 $0x78;
	s14 =	simm.s32 $0x5000  }
0x5: {  	s15 =	simm.s32 $0xA0;
	s16 =	simm.s32 $0x6400;
	s17 =	simm.s32 $0x1  }
0x6: {  	s18 =	simm.s32 $0x2;
	s19 =	simm.s32 $0x3;
	s20 =	simm.s32 $0x4  }
0x7: {  	s5 =	sand.u32 $0x1, s1;
	s6 =	sshll.u32 s0, $0x1;
	s7 =	smul.u32 $0x27100, s0  }
0x8: {  	s6 =	sor.u32 s5, s6;
	s8 =	ssub.s32 $0x2, s5;
	s5 =	smul.u32 $0x13880, s5  }
0x9: {  	s21 =	simm.s32 $0x5;
	s1 =	rddreg [dreg:$0x2];
	s6 =	smul.u32 $0x1388, s6  }
.Ltmp0:
0xa: {  	s22 =	simm.s32 $0x0;
	[smem:$0x7FF] =	sst s3;
	(pc) =	sbr.rel .LBB2_1-.Ltmp0, $4  }
0xb: {  	_ =	strace $0x80000047;
	s7 =	sadd.s32 s7, s4;
	s30 =	sshrl.u32 s8, $0x1  }
0xc: {  	s8 =	ssub.s32 s8, s30;
	s31 =	sadd.s32 s5, s7;
	s6 =	sshrl.u32 s6, $0x3  }
0xd: {  	s7 =	simm.s32 $0x6;
	s5 =	smax.u32 s8, $0x1;
	s6 =	sadd.s32 s6, s4  }
0xe: {  	s8 =	simm.s32 $0x28;
	s4 =	sadd.s32 $0x4000, s6;
	s6 =	sadd.s32 $0x9A00, s31  }
.LBB2_4:
0xf: {  	s22 =	sadd.s32 $0x1, s22  }
0x10: {  	p0 =	sne.s32 s22, s5  }
.Ltmp1:
0x11: {  	_ = 	snop;
	(pc) =	sbr.rel @!p0 .LBB2_5-.Ltmp1, $1  }
0x12: {  	_ =	sdelay $0x3  }
.LBB2_1:
0x13: {  	[tilespmem:s3], [sflag:$0x6] =	stream.linear.gather [hbm4b:s4+s3], $0x1388, $0x38;
	[tilespmem:$0x7800] =	vst v63  }
0x14: {  	_ =	swait.ge [sflag:s7], $0x1388  }
0x15: {  	[sflag:s7] =	ssyncset.done $0x0  }
0x16: {  	[sflag:s7] =	ssyncadd.s32 $0xFFFFEC78  }
0x17: {  	[tilespmem:s9], [sflag:$0x1] =	stream.indirect.gather [hbm4b:s2+s8], $0x80, s3, s8, $0xb8;
	[tilespmem:$0x7800] =	vst v63  }
0x18: {  	_ = 	snop  }
0x19: {  	[tilespmem:s10], [sflag:$0x2] =	stream.indirect.gather [hbm4b:s2+s8], $0x80, s8, s8, $0xb8;
	[tilespmem:$0x7800] =	vst v63  }
0x1a: {  	_ = 	snop  }
0x1b: {  	[tilespmem:s12], [sflag:$0x3] =	stream.indirect.gather [hbm4b:s2+s8], $0x80, s11, s8, $0xb8;
	[tilespmem:$0x7800] =	vst v63  }
0x1c: {  	_ = 	snop  }
0x1d: {  	[tilespmem:s14], [sflag:$0x4] =	stream.indirect.gather [hbm4b:s2+s8], $0x80, s13, s8, $0xb8;
	[tilespmem:$0x7800] =	vst v63  }
0x1e: {  	s23 =	smov.u32 s6;
	s24 =	simm.s32 $0x0  }
0x1f: {  	[tilespmem:s16], [sflag:$0x5] =	stream.indirect.gather [hbm4b:s2+s8], $0x80, s15, s8, $0xb8;
	[tilespmem:$0x7800] =	vst v63  }
.LBB2_2:
0x20: {  	_ =	swait.ge [sflag:s17], $0x1400  }
0x21: {  	[sflag:s17] =	ssyncset.done $0x0  }
0x22: {  	s25 =	sadd.s32 $0xFFFFF600, s23;
	[sflag:s17] =	ssyncadd.s32 $0xFFFFEC00  }
0x23: {  	[hbm4b:s25+s3] =	stream.linear.scatter [tilespmem:s9], [sflag:$0x6], $0x1400, $0x38;
	[tilespmem:$0x7800] =	vst v63  }
0x24: {  	p0 =	seq.s32 s24, $0x4B00;
	_ =	swait.ge [sflag:s7], $0x1400  }
0x25: {  	s28 =	simm.s32 @!p0 $0x28;
	s25 =	sshra.s32 @!p0 s24, $0x2;
	[sflag:s7] =	ssyncset.done $0x0  }
0x26: {  	s29 =	simm.s32 @!p0 $0x1400;
	s26 =	sadd.s32 @!p0 $0xC8, s25;
	[sflag:s7] =	ssyncadd.s32 $0xFFFFEC00  }
0x27: {  	[tilespmem:s29], [sflag:$0x1] =	stream.indirect.gather @!p0 [hbm4b:s2+s28], $0x80, s26, s28, $0xb8;
	[tilespmem:$0x7800] =	vst v63  }
0x28: {  	_ =	swait.ge [sflag:s18], $0x1400  }
0x29: {  	[sflag:s18] =	ssyncset.done $0x0  }
0x2a: {  	s29 =	sadd.s32 $0xFFFFF880, s23;
	[sflag:s18] =	ssyncadd.s32 $0xFFFFEC00  }
0x2b: {  	[hbm4b:s29+s3] =	stream.linear.scatter [tilespmem:s10], [sflag:$0x6], $0x1400, $0x38;
	[tilespmem:$0x7800] =	vst v63  }
0x2c: {  	_ =	swait.ge [sflag:s7], $0x1400  }
0x2d: {  	[sflag:s7] =	ssyncset.done $0x0  }
0x2e: {  	s26 =	sadd.s32 @!p0 $0xF0, s25;
	s29 =	simm.s32 @!p0 $0x2800;
	[sflag:s7] =	ssyncadd.s32 $0xFFFFEC00  }
0x2f: {  	[tilespmem:s29], [sflag:$0x2] =	stream.indirect.gather @!p0 [hbm4b:s2+s28], $0x80, s26, s28, $0xb8;
	[tilespmem:$0x7800] =	vst v63  }
0x30: {  	_ =	swait.ge [sflag:s19], $0x1400  }
0x31: {  	[sflag:s19] =	ssyncset.done $0x0  }
0x32: {  	s30 =	sadd.s32 $0xFFFFFB00, s23;
	[sflag:s19] =	ssyncadd.s32 $0xFFFFEC00  }
0x33: {  	[hbm4b:s30+s3] =	stream.linear.scatter [tilespmem:s12], [sflag:$0x6], $0x1400, $0x38;
	[tilespmem:$0x7800] =	vst v63  }
0x34: {  	_ =	swait.ge [sflag:s7], $0x1400  }
0x35: {  	[sflag:s7] =	ssyncset.done $0x0  }
0x36: {  	s26 =	sadd.s32 @!p0 $0x118, s25;
	s29 =	simm.s32 @!p0 $0x3C00;
	[sflag:s7] =	ssyncadd.s32 $0xFFFFEC00  }
0x37: {  	[tilespmem:s29], [sflag:$0x3] =	stream.indirect.gather @!p0 [hbm4b:s2+s28], $0x80, s26, s28, $0xb8;
	[tilespmem:$0x7800] =	vst v63  }
0x38: {  	_ =	swait.ge [sflag:s20], $0x1400  }
0x39: {  	[sflag:s20] =	ssyncset.done $0x0  }
0x3a: {  	s31 =	sadd.s32 $0xFFFFFD80, s23;
	[sflag:s20] =	ssyncadd.s32 $0xFFFFEC00  }
0x3b: {  	[hbm4b:s31+s3] =	stream.linear.scatter [tilespmem:s14], [sflag:$0x6], $0x1400, $0x38;
	[tilespmem:$0x7800] =	vst v63  }
0x3c: {  	_ =	swait.ge [sflag:s7], $0x1400  }
0x3d: {  	[sflag:s7] =	ssyncset.done $0x0  }
0x3e: {  	s25 =	sadd.s32 @!p0 $0x140, s25;
	s26 =	simm.s32 @!p0 $0x5000;
	[sflag:s7] =	ssyncadd.s32 $0xFFFFEC00  }
0x3f: {  	[tilespmem:s26], [sflag:$0x4] =	stream.indirect.gather @!p0 [hbm4b:s2+s28], $0x80, s25, s28, $0xb8;
	[tilespmem:$0x7800] =	vst v63  }
0x40: {  	_ =	swait.ge [sflag:s21], $0x1400  }
0x41: {  	[sflag:s21] =	ssyncset.done $0x0  }
.Ltmp2:
0x42: {  	[sflag:s21] =	ssyncadd.s32 $0xFFFFEC00;
	(pc) =	sbr.rel @p0 .LBB2_4-.Ltmp2, $4  }
0x43: {  	[hbm4b:s23+s3] =	stream.linear.scatter [tilespmem:s16], [sflag:$0x6], $0x1400, $0x38;
	[tilespmem:$0x7800] =	vst v63  }
0x44: {  	_ =	swait.ge [sflag:s7], $0x1400  }
0x45: {  	[sflag:s7] =	ssyncset.done $0x0  }
0x46: {  	[sflag:s7] =	ssyncadd.s32 $0xFFFFEC00  }
.Ltmp3:
0x47: {  	(pc) =	sbr.rel .LBB2_2-.Ltmp3, $4  }
0x48: {  	_ = 	snop  }
0x49: {  	s25 =	sshra.s32 s24, $0x2  }
0x4a: {  	s24 =	sadd.s32 $0x320, s24;
	s23 =	sadd.s32 $0xC80, s23;
	s25 =	sadd.s32 $0x168, s25  }
0x4b: {  	[tilespmem:s16], [sflag:$0x5] =	stream.indirect.gather [hbm4b:s2+s8], $0x80, s25, s8, $0xb8;
	[tilespmem:$0x7800] =	vst v63  }
.LBB2_5:
0x4c: {  	_ =	sfence.sel $0x180000  }
0x4d: {  	[bflag:$0x0] =	sbarrier.arrive $0xFFFF  }
0x4e: {  	p0 =	sne.s32 s0, $0x0;
	_ =	strace $0x90000047  }
0x4f: {  	s0 =	sadd.s32 @!p0 $0x100000, s1;
	[bflag:$0x2] =	sbarrier.arrive $0xFFFF  }
0x50: {  	[sflag:s0] =	ssyncadd.tile.s32 @!p0 $0x1;
	_ =	shalt  }
.Lfunc_end2:
_tile_overlayer_lowered:
.L_overlay_start_2:
0x51: {  	(tag) =	ssettag $0x2  }
0x52: {  	s0 =	rddreg [dreg:$0x0];
	s2 =	stileid.u32  }
0x53: {  	s1 =	rddreg [dreg:$0x1];
	p0 =	sne.s32 s2, $0x0  }
0x54: {  	s3 =	rddreg [dreg:$0x2];
	[bflag:$0x3] =	sbarrier.arrive $0xFFFF;
	s2 =	simm.s32 @!p0 $0x1C06  }
0x55: {  	[timem:s3], [sflag:s2] =	dma.local @!p0 [hbm:s0], s1  }
0x56: {  	s0 =	simm.s32 @!p0 $0x6  }
0x57: {  	_ =	swait.ge @!p0 [sflag:s0], s1  }
0x58: {  	s1 =	ssub.s32 @!p0 $0x0, s1;
	[sflag:s0] =	ssyncset.done @!p0 $0x0  }
0x59: {  	[sflag:s0] =	ssyncadd.s32 @!p0 s1  }
0x5a: {  	[bflag:$0x3] =	sbarrier.arrive $0xFFFF  }
0x5b: {  	_ =	shalt  }

// kernel: kernel.18.cloned.1.call-start
scs
__scs_entry_jumppad:
0x0: {  	(pc) =	sbr.rel $0x88, $3  }
0x1: {  	(tag) =	ssettag $0x0;
	lr =	simm.s32 $0x1  }
0x2: {  	[smem:$0x3F92] =	sst lr;
	_ =	strace $0xD0000000  }
0x3: {  	_ = 	snop  }
0x4: {  	_ = 	snop  }
0x5: {  	_ = 	snop  }
0x6: {  	_ = 	snop  }
0x7: {  	_ = 	snop  }
__scs_overlays_trampoline_lowered:
0x8: {  	[smem:$0x3FA1] =	sst s0  }
0x9: {  	[smem:$0x3FA2] =	sst s1  }
0xa: {  	[smem:$0x3FA3] =	sst s2  }
0xb: {  	[smem:$0x3FA4] =	sst s3  }
0xc: {  	[smem:$0x3FA5] =	sst s4  }
0xd: {  	[smem:$0x3FA6] =	sst s5  }
0xe: {  	[smem:$0x3FA7] =	sst s6  }
0xf: {  	[smem:$0x3FA8] =	sst s7  }
0x10: {  	[smem:$0x3FA9] =	sst s8  }
0x11: {  	[smem:$0x3FAA] =	sst s9;
	s0 =	simm.s32 @!p0 $0x0  }
0x12: {  	s1 =	sld [smem:$0x3F90];
	s0 =	simm.s32 @p0 $0x1  }
0x13: {  	[smem:$0x3FAB] =	sst s0;
	s0 =	simm.s32 @!p1 $0x0  }
0x14: {  	s2 =	sld [smem:$0x3F8F];
	s0 =	simm.s32 @p1 $0x1  }
0x15: {  	[smem:$0x3FAC] =	sst s0;
	s0 =	simm.s32 @!p2 $0x0  }
0x16: {  	s3 =	sld [smem:$0x3FDB];
	s0 =	simm.s32 @p2 $0x1  }
0x17: {  	s4 =	simm.s32 $0x1BF5;
	[smem:$0x3FAE] =	sst s0  }
0x18: {  	s0 =	sld [smem:$0x3F91];
	_ =	swait.ge [sflag:s4], $0x0  }
0x19: {  	s7 =	sld [smem:$0x3F92]  }
0x1a: {  	s8 =	sadd.s32 $0xFFFFE003, lr  }
0x1b: {  	s9 =	sadd.s32 $0xFFFFFEF7, lr;
	s5 =	simm.s32 $0xFFFFFFFF;
	p2 =	slt.u32 s8, $0xFFFFF086  }
0x1c: {  	p1 =	slt.u32 s9, $0xF7A;
	s5 =	simm.s32 @!p2 $0x0  }
0x1d: {  	s5 =	simm.s32 @p1 $0x1;
	p0 =	seq.s32 s7, s2  }
0x1e: {  	s7 =	smul.u32 @!p0 $0xF7A, s2;
	p2 =	seq.s32 @!p0 s5, $0x0  }
0x1f: {  	s9 =	smul.u32 $0xF7A, s1;
	s8 =	simm.s32 @!p0 $0x1BF5;
	p2 =	por !p2, p0  }
0x20: {  	[sflag:s8] =	ssyncset.s32 @!p0 $0xFFFFF086;
	s6 =	sadd.s32 @!p0 s3, s7;
	s7 =	simm.s32 @!p0 $0x108  }
0x21: {  	s3 =	sadd.s32 s3, s9;
	s6 =	sadd.s32 @!p0 $0x88, s6;
	s7 =	simm.s32 @p2 $0x1082  }
0x22: {  	[simem:s7], [sflag:s8] =	dma.local @!p0 [hbm:s6], $0xF7A  }
0x23: {  	s9 =	sor.u32 $0xD0000000, s2;
	s6 =	simm.s32 $0x108;
	_ =	swait.ge @!p0 [sflag:s8], $0x0  }
0x24: {  	s3 =	sadd.s32 $0x88, s3;
	s6 =	simm.s32 @!p1 $0x1082;
	[sflag:s4] =	ssyncset.s32 $0xFFFFF086  }
0x25: {  	[simem:s6], [sflag:s4] =	dma.local [hbm:s3], $0xF7A  }
0x26: {  	[smem:$0x3F92] =	sst s1;
	(tag) =	ssettag s2;
	_ =	strace s9  }
0x27: {  	s1 =	sld [smem:$0x3FA2]  }
0x28: {  	s2 =	sld [smem:$0x3FA3]  }
0x29: {  	s4 =	sld [smem:$0x3FA5]  }
0x2a: {  	p0 =	seq.s32 s5, $0x0;
	s5 =	sld [smem:$0x3FA6]  }
0x2b: {  	s6 =	sld [smem:$0x3FA7]  }
0x2c: {  	s7 =	sld [smem:$0x3FA8]  }
0x2d: {  	s3 =	simm.s32 $0x108;
	s8 =	sld [smem:$0x3FA9]  }
0x2e: {  	s3 =	simm.s32 @!p0 $0x1082;
	s9 =	sld [smem:$0x3FAA]  }
0x2f: {  	lr =	sadd.s32 s0, s3;
	s0 =	sld [smem:$0x3FA1]  }
0x30: {  	s3 =	sld [smem:$0x3FA4]  }
0x31: {  	[smem:$0x3FAD] =	sst s10  }
0x32: {  	s10 =	sld [smem:$0x3FAB];
	_ =	sdelay $0x3  }
0x33: {  	p0 =	seq.s32 s10, $0x1;
	s10 =	sld [smem:$0x3FAD];
	_ =	sdelay $0x3  }
0x34: {  	[smem:$0x3FAD] =	sst s10  }
0x35: {  	s10 =	sld [smem:$0x3FAC];
	_ =	sdelay $0x3  }
0x36: {  	p1 =	seq.s32 s10, $0x1;
	s10 =	sld [smem:$0x3FAD];
	_ =	sdelay $0x3  }
0x37: {  	[smem:$0x3FAD] =	sst s10  }
0x38: {  	s10 =	sld [smem:$0x3FAE]  }
0x39: {  	_ = 	snop;
	(pc) =	sbr.ind lr, $3  }
0x3a: {  	_ = 	snop  }
0x3b: {  	_ = 	snop  }
0x3c: {  	p2 =	seq.s32 s10, $0x1;
	s10 =	sld [smem:$0x3FAD]  }
0x3d: {  	_ =	shalt  }
0x3e: {  	_ =	shalt  }
0x3f: {  	_ =	shalt  }
0x40: {  	_ =	shalt  }
0x41: {  	_ =	shalt  }
0x42: {  	_ =	shalt  }
0x43: {  	_ =	shalt  }
0x44: {  	_ =	shalt  }
0x45: {  	_ =	shalt  }
0x46: {  	_ =	shalt  }
0x47: {  	_ =	shalt  }
0x48: {  	_ =	shalt  }
0x49: {  	_ =	shalt  }
0x4a: {  	_ =	shalt  }
0x4b: {  	_ =	shalt  }
0x4c: {  	_ =	shalt  }
0x4d: {  	_ =	shalt  }
0x4e: {  	_ =	shalt  }
0x4f: {  	_ =	shalt  }
0x50: {  	_ =	shalt  }
0x51: {  	_ =	shalt  }
0x52: {  	_ =	shalt  }
0x53: {  	_ =	shalt  }
0x54: {  	_ =	shalt  }
0x55: {  	_ =	shalt  }
0x56: {  	_ =	shalt  }
0x57: {  	_ =	shalt  }
0x58: {  	_ =	shalt  }
0x59: {  	_ =	shalt  }
0x5a: {  	_ =	shalt  }
0x5b: {  	_ =	shalt  }
0x5c: {  	_ =	shalt  }
0x5d: {  	_ =	shalt  }
0x5e: {  	_ =	shalt  }
0x5f: {  	_ =	shalt  }
0x60: {  	_ =	shalt  }
0x61: {  	_ =	shalt  }
0x62: {  	_ =	shalt  }
0x63: {  	_ =	shalt  }
0x64: {  	_ =	shalt  }
0x65: {  	_ =	shalt  }
0x66: {  	_ =	shalt  }
0x67: {  	_ =	shalt  }
0x68: {  	_ =	shalt  }
0x69: {  	_ =	shalt  }
0x6a: {  	_ =	shalt  }
0x6b: {  	_ =	shalt  }
0x6c: {  	_ =	shalt  }
0x6d: {  	_ =	shalt  }
0x6e: {  	_ =	shalt  }
0x6f: {  	_ =	shalt  }
0x70: {  	_ =	shalt  }
0x71: {  	_ =	shalt  }
0x72: {  	_ =	shalt  }
0x73: {  	_ =	shalt  }
0x74: {  	_ =	shalt  }
0x75: {  	_ =	shalt  }
0x76: {  	_ =	shalt  }
0x77: {  	_ =	shalt  }
0x78: {  	_ =	shalt  }
0x79: {  	_ =	shalt  }
0x7a: {  	_ =	shalt  }
0x7b: {  	_ =	shalt  }
0x7c: {  	_ =	shalt  }
0x7d: {  	_ =	shalt  }
0x7e: {  	_ =	shalt  }
0x7f: {  	_ =	shalt  }
0x80: {  	_ =	shalt  }
0x81: {  	_ =	shalt  }
0x82: {  	_ =	shalt  }
0x83: {  	_ =	shalt  }
0x84: {  	_ =	shalt  }
0x85: {  	_ =	shalt  }
0x86: {  	_ =	shalt  }
0x87: {  	_ =	shalt  }
.Lfunc_end0:
.L_simem_size_0:
called_computation.3_lowered:
.L_overlay_start_0:
0x88: {  	s2 =	sld [smem:$0x3FD9]  }
0x89: {  	s3 =	sld [smem:$0x3FFE];
	_ =	sdelay $0x1  }
0x8a: {  	s1 =	srdreg.scid  }
0x8b: {  	s0 =	sand.u32 $0x1, s1  }
0x8c: {  	s17 =	sshll.u32 s0, $0xA;
	s2 =	sadd.s32 s3, s2  }
0x8d: {  	s2 =	sadd.s32 s2, s17  }
0x8e: {  	[smem:$0x3FB9] =	sst s2  }
0x8f: {  	_ = 	snop  }
0x90: {  	s18 =	sld [smem:$0x3FD0];
	(tm) =	ssettm $0x1  }
0x91: {  	s19 =	sld [smem:$0x3FFB];
	_ =	sdelay $0x3  }
0x92: {  	_ =	strace s19  }
0x93: {  	s2 =	sld [smem:$0x3FFC];
	_ =	sdelay $0x3  }
0x94: {  	_ =	strace s2  }
0x95: {  	s2 =	sld [smem:$0x3FFD];
	_ =	sdelay $0x3  }
0x96: {  	_ =	strace s2  }
0x97: {  	_ =	strace $0x8FFFFFFF  }
0x98: {  	s20 =	sld [smem:$0x3FDB];
	_ =	sdelay $0x1  }
0x99: {  	s4 =	simm.s32 $_scs_section_size  }
0x9a: {  	s5 =	simm.s32 $_size__tile_overlayer_lowered;
	s6 =	simm.s32 $_tile_overlayer_lowered  }
0x9b: {  	s7 =	simm.s32 $0x1BFF;
	s21 =	sshll.u32 s6, $0x1;
	s4 =	sadd.s32 s4, s20  }
0x9c: {  	s22 =	simm.s32 $0x0;
	s5 =	sshll.u32 s5, $0x1;
	s6 =	sadd.s32 s21, s4  }
0x9d: {  	[timem:s22], [sflag:s7] =	dma.local [hbm:s6], s5  }
0x9e: {  	_ =	swait.ge [sflag:s7], s5  }
0x9f: {  	s5 =	ssub.s32 $0x0, s5;
	[sflag:s7] =	ssyncset.done $0x0  }
0xa0: {  	[sflag:s7] =	ssyncadd.s32 s5;
	_ =	sdelay $0x1  }
0xa1: {  	s23 =	simm.s32 $0x1B8B  }
0xa2: {  	_ =	swait.ge [sflag:s23], $0x1  }
0xa3: {  	[sflag:s23] =	ssyncset.done $0x0  }
0xa4: {  	[sflag:s23] =	ssyncadd.s32 $0xFFFFFFFF  }
0xa5: {  	s5 =	sld [smem:$0x0]  }
0xa6: {  	s6 =	sand.u32 $0xFFFFFFFE, s1  }
0xa7: {  	p0 =	sne.s32 s1, s6  }
0xa8: {  	s6 =	sshll.u32 @p0 s6, $0xE  }
0xa9: {  	s6 =	sadd.s32 @p0 $0x11B8D, s6;
	s7 =	sshll.u32 @p0 s5, $0x11  }
0xaa: {  	s6 =	sor.u32 @p0 s7, s6  }
0xab: {  	[sflag:s6] =	ssyncadd.remote.s32 @p0 $0x1;
	_ =	sdelay $0x1  }
0xac: {  	s6 =	simm.s32 @p0 $0x1B8D  }
0xad: {  	_ =	swait.eq @p0 [sflag:s6], $0x1  }
0xae: {  	[sflag:s6] =	ssyncadd.s32 @p0 $0xFFFFFFFF  }
0xaf: {  	s7 =	sshll.u32 @!p0 s1, $0xE  }
0xb0: {  	s7 =	sor.u32 @!p0 $0x4000, s7;
	s6 =	simm.s32 @!p0 $0x1B8D  }
0xb1: {  	s5 =	sshll.u32 @!p0 s5, $0x11;
	s7 =	sadd.s32 @!p0 $0x11B8D, s7;
	_ =	swait.eq @!p0 [sflag:s6], $0x1  }
0xb2: {  	s5 =	sor.u32 @!p0 s5, s7;
	[sflag:s6] =	ssyncadd.s32 @!p0 $0xFFFFFFFF  }
0xb3: {  	s25 =	simm.s32 $0x1B8E;
	s24 =	sld [smem:$0x3FFE];
	[sflag:s5] =	ssyncadd.remote.s32 @!p0 $0x1  }
0xb4: {  	s26 =	simm.s32 $execute0_lowered;
	[smem:$0x3FD2] =	sst s25  }
0xb5: {  	s6 =	sshll.u32 s26, $0x1;
	_ =	strace $0x8000004C;
	[dreg:$0x1] =	wrdreg $0xFFFFFFFF  }
0xb6: {  	s28 =	simm.s32 $_size_execute0_lowered;
	s4 =	sadd.s32 s4, s6;
	[dreg:$0x0] =	wrdreg $0x0  }
0xb7: {  	s6 =	sshll.u32 s28, $0x1;
	[dreg:$0x2] =	wrdreg s4  }
0xb8: {  	[dreg:$0x3] =	wrdreg s6  }
0xb9: {  	[dreg:$0x4] =	wrdreg $0xC0  }
0xba: {  	_ =	task [dreg:s22], $0x5FFFF  }
0xbb: {  	[dreg:$0x1] =	wrdreg $0xFFFFFFFF  }
0xbc: {  	[dreg:$0x0] =	wrdreg $0x60  }
0xbd: {  	[dreg:$0x2] =	wrdreg s24  }
0xbe: {  	[dreg:$0x3] =	wrdreg s18  }
0xbf: {  	[dreg:$0x4] =	wrdreg $0x71480  }
0xc0: {  	[dreg:$0x5] =	wrdreg $0x1A9C80  }
0xc1: {  	[dreg:$0x6] =	wrdreg $0xA  }
0xc2: {  	_ =	task.clear_ibuf [dreg:s22], $0x7FFFF;
	_ =	strace $0x9000004C  }
0xc3: {  	s29 =	simm.s32 $0xA;
	_ =	strace $0x8000004E  }
0xc4: {  	_ =	swait.ge [sflag:s29], $0x1  }
0xc5: {  	[sflag:s29] =	ssyncadd.s32 $0xFFFFFFFF  }
0xc6: {  	_ =	strace $0x9000004E  }
0xc7: {  	_ =	sfence  }
0xc8: {  	s30 =	sld [smem:$0x0];
	_ =	sdelay $0x2  }
0xc9: {  	s31 =	sshll.u32 s1, $0xD;
	s1 =	sshrl.u32 s1, $0x2  }
0xca: {  	s4 =	sand.u32 $0x4000, s31;
	s1 =	sadd.s32 s1, s30  }
0xcb: {  	s0 =	sor.u32 s4, s0;
	s1 =	sshll.u32 s1, $0x11  }
0xcc: {  	s0 =	sor.u32 s1, s0  }
0xcd: {  	s0 =	sadd.s32 $0x8F2B, s0  }
0xce: {  	[sflag:s0] =	ssyncadd.remote.s32 $0x1  }
0xcf: {  	_ =	sfence.sel $0xFFFF  }
0xd0: {  	[dreg:$0x0] =	wrdreg $0xFFFFFFFF;
	(pc) =	sbr.abs _section_cstart, $3  }
0xd1: {  	[dreg:$0x1] =	wrdreg $0xFFFFFFFF  }
0xd2: {  	_ =	task.clear_ibuf [dreg:s22], $0x2FFFF;
	_ =	strace $0x9FFFFFFF  }
0xd3: {  	(tm) =	ssettm $0x7FFFFFFF  }
tec
execute0_lowered:
.L_overlay_start_1:
0x0: {  	(tag) =	ssettag $0x1  }
0x1: {  	s0 =	rddreg [dreg:$0x0]  }
0x2: {  	s5 =	rddreg [dreg:$0x1];
	s21 =	simm.s32 $0x0;
	s1 =	stileid.u32  }
0x3: {  	s2 =	srdreg.scid;
	s29 =	simm.s32 $0x1;
	s3 =	smul.u32 $0x13880, s1  }
0x4: {  	s31 =	simm.s32 $0x50;
	s6 =	sand.u32 $0x1, s2;
	s25 =	smul.u32 $0x2710, s1  }
0x5: {  	s19 =	sshll.u32 s1, $0x1;
	[smem:$0x7FF] =	sst s21;
	s7 =	smul.u32 $0x138800, s6  }
0x6: {  	s2 =	sor.u32 s6, s19;
	s9 =	ssub.s32 $0x2, s6;
	s6 =	smul.u32 $0x1388, s6  }
0x7: {  	s8 =	sadd.s32 $0x4FA000, s0;
	s10 =	sadd.s32 $0x76B000, s0;
	s4 =	smul.u32 $0x1388, s2  }
0x8: {  	s11 =	sshrl.u32 s9, $0x1;
	s12 =	sshrl.u32 s3, $0x3;
	s13 =	smul.u32 $0x13880, s2  }
0x9: {  	s7 =	sadd.s32 s3, s7;
	s2 =	ssub.s32 s9, s11;
	s5 =	sadd.s32 s5, s12  }
0xa: {  	s6 =	sadd.s32 s6, s25;
	s14 =	sadd.s32 $0x28, s4;
	[dreg:$0x5] =	wrdreg s5  }
0xb: {  	s22 =	sadd.s32 s8, s13;
	s23 =	sadd.s32 s10, s13;
	s12 =	sadd.s32 $0x78, s4  }
0xc: {  	s13 =	sadd.s32 $0xA0, s4;
	s20 =	sshll.u32 s14, $0x4;
	[dreg:$0x6] =	wrdreg s22  }
0xd: {  	s18 =	sadd.s32 $0x168, s6;
	[dreg:$0x7] =	wrdreg s23;
	s24 =	sadd.s32 s8, s20  }
0xe: {  	s30 =	sshll.u32 s12, $0x4;
	s5 =	sadd.s32 s10, s20;
	[dreg:$0x8] =	wrdreg s24  }
0xf: {  	s19 =	sadd.s32 $0x140, s6;
	s15 =	sadd.s32 s8, s30;
	[dreg:$0x9] =	wrdreg s5  }
0x10: {  	s17 =	sshll.u32 s13, $0x4;
	s16 =	sadd.s32 s10, s30;
	[dreg:$0xc] =	wrdreg s15  }
0x11: {  	s9 =	sadd.s32 s10, s17;
	s5 =	sadd.s32 $0x50, s4;
	[dreg:$0xd] =	wrdreg s16  }
0x12: {  	s15 =	sadd.s32 s8, s17;
	[dreg:$0xf] =	wrdreg s9;
	s26 =	sshll.u32 s5, $0x4  }
0x13: {  	s9 =	sshrl.u32 s19, $0x3;
	[dreg:$0xe] =	wrdreg s15;
	s28 =	sadd.s32 s8, s26  }
0x14: {  	s22 =	sshll.u32 s9, $0x7;
	s11 =	sadd.s32 s10, s26;
	[dreg:$0xa] =	wrdreg s28  }
0x15: {  	s25 =	sadd.s32 $0xF0, s6;
	s23 =	sadd.s32 s22, s8;
	[dreg:$0xb] =	wrdreg s11  }
0x16: {  	s26 =	sadd.s32 $0xC8, s6;
	s11 =	sshrl.u32 s18, $0x3;
	[dreg:$0x12] =	wrdreg s23  }
0x17: {  	s12 =	sshrl.u32 s12, $0x3;
	[dreg:$0x16] =	wrdreg s26;
	s20 =	sshll.u32 s11, $0x7  }
0x18: {  	s16 =	sadd.s32 s20, s8;
	s15 =	sadd.s32 s20, s10;
	s20 =	rddreg [dreg:$0x2]  }
0x19: {  	s17 =	sadd.s32 $0x118, s6;
	s23 =	sshll.u32 s1, $0x6;
	[dreg:$0x10] =	wrdreg s16  }
0x1a: {  	s19 =	sshrl.u32 s7, $0x3;
	s7 =	sor.u32 $0x1C10, s23;
	[dreg:$0x11] =	wrdreg s15  }
0x1b: {  	s15 =	sshrl.u32 s17, $0x3;
	s16 =	sadd.s32 s22, s10;
	s22 =	rddreg [dreg:$0x3]  }
0x1c: {  	s17 =	sshll.u32 s26, $0x4;
	[dreg:$0x13] =	wrdreg s16;
	s24 =	sshll.u32 s15, $0x7  }
0x1d: {  	s18 =	sadd.s32 s24, s8;
	s16 =	sadd.s32 s24, s10;
	s24 =	smul.u32 $0x9C40, s1  }
0x1e: {  	s1 =	sadd.s32 $0x4F5000, s0;
	[dreg:$0x15] =	wrdreg s16;
	s16 =	sshrl.u32 s25, $0x3  }
0x1f: {  	[dreg:$0x14] =	wrdreg s18;
	s18 =	sadd.s32 s17, s10;
	s28 =	sshll.u32 s16, $0x7  }
0x20: {  	s25 =	sadd.s32 s3, s20;
	[dreg:$0x1a] =	wrdreg s18;
	s30 =	sadd.s32 s28, s8  }
0x21: {  	s26 =	sshrl.u32 s24, $0x2;
	s6 =	sadd.s32 s28, s10;
	[dreg:$0x17] =	wrdreg s30  }
0x22: {  	s24 =	smax.u32 s2, $0x1;
	s8 =	sadd.s32 s17, s8;
	[dreg:$0x18] =	wrdreg s6  }
0x23: {  	s28 =	sshrl.u32 s4, $0x3;
	[dreg:$0x19] =	wrdreg s8;
	s6 =	sadd.s32 s19, s0  }
0x24: {  	s0 =	sadd.s32 s26, s22;
	_ =	strace $0x8000004D;
	[dreg:$0x1c] =	wrdreg s25  }
0x25: {  	s2 =	simm.s32 $0x78;
	s3 =	sadd.s32 s1, s28;
	[dreg:$0x1e] =	wrdreg s0  }
0x26: {  	s10 =	sshrl.u32 s5, $0x3;
	s17 =	sadd.s32 s1, s12;
	[dreg:$0x1f] =	wrdreg s3  }
0x27: {  	s4 =	simm.s32 $0x28;
	s5 =	simm.s32 $0x50C8;
	[smem:$0x7F5] =	sst s17  }
0x28: {  	s12 =	simm.s32 $0xD;
	s26 =	sadd.s32 s9, s1;
	[smem:$0x7F9] =	sst s24  }
0x29: {  	s30 =	sshrl.u32 s14, $0x3;
	s28 =	sadd.s32 s15, s1;
	[smem:$0x7FB] =	sst s26  }
0x2a: {  	s14 =	sshrl.u32 s13, $0x3;
	s9 =	simm.s32 $0x3;
	[smem:$0x7FC] =	sst s28  }
0x2b: {  	s13 =	simm.s32 $0x9;
	s15 =	simm.s32 $0x5;
	[dreg:$0x1b] =	wrdreg s1  }
0x2c: {  	s8 =	sadd.s32 s1, s30;
	s0 =	sadd.s32 s1, s10;
	[dreg:$0x1d] =	wrdreg s7  }
0x2d: {  	s18 =	sadd.s32 s1, s14;
	s19 =	sadd.s32 $0x4000, s6;
	[smem:$0x7F3] =	sst s8  }
0x2e: {  	s23 =	sadd.s32 $0x52200, s6;
	s25 =	sadd.s32 s11, s1;
	[smem:$0x7F4] =	sst s0  }
0x2f: {  	s30 =	sadd.s32 s16, s1;
	s3 =	simm.s32 $0xA0;
	[smem:$0x7F6] =	sst s18  }
.Ltmp0:
0x30: {  	s6 =	simm.s32 $0x6EC8;
	[smem:$0x7F7] =	sst s19;
	(pc) =	sbr.rel .LBB2_1-.Ltmp0, $4  }
0x31: {  	s11 =	simm.s32 $0x8;
	s14 =	simm.s32 $0xE;
	[smem:$0x7F8] =	sst s23  }
0x32: {  	s16 =	simm.s32 $0xA;
	s17 =	simm.s32 $0xF;
	[smem:$0x7FA] =	sst s25  }
0x33: {  	s10 =	simm.s32 $0x0;
	[smem:$0x7FD] =	sst s30;
	s19 =	simm.s32 $0x10  }
0x34: {  	s18 =	simm.s32 $0x2;
	s8 =	simm.s32 $0xC;
	s0 =	simm.s32 $0x4  }
.LBB2_4:
0x35: {  	[bflag:$0x0] =	sbarrier.arrive $0xFFFF  }
0x36: {  	s1 =	sld [smem:$0x7F7]  }
0x37: {  	s10 =	sld [smem:$0x7F1];
	_ =	sdelay $0x1  }
0x38: {  	s7 =	rddreg [dreg:$0x1d]  }
0x39: {  	[hbm:s1], [sflag:s7] =	dma.local [spmem:s10], $0x2710  }
0x3a: {  	_ =	swait.ge [sflag:s19], $0x2710  }
0x3b: {  	s25 =	sld [smem:$0x7F8]  }
0x3c: {  	s26 =	sld [smem:$0x7F2]  }
0x3d: {  	[sflag:s19] =	ssyncset.done $0x0  }
0x3e: {  	s29 =	simm.s32 $0x1;
	s18 =	simm.s32 $0x2;
	[sflag:s19] =	ssyncadd.s32 $0xFFFFD8F0  }
0x3f: {  	[hbm:s25@s19], [sflag:s7] =	dma.strided [spmem:s26@s18], $0x4E2, s29, $0x2   }
0x40: {  	_ =	swait.ge [sflag:s19], $0x4E2  }
0x41: {  	s28 =	sld [smem:$0x7F0]  }
0x42: {  	s30 =	sld [smem:$0x7F9];
	_ =	sdelay $0x1  }
0x43: {  	s10 =	sadd.s32 $0x1, s28  }
0x44: {  	p0 =	sne.s32 s10, s30  }
.Ltmp1:
0x45: {  	_ = 	snop;
	(pc) =	sbr.rel @!p0 .LBB2_5-.Ltmp1, $3  }
0x46: {  	_ =	sdelay $0x1  }
0x47: {  	[sflag:s19] =	ssyncset.done $0x0  }
0x48: {  	s21 =	simm.s32 $0x0;
	[sflag:s19] =	ssyncadd.s32 $0xFFFFFB1E  }
.LBB2_1:
0x49: {  	[smem:$0x7F0] =	sst s10  }
0x4a: {  	s1 =	rddreg [dreg:$0x1c]  }
0x4b: {  	s26 =	rddreg [dreg:$0x5];
	s25 =	sshrl.u32 s1, $0x3  }
0x4c: {  	[smem:$0x7F1] =	sst s25  }
0x4d: {  	[spmem:s25], [sflag:s7] =	dma.local [hbm:s26], $0x2710  }
0x4e: {  	_ =	swait.ge [sflag:s19], $0x2710  }
0x4f: {  	s30 =	rddreg [dreg:$0x1e]  }
0x50: {  	[sflag:s19] =	ssyncset.done $0x0;
	s10 =	sshrl.u32 s30, $0x3  }
0x51: {  	[sflag:s19] =	ssyncadd.s32 $0xFFFFD8F0;
	[smem:$0x7F2] =	sst s10  }
0x52: {  	[spmem:s10@s18], [sflag:s7] =	dma.strided [hbm:s26@s19], $0x4E2, s29, $0x2   }
0x53: {  	_ =	swait.ge [sflag:s19], $0x4E2  }
0x54: {  	[sflag:s19] =	ssyncset.done $0x0  }
0x55: {  	[sflag:s19] =	ssyncadd.s32 $0xFFFFFB1E  }
0x56: {  	[bflag:$0x0] =	sbarrier.arrive $0xFFFF  }
0x57: {  	s7 =	rddreg [dreg:$0x1f]  }
0x58: {  	s10 =	rddreg [dreg:$0x6]  }
0x59: {  	s23 =	rddreg [dreg:$0x7]  }
0x5a: {  	s25 =	sld [smem:$0x7F3]  }
0x5b: {  	[tilespmem:s21], [sflag:$0x1] =	stream.linear.gather [hbm4b:s7+s21], $0x28, $0x38;
	[tilespmem:$0x1D0D8] =	vst v63  }
0x5c: {  	s18 =	simm.s32 $0xC8;
	s26 =	rddreg [dreg:$0x8]  }
0x5d: {  	[tilespmem:s18], [sflag:$0x6] =	stream.linear.gather [hbm4b:s10+s21], $0x1400, $0x38;
	[tilespmem:$0x1D0D8] =	vst v63  }
0x5e: {  	s18 =	rddreg [dreg:$0x9]  }
0x5f: {  	s24 =	simm.s32 $0x64C8;
	s7 =	simm.s32 $0x80;
	s10 =	sld [smem:$0x7F5]  }
0x60: {  	[tilespmem:s24], [sflag:$0xB] =	stream.strided.gather [hbm4b:s23+s19], $0x280, s7, s19, $0x38;
	[tilespmem:$0x1D0D8] =	vst v63  }
0x61: {  	s24 =	sld [smem:$0x7F4]  }
0x62: {  	[tilespmem:s4], [sflag:$0x2] =	stream.linear.gather [hbm4b:s25+s21], $0x28, $0x38;
	[tilespmem:$0x1D0D8] =	vst v63  }
0x63: {  	s30 =	simm.s32 $0x14C8;
	s25 =	rddreg [dreg:$0xa]  }
0x64: {  	[tilespmem:s30], [sflag:$0x7] =	stream.linear.gather [hbm4b:s26+s21], $0x1400, $0x38;
	[tilespmem:$0x1D0D8] =	vst v63  }
0x65: {  	s23 =	simm.s32 $0x6748;
	s30 =	rddreg [dreg:$0xb]  }
0x66: {  	[tilespmem:s23], [sflag:$0xC] =	stream.strided.gather [hbm4b:s18+s19], $0x280, s7, s19, $0x38;
	[tilespmem:$0x1D0D8] =	vst v63  }
0x67: {  	s18 =	rddreg [dreg:$0xc]  }
0x68: {  	[tilespmem:s31], [sflag:$0x3] =	stream.linear.gather [hbm4b:s24+s21], $0x28, $0x38;
	[tilespmem:$0x1D0D8] =	vst v63  }
0x69: {  	s26 =	simm.s32 $0x28C8;
	s24 =	rddreg [dreg:$0xd]  }
0x6a: {  	[tilespmem:s26], [sflag:$0x8] =	stream.linear.gather [hbm4b:s25+s21], $0x1400, $0x38;
	[tilespmem:$0x1D0D8] =	vst v63  }
0x6b: {  	s31 =	simm.s32 $0x69C8;
	s26 =	sld [smem:$0x7F6]  }
0x6c: {  	[tilespmem:s31], [sflag:$0xD] =	stream.strided.gather [hbm4b:s30+s19], $0x280, s7, s19, $0x38;
	[tilespmem:$0x1D0D8] =	vst v63  }
0x6d: {  	s30 =	rddreg [dreg:$0xe]  }
0x6e: {  	[tilespmem:s2], [sflag:$0x4] =	stream.linear.gather [hbm4b:s10+s21], $0x28, $0x38;
	[tilespmem:$0x1D0D8] =	vst v63  }
0x6f: {  	s23 =	simm.s32 $0x3CC8;
	s31 =	rddreg [dreg:$0xf]  }
0x70: {  	[tilespmem:s23], [sflag:$0x9] =	stream.linear.gather [hbm4b:s18+s21], $0x1400, $0x38;
	[tilespmem:$0x1D0D8] =	vst v63  }
0x71: {  	s18 =	rddreg [dreg:$0x16]  }
0x72: {  	s25 =	simm.s32 $0x6C48;
	s23 =	sld [smem:$0x7FD]  }
0x73: {  	[tilespmem:s25], [sflag:$0xE] =	stream.strided.gather [hbm4b:s24+s19], $0x280, s7, s19, $0x38;
	[tilespmem:$0x1D0D8] =	vst v63  }
0x74: {  	s24 =	sld [smem:$0x7FC]  }
0x75: {  	[tilespmem:s3], [sflag:$0x5] =	stream.linear.gather [hbm4b:s26+s21], $0x28, $0x38;
	[tilespmem:$0x1D0D8] =	vst v63  }
0x76: {  	s25 =	sld [smem:$0x7FB]  }
0x77: {  	[tilespmem:s5], [sflag:$0xA] =	stream.linear.gather [hbm4b:s30+s21], $0x1400, $0x38;
	[tilespmem:$0x1D0D8] =	vst v63  }
0x78: {  	s28 =	simm.s32 $0x0;
	s26 =	sld [smem:$0x7FA]  }
0x79: {  	[tilespmem:s6], [sflag:$0xF] =	stream.strided.gather [hbm4b:s31+s19], $0x280, s7, s19, $0x38;
	[tilespmem:$0x1D0D8] =	vst v63  }
0x7a: {  	s3 =	simm.s32 $0xA0;
	s5 =	simm.s32 $0x50C8;
	s6 =	simm.s32 $0x6EC8  }
.LBB2_2:
0x7b: {  	_ =	swait.ge [sflag:s29], $0x28  }
0x7c: {  	[sflag:s29] =	ssyncset.done $0x0  }
0x7d: {  	s1 =	simm.s32 $0x6;
	[sflag:s29] =	ssyncadd.s32 $0xFFFFFFD8  }
0x7e: {  	_ =	swait.ge [sflag:s1], $0x1400  }
0x7f: {  	[sflag:s1] =	ssyncset.done $0x0  }
0x80: {  	s7 =	simm.s32 $0xB;
	[sflag:s1] =	ssyncadd.s32 $0xFFFFEC00  }
0x81: {  	_ =	swait.ge [sflag:s7], $0x280  }
0x82: {  	[sflag:s7] =	ssyncset.done $0x0  }
0x83: {  	s10 =	simm.s32 $0xC8;
	[sflag:s7] =	ssyncadd.s32 $0xFFFFFD80  }
0x84: {  	[spmem:s20] =	stream.indirect.scatter.add.f32 [tilespmem:s10], [sflag:$0x10], $0x80, s21, s4, $0xb8;
	[tilespmem:$0x1D0D8] =	vst v63  }
0x85: {  	_ =	swait.ge [sflag:s19], $0x1400  }
0x86: {  	[sflag:s19] =	ssyncset.done $0x0  }
0x87: {  	s30 =	simm.s32 $0x64C8;
	[sflag:s19] =	ssyncadd.s32 $0xFFFFEC00  }
0x88: {  	[spmem:s22] =	stream.indirect.scatter.add.f32 [tilespmem:s30], [sflag:$0x10], $0x10, s21, s4, $0xb8;
	[tilespmem:$0x1D0D8] =	vst v63  }
0x89: {  	_ =	swait.ge [sflag:s19], $0x280  }
0x8a: {  	p0 =	seq.s32 s28, $0x12C00;
	[sflag:s19] =	ssyncset.done $0x0  }
0x8b: {  	s7 =	sshrl.u32 @!p0 s18, $0x3;
	s1 =	rddreg [dreg:$0x1b];
	[sflag:s19] =	ssyncadd.s32 $0xFFFFFD80  }
0x8c: {  	s10 =	sadd.s32 @!p0 s1, s7;
	s7 =	simm.s32 @!p0 $0x0;
	s1 =	rddreg [dreg:$0x19]  }
0x8d: {  	[tilespmem:s7], [sflag:$0x1] =	stream.linear.gather @!p0 [hbm4b:s10+s7], $0x28, $0x38;
	[tilespmem:$0x1D0D8] =	vst v63  }
0x8e: {  	s10 =	sadd.s32 @!p0 s28, s1;
	s1 =	rddreg [dreg:$0x1a]  }
0x8f: {  	s2 =	simm.s32 $0x2;
	s30 =	simm.s32 @!p0 $0xC8;
	s21 =	sadd.s32 @!p0 s28, s1  }
0x90: {  	[tilespmem:s30], [sflag:$0x6] =	stream.linear.gather @!p0 [hbm4b:s10+s7], $0x1400, $0x38;
	[tilespmem:$0x1D0D8] =	vst v63  }
0x91: {  	s1 =	simm.s32 @!p0 $0x64C8;
	s10 =	simm.s32 @!p0 $0x10;
	s30 =	simm.s32 @!p0 $0x80  }
0x92: {  	[tilespmem:s1], [sflag:$0xB] =	stream.strided.gather @!p0 [hbm4b:s21+s10], $0x280, s30, s10, $0x38;
	[tilespmem:$0x1D0D8] =	vst v63  }
0x93: {  	_ =	swait.ge [sflag:s2], $0x28  }
0x94: {  	[sflag:s2] =	ssyncset.done $0x0  }
0x95: {  	s21 =	simm.s32 $0x7;
	[sflag:s2] =	ssyncadd.s32 $0xFFFFFFD8  }
0x96: {  	_ =	swait.ge [sflag:s21], $0x1400  }
0x97: {  	[sflag:s21] =	ssyncset.done $0x0  }
0x98: {  	[sflag:s21] =	ssyncadd.s32 $0xFFFFEC00  }
0x99: {  	_ =	swait.ge [sflag:s8], $0x280  }
0x9a: {  	[sflag:s8] =	ssyncset.done $0x0  }
0x9b: {  	s2 =	simm.s32 $0x14C8;
	[sflag:s8] =	ssyncadd.s32 $0xFFFFFD80  }
0x9c: {  	[spmem:s20] =	stream.indirect.scatter.add.f32 [tilespmem:s2], [sflag:$0x10], $0x80, s4, s4, $0xb8;
	[tilespmem:$0x1D0D8] =	vst v63  }
0x9d: {  	_ =	swait.ge [sflag:s19], $0x1400  }
0x9e: {  	[sflag:s19] =	ssyncset.done $0x0  }
0x9f: {  	s21 =	simm.s32 $0x6748;
	[sflag:s19] =	ssyncadd.s32 $0xFFFFEC00  }
0xa0: {  	[spmem:s22] =	stream.indirect.scatter.add.f32 [tilespmem:s21], [sflag:$0x10], $0x10, s4, s4, $0xb8;
	[tilespmem:$0x1D0D8] =	vst v63  }
0xa1: {  	_ =	swait.ge [sflag:s19], $0x280  }
0xa2: {  	[sflag:s19] =	ssyncset.done $0x0  }
0xa3: {  	s1 =	simm.s32 @!p0 $0x28;
	[sflag:s19] =	ssyncadd.s32 $0xFFFFFD80  }
0xa4: {  	[tilespmem:s1], [sflag:$0x2] =	stream.linear.gather @!p0 [hbm4b:s23+s7], $0x28, $0x38;
	[tilespmem:$0x1D0D8] =	vst v63  }
0xa5: {  	s1 =	rddreg [dreg:$0x17]  }
0xa6: {  	s21 =	simm.s32 @!p0 $0x14C8;
	s1 =	sadd.s32 @!p0 s28, s1  }
0xa7: {  	[tilespmem:s21], [sflag:$0x7] =	stream.linear.gather @!p0 [hbm4b:s1+s7], $0x1400, $0x38;
	[tilespmem:$0x1D0D8] =	vst v63  }
0xa8: {  	s1 =	rddreg [dreg:$0x18]  }
0xa9: {  	s21 =	simm.s32 @!p0 $0x6748;
	s1 =	sadd.s32 @!p0 s28, s1  }
0xaa: {  	[tilespmem:s21], [sflag:$0xC] =	stream.strided.gather @!p0 [hbm4b:s1+s10], $0x280, s30, s10, $0x38;
	[tilespmem:$0x1D0D8] =	vst v63  }
0xab: {  	_ =	swait.ge [sflag:s9], $0x28  }
0xac: {  	[sflag:s9] =	ssyncset.done $0x0  }
0xad: {  	[sflag:s9] =	ssyncadd.s32 $0xFFFFFFD8  }
0xae: {  	_ =	swait.ge [sflag:s11], $0x1400  }
0xaf: {  	[sflag:s11] =	ssyncset.done $0x0  }
0xb0: {  	[sflag:s11] =	ssyncadd.s32 $0xFFFFEC00  }
0xb1: {  	_ =	swait.ge [sflag:s12], $0x280  }
0xb2: {  	[sflag:s12] =	ssyncset.done $0x0  }
0xb3: {  	s2 =	simm.s32 $0x28C8;
	s1 =	simm.s32 $0x50;
	[sflag:s12] =	ssyncadd.s32 $0xFFFFFD80  }
0xb4: {  	[spmem:s20] =	stream.indirect.scatter.add.f32 [tilespmem:s2], [sflag:$0x10], $0x80, s1, s4, $0xb8;
	[tilespmem:$0x1D0D8] =	vst v63  }
0xb5: {  	_ =	swait.ge [sflag:s19], $0x1400  }
0xb6: {  	[sflag:s19] =	ssyncset.done $0x0  }
0xb7: {  	s2 =	simm.s32 $0x69C8;
	[sflag:s19] =	ssyncadd.s32 $0xFFFFEC00  }
0xb8: {  	[spmem:s22] =	stream.indirect.scatter.add.f32 [tilespmem:s2], [sflag:$0x10], $0x10, s1, s4, $0xb8;
	[tilespmem:$0x1D0D8] =	vst v63  }
0xb9: {  	_ =	swait.ge [sflag:s19], $0x280  }
0xba: {  	[sflag:s19] =	ssyncset.done $0x0  }
0xbb: {  	s1 =	simm.s32 @!p0 $0x50;
	[sflag:s19] =	ssyncadd.s32 $0xFFFFFD80  }
0xbc: {  	[tilespmem:s1], [sflag:$0x3] =	stream.linear.gather @!p0 [hbm4b:s24+s7], $0x28, $0x38;
	[tilespmem:$0x1D0D8] =	vst v63  }
0xbd: {  	s1 =	rddreg [dreg:$0x14]  }
0xbe: {  	s21 =	simm.s32 @!p0 $0x28C8;
	s1 =	sadd.s32 @!p0 s28, s1  }
0xbf: {  	[tilespmem:s21], [sflag:$0x8] =	stream.linear.gather @!p0 [hbm4b:s1+s7], $0x1400, $0x38;
	[tilespmem:$0x1D0D8] =	vst v63  }
0xc0: {  	s1 =	rddreg [dreg:$0x15]  }
0xc1: {  	s21 =	simm.s32 @!p0 $0x69C8;
	s1 =	sadd.s32 @!p0 s28, s1  }
0xc2: {  	[tilespmem:s21], [sflag:$0xD] =	stream.strided.gather @!p0 [hbm4b:s1+s10], $0x280, s30, s10, $0x38;
	[tilespmem:$0x1D0D8] =	vst v63  }
0xc3: {  	_ =	swait.ge [sflag:s0], $0x28  }
0xc4: {  	[sflag:s0] =	ssyncset.done $0x0  }
0xc5: {  	[sflag:s0] =	ssyncadd.s32 $0xFFFFFFD8  }
0xc6: {  	_ =	swait.ge [sflag:s13], $0x1400  }
0xc7: {  	[sflag:s13] =	ssyncset.done $0x0  }
0xc8: {  	[sflag:s13] =	ssyncadd.s32 $0xFFFFEC00  }
0xc9: {  	_ =	swait.ge [sflag:s14], $0x280  }
0xca: {  	[sflag:s14] =	ssyncset.done $0x0  }
0xcb: {  	s2 =	simm.s32 $0x3CC8;
	s1 =	simm.s32 $0x78;
	[sflag:s14] =	ssyncadd.s32 $0xFFFFFD80  }
0xcc: {  	[spmem:s20] =	stream.indirect.scatter.add.f32 [tilespmem:s2], [sflag:$0x10], $0x80, s1, s4, $0xb8;
	[tilespmem:$0x1D0D8] =	vst v63  }
0xcd: {  	_ =	swait.ge [sflag:s19], $0x1400  }
0xce: {  	[sflag:s19] =	ssyncset.done $0x0  }
0xcf: {  	s21 =	simm.s32 $0x6C48;
	[sflag:s19] =	ssyncadd.s32 $0xFFFFEC00  }
0xd0: {  	[spmem:s22] =	stream.indirect.scatter.add.f32 [tilespmem:s21], [sflag:$0x10], $0x10, s1, s4, $0xb8;
	[tilespmem:$0x1D0D8] =	vst v63  }
0xd1: {  	_ =	swait.ge [sflag:s19], $0x280  }
0xd2: {  	[sflag:s19] =	ssyncset.done $0x0  }
0xd3: {  	s1 =	simm.s32 @!p0 $0x78;
	[sflag:s19] =	ssyncadd.s32 $0xFFFFFD80  }
0xd4: {  	[tilespmem:s1], [sflag:$0x4] =	stream.linear.gather @!p0 [hbm4b:s25+s7], $0x28, $0x38;
	[tilespmem:$0x1D0D8] =	vst v63  }
0xd5: {  	s1 =	rddreg [dreg:$0x12]  }
0xd6: {  	s21 =	simm.s32 @!p0 $0x3CC8;
	s1 =	sadd.s32 @!p0 s28, s1  }
0xd7: {  	[tilespmem:s21], [sflag:$0x9] =	stream.linear.gather @!p0 [hbm4b:s1+s7], $0x1400, $0x38;
	[tilespmem:$0x1D0D8] =	vst v63  }
0xd8: {  	s1 =	rddreg [dreg:$0x13]  }
0xd9: {  	s7 =	simm.s32 @!p0 $0x6C48;
	s1 =	sadd.s32 @!p0 s28, s1  }
0xda: {  	[tilespmem:s7], [sflag:$0xE] =	stream.strided.gather @!p0 [hbm4b:s1+s10], $0x280, s30, s10, $0x38;
	[tilespmem:$0x1D0D8] =	vst v63  }
0xdb: {  	_ =	swait.ge [sflag:s15], $0x28  }
0xdc: {  	[sflag:s15] =	ssyncset.done $0x0  }
0xdd: {  	[sflag:s15] =	ssyncadd.s32 $0xFFFFFFD8  }
0xde: {  	_ =	swait.ge [sflag:s16], $0x1400  }
0xdf: {  	[sflag:s16] =	ssyncset.done $0x0  }
0xe0: {  	[sflag:s16] =	ssyncadd.s32 $0xFFFFEC00  }
0xe1: {  	_ =	swait.ge [sflag:s17], $0x280  }
0xe2: {  	[sflag:s17] =	ssyncset.done $0x0  }
0xe3: {  	[sflag:s17] =	ssyncadd.s32 $0xFFFFFD80  }
0xe4: {  	[spmem:s20] =	stream.indirect.scatter.add.f32 [tilespmem:s5], [sflag:$0x10], $0x80, s3, s4, $0xb8;
	[tilespmem:$0x1D0D8] =	vst v63  }
0xe5: {  	_ =	swait.ge [sflag:s19], $0x1400  }
0xe6: {  	[sflag:s19] =	ssyncset.done $0x0  }
.Ltmp2:
0xe7: {  	[sflag:s19] =	ssyncadd.s32 $0xFFFFEC00;
	(pc) =	sbr.rel @p0 .LBB2_4-.Ltmp2, $4  }
0xe8: {  	[spmem:s22] =	stream.indirect.scatter.add.f32 [tilespmem:s6], [sflag:$0x10], $0x10, s3, s4, $0xb8;
	[tilespmem:$0x1D0D8] =	vst v63  }
0xe9: {  	s31 =	simm.s32 $0x50;
	s29 =	simm.s32 $0x0;
	_ =	swait.ge [sflag:s19], $0x280  }
0xea: {  	s2 =	simm.s32 $0x78;
	s5 =	simm.s32 $0x50C8;
	[sflag:s19] =	ssyncset.done $0x0  }
0xeb: {  	s3 =	simm.s32 $0xA0;
	s6 =	simm.s32 $0x6EC8;
	[sflag:s19] =	ssyncadd.s32 $0xFFFFFD80  }
0xec: {  	[tilespmem:s3], [sflag:$0x5] =	stream.linear.gather [hbm4b:s26+s29], $0x28, $0x38;
	[tilespmem:$0x1D0D8] =	vst v63  }
0xed: {  	s1 =	rddreg [dreg:$0x10]  }
0xee: {  	s31 =	rddreg [dreg:$0x11]  }
0xef: {  	s7 =	simm.s32 $0x80;
	s26 =	sadd.s32 $0x19, s26;
	s25 =	sadd.s32 $0x19, s25  }
0xf0: {  	s24 =	sadd.s32 $0x19, s24;
	s23 =	sadd.s32 $0x19, s23;
	s18 =	sadd.s32 $0xC8, s18  }
.Ltmp3:
0xf1: {  	s21 =	simm.s32 $0x0;
	s1 =	sadd.s32 s28, s1;
	(pc) =	sbr.rel .LBB2_2-.Ltmp3, $4  }
0xf2: {  	[tilespmem:s5], [sflag:$0xA] =	stream.linear.gather [hbm4b:s1+s29], $0x1400, $0x38;
	[tilespmem:$0x1D0D8] =	vst v63  }
0xf3: {  	s3 =	simm.s32 $0xA0;
	s1 =	sadd.s32 s28, s31;
	s28 =	sadd.s32 $0xC80, s28  }
0xf4: {  	[tilespmem:s6], [sflag:$0xF] =	stream.strided.gather [hbm4b:s1+s19], $0x280, s7, s19, $0x38;
	[tilespmem:$0x1D0D8] =	vst v63  }
0xf5: {  	s29 =	simm.s32 $0x1;
	s5 =	simm.s32 $0x50C8;
	s6 =	simm.s32 $0x6EC8  }
.LBB2_5:
0xf6: {  	_ =	sfence.sel $0x180000  }
0xf7: {  	[bflag:$0x0] =	sbarrier.arrive $0xFFFF  }
0xf8: {  	_ =	strace $0x9000004D  }
0xf9: {  	s0 =	stileid.u32;
	[bflag:$0x2] =	sbarrier.arrive $0xFFFF  }
0xfa: {  	p0 =	sne.s32 s0, $0x0;
	s0 =	rddreg [dreg:$0x4]  }
0xfb: {  	s0 =	sadd.s32 @!p0 $0x100000, s0  }
0xfc: {  	[sflag:s0] =	ssyncadd.tile.s32 @!p0 $0x1;
	_ =	shalt  }
.Lfunc_end2:
_tile_overlayer_lowered:
.L_overlay_start_2:
0xfd: {  	(tag) =	ssettag $0x2  }
0xfe: {  	s0 =	rddreg [dreg:$0x0];
	s2 =	stileid.u32  }
0xff: {  	s1 =	rddreg [dreg:$0x1];
	p0 =	sne.s32 s2, $0x0  }
0x100: {  	s3 =	rddreg [dreg:$0x2];
	[bflag:$0x3] =	sbarrier.arrive $0xFFFF;
	s2 =	simm.s32 @!p0 $0x1C10  }
0x101: {  	[timem:s3], [sflag:s2] =	dma.local @!p0 [hbm:s0], s1  }
0x102: {  	s0 =	simm.s32 @!p0 $0x10  }
0x103: {  	_ =	swait.ge @!p0 [sflag:s0], s1  }
0x104: {  	s1 =	ssub.s32 @!p0 $0x0, s1;
	[sflag:s0] =	ssyncset.done @!p0 $0x0  }
0x105: {  	[sflag:s0] =	ssyncadd.s32 @!p0 s1  }
0x106: {  	[bflag:$0x3] =	sbarrier.arrive $0xFFFF  }
0x107: {  	_ =	shalt  }

// kernel: kernel.9.cloned.1.call-start
scs
__scs_entry_jumppad:
0x0: {  	(pc) =	sbr.rel $0x88, $3  }
0x1: {  	(tag) =	ssettag $0x0;
	lr =	simm.s32 $0x1  }
0x2: {  	[smem:$0x3F92] =	sst lr;
	_ =	strace $0xD0000000  }
0x3: {  	_ = 	snop  }
0x4: {  	_ = 	snop  }
0x5: {  	_ = 	snop  }
0x6: {  	_ = 	snop  }
0x7: {  	_ = 	snop  }
__scs_overlays_trampoline_lowered:
0x8: {  	[smem:$0x3FA1] =	sst s0  }
0x9: {  	[smem:$0x3FA2] =	sst s1  }
0xa: {  	[smem:$0x3FA3] =	sst s2  }
0xb: {  	[smem:$0x3FA4] =	sst s3  }
0xc: {  	[smem:$0x3FA5] =	sst s4  }
0xd: {  	[smem:$0x3FA6] =	sst s5  }
0xe: {  	[smem:$0x3FA7] =	sst s6  }
0xf: {  	[smem:$0x3FA8] =	sst s7  }
0x10: {  	[smem:$0x3FA9] =	sst s8  }
0x11: {  	[smem:$0x3FAA] =	sst s9;
	s0 =	simm.s32 @!p0 $0x0  }
0x12: {  	s1 =	sld [smem:$0x3F90];
	s0 =	simm.s32 @p0 $0x1  }
0x13: {  	[smem:$0x3FAB] =	sst s0;
	s0 =	simm.s32 @!p1 $0x0  }
0x14: {  	s2 =	sld [smem:$0x3F8F];
	s0 =	simm.s32 @p1 $0x1  }
0x15: {  	[smem:$0x3FAC] =	sst s0;
	s0 =	simm.s32 @!p2 $0x0  }
0x16: {  	s3 =	sld [smem:$0x3FDB];
	s0 =	simm.s32 @p2 $0x1  }
0x17: {  	s4 =	simm.s32 $0x1BF5;
	[smem:$0x3FAE] =	sst s0  }
0x18: {  	s0 =	sld [smem:$0x3F91];
	_ =	swait.ge [sflag:s4], $0x0  }
0x19: {  	s7 =	sld [smem:$0x3F92]  }
0x1a: {  	s8 =	sadd.s32 $0xFFFFE003, lr  }
0x1b: {  	s9 =	sadd.s32 $0xFFFFFEF7, lr;
	s5 =	simm.s32 $0xFFFFFFFF;
	p2 =	slt.u32 s8, $0xFFFFF086  }
0x1c: {  	p1 =	slt.u32 s9, $0xF7A;
	s5 =	simm.s32 @!p2 $0x0  }
0x1d: {  	s5 =	simm.s32 @p1 $0x1;
	p0 =	seq.s32 s7, s2  }
0x1e: {  	s7 =	smul.u32 @!p0 $0xF7A, s2;
	p2 =	seq.s32 @!p0 s5, $0x0  }
0x1f: {  	s9 =	smul.u32 $0xF7A, s1;
	s8 =	simm.s32 @!p0 $0x1BF5;
	p2 =	por !p2, p0  }
0x20: {  	[sflag:s8] =	ssyncset.s32 @!p0 $0xFFFFF086;
	s6 =	sadd.s32 @!p0 s3, s7;
	s7 =	simm.s32 @!p0 $0x108  }
0x21: {  	s3 =	sadd.s32 s3, s9;
	s6 =	sadd.s32 @!p0 $0x88, s6;
	s7 =	simm.s32 @p2 $0x1082  }
0x22: {  	[simem:s7], [sflag:s8] =	dma.local @!p0 [hbm:s6], $0xF7A  }
0x23: {  	s9 =	sor.u32 $0xD0000000, s2;
	s6 =	simm.s32 $0x108;
	_ =	swait.ge @!p0 [sflag:s8], $0x0  }
0x24: {  	s3 =	sadd.s32 $0x88, s3;
	s6 =	simm.s32 @!p1 $0x1082;
	[sflag:s4] =	ssyncset.s32 $0xFFFFF086  }
0x25: {  	[simem:s6], [sflag:s4] =	dma.local [hbm:s3], $0xF7A  }
0x26: {  	[smem:$0x3F92] =	sst s1;
	(tag) =	ssettag s2;
	_ =	strace s9  }
0x27: {  	s1 =	sld [smem:$0x3FA2]  }
0x28: {  	s2 =	sld [smem:$0x3FA3]  }
0x29: {  	s4 =	sld [smem:$0x3FA5]  }
0x2a: {  	p0 =	seq.s32 s5, $0x0;
	s5 =	sld [smem:$0x3FA6]  }
0x2b: {  	s6 =	sld [smem:$0x3FA7]  }
0x2c: {  	s7 =	sld [smem:$0x3FA8]  }
0x2d: {  	s3 =	simm.s32 $0x108;
	s8 =	sld [smem:$0x3FA9]  }
0x2e: {  	s3 =	simm.s32 @!p0 $0x1082;
	s9 =	sld [smem:$0x3FAA]  }
0x2f: {  	lr =	sadd.s32 s0, s3;
	s0 =	sld [smem:$0x3FA1]  }
0x30: {  	s3 =	sld [smem:$0x3FA4]  }
0x31: {  	[smem:$0x3FAD] =	sst s10  }
0x32: {  	s10 =	sld [smem:$0x3FAB];
	_ =	sdelay $0x3  }
0x33: {  	p0 =	seq.s32 s10, $0x1;
	s10 =	sld [smem:$0x3FAD];
	_ =	sdelay $0x3  }
0x34: {  	[smem:$0x3FAD] =	sst s10  }
0x35: {  	s10 =	sld [smem:$0x3FAC];
	_ =	sdelay $0x3  }
0x36: {  	p1 =	seq.s32 s10, $0x1;
	s10 =	sld [smem:$0x3FAD];
	_ =	sdelay $0x3  }
0x37: {  	[smem:$0x3FAD] =	sst s10  }
0x38: {  	s10 =	sld [smem:$0x3FAE]  }
0x39: {  	_ = 	snop;
	(pc) =	sbr.ind lr, $3  }
0x3a: {  	_ = 	snop  }
0x3b: {  	_ = 	snop  }
0x3c: {  	p2 =	seq.s32 s10, $0x1;
	s10 =	sld [smem:$0x3FAD]  }
0x3d: {  	_ =	shalt  }
0x3e: {  	_ =	shalt  }
0x3f: {  	_ =	shalt  }
0x40: {  	_ =	shalt  }
0x41: {  	_ =	shalt  }
0x42: {  	_ =	shalt  }
0x43: {  	_ =	shalt  }
0x44: {  	_ =	shalt  }
0x45: {  	_ =	shalt  }
0x46: {  	_ =	shalt  }
0x47: {  	_ =	shalt  }
0x48: {  	_ =	shalt  }
0x49: {  	_ =	shalt  }
0x4a: {  	_ =	shalt  }
0x4b: {  	_ =	shalt  }
0x4c: {  	_ =	shalt  }
0x4d: {  	_ =	shalt  }
0x4e: {  	_ =	shalt  }
0x4f: {  	_ =	shalt  }
0x50: {  	_ =	shalt  }
0x51: {  	_ =	shalt  }
0x52: {  	_ =	shalt  }
0x53: {  	_ =	shalt  }
0x54: {  	_ =	shalt  }
0x55: {  	_ =	shalt  }
0x56: {  	_ =	shalt  }
0x57: {  	_ =	shalt  }
0x58: {  	_ =	shalt  }
0x59: {  	_ =	shalt  }
0x5a: {  	_ =	shalt  }
0x5b: {  	_ =	shalt  }
0x5c: {  	_ =	shalt  }
0x5d: {  	_ =	shalt  }
0x5e: {  	_ =	shalt  }
0x5f: {  	_ =	shalt  }
0x60: {  	_ =	shalt  }
0x61: {  	_ =	shalt  }
0x62: {  	_ =	shalt  }
0x63: {  	_ =	shalt  }
0x64: {  	_ =	shalt  }
0x65: {  	_ =	shalt  }
0x66: {  	_ =	shalt  }
0x67: {  	_ =	shalt  }
0x68: {  	_ =	shalt  }
0x69: {  	_ =	shalt  }
0x6a: {  	_ =	shalt  }
0x6b: {  	_ =	shalt  }
0x6c: {  	_ =	shalt  }
0x6d: {  	_ =	shalt  }
0x6e: {  	_ =	shalt  }
0x6f: {  	_ =	shalt  }
0x70: {  	_ =	shalt  }
0x71: {  	_ =	shalt  }
0x72: {  	_ =	shalt  }
0x73: {  	_ =	shalt  }
0x74: {  	_ =	shalt  }
0x75: {  	_ =	shalt  }
0x76: {  	_ =	shalt  }
0x77: {  	_ =	shalt  }
0x78: {  	_ =	shalt  }
0x79: {  	_ =	shalt  }
0x7a: {  	_ =	shalt  }
0x7b: {  	_ =	shalt  }
0x7c: {  	_ =	shalt  }
0x7d: {  	_ =	shalt  }
0x7e: {  	_ =	shalt  }
0x7f: {  	_ =	shalt  }
0x80: {  	_ =	shalt  }
0x81: {  	_ =	shalt  }
0x82: {  	_ =	shalt  }
0x83: {  	_ =	shalt  }
0x84: {  	_ =	shalt  }
0x85: {  	_ =	shalt  }
0x86: {  	_ =	shalt  }
0x87: {  	_ =	shalt  }
.Lfunc_end0:
.L_simem_size_0:
called_computation_lowered:
.L_overlay_start_0:
0x88: {  	s2 =	sld [smem:$0x3FD9]  }
0x89: {  	s3 =	sld [smem:$0x3FFE];
	_ =	sdelay $0x1  }
0x8a: {  	s1 =	srdreg.scid  }
0x8b: {  	s0 =	sand.u32 $0x1, s1  }
0x8c: {  	s17 =	sshll.u32 s0, $0xA;
	s2 =	sadd.s32 s3, s2  }
0x8d: {  	s2 =	sadd.s32 s2, s17  }
0x8e: {  	[smem:$0x3FB9] =	sst s2  }
0x8f: {  	_ = 	snop  }
0x90: {  	s18 =	sld [smem:$0x3FC9];
	(tm) =	ssettm $0x1  }
0x91: {  	s19 =	sld [smem:$0x3FFB];
	_ =	sdelay $0x3  }
0x92: {  	_ =	strace s19  }
0x93: {  	s2 =	sld [smem:$0x3FFC];
	_ =	sdelay $0x3  }
0x94: {  	_ =	strace s2  }
0x95: {  	s2 =	sld [smem:$0x3FFD];
	_ =	sdelay $0x3  }
0x96: {  	_ =	strace s2  }
0x97: {  	_ =	strace $0x8FFFFFFF  }
0x98: {  	s20 =	sld [smem:$0x3FDB];
	_ =	sdelay $0x1  }
0x99: {  	s4 =	simm.s32 $_scs_section_size  }
0x9a: {  	s5 =	simm.s32 $_size__tile_overlayer_lowered;
	s6 =	simm.s32 $_tile_overlayer_lowered  }
0x9b: {  	s7 =	simm.s32 $0x1BFF;
	s21 =	sshll.u32 s6, $0x1;
	s4 =	sadd.s32 s4, s20  }
0x9c: {  	s22 =	simm.s32 $0x0;
	s5 =	sshll.u32 s5, $0x1;
	s6 =	sadd.s32 s21, s4  }
0x9d: {  	[timem:s22], [sflag:s7] =	dma.local [hbm:s6], s5  }
0x9e: {  	_ =	swait.ge [sflag:s7], s5  }
0x9f: {  	s5 =	ssub.s32 $0x0, s5;
	[sflag:s7] =	ssyncset.done $0x0  }
0xa0: {  	[sflag:s7] =	ssyncadd.s32 s5;
	_ =	sdelay $0x1  }
0xa1: {  	s23 =	simm.s32 $0x1B8B  }
0xa2: {  	_ =	swait.ge [sflag:s23], $0x1  }
0xa3: {  	[sflag:s23] =	ssyncset.done $0x0  }
0xa4: {  	[sflag:s23] =	ssyncadd.s32 $0xFFFFFFFF  }
0xa5: {  	s5 =	sld [smem:$0x0]  }
0xa6: {  	s6 =	sand.u32 $0xFFFFFFFE, s1  }
0xa7: {  	p0 =	sne.s32 s1, s6  }
0xa8: {  	s6 =	sshll.u32 @p0 s6, $0xE  }
0xa9: {  	s6 =	sadd.s32 @p0 $0x11B8D, s6;
	s7 =	sshll.u32 @p0 s5, $0x11  }
0xaa: {  	s6 =	sor.u32 @p0 s7, s6  }
0xab: {  	[sflag:s6] =	ssyncadd.remote.s32 @p0 $0x1;
	_ =	sdelay $0x1  }
0xac: {  	s6 =	simm.s32 @p0 $0x1B8D  }
0xad: {  	_ =	swait.eq @p0 [sflag:s6], $0x1  }
0xae: {  	[sflag:s6] =	ssyncadd.s32 @p0 $0xFFFFFFFF  }
0xaf: {  	s7 =	sshll.u32 @!p0 s1, $0xE  }
0xb0: {  	s7 =	sor.u32 @!p0 $0x4000, s7;
	s6 =	simm.s32 @!p0 $0x1B8D  }
0xb1: {  	s5 =	sshll.u32 @!p0 s5, $0x11;
	s7 =	sadd.s32 @!p0 $0x11B8D, s7;
	_ =	swait.eq @!p0 [sflag:s6], $0x1  }
0xb2: {  	s5 =	sor.u32 @!p0 s5, s7;
	[sflag:s6] =	ssyncadd.s32 @!p0 $0xFFFFFFFF  }
0xb3: {  	s25 =	simm.s32 $0x1B8E;
	s24 =	sld [smem:$0x3FFE];
	[sflag:s5] =	ssyncadd.remote.s32 @!p0 $0x1  }
0xb4: {  	s26 =	simm.s32 $execute0_lowered;
	[smem:$0x3FD2] =	sst s25  }
0xb5: {  	s6 =	sshll.u32 s26, $0x1;
	_ =	strace $0x80000049;
	[dreg:$0x1] =	wrdreg $0xFFFFFFFF  }
0xb6: {  	s28 =	simm.s32 $_size_execute0_lowered;
	s4 =	sadd.s32 s4, s6;
	[dreg:$0x0] =	wrdreg $0x0  }
0xb7: {  	s6 =	sshll.u32 s28, $0x1;
	[dreg:$0x2] =	wrdreg s4  }
0xb8: {  	[dreg:$0x3] =	wrdreg s6  }
0xb9: {  	[dreg:$0x4] =	wrdreg $0xC0  }
0xba: {  	_ =	task [dreg:s22], $0x5FFFF  }
0xbb: {  	[dreg:$0x1] =	wrdreg $0xFFFFFFFF  }
0xbc: {  	[dreg:$0x0] =	wrdreg $0x60  }
0xbd: {  	[dreg:$0x2] =	wrdreg s18  }
0xbe: {  	[dreg:$0x3] =	wrdreg s24  }
0xbf: {  	[dreg:$0x4] =	wrdreg $0x9  }
0xc0: {  	_ =	task.clear_ibuf [dreg:s22], $0x5FFFF;
	_ =	strace $0x90000049  }
0xc1: {  	s29 =	simm.s32 $0x9;
	_ =	strace $0x8000004B  }
0xc2: {  	_ =	swait.ge [sflag:s29], $0x1  }
0xc3: {  	[sflag:s29] =	ssyncadd.s32 $0xFFFFFFFF  }
0xc4: {  	_ =	strace $0x9000004B  }
0xc5: {  	_ =	sfence  }
0xc6: {  	s30 =	sld [smem:$0x0];
	_ =	sdelay $0x2  }
0xc7: {  	s31 =	sshll.u32 s1, $0xD;
	s1 =	sshrl.u32 s1, $0x2  }
0xc8: {  	s4 =	sand.u32 $0x4000, s31;
	s1 =	sadd.s32 s1, s30  }
0xc9: {  	s0 =	sor.u32 s4, s0;
	s1 =	sshll.u32 s1, $0x11  }
0xca: {  	s0 =	sor.u32 s1, s0  }
0xcb: {  	s0 =	sadd.s32 $0x8F2B, s0  }
0xcc: {  	[sflag:s0] =	ssyncadd.remote.s32 $0x1  }
0xcd: {  	_ =	sfence.sel $0xFFFF  }
0xce: {  	[dreg:$0x0] =	wrdreg $0xFFFFFFFF;
	(pc) =	sbr.abs _section_cstart, $3  }
0xcf: {  	[dreg:$0x1] =	wrdreg $0xFFFFFFFF  }
0xd0: {  	_ =	task.clear_ibuf [dreg:s22], $0x2FFFF;
	_ =	strace $0x9FFFFFFF  }
0xd1: {  	(tm) =	ssettm $0x7FFFFFFF  }
tec
execute0_lowered:
.L_overlay_start_1:
0x0: {  	(tag) =	ssettag $0x1  }
0x1: {  	s2 =	rddreg [dreg:$0x0];
	s1 =	srdreg.scid  }
0x2: {  	s0 =	stileid.u32;
	s4 =	rddreg [dreg:$0x1];
	s3 =	simm.s32 $0x0  }
0x3: {  	s9 =	simm.s32 $0x1400;
	s10 =	simm.s32 $0x2800;
	s11 =	simm.s32 $0x50  }
0x4: {  	s12 =	simm.s32 $0x3C00;
	s13 =	simm.s32 $0x78;
	s14 =	simm.s32 $0x5000  }
0x5: {  	s15 =	simm.s32 $0xA0;
	s16 =	simm.s32 $0x6400;
	s17 =	simm.s32 $0x1  }
0x6: {  	s18 =	simm.s32 $0x2;
	s19 =	simm.s32 $0x3;
	s20 =	simm.s32 $0x4  }
0x7: {  	s5 =	sand.u32 $0x1, s1;
	s6 =	sshll.u32 s0, $0x1;
	s7 =	smul.u32 $0x27100, s0  }
0x8: {  	s6 =	sor.u32 s5, s6;
	s8 =	ssub.s32 $0x2, s5;
	s5 =	smul.u32 $0x13880, s5  }
0x9: {  	s21 =	simm.s32 $0x5;
	s1 =	rddreg [dreg:$0x2];
	s6 =	smul.u32 $0x1388, s6  }
.Ltmp0:
0xa: {  	s22 =	simm.s32 $0x0;
	[smem:$0x7FF] =	sst s3;
	(pc) =	sbr.rel .LBB2_1-.Ltmp0, $4  }
0xb: {  	_ =	strace $0x8000004A;
	s7 =	sadd.s32 s7, s4;
	s30 =	sshrl.u32 s8, $0x1  }
0xc: {  	s8 =	ssub.s32 s8, s30;
	s31 =	sadd.s32 s5, s7;
	s6 =	sshrl.u32 s6, $0x3  }
0xd: {  	s7 =	simm.s32 $0x6;
	s5 =	smax.u32 s8, $0x1;
	s6 =	sadd.s32 s6, s4  }
0xe: {  	s8 =	simm.s32 $0x28;
	s4 =	sadd.s32 $0x27A000, s6;
	s6 =	sadd.s32 $0x284A00, s31  }
.LBB2_4:
0xf: {  	s22 =	sadd.s32 $0x1, s22  }
0x10: {  	p0 =	sne.s32 s22, s5  }
.Ltmp1:
0x11: {  	_ = 	snop;
	(pc) =	sbr.rel @!p0 .LBB2_5-.Ltmp1, $1  }
0x12: {  	_ =	sdelay $0x3  }
.LBB2_1:
0x13: {  	[tilespmem:s3], [sflag:$0x6] =	stream.linear.gather [hbm4b:s4+s3], $0x1388, $0x38;
	[tilespmem:$0x7800] =	vst v63  }
0x14: {  	_ =	swait.ge [sflag:s7], $0x1388  }
0x15: {  	[sflag:s7] =	ssyncset.done $0x0  }
0x16: {  	[sflag:s7] =	ssyncadd.s32 $0xFFFFEC78  }
0x17: {  	[tilespmem:s9], [sflag:$0x1] =	stream.indirect.gather [hbm4b:s2+s8], $0x80, s3, s8, $0xb8;
	[tilespmem:$0x7800] =	vst v63  }
0x18: {  	_ = 	snop  }
0x19: {  	[tilespmem:s10], [sflag:$0x2] =	stream.indirect.gather [hbm4b:s2+s8], $0x80, s8, s8, $0xb8;
	[tilespmem:$0x7800] =	vst v63  }
0x1a: {  	_ = 	snop  }
0x1b: {  	[tilespmem:s12], [sflag:$0x3] =	stream.indirect.gather [hbm4b:s2+s8], $0x80, s11, s8, $0xb8;
	[tilespmem:$0x7800] =	vst v63  }
0x1c: {  	_ = 	snop  }
0x1d: {  	[tilespmem:s14], [sflag:$0x4] =	stream.indirect.gather [hbm4b:s2+s8], $0x80, s13, s8, $0xb8;
	[tilespmem:$0x7800] =	vst v63  }
0x1e: {  	s23 =	smov.u32 s6;
	s24 =	simm.s32 $0x0  }
0x1f: {  	[tilespmem:s16], [sflag:$0x5] =	stream.indirect.gather [hbm4b:s2+s8], $0x80, s15, s8, $0xb8;
	[tilespmem:$0x7800] =	vst v63  }
.LBB2_2:
0x20: {  	_ =	swait.ge [sflag:s17], $0x1400  }
0x21: {  	[sflag:s17] =	ssyncset.done $0x0  }
0x22: {  	s25 =	sadd.s32 $0xFFFFF600, s23;
	[sflag:s17] =	ssyncadd.s32 $0xFFFFEC00  }
0x23: {  	[hbm4b:s25+s3] =	stream.linear.scatter [tilespmem:s9], [sflag:$0x6], $0x1400, $0x38;
	[tilespmem:$0x7800] =	vst v63  }
0x24: {  	p0 =	seq.s32 s24, $0x4B00;
	_ =	swait.ge [sflag:s7], $0x1400  }
0x25: {  	s28 =	simm.s32 @!p0 $0x28;
	s25 =	sshra.s32 @!p0 s24, $0x2;
	[sflag:s7] =	ssyncset.done $0x0  }
0x26: {  	s29 =	simm.s32 @!p0 $0x1400;
	s26 =	sadd.s32 @!p0 $0xC8, s25;
	[sflag:s7] =	ssyncadd.s32 $0xFFFFEC00  }
0x27: {  	[tilespmem:s29], [sflag:$0x1] =	stream.indirect.gather @!p0 [hbm4b:s2+s28], $0x80, s26, s28, $0xb8;
	[tilespmem:$0x7800] =	vst v63  }
0x28: {  	_ =	swait.ge [sflag:s18], $0x1400  }
0x29: {  	[sflag:s18] =	ssyncset.done $0x0  }
0x2a: {  	s29 =	sadd.s32 $0xFFFFF880, s23;
	[sflag:s18] =	ssyncadd.s32 $0xFFFFEC00  }
0x2b: {  	[hbm4b:s29+s3] =	stream.linear.scatter [tilespmem:s10], [sflag:$0x6], $0x1400, $0x38;
	[tilespmem:$0x7800] =	vst v63  }
0x2c: {  	_ =	swait.ge [sflag:s7], $0x1400  }
0x2d: {  	[sflag:s7] =	ssyncset.done $0x0  }
0x2e: {  	s26 =	sadd.s32 @!p0 $0xF0, s25;
	s29 =	simm.s32 @!p0 $0x2800;
	[sflag:s7] =	ssyncadd.s32 $0xFFFFEC00  }
0x2f: {  	[tilespmem:s29], [sflag:$0x2] =	stream.indirect.gather @!p0 [hbm4b:s2+s28], $0x80, s26, s28, $0xb8;
	[tilespmem:$0x7800] =	vst v63  }
0x30: {  	_ =	swait.ge [sflag:s19], $0x1400  }
0x31: {  	[sflag:s19] =	ssyncset.done $0x0  }
0x32: {  	s30 =	sadd.s32 $0xFFFFFB00, s23;
	[sflag:s19] =	ssyncadd.s32 $0xFFFFEC00  }
0x33: {  	[hbm4b:s30+s3] =	stream.linear.scatter [tilespmem:s12], [sflag:$0x6], $0x1400, $0x38;
	[tilespmem:$0x7800] =	vst v63  }
0x34: {  	_ =	swait.ge [sflag:s7], $0x1400  }
0x35: {  	[sflag:s7] =	ssyncset.done $0x0  }
0x36: {  	s26 =	sadd.s32 @!p0 $0x118, s25;
	s29 =	simm.s32 @!p0 $0x3C00;
	[sflag:s7] =	ssyncadd.s32 $0xFFFFEC00  }
0x37: {  	[tilespmem:s29], [sflag:$0x3] =	stream.indirect.gather @!p0 [hbm4b:s2+s28], $0x80, s26, s28, $0xb8;
	[tilespmem:$0x7800] =	vst v63  }
0x38: {  	_ =	swait.ge [sflag:s20], $0x1400  }
0x39: {  	[sflag:s20] =	ssyncset.done $0x0  }
0x3a: {  	s31 =	sadd.s32 $0xFFFFFD80, s23;
	[sflag:s20] =	ssyncadd.s32 $0xFFFFEC00  }
0x3b: {  	[hbm4b:s31+s3] =	stream.linear.scatter [tilespmem:s14], [sflag:$0x6], $0x1400, $0x38;
	[tilespmem:$0x7800] =	vst v63  }
0x3c: {  	_ =	swait.ge [sflag:s7], $0x1400  }
0x3d: {  	[sflag:s7] =	ssyncset.done $0x0  }
0x3e: {  	s25 =	sadd.s32 @!p0 $0x140, s25;
	s26 =	simm.s32 @!p0 $0x5000;
	[sflag:s7] =	ssyncadd.s32 $0xFFFFEC00  }
0x3f: {  	[tilespmem:s26], [sflag:$0x4] =	stream.indirect.gather @!p0 [hbm4b:s2+s28], $0x80, s25, s28, $0xb8;
	[tilespmem:$0x7800] =	vst v63  }
0x40: {  	_ =	swait.ge [sflag:s21], $0x1400  }
0x41: {  	[sflag:s21] =	ssyncset.done $0x0  }
.Ltmp2:
0x42: {  	[sflag:s21] =	ssyncadd.s32 $0xFFFFEC00;
	(pc) =	sbr.rel @p0 .LBB2_4-.Ltmp2, $4  }
0x43: {  	[hbm4b:s23+s3] =	stream.linear.scatter [tilespmem:s16], [sflag:$0x6], $0x1400, $0x38;
	[tilespmem:$0x7800] =	vst v63  }
0x44: {  	_ =	swait.ge [sflag:s7], $0x1400  }
0x45: {  	[sflag:s7] =	ssyncset.done $0x0  }
0x46: {  	[sflag:s7] =	ssyncadd.s32 $0xFFFFEC00  }
.Ltmp3:
0x47: {  	(pc) =	sbr.rel .LBB2_2-.Ltmp3, $4  }
0x48: {  	_ = 	snop  }
0x49: {  	s25 =	sshra.s32 s24, $0x2  }
0x4a: {  	s24 =	sadd.s32 $0x320, s24;
	s23 =	sadd.s32 $0xC80, s23;
	s25 =	sadd.s32 $0x168, s25  }
0x4b: {  	[tilespmem:s16], [sflag:$0x5] =	stream.indirect.gather [hbm4b:s2+s8], $0x80, s25, s8, $0xb8;
	[tilespmem:$0x7800] =	vst v63  }
.LBB2_5:
0x4c: {  	_ =	sfence.sel $0x180000  }
0x4d: {  	[bflag:$0x0] =	sbarrier.arrive $0xFFFF  }
0x4e: {  	p0 =	sne.s32 s0, $0x0;
	_ =	strace $0x9000004A  }
0x4f: {  	s0 =	sadd.s32 @!p0 $0x100000, s1;
	[bflag:$0x2] =	sbarrier.arrive $0xFFFF  }
0x50: {  	[sflag:s0] =	ssyncadd.tile.s32 @!p0 $0x1;
	_ =	shalt  }
.Lfunc_end2:
_tile_overlayer_lowered:
.L_overlay_start_2:
0x51: {  	(tag) =	ssettag $0x2  }
0x52: {  	s0 =	rddreg [dreg:$0x0];
	s2 =	stileid.u32  }
0x53: {  	s1 =	rddreg [dreg:$0x1];
	p0 =	sne.s32 s2, $0x0  }
0x54: {  	s3 =	rddreg [dreg:$0x2];
	[bflag:$0x3] =	sbarrier.arrive $0xFFFF;
	s2 =	simm.s32 @!p0 $0x1C06  }
0x55: {  	[timem:s3], [sflag:s2] =	dma.local @!p0 [hbm:s0], s1  }
0x56: {  	s0 =	simm.s32 @!p0 $0x6  }
0x57: {  	_ =	swait.ge @!p0 [sflag:s0], s1  }
0x58: {  	s1 =	ssub.s32 @!p0 $0x0, s1;
	[sflag:s0] =	ssyncset.done @!p0 $0x0  }
0x59: {  	[sflag:s0] =	ssyncadd.s32 @!p0 s1  }
0x5a: {  	[bflag:$0x3] =	sbarrier.arrive $0xFFFF  }
0x5b: {  	_ =	shalt  }

</sc_bundles>
